<compile_context>
chip_gen: v7x
topology: tpu7x:2x2x1
jax: 0.10.2.dev20260603
libtpu: 0.0.44.dev20260713+nightly
codegen_flags: <defaults>
</compile_context>

<pallas_src>
import jax
import jax.numpy as jnp
from jax import lax
from jax.experimental import pallas as pl
from jax.experimental.pallas import tpu as pltpu
from jax.experimental.pallas import tpu_sc as plsc

N = 50000
E = 800000
IN_DIM = 64
OUT_DIM = 64
FLAT = IN_DIM * OUT_DIM
FLAT3 = 3 * FLAT

NC = 2
NS = 16
L = 16

HALF = N // NC
DUMMY = HALF
ACC_ROWS = HALF + 8

EDGES_PER_TILE = E // (NC * NS)
A_CH = 2000
A_NFULL = 12
A_TAIL = EDGES_PER_TILE - A_NFULL * A_CH
A_PAD = 25088
DEG_SH = 50176
DEG_SLICE = DEG_SH // NS

EDGES_PER_SUB = E // NS
C_CH = 2000
C_NCH = EDGES_PER_SUB // C_CH
C_BUF = 2304
C_TRASH = 2288
G = 128


def _deg_body(row_ref, col_ref, degp_ref, deg_sh, zbuf, rstage, cstage, valbuf,
              colbuf2, sem_s):
  c = lax.axis_index("c")
  s = lax.axis_index("s")
  tile = c * NS + s
  base_e = tile * EDGES_PER_TILE

  zeros16 = jnp.zeros((L,), jnp.float32)
  for g in range(DEG_SLICE // L):
    zbuf[pl.ds(g * L, L)] = zeros16
  pltpu.sync_copy(zbuf, deg_sh.at[pl.ds(s * DEG_SLICE, DEG_SLICE)])
  plsc.subcore_barrier()

  lane = lax.iota(jnp.int32, L)

  def scan_chunk(off_e, off_buf, n_groups):
    pltpu.sync_copy(row_ref.at[pl.ds(off_e, A_CH)],
                    rstage.at[pl.ds(0, A_CH)])
    pltpu.sync_copy(col_ref.at[pl.ds(off_e, A_CH)],
                    cstage.at[pl.ds(0, A_CH)])

    def grp(j, _):
      r = rstage[pl.ds(j * L, L)]
      cv = cstage[pl.ds(j * L, L)]
      val = jnp.where(r != cv, 1.0, 0.0).astype(jnp.float32)
      off = off_buf + j * L
      valbuf[pl.ds(off, L)] = val
      colbuf2[lax.shift_right_logical(off, 7), pl.ds(lax.bitwise_and(off, G - 1), L)] = cv
      return 0

    lax.fori_loop(0, n_groups, grp, 0)

  def chunk_loop(k, _):
    scan_chunk(base_e + k * A_CH, k * A_CH, A_CH // L)
    return 0

  lax.fori_loop(0, A_NFULL, chunk_loop, 0)

  toff = base_e + A_NFULL * A_CH
  tbuf = A_NFULL * A_CH
  pltpu.sync_copy(row_ref.at[pl.ds(toff, A_TAIL)],
                  rstage.at[pl.ds(0, A_TAIL)])
  pltpu.sync_copy(col_ref.at[pl.ds(toff, A_TAIL)],
                  cstage.at[pl.ds(0, A_TAIL)])

  def tgrp(j, _):
    r = rstage[pl.ds(j * L, L)]
    cv = cstage[pl.ds(j * L, L)]
    val = jnp.where(r != cv, 1.0, 0.0).astype(jnp.float32)
    off = tbuf + j * L
    valbuf[pl.ds(off, L)] = val
    colbuf2[off // G, pl.ds(off % G, L)] = cv
    return 0

  lax.fori_loop(0, (A_TAIL - 8) // L, tgrp, 0)

  jt = (A_TAIL - 8) // L
  r = rstage[pl.ds(jt * L, L)]
  cv = cstage[pl.ds(jt * L, L)]
  ok = lane < 8
  val = jnp.where((r != cv) & ok, 1.0, 0.0).astype(jnp.float32)
  cv = jnp.where(ok, cv, 0)
  offt = tbuf + jt * L
  valbuf[pl.ds(offt, L)] = val
  colbuf2[lax.shift_right_logical(offt, 7), pl.ds(lax.bitwise_and(offt, G - 1), L)] = cv

  zi16 = jnp.zeros((L,), jnp.int32)
  for t in range((A_PAD - (EDGES_PER_TILE + 8)) // L):
    flat = EDGES_PER_TILE + 8 + t * L
    valbuf[pl.ds(flat, L)] = zeros16
    colbuf2[flat // G, pl.ds(flat % G, L)] = zi16

  def scat(g, _):
    pltpu.async_copy(valbuf.at[pl.ds(g * G, G)], deg_sh.at[colbuf2.at[g]],
                     sem_s, add=True)
    return 0

  lax.fori_loop(0, A_PAD // G, scat, 0)

  def drain(g, _):
    pltpu.make_async_copy(valbuf.at[pl.ds(0, G)], deg_sh.at[colbuf2.at[0]],
                          sem_s).wait()
    return 0

  lax.fori_loop(0, A_PAD // G, drain, 0)
  plsc.subcore_barrier()

  pltpu.sync_copy(deg_sh.at[pl.ds(s * DEG_SLICE, DEG_SLICE)], zbuf)

  @pl.when(s < NS - 1)
  def _():
    pltpu.sync_copy(zbuf, degp_ref.at[pl.ds(c * N + s * DEG_SLICE, DEG_SLICE)])

  @pl.when(s == NS - 1)
  def _():
    last = N - (NS - 1) * DEG_SLICE
    pltpu.sync_copy(zbuf.at[pl.ds(0, last)],
                    degp_ref.at[pl.ds(c * N + (NS - 1) * DEG_SLICE, last)])


def _deg_call(row, col):
  kfn = pl.kernel(
      _deg_body,
      out_type=jax.ShapeDtypeStruct((NC * N,), jnp.float32),
      mesh=plsc.VectorSubcoreMesh(core_axis_name="c", subcore_axis_name="s"),
      scratch_types=[
          pltpu.VMEM_SHARED((DEG_SH,), jnp.float32),
          pltpu.VMEM((DEG_SLICE,), jnp.float32),
          pltpu.VMEM((A_CH + 16,), jnp.int32),
          pltpu.VMEM((A_CH + 16,), jnp.int32),
          pltpu.VMEM((A_PAD,), jnp.float32),
          pltpu.VMEM((A_PAD // G, G), jnp.int32),
          pltpu.SemaphoreType.DMA,
      ],
  )
  return kfn(row, col)


def _newton_rsqrt(x):
  i = plsc.bitcast(x, jnp.int32)
  y = plsc.bitcast(jnp.int32(0x5F3759DF) - lax.shift_right_logical(i, 1),
                   jnp.float32)
  y = y * (1.5 - 0.5 * x * y * y)
  y = y * (1.5 - 0.5 * x * y * y)
  y = y * (1.5 - 0.5 * x * y * y)
  return y


def _scatter_body(row_ref, col_ref, hp_ref, degp_ref, out_ref, accum, rstage,
                  cstage, rbuf, cbuf2, grows, grows_b, dbuf, dstage0, dstage1,
                  sem_r, sem_c, sem_ga, sem_gb):
  c = lax.axis_index("c")
  s = lax.axis_index("s")
  base = c * HALF

  def init_chunk(r0, nrows):
    pltpu.sync_copy(hp_ref.at[pl.ds(base + r0, nrows)],
                    grows.at[pl.ds(0, nrows)])
    pltpu.sync_copy(grows.at[pl.ds(0, nrows)], accum.at[pl.ds(r0, nrows)])

  @pl.when(s < NS - 1)
  def _():
    def body(q, _):
      init_chunk(s * 1568 + q * G, G)
      return 0
    lax.fori_loop(0, 12, body, 0)
    init_chunk(s * 1568 + 12 * G, 32)

  @pl.when(s == NS - 1)
  def _():
    def body(q, _):
      init_chunk(15 * 1568 + q * G, G)
      return 0
    lax.fori_loop(0, 11, body, 0)
    init_chunk(15 * 1568 + 11 * G, 72)

  plsc.subcore_barrier()

  zeros16 = jnp.zeros((L,), jnp.int32)
  dummy16 = jnp.full((L,), DUMMY, jnp.int32)
  lane = lax.iota(jnp.int32, L)

  def wait_gather(buf, sem):
    pltpu.make_async_copy(hp_ref.at[rbuf.at[pl.ds(0, G)]], buf, sem).wait()

  def chunk(k, p_in):
    off = s * EDGES_PER_SUB + k * C_CH
    d1 = pltpu.async_copy(row_ref.at[pl.ds(off, C_CH)], rstage, sem_r)
    d2 = pltpu.async_copy(col_ref.at[pl.ds(off, C_CH)], cstage, sem_c)
    d1.wait()
    d2.wait()

    def grp(j, p):
      r = rstage[pl.ds(j * L, L)]
      cv = cstage[pl.ds(j * L, L)]
      cl = cv - base
      m = (cl >= 0) & (cl < HALF) & (r != cv)
      cum = plsc.cumsum(m.astype(jnp.int32))
      pos = jnp.where(m, p + cum - 1, C_TRASH + lane)
      plsc.store_scatter(rbuf, [pos], r)
      plsc.store_scatter(cbuf2, [lax.shift_right_logical(pos, 7),
                                  lax.bitwise_and(pos, G - 1)], cl)
      return p + jnp.max(cum)

    cnt = lax.fori_loop(0, C_CH // L, grp, p_in)
    ngf = cnt // G

    @pl.when(ngf > 0)
    def _():
      pltpu.async_copy(hp_ref.at[rbuf.at[pl.ds(0, G)]], grows, sem_ga)

      def do_group(g, _):
        even = (g % 2) == 0

        @pl.when(g + 1 < ngf)
        def _():
          @pl.when(even)
          def _():
            pltpu.async_copy(hp_ref.at[rbuf.at[pl.ds((g + 1) * G, G)]],
                             grows_b, sem_gb)

          @pl.when(jnp.logical_not(even))
          def _():
            pltpu.async_copy(hp_ref.at[rbuf.at[pl.ds((g + 1) * G, G)]],
                             grows, sem_ga)

        @pl.when(even)
        def _():
          wait_gather(grows, sem_ga)
          pltpu.sync_copy(grows, accum.at[cbuf2.at[g]], add=True)

        @pl.when(jnp.logical_not(even))
        def _():
          wait_gather(grows_b, sem_gb)
          pltpu.sync_copy(grows_b, accum.at[cbuf2.at[g]], add=True)

        return 0

      lax.fori_loop(0, ngf, do_group, 0)

      for t in range(G // L):
        tmp = rbuf[pl.ds(ngf * G + t * L, L)]
        rbuf[pl.ds(t * L, L)] = tmp
        tmp2 = cbuf2[ngf, pl.ds(t * L, L)]
        cbuf2[0, pl.ds(t * L, L)] = tmp2

    return cnt - ngf * G

  rem = lax.fori_loop(0, C_NCH, chunk, jnp.int32(0))


  @pl.when(s < NS - 1)
  def _():
    pltpu.sync_copy(degp_ref.at[pl.ds(base + s * 1568, 1568)], dstage0)
    pltpu.sync_copy(degp_ref.at[pl.ds(N + base + s * 1568, 1568)], dstage1)

  @pl.when(s == NS - 1)
  def _():
    pltpu.sync_copy(degp_ref.at[pl.ds(base + 15 * 1568, 1480)],
                    dstage0.at[pl.ds(0, 1480)])
    pltpu.sync_copy(degp_ref.at[pl.ds(N + base + 15 * 1568, 1480)],
                    dstage1.at[pl.ds(0, 1480)])

  @pl.when(rem > 0)
  def _():
    for t in range(G // L):
      padpos = rem + t * L + lane
      rbuf[pl.ds(rem + t * L, L)] = zeros16
      plsc.store_scatter(cbuf2, [lax.shift_right_logical(padpos, 7),
                                  lax.bitwise_and(padpos, G - 1)], dummy16)
    pltpu.sync_copy(hp_ref.at[rbuf.at[pl.ds(0, G)]], grows)
    pltpu.sync_copy(grows, accum.at[cbuf2.at[0]], add=True)

  plsc.subcore_barrier()

  def out_chunk(r0, lo, nrows):
    pltpu.sync_copy(accum.at[pl.ds(r0, nrows)], grows.at[pl.ds(0, nrows)])

    def dgrp(jj, _):
      d0 = dstage0[pl.ds(lo + jj * L, L)]
      d1 = dstage1[pl.ds(lo + jj * L, L)]
      dbuf[pl.ds(jj * L, L)] = _newton_rsqrt(d0 + d1 + 1.0)
      return 0

    lax.fori_loop(0, (nrows + L - 1) // L, dgrp, 0)

    def rowf(rr, _):
      g16 = lax.bitwise_and(rr, jnp.int32(~(L - 1)))
      dv = dbuf[pl.ds(g16, L)]
      dsp = jnp.max(jnp.where(lane == lax.bitwise_and(rr, jnp.int32(L - 1)),
                              dv, jnp.float32(-3e38)))
      for seg in range(OUT_DIM // L):
        v = grows[rr, pl.ds(seg * L, L)]
        grows[rr, pl.ds(seg * L, L)] = jnp.maximum(v * dsp, 0.0)
      return 0

    lax.fori_loop(0, nrows, rowf, 0)
    pltpu.sync_copy(grows.at[pl.ds(0, nrows)],
                    out_ref.at[pl.ds(base + r0, nrows)])

  @pl.when(s < NS - 1)
  def _():
    def body(q, _):
      out_chunk(s * 1568 + q * G, q * G, G)
      return 0
    lax.fori_loop(0, 12, body, 0)
    out_chunk(s * 1568 + 12 * G, 12 * G, 32)

  @pl.when(s == NS - 1)
  def _():
    def body(q, _):
      out_chunk(15 * 1568 + q * G, q * G, G)
      return 0
    lax.fori_loop(0, 11, body, 0)
    out_chunk(15 * 1568 + 11 * G, 11 * G, 72)


def _scatter_call(row, col, hp, degp_flat):
  kfn = pl.kernel(
      _scatter_body,
      out_type=jax.ShapeDtypeStruct((N, OUT_DIM), jnp.float32),
      mesh=plsc.VectorSubcoreMesh(core_axis_name="c", subcore_axis_name="s"),
      scratch_types=[
          pltpu.VMEM_SHARED((ACC_ROWS, OUT_DIM), jnp.float32),
          pltpu.VMEM((C_CH,), jnp.int32),
          pltpu.VMEM((C_CH,), jnp.int32),
          pltpu.VMEM((C_BUF,), jnp.int32),
          pltpu.VMEM((18, G), jnp.int32),
          pltpu.VMEM((G, OUT_DIM), jnp.float32),
          pltpu.VMEM((G, OUT_DIM), jnp.float32),
          pltpu.VMEM((G,), jnp.float32),
          pltpu.VMEM((1568,), jnp.float32),
          pltpu.VMEM((1568,), jnp.float32),
          pltpu.SemaphoreType.DMA,
          pltpu.SemaphoreType.DMA,
          pltpu.SemaphoreType.DMA,
          pltpu.SemaphoreType.DMA,
      ],
      compiler_params=pltpu.CompilerParams(needs_layout_passes=False,
                                           use_tc_tiling_on_sc=False),
  )
  return kfn(row, col, hp, degp_flat)



GRU_BLK = 512
GRU_NB = FLAT3 // GRU_BLK


def _gru_body(x_ref, wih_ref, whh_ref, bih_ref, bhh_ref, wout_ref, gi_s, gh_s):
  i = pl.program_id(0)
  xv = x_ref[...]
  dn = (((1,), (1,)), ((), ()))
  gi = lax.dot_general(xv, wih_ref[...], dn,
                       preferred_element_type=jnp.float32) + bih_ref[...]
  gh = lax.dot_general(xv, whh_ref[...], dn,
                       preferred_element_type=jnp.float32) + bhh_ref[...]
  gi_s[:, pl.ds(i * GRU_BLK, GRU_BLK)] = gi
  gh_s[:, pl.ds(i * GRU_BLK, GRU_BLK)] = gh

  @pl.when(i == GRU_NB - 1)
  def _():
    r = jax.nn.sigmoid(gi_s[:, 0:FLAT] + gh_s[:, 0:FLAT])
    z = jax.nn.sigmoid(gi_s[:, FLAT:2 * FLAT] + gh_s[:, FLAT:2 * FLAT])
    n = jnp.tanh(gi_s[:, 2 * FLAT:] + r * gh_s[:, 2 * FLAT:])
    wout_ref[...] = (1.0 - z) * n + z * xv


def _gru_call(x_flat, W_ih, W_hh, b_ih, b_hh):
  return pl.pallas_call(
      _gru_body,
      grid=(GRU_NB,),
      in_specs=[
          pl.BlockSpec((1, FLAT), lambda i: (0, 0)),
          pl.BlockSpec((GRU_BLK, FLAT), lambda i: (i, 0)),
          pl.BlockSpec((GRU_BLK, FLAT), lambda i: (i, 0)),
          pl.BlockSpec((1, GRU_BLK), lambda i: (0, i)),
          pl.BlockSpec((1, GRU_BLK), lambda i: (0, i)),
      ],
      out_specs=pl.BlockSpec((1, FLAT), lambda i: (0, 0)),
      out_shape=jax.ShapeDtypeStruct((1, FLAT), jnp.float32),
      scratch_shapes=[
          pltpu.VMEM((1, FLAT3), jnp.float32),
          pltpu.VMEM((1, FLAT3), jnp.float32),
      ],
      compiler_params=pltpu.CompilerParams(
          vmem_limit_bytes=48 * 1024 * 1024),
  )(x_flat, W_ih, W_hh, b_ih, b_hh)


ROW_BLK = 2048
ROW_NB = (N + ROW_BLK - 1) // ROW_BLK


def _hp_body(xt_ref, w_ref, degp_ref, hp_ref):
  d = lax.rsqrt(degp_ref[:, 0] + degp_ref[:, 1] + 1.0)
  h = lax.dot_general(xt_ref[...], w_ref[...], (((0,), (0,)), ((), ())),
                      preferred_element_type=jnp.float32)
  hp_ref[...] = h * d[:, None]


def _hp_call(xt, weight, degp):
  return pl.pallas_call(
      _hp_body,
      grid=(ROW_NB,),
      in_specs=[
          pl.BlockSpec((IN_DIM, ROW_BLK), lambda i: (0, i)),
          pl.BlockSpec((IN_DIM, OUT_DIM), lambda i: (0, 0)),
          pl.BlockSpec((ROW_BLK, NC), lambda i: (i, 0)),
      ],
      out_specs=pl.BlockSpec((ROW_BLK, OUT_DIM), lambda i: (i, 0)),
      out_shape=jax.ShapeDtypeStruct((N, OUT_DIM), jnp.float32),
  )(xt, weight, degp)


def kernel(x, edge_index, initial_weight, W_ih, W_hh, b_ih, b_hh):
  x_flat = initial_weight.reshape(1, FLAT)
  row, col = edge_index[0], edge_index[1]
  degp_flat = _deg_call(row, col)
  degp = degp_flat.reshape(NC, N).T
  wnew = _gru_call(x_flat, W_ih, W_hh, b_ih.reshape(1, FLAT3),
                   b_hh.reshape(1, FLAT3))
  hp = _hp_call(x.T, wnew.reshape(IN_DIM, OUT_DIM), degp)
  return _scatter_call(row, col, hp, degp_flat)

# --- scband reference (transcript-rebuilt; emitter-appended) ---
"""Pipeline reference for scband-evolve-gcnolayer-2637109920193 (READ-ONLY COPY).

The authoritative reference and input builder live on the scoring server;
editing this copy changes nothing except your own understanding.
"""

import jax, jax.numpy as jnp
import numpy as np

N_NODES = 50000
N_EDGES = 800000
IN_DIM = 64
OUT_DIM = 64
FLAT = IN_DIM * OUT_DIM


def setup_inputs(seed: int = 0) -> dict:
    key = jax.random.key(seed)
    ks = jax.random.split(key, 8)
    x = jax.random.normal(ks[0], (N_NODES, IN_DIM), dtype=jnp.float32)
    edge_index = jax.random.randint(ks[1], (2, N_EDGES), 0, N_NODES, dtype=jnp.int32)
    # initial_weight: xavier uniform
    limit = float(np.sqrt(6.0 / (IN_DIM + OUT_DIM)))
    initial_weight = jax.random.uniform(ks[2], (IN_DIM, OUT_DIM), minval=-limit, maxval=limit, dtype=jnp.float32)
    # GRUCell params (PyTorch init: U(-1/sqrt(hidden), 1/sqrt(hidden)))
    stdv = float(1.0 / np.sqrt(FLAT))
    W_ih = jax.random.uniform(ks[3], (3 * FLAT, FLAT), minval=-stdv, maxval=stdv, dtype=jnp.float32)
    W_hh = jax.random.uniform(ks[4], (3 * FLAT, FLAT), minval=-stdv, maxval=stdv, dtype=jnp.float32)
    b_ih = jax.random.uniform(ks[5], (3 * FLAT,), minval=-stdv, maxval=stdv, dtype=jnp.float32)
    b_hh = jax.random.uniform(ks[6], (3 * FLAT,), minval=-stdv, maxval=stdv, dtype=jnp.float32)
    return {"x": x, "edge_index": edge_index, "initial_weight": initial_weight,
            "W_ih": W_ih, "W_hh": W_hh, "b_ih": b_ih, "b_hh": b_hh}


def _gru_cell(x_in, h, W_ih, W_hh, b_ih, b_hh):
    gi = x_in @ W_ih.T + b_ih
    gh = h @ W_hh.T + b_hh
    i_r, i_z, i_n = jnp.split(gi, 3, axis=1)
    h_r, h_z, h_n = jnp.split(gh, 3, axis=1)
    r = jax.nn.sigmoid(i_r + h_r)
    z = jax.nn.sigmoid(i_z + h_z)
    n = jnp.tanh(i_n + r * h_n)
    return (1.0 - z) * n + z * h


def reference(x, edge_index, initial_weight, W_ih, W_hh, b_ih, b_hh):
    num_nodes = x.shape[0]
    # evolve weight via GRUCell (input = hidden = prev flat weight)
    prev_flat = initial_weight.reshape(1, -1)
    next_flat = _gru_cell(prev_flat, prev_flat, W_ih, W_hh, b_ih, b_hh)
    weight = next_flat.reshape(IN_DIM, OUT_DIM)
    # add_remaining_self_loops: drop existing self loops, add one per node
    row0, col0 = edge_index[0], edge_index[1]
    mask = row0 != col0
    loop = jnp.arange(num_nodes, dtype=edge_index.dtype)
    maskf = mask.astype(x.dtype)
    row = jnp.concatenate([row0, loop])
    col = jnp.concatenate([col0, loop])
    edge_keep = jnp.concatenate([maskf, jnp.ones((num_nodes,), dtype=x.dtype)])
    # symmetric normalization
    deg = jnp.zeros((num_nodes,), dtype=x.dtype).at[col0].add(maskf).at[loop].add(1.0)
    deg_inv_sqrt = deg ** -0.5
    deg_inv_sqrt = jnp.where(jnp.isinf(deg_inv_sqrt), 0.0, deg_inv_sqrt)
    norm = deg_inv_sqrt[row] * deg_inv_sqrt[col] * edge_keep
    h = x @ weight
    msg = h[row] * norm[:, None]
    out = jnp.zeros((num_nodes, OUT_DIM), dtype=x.dtype).at[col].add(msg)
    out = jax.nn.relu(out)  # activation; dropout p=0.0 is identity
    return out

if __name__ == "__main__":
    import jax
    _d = setup_inputs()
    print(jax.jit(kernel)(*tuple(_d.values())))

</pallas_src>

<mosaic_0001>
#map = affine_map<(d0, d1) -> (0)>
module attributes {stable_mosaic.version = 14 : i64} {
  func.func @_deg_body(%arg0: i32, %arg1: i32, %arg2: memref<800000xi32, #tpu.memory_space<hbm>>, %arg3: memref<800000xi32, #tpu.memory_space<hbm>>, %arg4: memref<100000xf32, #tpu.memory_space<hbm>>, %arg5: memref<50176xf32, #tpu.memory_space<vmem_shared>>, %arg6: memref<3136xf32, #tpu.memory_space<vmem>>, %arg7: memref<2016xi32, #tpu.memory_space<vmem>>, %arg8: memref<2016xi32, #tpu.memory_space<vmem>>, %arg9: memref<25088xf32, #tpu.memory_space<vmem>>, %arg10: memref<196x128xi32, #tpu.memory_space<vmem>>, %arg11: memref<!tpu.dma_semaphore, #tpu.memory_space<semaphore_mem>>) attributes {dimension_semantics = [#tpu.dimension_semantics<core_parallel>, #tpu.dimension_semantics<subcore_parallel>], iteration_bounds = array<i64: 2, 16>, scalar_prefetch = 0 : i64, scratch_operands = 7 : i64, tpu.core_type = #tpu.core_type<sc_vector_subcore>, window_params = [{transform_indices = #map}, {transform_indices = #map}, {transform_indices = #map}]} {
    %mul3A = arith.constant 16 : i32
    %mul3A_0 = arith.muli %arg0, %mul3A : i32
    %add3A = arith.addi %mul3A_0, %arg1 : i32
    %mul3A_1 = arith.constant 25000 : i32
    %mul3A_2 = arith.muli %add3A, %mul3A_1 : i32
    %broadcast_in_dim3A = arith.constant 0.000000e+00 : f32
    %broadcast_in_dim3A_3 = vector.broadcast %broadcast_in_dim3A : f32 to vector<16xf32>
    %swap3A = arith.constant 0 : index
    %swap3A_4 = tpu.vector_load %arg6[%swap3A] {strides = array<i32>} : memref<3136xf32, #tpu.memory_space<vmem>>, vector<16xf32>,
    %swap3A_5 = vector.shape_cast %swap3A_4 : vector<16xf32> to vector<16xf32>
    %swap3A_6 = vector.shape_cast %broadcast_in_dim3A_3 : vector<16xf32> to vector<16xf32>
    tpu.vector_store %arg6[%swap3A], %swap3A_6 {strides = array<i32>} : memref<3136xf32, #tpu.memory_space<vmem>>, vector<16xf32>,
    %swap3A_7 = arith.constant 16 : index
    %swap3A_8 = tpu.vector_load %arg6[%swap3A_7] {strides = array<i32>} : memref<3136xf32, #tpu.memory_space<vmem>>, vector<16xf32>,
    %swap3A_9 = vector.shape_cast %swap3A_8 : vector<16xf32> to vector<16xf32>
    %swap3A_10 = vector.shape_cast %broadcast_in_dim3A_3 : vector<16xf32> to vector<16xf32>
    tpu.vector_store %arg6[%swap3A_7], %swap3A_10 {strides = array<i32>} : memref<3136xf32, #tpu.memory_space<vmem>>, vector<16xf32>,
    %swap3A_11 = arith.constant 32 : index
    %swap3A_12 = tpu.vector_load %arg6[%swap3A_11] {strides = array<i32>} : memref<3136xf32, #tpu.memory_space<vmem>>, vector<16xf32>,
    %swap3A_13 = vector.shape_cast %swap3A_12 : vector<16xf32> to vector<16xf32>
    %swap3A_14 = vector.shape_cast %broadcast_in_dim3A_3 : vector<16xf32> to vector<16xf32>
    tpu.vector_store %arg6[%swap3A_11], %swap3A_14 {strides = array<i32>} : memref<3136xf32, #tpu.memory_space<vmem>>, vector<16xf32>,
    %swap3A_15 = arith.constant 48 : index
    %swap3A_16 = tpu.vector_load %arg6[%swap3A_15] {strides = array<i32>} : memref<3136xf32, #tpu.memory_space<vmem>>, vector<16xf32>,
    %swap3A_17 = vector.shape_cast %swap3A_16 : vector<16xf32> to vector<16xf32>
    %swap3A_18 = vector.shape_cast %broadcast_in_dim3A_3 : vector<16xf32> to vector<16xf32>
    tpu.vector_store %arg6[%swap3A_15], %swap3A_18 {strides = array<i32>} : memref<3136xf32, #tpu.memory_space<vmem>>, vector<16xf32>,
    %swap3A_19 = arith.constant 64 : index
    %swap3A_20 = tpu.vector_load %arg6[%swap3A_19] {strides = array<i32>} : memref<3136xf32, #tpu.memory_space<vmem>>, vector<16xf32>,
    %swap3A_21 = vector.shape_cast %swap3A_20 : vector<16xf32> to vector<16xf32>
    %swap3A_22 = vector.shape_cast %broadcast_in_dim3A_3 : vector<16xf32> to vector<16xf32>
    tpu.vector_store %arg6[%swap3A_19], %swap3A_22 {strides = array<i32>} : memref<3136xf32, #tpu.memory_space<vmem>>, vector<16xf32>,
    %swap3A_23 = arith.constant 80 : index
    %swap3A_24 = tpu.vector_load %arg6[%swap3A_23] {strides = array<i32>} : memref<3136xf32, #tpu.memory_space<vmem>>, vector<16xf32>,
    %swap3A_25 = vector.shape_cast %swap3A_24 : vector<16xf32> to vector<16xf32>
    %swap3A_26 = vector.shape_cast %broadcast_in_dim3A_3 : vector<16xf32> to vector<16xf32>
    tpu.vector_store %arg6[%swap3A_23], %swap3A_26 {strides = array<i32>} : memref<3136xf32, #tpu.memory_space<vmem>>, vector<16xf32>,
    %swap3A_27 = arith.constant 96 : index
    %swap3A_28 = tpu.vector_load %arg6[%swap3A_27] {strides = array<i32>} : memref<3136xf32, #tpu.memory_space<vmem>>, vector<16xf32>,
    %swap3A_29 = vector.shape_cast %swap3A_28 : vector<16xf32> to vector<16xf32>
    %swap3A_30 = vector.shape_cast %broadcast_in_dim3A_3 : vector<16xf32> to vector<16xf32>
    tpu.vector_store %arg6[%swap3A_27], %swap3A_30 {strides = array<i32>} : memref<3136xf32, #tpu.memory_space<vmem>>, vector<16xf32>,
    %swap3A_31 = arith.constant 112 : index
    %swap3A_32 = tpu.vector_load %arg6[%swap3A_31] {strides = array<i32>} : memref<3136xf32, #tpu.memory_space<vmem>>, vector<16xf32>,
    %swap3A_33 = vector.shape_cast %swap3A_32 : vector<16xf32> to vector<16xf32>
    %swap3A_34 = vector.shape_cast %broadcast_in_dim3A_3 : vector<16xf32> to vector<16xf32>
    tpu.vector_store %arg6[%swap3A_31], %swap3A_34 {strides = array<i32>} : memref<3136xf32, #tpu.memory_space<vmem>>, vector<16xf32>,
    %swap3A_35 = arith.constant 128 : index
    %swap3A_36 = tpu.vector_load %arg6[%swap3A_35] {strides = array<i32>} : memref<3136xf32, #tpu.memory_space<vmem>>, vector<16xf32>,
    %swap3A_37 = vector.shape_cast %swap3A_36 : vector<16xf32> to vector<16xf32>
    %swap3A_38 = vector.shape_cast %broadcast_in_dim3A_3 : vector<16xf32> to vector<16xf32>
    tpu.vector_store %arg6[%swap3A_35], %swap3A_38 {strides = array<i32>} : memref<3136xf32, #tpu.memory_space<vmem>>, vector<16xf32>,
    %swap3A_39 = arith.constant 144 : index
    %swap3A_40 = tpu.vector_load %arg6[%swap3A_39] {strides = array<i32>} : memref<3136xf32, #tpu.memory_space<vmem>>, vector<16xf32>,
    %swap3A_41 = vector.shape_cast %swap3A_40 : vector<16xf32> to vector<16xf32>
    %swap3A_42 = vector.shape_cast %broadcast_in_dim3A_3 : vector<16xf32> to vector<16xf32>
    tpu.vector_store %arg6[%swap3A_39], %swap3A_42 {strides = array<i32>} : memref<3136xf32, #tpu.memory_space<vmem>>, vector<16xf32>,
    %swap3A_43 = arith.constant 160 : index
    %swap3A_44 = tpu.vector_load %arg6[%swap3A_43] {strides = array<i32>} : memref<3136xf32, #tpu.memory_space<vmem>>, vector<16xf32>,
    %swap3A_45 = vector.shape_cast %swap3A_44 : vector<16xf32> to vector<16xf32>
    %swap3A_46 = vector.shape_cast %broadcast_in_dim3A_3 : vector<16xf32> to vector<16xf32>
    tpu.vector_store %arg6[%swap3A_43], %swap3A_46 {strides = array<i32>} : memref<3136xf32, #tpu.memory_space<vmem>>, vector<16xf32>,
    %swap3A_47 = arith.constant 176 : index
    %swap3A_48 = tpu.vector_load %arg6[%swap3A_47] {strides = array<i32>} : memref<3136xf32, #tpu.memory_space<vmem>>, vector<16xf32>,
    %swap3A_49 = vector.shape_cast %swap3A_48 : vector<16xf32> to vector<16xf32>
    %swap3A_50 = vector.shape_cast %broadcast_in_dim3A_3 : vector<16xf32> to vector<16xf32>
    tpu.vector_store %arg6[%swap3A_47], %swap3A_50 {strides = array<i32>} : memref<3136xf32, #tpu.memory_space<vmem>>, vector<16xf32>,
    %swap3A_51 = arith.constant 192 : index
    %swap3A_52 = tpu.vector_load %arg6[%swap3A_51] {strides = array<i32>} : memref<3136xf32, #tpu.memory_space<vmem>>, vector<16xf32>,
    %swap3A_53 = vector.shape_cast %swap3A_52 : vector<16xf32> to vector<16xf32>
    %swap3A_54 = vector.shape_cast %broadcast_in_dim3A_3 : vector<16xf32> to vector<16xf32>
    tpu.vector_store %arg6[%swap3A_51], %swap3A_54 {strides = array<i32>} : memref<3136xf32, #tpu.memory_space<vmem>>, vector<16xf32>,
    %swap3A_55 = arith.constant 208 : index
    %swap3A_56 = tpu.vector_load %arg6[%swap3A_55] {strides = array<i32>} : memref<3136xf32, #tpu.memory_space<vmem>>, vector<16xf32>,
    %swap3A_57 = vector.shape_cast %swap3A_56 : vector<16xf32> to vector<16xf32>
    %swap3A_58 = vector.shape_cast %broadcast_in_dim3A_3 : vector<16xf32> to vector<16xf32>
    tpu.vector_store %arg6[%swap3A_55], %swap3A_58 {strides = array<i32>} : memref<3136xf32, #tpu.memory_space<vmem>>, vector<16xf32>,
    %swap3A_59 = arith.constant 224 : index
    %swap3A_60 = tpu.vector_load %arg6[%swap3A_59] {strides = array<i32>} : memref<3136xf32, #tpu.memory_space<vmem>>, vector<16xf32>,
    %swap3A_61 = vector.shape_cast %swap3A_60 : vector<16xf32> to vector<16xf32>
    %swap3A_62 = vector.shape_cast %broadcast_in_dim3A_3 : vector<16xf32> to vector<16xf32>
    tpu.vector_store %arg6[%swap3A_59], %swap3A_62 {strides = array<i32>} : memref<3136xf32, #tpu.memory_space<vmem>>, vector<16xf32>,
    %swap3A_63 = arith.constant 240 : index
    %swap3A_64 = tpu.vector_load %arg6[%swap3A_63] {strides = array<i32>} : memref<3136xf32, #tpu.memory_space<vmem>>, vector<16xf32>,
    %swap3A_65 = vector.shape_cast %swap3A_64 : vector<16xf32> to vector<16xf32>
    %swap3A_66 = vector.shape_cast %broadcast_in_dim3A_3 : vector<16xf32> to vector<16xf32>
    tpu.vector_store %arg6[%swap3A_63], %swap3A_66 {strides = array<i32>} : memref<3136xf32, #tpu.memory_space<vmem>>, vector<16xf32>,
    %swap3A_67 = arith.constant 256 : index
    %swap3A_68 = tpu.vector_load %arg6[%swap3A_67] {strides = array<i32>} : memref<3136xf32, #tpu.memory_space<vmem>>, vector<16xf32>,
    %swap3A_69 = vector.shape_cast %swap3A_68 : vector<16xf32> to vector<16xf32>
    %swap3A_70 = vector.shape_cast %broadcast_in_dim3A_3 : vector<16xf32> to vector<16xf32>
    tpu.vector_store %arg6[%swap3A_67], %swap3A_70 {strides = array<i32>} : memref<3136xf32, #tpu.memory_space<vmem>>, vector<16xf32>,
    %swap3A_71 = arith.constant 272 : index
    %swap3A_72 = tpu.vector_load %arg6[%swap3A_71] {strides = array<i32>} : memref<3136xf32, #tpu.memory_space<vmem>>, vector<16xf32>,
    %swap3A_73 = vector.shape_cast %swap3A_72 : vector<16xf32> to vector<16xf32>
    %swap3A_74 = vector.shape_cast %broadcast_in_dim3A_3 : vector<16xf32> to vector<16xf32>
    tpu.vector_store %arg6[%swap3A_71], %swap3A_74 {strides = array<i32>} : memref<3136xf32, #tpu.memory_space<vmem>>, vector<16xf32>,
    %swap3A_75 = arith.constant 288 : index
    %swap3A_76 = tpu.vector_load %arg6[%swap3A_75] {strides = array<i32>} : memref<3136xf32, #tpu.memory_space<vmem>>, vector<16xf32>,
    %swap3A_77 = vector.shape_cast %swap3A_76 : vector<16xf32> to vector<16xf32>
    %swap3A_78 = vector.shape_cast %broadcast_in_dim3A_3 : vector<16xf32> to vector<16xf32>
    tpu.vector_store %arg6[%swap3A_75], %swap3A_78 {strides = array<i32>} : memref<3136xf32, #tpu.memory_space<vmem>>, vector<16xf32>,
    %swap3A_79 = arith.constant 304 : index
    %swap3A_80 = tpu.vector_load %arg6[%swap3A_79] {strides = array<i32>} : memref<3136xf32, #tpu.memory_space<vmem>>, vector<16xf32>,
    %swap3A_81 = vector.shape_cast %swap3A_80 : vector<16xf32> to vector<16xf32>
    %swap3A_82 = vector.shape_cast %broadcast_in_dim3A_3 : vector<16xf32> to vector<16xf32>
    tpu.vector_store %arg6[%swap3A_79], %swap3A_82 {strides = array<i32>} : memref<3136xf32, #tpu.memory_space<vmem>>, vector<16xf32>,
    %swap3A_83 = arith.constant 320 : index
    %swap3A_84 = tpu.vector_load %arg6[%swap3A_83] {strides = array<i32>} : memref<3136xf32, #tpu.memory_space<vmem>>, vector<16xf32>,
    %swap3A_85 = vector.shape_cast %swap3A_84 : vector<16xf32> to vector<16xf32>
    %swap3A_86 = vector.shape_cast %broadcast_in_dim3A_3 : vector<16xf32> to vector<16xf32>
    tpu.vector_store %arg6[%swap3A_83], %swap3A_86 {strides = array<i32>} : memref<3136xf32, #tpu.memory_space<vmem>>, vector<16xf32>,
    %swap3A_87 = arith.constant 336 : index
    %swap3A_88 = tpu.vector_load %arg6[%swap3A_87] {strides = array<i32>} : memref<3136xf32, #tpu.memory_space<vmem>>, vector<16xf32>,
    %swap3A_89 = vector.shape_cast %swap3A_88 : vector<16xf32> to vector<16xf32>
    %swap3A_90 = vector.shape_cast %broadcast_in_dim3A_3 : vector<16xf32> to vector<16xf32>
    tpu.vector_store %arg6[%swap3A_87], %swap3A_90 {strides = array<i32>} : memref<3136xf32, #tpu.memory_space<vmem>>, vector<16xf32>,
    %swap3A_91 = arith.constant 352 : index
    %swap3A_92 = tpu.vector_load %arg6[%swap3A_91] {strides = array<i32>} : memref<3136xf32, #tpu.memory_space<vmem>>, vector<16xf32>,
    %swap3A_93 = vector.shape_cast %swap3A_92 : vector<16xf32> to vector<16xf32>
    %swap3A_94 = vector.shape_cast %broadcast_in_dim3A_3 : vector<16xf32> to vector<16xf32>
    tpu.vector_store %arg6[%swap3A_91], %swap3A_94 {strides = array<i32>} : memref<3136xf32, #tpu.memory_space<vmem>>, vector<16xf32>,
    %swap3A_95 = arith.constant 368 : index
    %swap3A_96 = tpu.vector_load %arg6[%swap3A_95] {strides = array<i32>} : memref<3136xf32, #tpu.memory_space<vmem>>, vector<16xf32>,
    %swap3A_97 = vector.shape_cast %swap3A_96 : vector<16xf32> to vector<16xf32>
    %swap3A_98 = vector.shape_cast %broadcast_in_dim3A_3 : vector<16xf32> to vector<16xf32>
    tpu.vector_store %arg6[%swap3A_95], %swap3A_98 {strides = array<i32>} : memref<3136xf32, #tpu.memory_space<vmem>>, vector<16xf32>,
    %swap3A_99 = arith.constant 384 : index
    %swap3A_100 = tpu.vector_load %arg6[%swap3A_99] {strides = array<i32>} : memref<3136xf32, #tpu.memory_space<vmem>>, vector<16xf32>,
    %swap3A_101 = vector.shape_cast %swap3A_100 : vector<16xf32> to vector<16xf32>
    %swap3A_102 = vector.shape_cast %broadcast_in_dim3A_3 : vector<16xf32> to vector<16xf32>
    tpu.vector_store %arg6[%swap3A_99], %swap3A_102 {strides = array<i32>} : memref<3136xf32, #tpu.memory_space<vmem>>, vector<16xf32>,
    %swap3A_103 = arith.constant 400 : index
    %swap3A_104 = tpu.vector_load %arg6[%swap3A_103] {strides = array<i32>} : memref<3136xf32, #tpu.memory_space<vmem>>, vector<16xf32>,
    %swap3A_105 = vector.shape_cast %swap3A_104 : vector<16xf32> to vector<16xf32>
    %swap3A_106 = vector.shape_cast %broadcast_in_dim3A_3 : vector<16xf32> to vector<16xf32>
    tpu.vector_store %arg6[%swap3A_103], %swap3A_106 {strides = array<i32>} : memref<3136xf32, #tpu.memory_space<vmem>>, vector<16xf32>,
    %swap3A_107 = arith.constant 416 : index
    %swap3A_108 = tpu.vector_load %arg6[%swap3A_107] {strides = array<i32>} : memref<3136xf32, #tpu.memory_space<vmem>>, vector<16xf32>,
    %swap3A_109 = vector.shape_cast %swap3A_108 : vector<16xf32> to vector<16xf32>
    %swap3A_110 = vector.shape_cast %broadcast_in_dim3A_3 : vector<16xf32> to vector<16xf32>
    tpu.vector_store %arg6[%swap3A_107], %swap3A_110 {strides = array<i32>} : memref<3136xf32, #tpu.memory_space<vmem>>, vector<16xf32>,
    %swap3A_111 = arith.constant 432 : index
    %swap3A_112 = tpu.vector_load %arg6[%swap3A_111] {strides = array<i32>} : memref<3136xf32, #tpu.memory_space<vmem>>, vector<16xf32>,
    %swap3A_113 = vector.shape_cast %swap3A_112 : vector<16xf32> to vector<16xf32>
    %swap3A_114 = vector.shape_cast %broadcast_in_dim3A_3 : vector<16xf32> to vector<16xf32>
    tpu.vector_store %arg6[%swap3A_111], %swap3A_114 {strides = array<i32>} : memref<3136xf32, #tpu.memory_space<vmem>>, vector<16xf32>,
    %swap3A_115 = arith.constant 448 : index
    %swap3A_116 = tpu.vector_load %arg6[%swap3A_115] {strides = array<i32>} : memref<3136xf32, #tpu.memory_space<vmem>>, vector<16xf32>,
    %swap3A_117 = vector.shape_cast %swap3A_116 : vector<16xf32> to vector<16xf32>
    %swap3A_118 = vector.shape_cast %broadcast_in_dim3A_3 : vector<16xf32> to vector<16xf32>
    tpu.vector_store %arg6[%swap3A_115], %swap3A_118 {strides = array<i32>} : memref<3136xf32, #tpu.memory_space<vmem>>, vector<16xf32>,
    %swap3A_119 = arith.constant 464 : index
    %swap3A_120 = tpu.vector_load %arg6[%swap3A_119] {strides = array<i32>} : memref<3136xf32, #tpu.memory_space<vmem>>, vector<16xf32>,
    %swap3A_121 = vector.shape_cast %swap3A_120 : vector<16xf32> to vector<16xf32>
    %swap3A_122 = vector.shape_cast %broadcast_in_dim3A_3 : vector<16xf32> to vector<16xf32>
    tpu.vector_store %arg6[%swap3A_119], %swap3A_122 {strides = array<i32>} : memref<3136xf32, #tpu.memory_space<vmem>>, vector<16xf32>,
    %swap3A_123 = arith.constant 480 : index
    %swap3A_124 = tpu.vector_load %arg6[%swap3A_123] {strides = array<i32>} : memref<3136xf32, #tpu.memory_space<vmem>>, vector<16xf32>,
    %swap3A_125 = vector.shape_cast %swap3A_124 : vector<16xf32> to vector<16xf32>
    %swap3A_126 = vector.shape_cast %broadcast_in_dim3A_3 : vector<16xf32> to vector<16xf32>
    tpu.vector_store %arg6[%swap3A_123], %swap3A_126 {strides = array<i32>} : memref<3136xf32, #tpu.memory_space<vmem>>, vector<16xf32>,
    %swap3A_127 = arith.constant 496 : index
    %swap3A_128 = tpu.vector_load %arg6[%swap3A_127] {strides = array<i32>} : memref<3136xf32, #tpu.memory_space<vmem>>, vector<16xf32>,
    %swap3A_129 = vector.shape_cast %swap3A_128 : vector<16xf32> to vector<16xf32>
    %swap3A_130 = vector.shape_cast %broadcast_in_dim3A_3 : vector<16xf32> to vector<16xf32>
    tpu.vector_store %arg6[%swap3A_127], %swap3A_130 {strides = array<i32>} : memref<3136xf32, #tpu.memory_space<vmem>>, vector<16xf32>,
    %swap3A_131 = arith.constant 512 : index
    %swap3A_132 = tpu.vector_load %arg6[%swap3A_131] {strides = array<i32>} : memref<3136xf32, #tpu.memory_space<vmem>>, vector<16xf32>,
    %swap3A_133 = vector.shape_cast %swap3A_132 : vector<16xf32> to vector<16xf32>
    %swap3A_134 = vector.shape_cast %broadcast_in_dim3A_3 : vector<16xf32> to vector<16xf32>
    tpu.vector_store %arg6[%swap3A_131], %swap3A_134 {strides = array<i32>} : memref<3136xf32, #tpu.memory_space<vmem>>, vector<16xf32>,
    %swap3A_135 = arith.constant 528 : index
    %swap3A_136 = tpu.vector_load %arg6[%swap3A_135] {strides = array<i32>} : memref<3136xf32, #tpu.memory_space<vmem>>, vector<16xf32>,
    %swap3A_137 = vector.shape_cast %swap3A_136 : vector<16xf32> to vector<16xf32>
    %swap3A_138 = vector.shape_cast %broadcast_in_dim3A_3 : vector<16xf32> to vector<16xf32>
    tpu.vector_store %arg6[%swap3A_135], %swap3A_138 {strides = array<i32>} : memref<3136xf32, #tpu.memory_space<vmem>>, vector<16xf32>,
    %swap3A_139 = arith.constant 544 : index
    %swap3A_140 = tpu.vector_load %arg6[%swap3A_139] {strides = array<i32>} : memref<3136xf32, #tpu.memory_space<vmem>>, vector<16xf32>,
    %swap3A_141 = vector.shape_cast %swap3A_140 : vector<16xf32> to vector<16xf32>
    %swap3A_142 = vector.shape_cast %broadcast_in_dim3A_3 : vector<16xf32> to vector<16xf32>
    tpu.vector_store %arg6[%swap3A_139], %swap3A_142 {strides = array<i32>} : memref<3136xf32, #tpu.memory_space<vmem>>, vector<16xf32>,
    %swap3A_143 = arith.constant 560 : index
    %swap3A_144 = tpu.vector_load %arg6[%swap3A_143] {strides = array<i32>} : memref<3136xf32, #tpu.memory_space<vmem>>, vector<16xf32>,
    %swap3A_145 = vector.shape_cast %swap3A_144 : vector<16xf32> to vector<16xf32>
    %swap3A_146 = vector.shape_cast %broadcast_in_dim3A_3 : vector<16xf32> to vector<16xf32>
    tpu.vector_store %arg6[%swap3A_143], %swap3A_146 {strides = array<i32>} : memref<3136xf32, #tpu.memory_space<vmem>>, vector<16xf32>,
    %swap3A_147 = arith.constant 576 : index
    %swap3A_148 = tpu.vector_load %arg6[%swap3A_147] {strides = array<i32>} : memref<3136xf32, #tpu.memory_space<vmem>>, vector<16xf32>,
    %swap3A_149 = vector.shape_cast %swap3A_148 : vector<16xf32> to vector<16xf32>
    %swap3A_150 = vector.shape_cast %broadcast_in_dim3A_3 : vector<16xf32> to vector<16xf32>
    tpu.vector_store %arg6[%swap3A_147], %swap3A_150 {strides = array<i32>} : memref<3136xf32, #tpu.memory_space<vmem>>, vector<16xf32>,
    %swap3A_151 = arith.constant 592 : index
    %swap3A_152 = tpu.vector_load %arg6[%swap3A_151] {strides = array<i32>} : memref<3136xf32, #tpu.memory_space<vmem>>, vector<16xf32>,
    %swap3A_153 = vector.shape_cast %swap3A_152 : vector<16xf32> to vector<16xf32>
    %swap3A_154 = vector.shape_cast %broadcast_in_dim3A_3 : vector<16xf32> to vector<16xf32>
    tpu.vector_store %arg6[%swap3A_151], %swap3A_154 {strides = array<i32>} : memref<3136xf32, #tpu.memory_space<vmem>>, vector<16xf32>,
    %swap3A_155 = arith.constant 608 : index
    %swap3A_156 = tpu.vector_load %arg6[%swap3A_155] {strides = array<i32>} : memref<3136xf32, #tpu.memory_space<vmem>>, vector<16xf32>,
    %swap3A_157 = vector.shape_cast %swap3A_156 : vector<16xf32> to vector<16xf32>
    %swap3A_158 = vector.shape_cast %broadcast_in_dim3A_3 : vector<16xf32> to vector<16xf32>
    tpu.vector_store %arg6[%swap3A_155], %swap3A_158 {strides = array<i32>} : memref<3136xf32, #tpu.memory_space<vmem>>, vector<16xf32>,
    %swap3A_159 = arith.constant 624 : index
    %swap3A_160 = tpu.vector_load %arg6[%swap3A_159] {strides = array<i32>} : memref<3136xf32, #tpu.memory_space<vmem>>, vector<16xf32>,
    %swap3A_161 = vector.shape_cast %swap3A_160 : vector<16xf32> to vector<16xf32>
    %swap3A_162 = vector.shape_cast %broadcast_in_dim3A_3 : vector<16xf32> to vector<16xf32>
    tpu.vector_store %arg6[%swap3A_159], %swap3A_162 {strides = array<i32>} : memref<3136xf32, #tpu.memory_space<vmem>>, vector<16xf32>,
    %swap3A_163 = arith.constant 640 : index
    %swap3A_164 = tpu.vector_load %arg6[%swap3A_163] {strides = array<i32>} : memref<3136xf32, #tpu.memory_space<vmem>>, vector<16xf32>,
    %swap3A_165 = vector.shape_cast %swap3A_164 : vector<16xf32> to vector<16xf32>
    %swap3A_166 = vector.shape_cast %broadcast_in_dim3A_3 : vector<16xf32> to vector<16xf32>
    tpu.vector_store %arg6[%swap3A_163], %swap3A_166 {strides = array<i32>} : memref<3136xf32, #tpu.memory_space<vmem>>, vector<16xf32>,
    %swap3A_167 = arith.constant 656 : index
    %swap3A_168 = tpu.vector_load %arg6[%swap3A_167] {strides = array<i32>} : memref<3136xf32, #tpu.memory_space<vmem>>, vector<16xf32>,
    %swap3A_169 = vector.shape_cast %swap3A_168 : vector<16xf32> to vector<16xf32>
    %swap3A_170 = vector.shape_cast %broadcast_in_dim3A_3 : vector<16xf32> to vector<16xf32>
    tpu.vector_store %arg6[%swap3A_167], %swap3A_170 {strides = array<i32>} : memref<3136xf32, #tpu.memory_space<vmem>>, vector<16xf32>,
    %swap3A_171 = arith.constant 672 : index
    %swap3A_172 = tpu.vector_load %arg6[%swap3A_171] {strides = array<i32>} : memref<3136xf32, #tpu.memory_space<vmem>>, vector<16xf32>,
    %swap3A_173 = vector.shape_cast %swap3A_172 : vector<16xf32> to vector<16xf32>
    %swap3A_174 = vector.shape_cast %broadcast_in_dim3A_3 : vector<16xf32> to vector<16xf32>
    tpu.vector_store %arg6[%swap3A_171], %swap3A_174 {strides = array<i32>} : memref<3136xf32, #tpu.memory_space<vmem>>, vector<16xf32>,
    %swap3A_175 = arith.constant 688 : index
    %swap3A_176 = tpu.vector_load %arg6[%swap3A_175] {strides = array<i32>} : memref<3136xf32, #tpu.memory_space<vmem>>, vector<16xf32>,
    %swap3A_177 = vector.shape_cast %swap3A_176 : vector<16xf32> to vector<16xf32>
    %swap3A_178 = vector.shape_cast %broadcast_in_dim3A_3 : vector<16xf32> to vector<16xf32>
    tpu.vector_store %arg6[%swap3A_175], %swap3A_178 {strides = array<i32>} : memref<3136xf32, #tpu.memory_space<vmem>>, vector<16xf32>,
    %swap3A_179 = arith.constant 704 : index
    %swap3A_180 = tpu.vector_load %arg6[%swap3A_179] {strides = array<i32>} : memref<3136xf32, #tpu.memory_space<vmem>>, vector<16xf32>,
    %swap3A_181 = vector.shape_cast %swap3A_180 : vector<16xf32> to vector<16xf32>
    %swap3A_182 = vector.shape_cast %broadcast_in_dim3A_3 : vector<16xf32> to vector<16xf32>
    tpu.vector_store %arg6[%swap3A_179], %swap3A_182 {strides = array<i32>} : memref<3136xf32, #tpu.memory_space<vmem>>, vector<16xf32>,
    %swap3A_183 = arith.constant 720 : index
    %swap3A_184 = tpu.vector_load %arg6[%swap3A_183] {strides = array<i32>} : memref<3136xf32, #tpu.memory_space<vmem>>, vector<16xf32>,
    %swap3A_185 = vector.shape_cast %swap3A_184 : vector<16xf32> to vector<16xf32>
    %swap3A_186 = vector.shape_cast %broadcast_in_dim3A_3 : vector<16xf32> to vector<16xf32>
    tpu.vector_store %arg6[%swap3A_183], %swap3A_186 {strides = array<i32>} : memref<3136xf32, #tpu.memory_space<vmem>>, vector<16xf32>,
    %swap3A_187 = arith.constant 736 : index
    %swap3A_188 = tpu.vector_load %arg6[%swap3A_187] {strides = array<i32>} : memref<3136xf32, #tpu.memory_space<vmem>>, vector<16xf32>,
    %swap3A_189 = vector.shape_cast %swap3A_188 : vector<16xf32> to vector<16xf32>
    %swap3A_190 = vector.shape_cast %broadcast_in_dim3A_3 : vector<16xf32> to vector<16xf32>
    tpu.vector_store %arg6[%swap3A_187], %swap3A_190 {strides = array<i32>} : memref<3136xf32, #tpu.memory_space<vmem>>, vector<16xf32>,
    %swap3A_191 = arith.constant 752 : index
    %swap3A_192 = tpu.vector_load %arg6[%swap3A_191] {strides = array<i32>} : memref<3136xf32, #tpu.memory_space<vmem>>, vector<16xf32>,
    %swap3A_193 = vector.shape_cast %swap3A_192 : vector<16xf32> to vector<16xf32>
    %swap3A_194 = vector.shape_cast %broadcast_in_dim3A_3 : vector<16xf32> to vector<16xf32>
    tpu.vector_store %arg6[%swap3A_191], %swap3A_194 {strides = array<i32>} : memref<3136xf32, #tpu.memory_space<vmem>>, vector<16xf32>,
    %swap3A_195 = arith.constant 768 : index
    %swap3A_196 = tpu.vector_load %arg6[%swap3A_195] {strides = array<i32>} : memref<3136xf32, #tpu.memory_space<vmem>>, vector<16xf32>,
    %swap3A_197 = vector.shape_cast %swap3A_196 : vector<16xf32> to vector<16xf32>
    %swap3A_198 = vector.shape_cast %broadcast_in_dim3A_3 : vector<16xf32> to vector<16xf32>
    tpu.vector_store %arg6[%swap3A_195], %swap3A_198 {strides = array<i32>} : memref<3136xf32, #tpu.memory_space<vmem>>, vector<16xf32>,
    %swap3A_199 = arith.constant 784 : index
    %swap3A_200 = tpu.vector_load %arg6[%swap3A_199] {strides = array<i32>} : memref<3136xf32, #tpu.memory_space<vmem>>, vector<16xf32>,
    %swap3A_201 = vector.shape_cast %swap3A_200 : vector<16xf32> to vector<16xf32>
    %swap3A_202 = vector.shape_cast %broadcast_in_dim3A_3 : vector<16xf32> to vector<16xf32>
    tpu.vector_store %arg6[%swap3A_199], %swap3A_202 {strides = array<i32>} : memref<3136xf32, #tpu.memory_space<vmem>>, vector<16xf32>,
    %swap3A_203 = arith.constant 800 : index
    %swap3A_204 = tpu.vector_load %arg6[%swap3A_203] {strides = array<i32>} : memref<3136xf32, #tpu.memory_space<vmem>>, vector<16xf32>,
    %swap3A_205 = vector.shape_cast %swap3A_204 : vector<16xf32> to vector<16xf32>
    %swap3A_206 = vector.shape_cast %broadcast_in_dim3A_3 : vector<16xf32> to vector<16xf32>
    tpu.vector_store %arg6[%swap3A_203], %swap3A_206 {strides = array<i32>} : memref<3136xf32, #tpu.memory_space<vmem>>, vector<16xf32>,
    %swap3A_207 = arith.constant 816 : index
    %swap3A_208 = tpu.vector_load %arg6[%swap3A_207] {strides = array<i32>} : memref<3136xf32, #tpu.memory_space<vmem>>, vector<16xf32>,
    %swap3A_209 = vector.shape_cast %swap3A_208 : vector<16xf32> to vector<16xf32>
    %swap3A_210 = vector.shape_cast %broadcast_in_dim3A_3 : vector<16xf32> to vector<16xf32>
    tpu.vector_store %arg6[%swap3A_207], %swap3A_210 {strides = array<i32>} : memref<3136xf32, #tpu.memory_space<vmem>>, vector<16xf32>,
    %swap3A_211 = arith.constant 832 : index
    %swap3A_212 = tpu.vector_load %arg6[%swap3A_211] {strides = array<i32>} : memref<3136xf32, #tpu.memory_space<vmem>>, vector<16xf32>,
    %swap3A_213 = vector.shape_cast %swap3A_212 : vector<16xf32> to vector<16xf32>
    %swap3A_214 = vector.shape_cast %broadcast_in_dim3A_3 : vector<16xf32> to vector<16xf32>
    tpu.vector_store %arg6[%swap3A_211], %swap3A_214 {strides = array<i32>} : memref<3136xf32, #tpu.memory_space<vmem>>, vector<16xf32>,
    %swap3A_215 = arith.constant 848 : index
    %swap3A_216 = tpu.vector_load %arg6[%swap3A_215] {strides = array<i32>} : memref<3136xf32, #tpu.memory_space<vmem>>, vector<16xf32>,
    %swap3A_217 = vector.shape_cast %swap3A_216 : vector<16xf32> to vector<16xf32>
    %swap3A_218 = vector.shape_cast %broadcast_in_dim3A_3 : vector<16xf32> to vector<16xf32>
    tpu.vector_store %arg6[%swap3A_215], %swap3A_218 {strides = array<i32>} : memref<3136xf32, #tpu.memory_space<vmem>>, vector<16xf32>,
    %swap3A_219 = arith.constant 864 : index
    %swap3A_220 = tpu.vector_load %arg6[%swap3A_219] {strides = array<i32>} : memref<3136xf32, #tpu.memory_space<vmem>>, vector<16xf32>,
    %swap3A_221 = vector.shape_cast %swap3A_220 : vector<16xf32> to vector<16xf32>
    %swap3A_222 = vector.shape_cast %broadcast_in_dim3A_3 : vector<16xf32> to vector<16xf32>
    tpu.vector_store %arg6[%swap3A_219], %swap3A_222 {strides = array<i32>} : memref<3136xf32, #tpu.memory_space<vmem>>, vector<16xf32>,
    %swap3A_223 = arith.constant 880 : index
    %swap3A_224 = tpu.vector_load %arg6[%swap3A_223] {strides = array<i32>} : memref<3136xf32, #tpu.memory_space<vmem>>, vector<16xf32>,
    %swap3A_225 = vector.shape_cast %swap3A_224 : vector<16xf32> to vector<16xf32>
    %swap3A_226 = vector.shape_cast %broadcast_in_dim3A_3 : vector<16xf32> to vector<16xf32>
    tpu.vector_store %arg6[%swap3A_223], %swap3A_226 {strides = array<i32>} : memref<3136xf32, #tpu.memory_space<vmem>>, vector<16xf32>,
    %swap3A_227 = arith.constant 896 : index
    %swap3A_228 = tpu.vector_load %arg6[%swap3A_227] {strides = array<i32>} : memref<3136xf32, #tpu.memory_space<vmem>>, vector<16xf32>,
    %swap3A_229 = vector.shape_cast %swap3A_228 : vector<16xf32> to vector<16xf32>
    %swap3A_230 = vector.shape_cast %broadcast_in_dim3A_3 : vector<16xf32> to vector<16xf32>
    tpu.vector_store %arg6[%swap3A_227], %swap3A_230 {strides = array<i32>} : memref<3136xf32, #tpu.memory_space<vmem>>, vector<16xf32>,
    %swap3A_231 = arith.constant 912 : index
    %swap3A_232 = tpu.vector_load %arg6[%swap3A_231] {strides = array<i32>} : memref<3136xf32, #tpu.memory_space<vmem>>, vector<16xf32>,
    %swap3A_233 = vector.shape_cast %swap3A_232 : vector<16xf32> to vector<16xf32>
    %swap3A_234 = vector.shape_cast %broadcast_in_dim3A_3 : vector<16xf32> to vector<16xf32>
    tpu.vector_store %arg6[%swap3A_231], %swap3A_234 {strides = array<i32>} : memref<3136xf32, #tpu.memory_space<vmem>>, vector<16xf32>,
    %swap3A_235 = arith.constant 928 : index
    %swap3A_236 = tpu.vector_load %arg6[%swap3A_235] {strides = array<i32>} : memref<3136xf32, #tpu.memory_space<vmem>>, vector<16xf32>,
    %swap3A_237 = vector.shape_cast %swap3A_236 : vector<16xf32> to vector<16xf32>
    %swap3A_238 = vector.shape_cast %broadcast_in_dim3A_3 : vector<16xf32> to vector<16xf32>
    tpu.vector_store %arg6[%swap3A_235], %swap3A_238 {strides = array<i32>} : memref<3136xf32, #tpu.memory_space<vmem>>, vector<16xf32>,
    %swap3A_239 = arith.constant 944 : index
    %swap3A_240 = tpu.vector_load %arg6[%swap3A_239] {strides = array<i32>} : memref<3136xf32, #tpu.memory_space<vmem>>, vector<16xf32>,
    %swap3A_241 = vector.shape_cast %swap3A_240 : vector<16xf32> to vector<16xf32>
    %swap3A_242 = vector.shape_cast %broadcast_in_dim3A_3 : vector<16xf32> to vector<16xf32>
    tpu.vector_store %arg6[%swap3A_239], %swap3A_242 {strides = array<i32>} : memref<3136xf32, #tpu.memory_space<vmem>>, vector<16xf32>,
    %swap3A_243 = arith.constant 960 : index
    %swap3A_244 = tpu.vector_load %arg6[%swap3A_243] {strides = array<i32>} : memref<3136xf32, #tpu.memory_space<vmem>>, vector<16xf32>,
    %swap3A_245 = vector.shape_cast %swap3A_244 : vector<16xf32> to vector<16xf32>
    %swap3A_246 = vector.shape_cast %broadcast_in_dim3A_3 : vector<16xf32> to vector<16xf32>
    tpu.vector_store %arg6[%swap3A_243], %swap3A_246 {strides = array<i32>} : memref<3136xf32, #tpu.memory_space<vmem>>, vector<16xf32>,
    %swap3A_247 = arith.constant 976 : index
    %swap3A_248 = tpu.vector_load %arg6[%swap3A_247] {strides = array<i32>} : memref<3136xf32, #tpu.memory_space<vmem>>, vector<16xf32>,
    %swap3A_249 = vector.shape_cast %swap3A_248 : vector<16xf32> to vector<16xf32>
    %swap3A_250 = vector.shape_cast %broadcast_in_dim3A_3 : vector<16xf32> to vector<16xf32>
    tpu.vector_store %arg6[%swap3A_247], %swap3A_250 {strides = array<i32>} : memref<3136xf32, #tpu.memory_space<vmem>>, vector<16xf32>,
    %swap3A_251 = arith.constant 992 : index
    %swap3A_252 = tpu.vector_load %arg6[%swap3A_251] {strides = array<i32>} : memref<3136xf32, #tpu.memory_space<vmem>>, vector<16xf32>,
    %swap3A_253 = vector.shape_cast %swap3A_252 : vector<16xf32> to vector<16xf32>
    %swap3A_254 = vector.shape_cast %broadcast_in_dim3A_3 : vector<16xf32> to vector<16xf32>
    tpu.vector_store %arg6[%swap3A_251], %swap3A_254 {strides = array<i32>} : memref<3136xf32, #tpu.memory_space<vmem>>, vector<16xf32>,
    %swap3A_255 = arith.constant 1008 : index
    %swap3A_256 = tpu.vector_load %arg6[%swap3A_255] {strides = array<i32>} : memref<3136xf32, #tpu.memory_space<vmem>>, vector<16xf32>,
    %swap3A_257 = vector.shape_cast %swap3A_256 : vector<16xf32> to vector<16xf32>
    %swap3A_258 = vector.shape_cast %broadcast_in_dim3A_3 : vector<16xf32> to vector<16xf32>
    tpu.vector_store %arg6[%swap3A_255], %swap3A_258 {strides = array<i32>} : memref<3136xf32, #tpu.memory_space<vmem>>, vector<16xf32>,
    %swap3A_259 = arith.constant 1024 : index
    %swap3A_260 = tpu.vector_load %arg6[%swap3A_259] {strides = array<i32>} : memref<3136xf32, #tpu.memory_space<vmem>>, vector<16xf32>,
    %swap3A_261 = vector.shape_cast %swap3A_260 : vector<16xf32> to vector<16xf32>
    %swap3A_262 = vector.shape_cast %broadcast_in_dim3A_3 : vector<16xf32> to vector<16xf32>
    tpu.vector_store %arg6[%swap3A_259], %swap3A_262 {strides = array<i32>} : memref<3136xf32, #tpu.memory_space<vmem>>, vector<16xf32>,
    %swap3A_263 = arith.constant 1040 : index
    %swap3A_264 = tpu.vector_load %arg6[%swap3A_263] {strides = array<i32>} : memref<3136xf32, #tpu.memory_space<vmem>>, vector<16xf32>,
    %swap3A_265 = vector.shape_cast %swap3A_264 : vector<16xf32> to vector<16xf32>
    %swap3A_266 = vector.shape_cast %broadcast_in_dim3A_3 : vector<16xf32> to vector<16xf32>
    tpu.vector_store %arg6[%swap3A_263], %swap3A_266 {strides = array<i32>} : memref<3136xf32, #tpu.memory_space<vmem>>, vector<16xf32>,
    %swap3A_267 = arith.constant 1056 : index
    %swap3A_268 = tpu.vector_load %arg6[%swap3A_267] {strides = array<i32>} : memref<3136xf32, #tpu.memory_space<vmem>>, vector<16xf32>,
    %swap3A_269 = vector.shape_cast %swap3A_268 : vector<16xf32> to vector<16xf32>
    %swap3A_270 = vector.shape_cast %broadcast_in_dim3A_3 : vector<16xf32> to vector<16xf32>
    tpu.vector_store %arg6[%swap3A_267], %swap3A_270 {strides = array<i32>} : memref<3136xf32, #tpu.memory_space<vmem>>, vector<16xf32>,
    %swap3A_271 = arith.constant 1072 : index
    %swap3A_272 = tpu.vector_load %arg6[%swap3A_271] {strides = array<i32>} : memref<3136xf32, #tpu.memory_space<vmem>>, vector<16xf32>,
    %swap3A_273 = vector.shape_cast %swap3A_272 : vector<16xf32> to vector<16xf32>
    %swap3A_274 = vector.shape_cast %broadcast_in_dim3A_3 : vector<16xf32> to vector<16xf32>
    tpu.vector_store %arg6[%swap3A_271], %swap3A_274 {strides = array<i32>} : memref<3136xf32, #tpu.memory_space<vmem>>, vector<16xf32>,
    %swap3A_275 = arith.constant 1088 : index
    %swap3A_276 = tpu.vector_load %arg6[%swap3A_275] {strides = array<i32>} : memref<3136xf32, #tpu.memory_space<vmem>>, vector<16xf32>,
    %swap3A_277 = vector.shape_cast %swap3A_276 : vector<16xf32> to vector<16xf32>
    %swap3A_278 = vector.shape_cast %broadcast_in_dim3A_3 : vector<16xf32> to vector<16xf32>
    tpu.vector_store %arg6[%swap3A_275], %swap3A_278 {strides = array<i32>} : memref<3136xf32, #tpu.memory_space<vmem>>, vector<16xf32>,
    %swap3A_279 = arith.constant 1104 : index
    %swap3A_280 = tpu.vector_load %arg6[%swap3A_279] {strides = array<i32>} : memref<3136xf32, #tpu.memory_space<vmem>>, vector<16xf32>,
    %swap3A_281 = vector.shape_cast %swap3A_280 : vector<16xf32> to vector<16xf32>
    %swap3A_282 = vector.shape_cast %broadcast_in_dim3A_3 : vector<16xf32> to vector<16xf32>
    tpu.vector_store %arg6[%swap3A_279], %swap3A_282 {strides = array<i32>} : memref<3136xf32, #tpu.memory_space<vmem>>, vector<16xf32>,
    %swap3A_283 = arith.constant 1120 : index
    %swap3A_284 = tpu.vector_load %arg6[%swap3A_283] {strides = array<i32>} : memref<3136xf32, #tpu.memory_space<vmem>>, vector<16xf32>,
    %swap3A_285 = vector.shape_cast %swap3A_284 : vector<16xf32> to vector<16xf32>
    %swap3A_286 = vector.shape_cast %broadcast_in_dim3A_3 : vector<16xf32> to vector<16xf32>
    tpu.vector_store %arg6[%swap3A_283], %swap3A_286 {strides = array<i32>} : memref<3136xf32, #tpu.memory_space<vmem>>, vector<16xf32>,
    %swap3A_287 = arith.constant 1136 : index
    %swap3A_288 = tpu.vector_load %arg6[%swap3A_287] {strides = array<i32>} : memref<3136xf32, #tpu.memory_space<vmem>>, vector<16xf32>,
    %swap3A_289 = vector.shape_cast %swap3A_288 : vector<16xf32> to vector<16xf32>
    %swap3A_290 = vector.shape_cast %broadcast_in_dim3A_3 : vector<16xf32> to vector<16xf32>
    tpu.vector_store %arg6[%swap3A_287], %swap3A_290 {strides = array<i32>} : memref<3136xf32, #tpu.memory_space<vmem>>, vector<16xf32>,
    %swap3A_291 = arith.constant 1152 : index
    %swap3A_292 = tpu.vector_load %arg6[%swap3A_291] {strides = array<i32>} : memref<3136xf32, #tpu.memory_space<vmem>>, vector<16xf32>,
    %swap3A_293 = vector.shape_cast %swap3A_292 : vector<16xf32> to vector<16xf32>
    %swap3A_294 = vector.shape_cast %broadcast_in_dim3A_3 : vector<16xf32> to vector<16xf32>
    tpu.vector_store %arg6[%swap3A_291], %swap3A_294 {strides = array<i32>} : memref<3136xf32, #tpu.memory_space<vmem>>, vector<16xf32>,
    %swap3A_295 = arith.constant 1168 : index
    %swap3A_296 = tpu.vector_load %arg6[%swap3A_295] {strides = array<i32>} : memref<3136xf32, #tpu.memory_space<vmem>>, vector<16xf32>,
    %swap3A_297 = vector.shape_cast %swap3A_296 : vector<16xf32> to vector<16xf32>
    %swap3A_298 = vector.shape_cast %broadcast_in_dim3A_3 : vector<16xf32> to vector<16xf32>
    tpu.vector_store %arg6[%swap3A_295], %swap3A_298 {strides = array<i32>} : memref<3136xf32, #tpu.memory_space<vmem>>, vector<16xf32>,
    %swap3A_299 = arith.constant 1184 : index
    %swap3A_300 = tpu.vector_load %arg6[%swap3A_299] {strides = array<i32>} : memref<3136xf32, #tpu.memory_space<vmem>>, vector<16xf32>,
    %swap3A_301 = vector.shape_cast %swap3A_300 : vector<16xf32> to vector<16xf32>
    %swap3A_302 = vector.shape_cast %broadcast_in_dim3A_3 : vector<16xf32> to vector<16xf32>
    tpu.vector_store %arg6[%swap3A_299], %swap3A_302 {strides = array<i32>} : memref<3136xf32, #tpu.memory_space<vmem>>, vector<16xf32>,
    %swap3A_303 = arith.constant 1200 : index
    %swap3A_304 = tpu.vector_load %arg6[%swap3A_303] {strides = array<i32>} : memref<3136xf32, #tpu.memory_space<vmem>>, vector<16xf32>,
    %swap3A_305 = vector.shape_cast %swap3A_304 : vector<16xf32> to vector<16xf32>
    %swap3A_306 = vector.shape_cast %broadcast_in_dim3A_3 : vector<16xf32> to vector<16xf32>
    tpu.vector_store %arg6[%swap3A_303], %swap3A_306 {strides = array<i32>} : memref<3136xf32, #tpu.memory_space<vmem>>, vector<16xf32>,
    %swap3A_307 = arith.constant 1216 : index
    %swap3A_308 = tpu.vector_load %arg6[%swap3A_307] {strides = array<i32>} : memref<3136xf32, #tpu.memory_space<vmem>>, vector<16xf32>,
    %swap3A_309 = vector.shape_cast %swap3A_308 : vector<16xf32> to vector<16xf32>
    %swap3A_310 = vector.shape_cast %broadcast_in_dim3A_3 : vector<16xf32> to vector<16xf32>
    tpu.vector_store %arg6[%swap3A_307], %swap3A_310 {strides = array<i32>} : memref<3136xf32, #tpu.memory_space<vmem>>, vector<16xf32>,
    %swap3A_311 = arith.constant 1232 : index
    %swap3A_312 = tpu.vector_load %arg6[%swap3A_311] {strides = array<i32>} : memref<3136xf32, #tpu.memory_space<vmem>>, vector<16xf32>,
    %swap3A_313 = vector.shape_cast %swap3A_312 : vector<16xf32> to vector<16xf32>
    %swap3A_314 = vector.shape_cast %broadcast_in_dim3A_3 : vector<16xf32> to vector<16xf32>
    tpu.vector_store %arg6[%swap3A_311], %swap3A_314 {strides = array<i32>} : memref<3136xf32, #tpu.memory_space<vmem>>, vector<16xf32>,
    %swap3A_315 = arith.constant 1248 : index
    %swap3A_316 = tpu.vector_load %arg6[%swap3A_315] {strides = array<i32>} : memref<3136xf32, #tpu.memory_space<vmem>>, vector<16xf32>,
    %swap3A_317 = vector.shape_cast %swap3A_316 : vector<16xf32> to vector<16xf32>
    %swap3A_318 = vector.shape_cast %broadcast_in_dim3A_3 : vector<16xf32> to vector<16xf32>
    tpu.vector_store %arg6[%swap3A_315], %swap3A_318 {strides = array<i32>} : memref<3136xf32, #tpu.memory_space<vmem>>, vector<16xf32>,
    %swap3A_319 = arith.constant 1264 : index
    %swap3A_320 = tpu.vector_load %arg6[%swap3A_319] {strides = array<i32>} : memref<3136xf32, #tpu.memory_space<vmem>>, vector<16xf32>,
    %swap3A_321 = vector.shape_cast %swap3A_320 : vector<16xf32> to vector<16xf32>
    %swap3A_322 = vector.shape_cast %broadcast_in_dim3A_3 : vector<16xf32> to vector<16xf32>
    tpu.vector_store %arg6[%swap3A_319], %swap3A_322 {strides = array<i32>} : memref<3136xf32, #tpu.memory_space<vmem>>, vector<16xf32>,
    %swap3A_323 = arith.constant 1280 : index
    %swap3A_324 = tpu.vector_load %arg6[%swap3A_323] {strides = array<i32>} : memref<3136xf32, #tpu.memory_space<vmem>>, vector<16xf32>,
    %swap3A_325 = vector.shape_cast %swap3A_324 : vector<16xf32> to vector<16xf32>
    %swap3A_326 = vector.shape_cast %broadcast_in_dim3A_3 : vector<16xf32> to vector<16xf32>
    tpu.vector_store %arg6[%swap3A_323], %swap3A_326 {strides = array<i32>} : memref<3136xf32, #tpu.memory_space<vmem>>, vector<16xf32>,
    %swap3A_327 = arith.constant 1296 : index
    %swap3A_328 = tpu.vector_load %arg6[%swap3A_327] {strides = array<i32>} : memref<3136xf32, #tpu.memory_space<vmem>>, vector<16xf32>,
    %swap3A_329 = vector.shape_cast %swap3A_328 : vector<16xf32> to vector<16xf32>
    %swap3A_330 = vector.shape_cast %broadcast_in_dim3A_3 : vector<16xf32> to vector<16xf32>
    tpu.vector_store %arg6[%swap3A_327], %swap3A_330 {strides = array<i32>} : memref<3136xf32, #tpu.memory_space<vmem>>, vector<16xf32>,
    %swap3A_331 = arith.constant 1312 : index
    %swap3A_332 = tpu.vector_load %arg6[%swap3A_331] {strides = array<i32>} : memref<3136xf32, #tpu.memory_space<vmem>>, vector<16xf32>,
    %swap3A_333 = vector.shape_cast %swap3A_332 : vector<16xf32> to vector<16xf32>
    %swap3A_334 = vector.shape_cast %broadcast_in_dim3A_3 : vector<16xf32> to vector<16xf32>
    tpu.vector_store %arg6[%swap3A_331], %swap3A_334 {strides = array<i32>} : memref<3136xf32, #tpu.memory_space<vmem>>, vector<16xf32>,
    %swap3A_335 = arith.constant 1328 : index
    %swap3A_336 = tpu.vector_load %arg6[%swap3A_335] {strides = array<i32>} : memref<3136xf32, #tpu.memory_space<vmem>>, vector<16xf32>,
    %swap3A_337 = vector.shape_cast %swap3A_336 : vector<16xf32> to vector<16xf32>
    %swap3A_338 = vector.shape_cast %broadcast_in_dim3A_3 : vector<16xf32> to vector<16xf32>
    tpu.vector_store %arg6[%swap3A_335], %swap3A_338 {strides = array<i32>} : memref<3136xf32, #tpu.memory_space<vmem>>, vector<16xf32>,
    %swap3A_339 = arith.constant 1344 : index
    %swap3A_340 = tpu.vector_load %arg6[%swap3A_339] {strides = array<i32>} : memref<3136xf32, #tpu.memory_space<vmem>>, vector<16xf32>,
    %swap3A_341 = vector.shape_cast %swap3A_340 : vector<16xf32> to vector<16xf32>
    %swap3A_342 = vector.shape_cast %broadcast_in_dim3A_3 : vector<16xf32> to vector<16xf32>
    tpu.vector_store %arg6[%swap3A_339], %swap3A_342 {strides = array<i32>} : memref<3136xf32, #tpu.memory_space<vmem>>, vector<16xf32>,
    %swap3A_343 = arith.constant 1360 : index
    %swap3A_344 = tpu.vector_load %arg6[%swap3A_343] {strides = array<i32>} : memref<3136xf32, #tpu.memory_space<vmem>>, vector<16xf32>,
    %swap3A_345 = vector.shape_cast %swap3A_344 : vector<16xf32> to vector<16xf32>
    %swap3A_346 = vector.shape_cast %broadcast_in_dim3A_3 : vector<16xf32> to vector<16xf32>
    tpu.vector_store %arg6[%swap3A_343], %swap3A_346 {strides = array<i32>} : memref<3136xf32, #tpu.memory_space<vmem>>, vector<16xf32>,
    %swap3A_347 = arith.constant 1376 : index
    %swap3A_348 = tpu.vector_load %arg6[%swap3A_347] {strides = array<i32>} : memref<3136xf32, #tpu.memory_space<vmem>>, vector<16xf32>,
    %swap3A_349 = vector.shape_cast %swap3A_348 : vector<16xf32> to vector<16xf32>
    %swap3A_350 = vector.shape_cast %broadcast_in_dim3A_3 : vector<16xf32> to vector<16xf32>
    tpu.vector_store %arg6[%swap3A_347], %swap3A_350 {strides = array<i32>} : memref<3136xf32, #tpu.memory_space<vmem>>, vector<16xf32>,
    %swap3A_351 = arith.constant 1392 : index
    %swap3A_352 = tpu.vector_load %arg6[%swap3A_351] {strides = array<i32>} : memref<3136xf32, #tpu.memory_space<vmem>>, vector<16xf32>,
    %swap3A_353 = vector.shape_cast %swap3A_352 : vector<16xf32> to vector<16xf32>
    %swap3A_354 = vector.shape_cast %broadcast_in_dim3A_3 : vector<16xf32> to vector<16xf32>
    tpu.vector_store %arg6[%swap3A_351], %swap3A_354 {strides = array<i32>} : memref<3136xf32, #tpu.memory_space<vmem>>, vector<16xf32>,
    %swap3A_355 = arith.constant 1408 : index
    %swap3A_356 = tpu.vector_load %arg6[%swap3A_355] {strides = array<i32>} : memref<3136xf32, #tpu.memory_space<vmem>>, vector<16xf32>,
    %swap3A_357 = vector.shape_cast %swap3A_356 : vector<16xf32> to vector<16xf32>
    %swap3A_358 = vector.shape_cast %broadcast_in_dim3A_3 : vector<16xf32> to vector<16xf32>
    tpu.vector_store %arg6[%swap3A_355], %swap3A_358 {strides = array<i32>} : memref<3136xf32, #tpu.memory_space<vmem>>, vector<16xf32>,
    %swap3A_359 = arith.constant 1424 : index
    %swap3A_360 = tpu.vector_load %arg6[%swap3A_359] {strides = array<i32>} : memref<3136xf32, #tpu.memory_space<vmem>>, vector<16xf32>,
    %swap3A_361 = vector.shape_cast %swap3A_360 : vector<16xf32> to vector<16xf32>
    %swap3A_362 = vector.shape_cast %broadcast_in_dim3A_3 : vector<16xf32> to vector<16xf32>
    tpu.vector_store %arg6[%swap3A_359], %swap3A_362 {strides = array<i32>} : memref<3136xf32, #tpu.memory_space<vmem>>, vector<16xf32>,
    %swap3A_363 = arith.constant 1440 : index
    %swap3A_364 = tpu.vector_load %arg6[%swap3A_363] {strides = array<i32>} : memref<3136xf32, #tpu.memory_space<vmem>>, vector<16xf32>,
    %swap3A_365 = vector.shape_cast %swap3A_364 : vector<16xf32> to vector<16xf32>
    %swap3A_366 = vector.shape_cast %broadcast_in_dim3A_3 : vector<16xf32> to vector<16xf32>
    tpu.vector_store %arg6[%swap3A_363], %swap3A_366 {strides = array<i32>} : memref<3136xf32, #tpu.memory_space<vmem>>, vector<16xf32>,
    %swap3A_367 = arith.constant 1456 : index
    %swap3A_368 = tpu.vector_load %arg6[%swap3A_367] {strides = array<i32>} : memref<3136xf32, #tpu.memory_space<vmem>>, vector<16xf32>,
    %swap3A_369 = vector.shape_cast %swap3A_368 : vector<16xf32> to vector<16xf32>
    %swap3A_370 = vector.shape_cast %broadcast_in_dim3A_3 : vector<16xf32> to vector<16xf32>
    tpu.vector_store %arg6[%swap3A_367], %swap3A_370 {strides = array<i32>} : memref<3136xf32, #tpu.memory_space<vmem>>, vector<16xf32>,
    %swap3A_371 = arith.constant 1472 : index
    %swap3A_372 = tpu.vector_load %arg6[%swap3A_371] {strides = array<i32>} : memref<3136xf32, #tpu.memory_space<vmem>>, vector<16xf32>,
    %swap3A_373 = vector.shape_cast %swap3A_372 : vector<16xf32> to vector<16xf32>
    %swap3A_374 = vector.shape_cast %broadcast_in_dim3A_3 : vector<16xf32> to vector<16xf32>
    tpu.vector_store %arg6[%swap3A_371], %swap3A_374 {strides = array<i32>} : memref<3136xf32, #tpu.memory_space<vmem>>, vector<16xf32>,
    %swap3A_375 = arith.constant 1488 : index
    %swap3A_376 = tpu.vector_load %arg6[%swap3A_375] {strides = array<i32>} : memref<3136xf32, #tpu.memory_space<vmem>>, vector<16xf32>,
    %swap3A_377 = vector.shape_cast %swap3A_376 : vector<16xf32> to vector<16xf32>
    %swap3A_378 = vector.shape_cast %broadcast_in_dim3A_3 : vector<16xf32> to vector<16xf32>
    tpu.vector_store %arg6[%swap3A_375], %swap3A_378 {strides = array<i32>} : memref<3136xf32, #tpu.memory_space<vmem>>, vector<16xf32>,
    %swap3A_379 = arith.constant 1504 : index
    %swap3A_380 = tpu.vector_load %arg6[%swap3A_379] {strides = array<i32>} : memref<3136xf32, #tpu.memory_space<vmem>>, vector<16xf32>,
    %swap3A_381 = vector.shape_cast %swap3A_380 : vector<16xf32> to vector<16xf32>
    %swap3A_382 = vector.shape_cast %broadcast_in_dim3A_3 : vector<16xf32> to vector<16xf32>
    tpu.vector_store %arg6[%swap3A_379], %swap3A_382 {strides = array<i32>} : memref<3136xf32, #tpu.memory_space<vmem>>, vector<16xf32>,
    %swap3A_383 = arith.constant 1520 : index
    %swap3A_384 = tpu.vector_load %arg6[%swap3A_383] {strides = array<i32>} : memref<3136xf32, #tpu.memory_space<vmem>>, vector<16xf32>,
    %swap3A_385 = vector.shape_cast %swap3A_384 : vector<16xf32> to vector<16xf32>
    %swap3A_386 = vector.shape_cast %broadcast_in_dim3A_3 : vector<16xf32> to vector<16xf32>
    tpu.vector_store %arg6[%swap3A_383], %swap3A_386 {strides = array<i32>} : memref<3136xf32, #tpu.memory_space<vmem>>, vector<16xf32>,
    %swap3A_387 = arith.constant 1536 : index
    %swap3A_388 = tpu.vector_load %arg6[%swap3A_387] {strides = array<i32>} : memref<3136xf32, #tpu.memory_space<vmem>>, vector<16xf32>,
    %swap3A_389 = vector.shape_cast %swap3A_388 : vector<16xf32> to vector<16xf32>
    %swap3A_390 = vector.shape_cast %broadcast_in_dim3A_3 : vector<16xf32> to vector<16xf32>
    tpu.vector_store %arg6[%swap3A_387], %swap3A_390 {strides = array<i32>} : memref<3136xf32, #tpu.memory_space<vmem>>, vector<16xf32>,
    %swap3A_391 = arith.constant 1552 : index
    %swap3A_392 = tpu.vector_load %arg6[%swap3A_391] {strides = array<i32>} : memref<3136xf32, #tpu.memory_space<vmem>>, vector<16xf32>,
    %swap3A_393 = vector.shape_cast %swap3A_392 : vector<16xf32> to vector<16xf32>
    %swap3A_394 = vector.shape_cast %broadcast_in_dim3A_3 : vector<16xf32> to vector<16xf32>
    tpu.vector_store %arg6[%swap3A_391], %swap3A_394 {strides = array<i32>} : memref<3136xf32, #tpu.memory_space<vmem>>, vector<16xf32>,
    %swap3A_395 = arith.constant 1568 : index
    %swap3A_396 = tpu.vector_load %arg6[%swap3A_395] {strides = array<i32>} : memref<3136xf32, #tpu.memory_space<vmem>>, vector<16xf32>,
    %swap3A_397 = vector.shape_cast %swap3A_396 : vector<16xf32> to vector<16xf32>
    %swap3A_398 = vector.shape_cast %broadcast_in_dim3A_3 : vector<16xf32> to vector<16xf32>
    tpu.vector_store %arg6[%swap3A_395], %swap3A_398 {strides = array<i32>} : memref<3136xf32, #tpu.memory_space<vmem>>, vector<16xf32>,
    %swap3A_399 = arith.constant 1584 : index
    %swap3A_400 = tpu.vector_load %arg6[%swap3A_399] {strides = array<i32>} : memref<3136xf32, #tpu.memory_space<vmem>>, vector<16xf32>,
    %swap3A_401 = vector.shape_cast %swap3A_400 : vector<16xf32> to vector<16xf32>
    %swap3A_402 = vector.shape_cast %broadcast_in_dim3A_3 : vector<16xf32> to vector<16xf32>
    tpu.vector_store %arg6[%swap3A_399], %swap3A_402 {strides = array<i32>} : memref<3136xf32, #tpu.memory_space<vmem>>, vector<16xf32>,
    %swap3A_403 = arith.constant 1600 : index
    %swap3A_404 = tpu.vector_load %arg6[%swap3A_403] {strides = array<i32>} : memref<3136xf32, #tpu.memory_space<vmem>>, vector<16xf32>,
    %swap3A_405 = vector.shape_cast %swap3A_404 : vector<16xf32> to vector<16xf32>
    %swap3A_406 = vector.shape_cast %broadcast_in_dim3A_3 : vector<16xf32> to vector<16xf32>
    tpu.vector_store %arg6[%swap3A_403], %swap3A_406 {strides = array<i32>} : memref<3136xf32, #tpu.memory_space<vmem>>, vector<16xf32>,
    %swap3A_407 = arith.constant 1616 : index
    %swap3A_408 = tpu.vector_load %arg6[%swap3A_407] {strides = array<i32>} : memref<3136xf32, #tpu.memory_space<vmem>>, vector<16xf32>,
    %swap3A_409 = vector.shape_cast %swap3A_408 : vector<16xf32> to vector<16xf32>
    %swap3A_410 = vector.shape_cast %broadcast_in_dim3A_3 : vector<16xf32> to vector<16xf32>
    tpu.vector_store %arg6[%swap3A_407], %swap3A_410 {strides = array<i32>} : memref<3136xf32, #tpu.memory_space<vmem>>, vector<16xf32>,
    %swap3A_411 = arith.constant 1632 : index
    %swap3A_412 = tpu.vector_load %arg6[%swap3A_411] {strides = array<i32>} : memref<3136xf32, #tpu.memory_space<vmem>>, vector<16xf32>,
    %swap3A_413 = vector.shape_cast %swap3A_412 : vector<16xf32> to vector<16xf32>
    %swap3A_414 = vector.shape_cast %broadcast_in_dim3A_3 : vector<16xf32> to vector<16xf32>
    tpu.vector_store %arg6[%swap3A_411], %swap3A_414 {strides = array<i32>} : memref<3136xf32, #tpu.memory_space<vmem>>, vector<16xf32>,
    %swap3A_415 = arith.constant 1648 : index
    %swap3A_416 = tpu.vector_load %arg6[%swap3A_415] {strides = array<i32>} : memref<3136xf32, #tpu.memory_space<vmem>>, vector<16xf32>,
    %swap3A_417 = vector.shape_cast %swap3A_416 : vector<16xf32> to vector<16xf32>
    %swap3A_418 = vector.shape_cast %broadcast_in_dim3A_3 : vector<16xf32> to vector<16xf32>
    tpu.vector_store %arg6[%swap3A_415], %swap3A_418 {strides = array<i32>} : memref<3136xf32, #tpu.memory_space<vmem>>, vector<16xf32>,
    %swap3A_419 = arith.constant 1664 : index
    %swap3A_420 = tpu.vector_load %arg6[%swap3A_419] {strides = array<i32>} : memref<3136xf32, #tpu.memory_space<vmem>>, vector<16xf32>,
    %swap3A_421 = vector.shape_cast %swap3A_420 : vector<16xf32> to vector<16xf32>
    %swap3A_422 = vector.shape_cast %broadcast_in_dim3A_3 : vector<16xf32> to vector<16xf32>
    tpu.vector_store %arg6[%swap3A_419], %swap3A_422 {strides = array<i32>} : memref<3136xf32, #tpu.memory_space<vmem>>, vector<16xf32>,
    %swap3A_423 = arith.constant 1680 : index
    %swap3A_424 = tpu.vector_load %arg6[%swap3A_423] {strides = array<i32>} : memref<3136xf32, #tpu.memory_space<vmem>>, vector<16xf32>,
    %swap3A_425 = vector.shape_cast %swap3A_424 : vector<16xf32> to vector<16xf32>
    %swap3A_426 = vector.shape_cast %broadcast_in_dim3A_3 : vector<16xf32> to vector<16xf32>
    tpu.vector_store %arg6[%swap3A_423], %swap3A_426 {strides = array<i32>} : memref<3136xf32, #tpu.memory_space<vmem>>, vector<16xf32>,
    %swap3A_427 = arith.constant 1696 : index
    %swap3A_428 = tpu.vector_load %arg6[%swap3A_427] {strides = array<i32>} : memref<3136xf32, #tpu.memory_space<vmem>>, vector<16xf32>,
    %swap3A_429 = vector.shape_cast %swap3A_428 : vector<16xf32> to vector<16xf32>
    %swap3A_430 = vector.shape_cast %broadcast_in_dim3A_3 : vector<16xf32> to vector<16xf32>
    tpu.vector_store %arg6[%swap3A_427], %swap3A_430 {strides = array<i32>} : memref<3136xf32, #tpu.memory_space<vmem>>, vector<16xf32>,
    %swap3A_431 = arith.constant 1712 : index
    %swap3A_432 = tpu.vector_load %arg6[%swap3A_431] {strides = array<i32>} : memref<3136xf32, #tpu.memory_space<vmem>>, vector<16xf32>,
    %swap3A_433 = vector.shape_cast %swap3A_432 : vector<16xf32> to vector<16xf32>
    %swap3A_434 = vector.shape_cast %broadcast_in_dim3A_3 : vector<16xf32> to vector<16xf32>
    tpu.vector_store %arg6[%swap3A_431], %swap3A_434 {strides = array<i32>} : memref<3136xf32, #tpu.memory_space<vmem>>, vector<16xf32>,
    %swap3A_435 = arith.constant 1728 : index
    %swap3A_436 = tpu.vector_load %arg6[%swap3A_435] {strides = array<i32>} : memref<3136xf32, #tpu.memory_space<vmem>>, vector<16xf32>,
    %swap3A_437 = vector.shape_cast %swap3A_436 : vector<16xf32> to vector<16xf32>
    %swap3A_438 = vector.shape_cast %broadcast_in_dim3A_3 : vector<16xf32> to vector<16xf32>
    tpu.vector_store %arg6[%swap3A_435], %swap3A_438 {strides = array<i32>} : memref<3136xf32, #tpu.memory_space<vmem>>, vector<16xf32>,
    %swap3A_439 = arith.constant 1744 : index
    %swap3A_440 = tpu.vector_load %arg6[%swap3A_439] {strides = array<i32>} : memref<3136xf32, #tpu.memory_space<vmem>>, vector<16xf32>,
    %swap3A_441 = vector.shape_cast %swap3A_440 : vector<16xf32> to vector<16xf32>
    %swap3A_442 = vector.shape_cast %broadcast_in_dim3A_3 : vector<16xf32> to vector<16xf32>
    tpu.vector_store %arg6[%swap3A_439], %swap3A_442 {strides = array<i32>} : memref<3136xf32, #tpu.memory_space<vmem>>, vector<16xf32>,
    %swap3A_443 = arith.constant 1760 : index
    %swap3A_444 = tpu.vector_load %arg6[%swap3A_443] {strides = array<i32>} : memref<3136xf32, #tpu.memory_space<vmem>>, vector<16xf32>,
    %swap3A_445 = vector.shape_cast %swap3A_444 : vector<16xf32> to vector<16xf32>
    %swap3A_446 = vector.shape_cast %broadcast_in_dim3A_3 : vector<16xf32> to vector<16xf32>
    tpu.vector_store %arg6[%swap3A_443], %swap3A_446 {strides = array<i32>} : memref<3136xf32, #tpu.memory_space<vmem>>, vector<16xf32>,
    %swap3A_447 = arith.constant 1776 : index
    %swap3A_448 = tpu.vector_load %arg6[%swap3A_447] {strides = array<i32>} : memref<3136xf32, #tpu.memory_space<vmem>>, vector<16xf32>,
    %swap3A_449 = vector.shape_cast %swap3A_448 : vector<16xf32> to vector<16xf32>
    %swap3A_450 = vector.shape_cast %broadcast_in_dim3A_3 : vector<16xf32> to vector<16xf32>
    tpu.vector_store %arg6[%swap3A_447], %swap3A_450 {strides = array<i32>} : memref<3136xf32, #tpu.memory_space<vmem>>, vector<16xf32>,
    %swap3A_451 = arith.constant 1792 : index
    %swap3A_452 = tpu.vector_load %arg6[%swap3A_451] {strides = array<i32>} : memref<3136xf32, #tpu.memory_space<vmem>>, vector<16xf32>,
    %swap3A_453 = vector.shape_cast %swap3A_452 : vector<16xf32> to vector<16xf32>
    %swap3A_454 = vector.shape_cast %broadcast_in_dim3A_3 : vector<16xf32> to vector<16xf32>
    tpu.vector_store %arg6[%swap3A_451], %swap3A_454 {strides = array<i32>} : memref<3136xf32, #tpu.memory_space<vmem>>, vector<16xf32>,
    %swap3A_455 = arith.constant 1808 : index
    %swap3A_456 = tpu.vector_load %arg6[%swap3A_455] {strides = array<i32>} : memref<3136xf32, #tpu.memory_space<vmem>>, vector<16xf32>,
    %swap3A_457 = vector.shape_cast %swap3A_456 : vector<16xf32> to vector<16xf32>
    %swap3A_458 = vector.shape_cast %broadcast_in_dim3A_3 : vector<16xf32> to vector<16xf32>
    tpu.vector_store %arg6[%swap3A_455], %swap3A_458 {strides = array<i32>} : memref<3136xf32, #tpu.memory_space<vmem>>, vector<16xf32>,
    %swap3A_459 = arith.constant 1824 : index
    %swap3A_460 = tpu.vector_load %arg6[%swap3A_459] {strides = array<i32>} : memref<3136xf32, #tpu.memory_space<vmem>>, vector<16xf32>,
    %swap3A_461 = vector.shape_cast %swap3A_460 : vector<16xf32> to vector<16xf32>
    %swap3A_462 = vector.shape_cast %broadcast_in_dim3A_3 : vector<16xf32> to vector<16xf32>
    tpu.vector_store %arg6[%swap3A_459], %swap3A_462 {strides = array<i32>} : memref<3136xf32, #tpu.memory_space<vmem>>, vector<16xf32>,
    %swap3A_463 = arith.constant 1840 : index
    %swap3A_464 = tpu.vector_load %arg6[%swap3A_463] {strides = array<i32>} : memref<3136xf32, #tpu.memory_space<vmem>>, vector<16xf32>,
    %swap3A_465 = vector.shape_cast %swap3A_464 : vector<16xf32> to vector<16xf32>
    %swap3A_466 = vector.shape_cast %broadcast_in_dim3A_3 : vector<16xf32> to vector<16xf32>
    tpu.vector_store %arg6[%swap3A_463], %swap3A_466 {strides = array<i32>} : memref<3136xf32, #tpu.memory_space<vmem>>, vector<16xf32>,
    %swap3A_467 = arith.constant 1856 : index
    %swap3A_468 = tpu.vector_load %arg6[%swap3A_467] {strides = array<i32>} : memref<3136xf32, #tpu.memory_space<vmem>>, vector<16xf32>,
    %swap3A_469 = vector.shape_cast %swap3A_468 : vector<16xf32> to vector<16xf32>
    %swap3A_470 = vector.shape_cast %broadcast_in_dim3A_3 : vector<16xf32> to vector<16xf32>
    tpu.vector_store %arg6[%swap3A_467], %swap3A_470 {strides = array<i32>} : memref<3136xf32, #tpu.memory_space<vmem>>, vector<16xf32>,
    %swap3A_471 = arith.constant 1872 : index
    %swap3A_472 = tpu.vector_load %arg6[%swap3A_471] {strides = array<i32>} : memref<3136xf32, #tpu.memory_space<vmem>>, vector<16xf32>,
    %swap3A_473 = vector.shape_cast %swap3A_472 : vector<16xf32> to vector<16xf32>
    %swap3A_474 = vector.shape_cast %broadcast_in_dim3A_3 : vector<16xf32> to vector<16xf32>
    tpu.vector_store %arg6[%swap3A_471], %swap3A_474 {strides = array<i32>} : memref<3136xf32, #tpu.memory_space<vmem>>, vector<16xf32>,
    %swap3A_475 = arith.constant 1888 : index
    %swap3A_476 = tpu.vector_load %arg6[%swap3A_475] {strides = array<i32>} : memref<3136xf32, #tpu.memory_space<vmem>>, vector<16xf32>,
    %swap3A_477 = vector.shape_cast %swap3A_476 : vector<16xf32> to vector<16xf32>
    %swap3A_478 = vector.shape_cast %broadcast_in_dim3A_3 : vector<16xf32> to vector<16xf32>
    tpu.vector_store %arg6[%swap3A_475], %swap3A_478 {strides = array<i32>} : memref<3136xf32, #tpu.memory_space<vmem>>, vector<16xf32>,
    %swap3A_479 = arith.constant 1904 : index
    %swap3A_480 = tpu.vector_load %arg6[%swap3A_479] {strides = array<i32>} : memref<3136xf32, #tpu.memory_space<vmem>>, vector<16xf32>,
    %swap3A_481 = vector.shape_cast %swap3A_480 : vector<16xf32> to vector<16xf32>
    %swap3A_482 = vector.shape_cast %broadcast_in_dim3A_3 : vector<16xf32> to vector<16xf32>
    tpu.vector_store %arg6[%swap3A_479], %swap3A_482 {strides = array<i32>} : memref<3136xf32, #tpu.memory_space<vmem>>, vector<16xf32>,
    %swap3A_483 = arith.constant 1920 : index
    %swap3A_484 = tpu.vector_load %arg6[%swap3A_483] {strides = array<i32>} : memref<3136xf32, #tpu.memory_space<vmem>>, vector<16xf32>,
    %swap3A_485 = vector.shape_cast %swap3A_484 : vector<16xf32> to vector<16xf32>
    %swap3A_486 = vector.shape_cast %broadcast_in_dim3A_3 : vector<16xf32> to vector<16xf32>
    tpu.vector_store %arg6[%swap3A_483], %swap3A_486 {strides = array<i32>} : memref<3136xf32, #tpu.memory_space<vmem>>, vector<16xf32>,
    %swap3A_487 = arith.constant 1936 : index
    %swap3A_488 = tpu.vector_load %arg6[%swap3A_487] {strides = array<i32>} : memref<3136xf32, #tpu.memory_space<vmem>>, vector<16xf32>,
    %swap3A_489 = vector.shape_cast %swap3A_488 : vector<16xf32> to vector<16xf32>
    %swap3A_490 = vector.shape_cast %broadcast_in_dim3A_3 : vector<16xf32> to vector<16xf32>
    tpu.vector_store %arg6[%swap3A_487], %swap3A_490 {strides = array<i32>} : memref<3136xf32, #tpu.memory_space<vmem>>, vector<16xf32>,
    %swap3A_491 = arith.constant 1952 : index
    %swap3A_492 = tpu.vector_load %arg6[%swap3A_491] {strides = array<i32>} : memref<3136xf32, #tpu.memory_space<vmem>>, vector<16xf32>,
    %swap3A_493 = vector.shape_cast %swap3A_492 : vector<16xf32> to vector<16xf32>
    %swap3A_494 = vector.shape_cast %broadcast_in_dim3A_3 : vector<16xf32> to vector<16xf32>
    tpu.vector_store %arg6[%swap3A_491], %swap3A_494 {strides = array<i32>} : memref<3136xf32, #tpu.memory_space<vmem>>, vector<16xf32>,
    %swap3A_495 = arith.constant 1968 : index
    %swap3A_496 = tpu.vector_load %arg6[%swap3A_495] {strides = array<i32>} : memref<3136xf32, #tpu.memory_space<vmem>>, vector<16xf32>,
    %swap3A_497 = vector.shape_cast %swap3A_496 : vector<16xf32> to vector<16xf32>
    %swap3A_498 = vector.shape_cast %broadcast_in_dim3A_3 : vector<16xf32> to vector<16xf32>
    tpu.vector_store %arg6[%swap3A_495], %swap3A_498 {strides = array<i32>} : memref<3136xf32, #tpu.memory_space<vmem>>, vector<16xf32>,
    %swap3A_499 = arith.constant 1984 : index
    %swap3A_500 = tpu.vector_load %arg6[%swap3A_499] {strides = array<i32>} : memref<3136xf32, #tpu.memory_space<vmem>>, vector<16xf32>,
    %swap3A_501 = vector.shape_cast %swap3A_500 : vector<16xf32> to vector<16xf32>
    %swap3A_502 = vector.shape_cast %broadcast_in_dim3A_3 : vector<16xf32> to vector<16xf32>
    tpu.vector_store %arg6[%swap3A_499], %swap3A_502 {strides = array<i32>} : memref<3136xf32, #tpu.memory_space<vmem>>, vector<16xf32>,
    %swap3A_503 = arith.constant 2000 : index
    %swap3A_504 = tpu.vector_load %arg6[%swap3A_503] {strides = array<i32>} : memref<3136xf32, #tpu.memory_space<vmem>>, vector<16xf32>,
    %swap3A_505 = vector.shape_cast %swap3A_504 : vector<16xf32> to vector<16xf32>
    %swap3A_506 = vector.shape_cast %broadcast_in_dim3A_3 : vector<16xf32> to vector<16xf32>
    tpu.vector_store %arg6[%swap3A_503], %swap3A_506 {strides = array<i32>} : memref<3136xf32, #tpu.memory_space<vmem>>, vector<16xf32>,
    %swap3A_507 = arith.constant 2016 : index
    %swap3A_508 = tpu.vector_load %arg6[%swap3A_507] {strides = array<i32>} : memref<3136xf32, #tpu.memory_space<vmem>>, vector<16xf32>,
    %swap3A_509 = vector.shape_cast %swap3A_508 : vector<16xf32> to vector<16xf32>
    %swap3A_510 = vector.shape_cast %broadcast_in_dim3A_3 : vector<16xf32> to vector<16xf32>
    tpu.vector_store %arg6[%swap3A_507], %swap3A_510 {strides = array<i32>} : memref<3136xf32, #tpu.memory_space<vmem>>, vector<16xf32>,
    %swap3A_511 = arith.constant 2032 : index
    %swap3A_512 = tpu.vector_load %arg6[%swap3A_511] {strides = array<i32>} : memref<3136xf32, #tpu.memory_space<vmem>>, vector<16xf32>,
    %swap3A_513 = vector.shape_cast %swap3A_512 : vector<16xf32> to vector<16xf32>
    %swap3A_514 = vector.shape_cast %broadcast_in_dim3A_3 : vector<16xf32> to vector<16xf32>
    tpu.vector_store %arg6[%swap3A_511], %swap3A_514 {strides = array<i32>} : memref<3136xf32, #tpu.memory_space<vmem>>, vector<16xf32>,
    %swap3A_515 = arith.constant 2048 : index
    %swap3A_516 = tpu.vector_load %arg6[%swap3A_515] {strides = array<i32>} : memref<3136xf32, #tpu.memory_space<vmem>>, vector<16xf32>,
    %swap3A_517 = vector.shape_cast %swap3A_516 : vector<16xf32> to vector<16xf32>
    %swap3A_518 = vector.shape_cast %broadcast_in_dim3A_3 : vector<16xf32> to vector<16xf32>
    tpu.vector_store %arg6[%swap3A_515], %swap3A_518 {strides = array<i32>} : memref<3136xf32, #tpu.memory_space<vmem>>, vector<16xf32>,
    %swap3A_519 = arith.constant 2064 : index
    %swap3A_520 = tpu.vector_load %arg6[%swap3A_519] {strides = array<i32>} : memref<3136xf32, #tpu.memory_space<vmem>>, vector<16xf32>,
    %swap3A_521 = vector.shape_cast %swap3A_520 : vector<16xf32> to vector<16xf32>
    %swap3A_522 = vector.shape_cast %broadcast_in_dim3A_3 : vector<16xf32> to vector<16xf32>
    tpu.vector_store %arg6[%swap3A_519], %swap3A_522 {strides = array<i32>} : memref<3136xf32, #tpu.memory_space<vmem>>, vector<16xf32>,
    %swap3A_523 = arith.constant 2080 : index
    %swap3A_524 = tpu.vector_load %arg6[%swap3A_523] {strides = array<i32>} : memref<3136xf32, #tpu.memory_space<vmem>>, vector<16xf32>,
    %swap3A_525 = vector.shape_cast %swap3A_524 : vector<16xf32> to vector<16xf32>
    %swap3A_526 = vector.shape_cast %broadcast_in_dim3A_3 : vector<16xf32> to vector<16xf32>
    tpu.vector_store %arg6[%swap3A_523], %swap3A_526 {strides = array<i32>} : memref<3136xf32, #tpu.memory_space<vmem>>, vector<16xf32>,
    %swap3A_527 = arith.constant 2096 : index
    %swap3A_528 = tpu.vector_load %arg6[%swap3A_527] {strides = array<i32>} : memref<3136xf32, #tpu.memory_space<vmem>>, vector<16xf32>,
    %swap3A_529 = vector.shape_cast %swap3A_528 : vector<16xf32> to vector<16xf32>
    %swap3A_530 = vector.shape_cast %broadcast_in_dim3A_3 : vector<16xf32> to vector<16xf32>
    tpu.vector_store %arg6[%swap3A_527], %swap3A_530 {strides = array<i32>} : memref<3136xf32, #tpu.memory_space<vmem>>, vector<16xf32>,
    %swap3A_531 = arith.constant 2112 : index
    %swap3A_532 = tpu.vector_load %arg6[%swap3A_531] {strides = array<i32>} : memref<3136xf32, #tpu.memory_space<vmem>>, vector<16xf32>,
    %swap3A_533 = vector.shape_cast %swap3A_532 : vector<16xf32> to vector<16xf32>
    %swap3A_534 = vector.shape_cast %broadcast_in_dim3A_3 : vector<16xf32> to vector<16xf32>
    tpu.vector_store %arg6[%swap3A_531], %swap3A_534 {strides = array<i32>} : memref<3136xf32, #tpu.memory_space<vmem>>, vector<16xf32>,
    %swap3A_535 = arith.constant 2128 : index
    %swap3A_536 = tpu.vector_load %arg6[%swap3A_535] {strides = array<i32>} : memref<3136xf32, #tpu.memory_space<vmem>>, vector<16xf32>,
    %swap3A_537 = vector.shape_cast %swap3A_536 : vector<16xf32> to vector<16xf32>
    %swap3A_538 = vector.shape_cast %broadcast_in_dim3A_3 : vector<16xf32> to vector<16xf32>
    tpu.vector_store %arg6[%swap3A_535], %swap3A_538 {strides = array<i32>} : memref<3136xf32, #tpu.memory_space<vmem>>, vector<16xf32>,
    %swap3A_539 = arith.constant 2144 : index
    %swap3A_540 = tpu.vector_load %arg6[%swap3A_539] {strides = array<i32>} : memref<3136xf32, #tpu.memory_space<vmem>>, vector<16xf32>,
    %swap3A_541 = vector.shape_cast %swap3A_540 : vector<16xf32> to vector<16xf32>
    %swap3A_542 = vector.shape_cast %broadcast_in_dim3A_3 : vector<16xf32> to vector<16xf32>
    tpu.vector_store %arg6[%swap3A_539], %swap3A_542 {strides = array<i32>} : memref<3136xf32, #tpu.memory_space<vmem>>, vector<16xf32>,
    %swap3A_543 = arith.constant 2160 : index
    %swap3A_544 = tpu.vector_load %arg6[%swap3A_543] {strides = array<i32>} : memref<3136xf32, #tpu.memory_space<vmem>>, vector<16xf32>,
    %swap3A_545 = vector.shape_cast %swap3A_544 : vector<16xf32> to vector<16xf32>
    %swap3A_546 = vector.shape_cast %broadcast_in_dim3A_3 : vector<16xf32> to vector<16xf32>
    tpu.vector_store %arg6[%swap3A_543], %swap3A_546 {strides = array<i32>} : memref<3136xf32, #tpu.memory_space<vmem>>, vector<16xf32>,
    %swap3A_547 = arith.constant 2176 : index
    %swap3A_548 = tpu.vector_load %arg6[%swap3A_547] {strides = array<i32>} : memref<3136xf32, #tpu.memory_space<vmem>>, vector<16xf32>,
    %swap3A_549 = vector.shape_cast %swap3A_548 : vector<16xf32> to vector<16xf32>
    %swap3A_550 = vector.shape_cast %broadcast_in_dim3A_3 : vector<16xf32> to vector<16xf32>
    tpu.vector_store %arg6[%swap3A_547], %swap3A_550 {strides = array<i32>} : memref<3136xf32, #tpu.memory_space<vmem>>, vector<16xf32>,
    %swap3A_551 = arith.constant 2192 : index
    %swap3A_552 = tpu.vector_load %arg6[%swap3A_551] {strides = array<i32>} : memref<3136xf32, #tpu.memory_space<vmem>>, vector<16xf32>,
    %swap3A_553 = vector.shape_cast %swap3A_552 : vector<16xf32> to vector<16xf32>
    %swap3A_554 = vector.shape_cast %broadcast_in_dim3A_3 : vector<16xf32> to vector<16xf32>
    tpu.vector_store %arg6[%swap3A_551], %swap3A_554 {strides = array<i32>} : memref<3136xf32, #tpu.memory_space<vmem>>, vector<16xf32>,
    %swap3A_555 = arith.constant 2208 : index
    %swap3A_556 = tpu.vector_load %arg6[%swap3A_555] {strides = array<i32>} : memref<3136xf32, #tpu.memory_space<vmem>>, vector<16xf32>,
    %swap3A_557 = vector.shape_cast %swap3A_556 : vector<16xf32> to vector<16xf32>
    %swap3A_558 = vector.shape_cast %broadcast_in_dim3A_3 : vector<16xf32> to vector<16xf32>
    tpu.vector_store %arg6[%swap3A_555], %swap3A_558 {strides = array<i32>} : memref<3136xf32, #tpu.memory_space<vmem>>, vector<16xf32>,
    %swap3A_559 = arith.constant 2224 : index
    %swap3A_560 = tpu.vector_load %arg6[%swap3A_559] {strides = array<i32>} : memref<3136xf32, #tpu.memory_space<vmem>>, vector<16xf32>,
    %swap3A_561 = vector.shape_cast %swap3A_560 : vector<16xf32> to vector<16xf32>
    %swap3A_562 = vector.shape_cast %broadcast_in_dim3A_3 : vector<16xf32> to vector<16xf32>
    tpu.vector_store %arg6[%swap3A_559], %swap3A_562 {strides = array<i32>} : memref<3136xf32, #tpu.memory_space<vmem>>, vector<16xf32>,
    %swap3A_563 = arith.constant 2240 : index
    %swap3A_564 = tpu.vector_load %arg6[%swap3A_563] {strides = array<i32>} : memref<3136xf32, #tpu.memory_space<vmem>>, vector<16xf32>,
    %swap3A_565 = vector.shape_cast %swap3A_564 : vector<16xf32> to vector<16xf32>
    %swap3A_566 = vector.shape_cast %broadcast_in_dim3A_3 : vector<16xf32> to vector<16xf32>
    tpu.vector_store %arg6[%swap3A_563], %swap3A_566 {strides = array<i32>} : memref<3136xf32, #tpu.memory_space<vmem>>, vector<16xf32>,
    %swap3A_567 = arith.constant 2256 : index
    %swap3A_568 = tpu.vector_load %arg6[%swap3A_567] {strides = array<i32>} : memref<3136xf32, #tpu.memory_space<vmem>>, vector<16xf32>,
    %swap3A_569 = vector.shape_cast %swap3A_568 : vector<16xf32> to vector<16xf32>
    %swap3A_570 = vector.shape_cast %broadcast_in_dim3A_3 : vector<16xf32> to vector<16xf32>
    tpu.vector_store %arg6[%swap3A_567], %swap3A_570 {strides = array<i32>} : memref<3136xf32, #tpu.memory_space<vmem>>, vector<16xf32>,
    %swap3A_571 = arith.constant 2272 : index
    %swap3A_572 = tpu.vector_load %arg6[%swap3A_571] {strides = array<i32>} : memref<3136xf32, #tpu.memory_space<vmem>>, vector<16xf32>,
    %swap3A_573 = vector.shape_cast %swap3A_572 : vector<16xf32> to vector<16xf32>
    %swap3A_574 = vector.shape_cast %broadcast_in_dim3A_3 : vector<16xf32> to vector<16xf32>
    tpu.vector_store %arg6[%swap3A_571], %swap3A_574 {strides = array<i32>} : memref<3136xf32, #tpu.memory_space<vmem>>, vector<16xf32>,
    %swap3A_575 = arith.constant 2288 : index
    %swap3A_576 = tpu.vector_load %arg6[%swap3A_575] {strides = array<i32>} : memref<3136xf32, #tpu.memory_space<vmem>>, vector<16xf32>,
    %swap3A_577 = vector.shape_cast %swap3A_576 : vector<16xf32> to vector<16xf32>
    %swap3A_578 = vector.shape_cast %broadcast_in_dim3A_3 : vector<16xf32> to vector<16xf32>
    tpu.vector_store %arg6[%swap3A_575], %swap3A_578 {strides = array<i32>} : memref<3136xf32, #tpu.memory_space<vmem>>, vector<16xf32>,
    %swap3A_579 = arith.constant 2304 : index
    %swap3A_580 = tpu.vector_load %arg6[%swap3A_579] {strides = array<i32>} : memref<3136xf32, #tpu.memory_space<vmem>>, vector<16xf32>,
    %swap3A_581 = vector.shape_cast %swap3A_580 : vector<16xf32> to vector<16xf32>
    %swap3A_582 = vector.shape_cast %broadcast_in_dim3A_3 : vector<16xf32> to vector<16xf32>
    tpu.vector_store %arg6[%swap3A_579], %swap3A_582 {strides = array<i32>} : memref<3136xf32, #tpu.memory_space<vmem>>, vector<16xf32>,
    %swap3A_583 = arith.constant 2320 : index
    %swap3A_584 = tpu.vector_load %arg6[%swap3A_583] {strides = array<i32>} : memref<3136xf32, #tpu.memory_space<vmem>>, vector<16xf32>,
    %swap3A_585 = vector.shape_cast %swap3A_584 : vector<16xf32> to vector<16xf32>
    %swap3A_586 = vector.shape_cast %broadcast_in_dim3A_3 : vector<16xf32> to vector<16xf32>
    tpu.vector_store %arg6[%swap3A_583], %swap3A_586 {strides = array<i32>} : memref<3136xf32, #tpu.memory_space<vmem>>, vector<16xf32>,
    %swap3A_587 = arith.constant 2336 : index
    %swap3A_588 = tpu.vector_load %arg6[%swap3A_587] {strides = array<i32>} : memref<3136xf32, #tpu.memory_space<vmem>>, vector<16xf32>,
    %swap3A_589 = vector.shape_cast %swap3A_588 : vector<16xf32> to vector<16xf32>
    %swap3A_590 = vector.shape_cast %broadcast_in_dim3A_3 : vector<16xf32> to vector<16xf32>
    tpu.vector_store %arg6[%swap3A_587], %swap3A_590 {strides = array<i32>} : memref<3136xf32, #tpu.memory_space<vmem>>, vector<16xf32>,
    %swap3A_591 = arith.constant 2352 : index
    %swap3A_592 = tpu.vector_load %arg6[%swap3A_591] {strides = array<i32>} : memref<3136xf32, #tpu.memory_space<vmem>>, vector<16xf32>,
    %swap3A_593 = vector.shape_cast %swap3A_592 : vector<16xf32> to vector<16xf32>
    %swap3A_594 = vector.shape_cast %broadcast_in_dim3A_3 : vector<16xf32> to vector<16xf32>
    tpu.vector_store %arg6[%swap3A_591], %swap3A_594 {strides = array<i32>} : memref<3136xf32, #tpu.memory_space<vmem>>, vector<16xf32>,
    %swap3A_595 = arith.constant 2368 : index
    %swap3A_596 = tpu.vector_load %arg6[%swap3A_595] {strides = array<i32>} : memref<3136xf32, #tpu.memory_space<vmem>>, vector<16xf32>,
    %swap3A_597 = vector.shape_cast %swap3A_596 : vector<16xf32> to vector<16xf32>
    %swap3A_598 = vector.shape_cast %broadcast_in_dim3A_3 : vector<16xf32> to vector<16xf32>
    tpu.vector_store %arg6[%swap3A_595], %swap3A_598 {strides = array<i32>} : memref<3136xf32, #tpu.memory_space<vmem>>, vector<16xf32>,
    %swap3A_599 = arith.constant 2384 : index
    %swap3A_600 = tpu.vector_load %arg6[%swap3A_599] {strides = array<i32>} : memref<3136xf32, #tpu.memory_space<vmem>>, vector<16xf32>,
    %swap3A_601 = vector.shape_cast %swap3A_600 : vector<16xf32> to vector<16xf32>
    %swap3A_602 = vector.shape_cast %broadcast_in_dim3A_3 : vector<16xf32> to vector<16xf32>
    tpu.vector_store %arg6[%swap3A_599], %swap3A_602 {strides = array<i32>} : memref<3136xf32, #tpu.memory_space<vmem>>, vector<16xf32>,
    %swap3A_603 = arith.constant 2400 : index
    %swap3A_604 = tpu.vector_load %arg6[%swap3A_603] {strides = array<i32>} : memref<3136xf32, #tpu.memory_space<vmem>>, vector<16xf32>,
    %swap3A_605 = vector.shape_cast %swap3A_604 : vector<16xf32> to vector<16xf32>
    %swap3A_606 = vector.shape_cast %broadcast_in_dim3A_3 : vector<16xf32> to vector<16xf32>
    tpu.vector_store %arg6[%swap3A_603], %swap3A_606 {strides = array<i32>} : memref<3136xf32, #tpu.memory_space<vmem>>, vector<16xf32>,
    %swap3A_607 = arith.constant 2416 : index
    %swap3A_608 = tpu.vector_load %arg6[%swap3A_607] {strides = array<i32>} : memref<3136xf32, #tpu.memory_space<vmem>>, vector<16xf32>,
    %swap3A_609 = vector.shape_cast %swap3A_608 : vector<16xf32> to vector<16xf32>
    %swap3A_610 = vector.shape_cast %broadcast_in_dim3A_3 : vector<16xf32> to vector<16xf32>
    tpu.vector_store %arg6[%swap3A_607], %swap3A_610 {strides = array<i32>} : memref<3136xf32, #tpu.memory_space<vmem>>, vector<16xf32>,
    %swap3A_611 = arith.constant 2432 : index
    %swap3A_612 = tpu.vector_load %arg6[%swap3A_611] {strides = array<i32>} : memref<3136xf32, #tpu.memory_space<vmem>>, vector<16xf32>,
    %swap3A_613 = vector.shape_cast %swap3A_612 : vector<16xf32> to vector<16xf32>
    %swap3A_614 = vector.shape_cast %broadcast_in_dim3A_3 : vector<16xf32> to vector<16xf32>
    tpu.vector_store %arg6[%swap3A_611], %swap3A_614 {strides = array<i32>} : memref<3136xf32, #tpu.memory_space<vmem>>, vector<16xf32>,
    %swap3A_615 = arith.constant 2448 : index
    %swap3A_616 = tpu.vector_load %arg6[%swap3A_615] {strides = array<i32>} : memref<3136xf32, #tpu.memory_space<vmem>>, vector<16xf32>,
    %swap3A_617 = vector.shape_cast %swap3A_616 : vector<16xf32> to vector<16xf32>
    %swap3A_618 = vector.shape_cast %broadcast_in_dim3A_3 : vector<16xf32> to vector<16xf32>
    tpu.vector_store %arg6[%swap3A_615], %swap3A_618 {strides = array<i32>} : memref<3136xf32, #tpu.memory_space<vmem>>, vector<16xf32>,
    %swap3A_619 = arith.constant 2464 : index
    %swap3A_620 = tpu.vector_load %arg6[%swap3A_619] {strides = array<i32>} : memref<3136xf32, #tpu.memory_space<vmem>>, vector<16xf32>,
    %swap3A_621 = vector.shape_cast %swap3A_620 : vector<16xf32> to vector<16xf32>
    %swap3A_622 = vector.shape_cast %broadcast_in_dim3A_3 : vector<16xf32> to vector<16xf32>
    tpu.vector_store %arg6[%swap3A_619], %swap3A_622 {strides = array<i32>} : memref<3136xf32, #tpu.memory_space<vmem>>, vector<16xf32>,
    %swap3A_623 = arith.constant 2480 : index
    %swap3A_624 = tpu.vector_load %arg6[%swap3A_623] {strides = array<i32>} : memref<3136xf32, #tpu.memory_space<vmem>>, vector<16xf32>,
    %swap3A_625 = vector.shape_cast %swap3A_624 : vector<16xf32> to vector<16xf32>
    %swap3A_626 = vector.shape_cast %broadcast_in_dim3A_3 : vector<16xf32> to vector<16xf32>
    tpu.vector_store %arg6[%swap3A_623], %swap3A_626 {strides = array<i32>} : memref<3136xf32, #tpu.memory_space<vmem>>, vector<16xf32>,
    %swap3A_627 = arith.constant 2496 : index
    %swap3A_628 = tpu.vector_load %arg6[%swap3A_627] {strides = array<i32>} : memref<3136xf32, #tpu.memory_space<vmem>>, vector<16xf32>,
    %swap3A_629 = vector.shape_cast %swap3A_628 : vector<16xf32> to vector<16xf32>
    %swap3A_630 = vector.shape_cast %broadcast_in_dim3A_3 : vector<16xf32> to vector<16xf32>
    tpu.vector_store %arg6[%swap3A_627], %swap3A_630 {strides = array<i32>} : memref<3136xf32, #tpu.memory_space<vmem>>, vector<16xf32>,
    %swap3A_631 = arith.constant 2512 : index
    %swap3A_632 = tpu.vector_load %arg6[%swap3A_631] {strides = array<i32>} : memref<3136xf32, #tpu.memory_space<vmem>>, vector<16xf32>,
    %swap3A_633 = vector.shape_cast %swap3A_632 : vector<16xf32> to vector<16xf32>
    %swap3A_634 = vector.shape_cast %broadcast_in_dim3A_3 : vector<16xf32> to vector<16xf32>
    tpu.vector_store %arg6[%swap3A_631], %swap3A_634 {strides = array<i32>} : memref<3136xf32, #tpu.memory_space<vmem>>, vector<16xf32>,
    %swap3A_635 = arith.constant 2528 : index
    %swap3A_636 = tpu.vector_load %arg6[%swap3A_635] {strides = array<i32>} : memref<3136xf32, #tpu.memory_space<vmem>>, vector<16xf32>,
    %swap3A_637 = vector.shape_cast %swap3A_636 : vector<16xf32> to vector<16xf32>
    %swap3A_638 = vector.shape_cast %broadcast_in_dim3A_3 : vector<16xf32> to vector<16xf32>
    tpu.vector_store %arg6[%swap3A_635], %swap3A_638 {strides = array<i32>} : memref<3136xf32, #tpu.memory_space<vmem>>, vector<16xf32>,
    %swap3A_639 = arith.constant 2544 : index
    %swap3A_640 = tpu.vector_load %arg6[%swap3A_639] {strides = array<i32>} : memref<3136xf32, #tpu.memory_space<vmem>>, vector<16xf32>,
    %swap3A_641 = vector.shape_cast %swap3A_640 : vector<16xf32> to vector<16xf32>
    %swap3A_642 = vector.shape_cast %broadcast_in_dim3A_3 : vector<16xf32> to vector<16xf32>
    tpu.vector_store %arg6[%swap3A_639], %swap3A_642 {strides = array<i32>} : memref<3136xf32, #tpu.memory_space<vmem>>, vector<16xf32>,
    %swap3A_643 = arith.constant 2560 : index
    %swap3A_644 = tpu.vector_load %arg6[%swap3A_643] {strides = array<i32>} : memref<3136xf32, #tpu.memory_space<vmem>>, vector<16xf32>,
    %swap3A_645 = vector.shape_cast %swap3A_644 : vector<16xf32> to vector<16xf32>
    %swap3A_646 = vector.shape_cast %broadcast_in_dim3A_3 : vector<16xf32> to vector<16xf32>
    tpu.vector_store %arg6[%swap3A_643], %swap3A_646 {strides = array<i32>} : memref<3136xf32, #tpu.memory_space<vmem>>, vector<16xf32>,
    %swap3A_647 = arith.constant 2576 : index
    %swap3A_648 = tpu.vector_load %arg6[%swap3A_647] {strides = array<i32>} : memref<3136xf32, #tpu.memory_space<vmem>>, vector<16xf32>,
    %swap3A_649 = vector.shape_cast %swap3A_648 : vector<16xf32> to vector<16xf32>
    %swap3A_650 = vector.shape_cast %broadcast_in_dim3A_3 : vector<16xf32> to vector<16xf32>
    tpu.vector_store %arg6[%swap3A_647], %swap3A_650 {strides = array<i32>} : memref<3136xf32, #tpu.memory_space<vmem>>, vector<16xf32>,
    %swap3A_651 = arith.constant 2592 : index
    %swap3A_652 = tpu.vector_load %arg6[%swap3A_651] {strides = array<i32>} : memref<3136xf32, #tpu.memory_space<vmem>>, vector<16xf32>,
    %swap3A_653 = vector.shape_cast %swap3A_652 : vector<16xf32> to vector<16xf32>
    %swap3A_654 = vector.shape_cast %broadcast_in_dim3A_3 : vector<16xf32> to vector<16xf32>
    tpu.vector_store %arg6[%swap3A_651], %swap3A_654 {strides = array<i32>} : memref<3136xf32, #tpu.memory_space<vmem>>, vector<16xf32>,
    %swap3A_655 = arith.constant 2608 : index
    %swap3A_656 = tpu.vector_load %arg6[%swap3A_655] {strides = array<i32>} : memref<3136xf32, #tpu.memory_space<vmem>>, vector<16xf32>,
    %swap3A_657 = vector.shape_cast %swap3A_656 : vector<16xf32> to vector<16xf32>
    %swap3A_658 = vector.shape_cast %broadcast_in_dim3A_3 : vector<16xf32> to vector<16xf32>
    tpu.vector_store %arg6[%swap3A_655], %swap3A_658 {strides = array<i32>} : memref<3136xf32, #tpu.memory_space<vmem>>, vector<16xf32>,
    %swap3A_659 = arith.constant 2624 : index
    %swap3A_660 = tpu.vector_load %arg6[%swap3A_659] {strides = array<i32>} : memref<3136xf32, #tpu.memory_space<vmem>>, vector<16xf32>,
    %swap3A_661 = vector.shape_cast %swap3A_660 : vector<16xf32> to vector<16xf32>
    %swap3A_662 = vector.shape_cast %broadcast_in_dim3A_3 : vector<16xf32> to vector<16xf32>
    tpu.vector_store %arg6[%swap3A_659], %swap3A_662 {strides = array<i32>} : memref<3136xf32, #tpu.memory_space<vmem>>, vector<16xf32>,
    %swap3A_663 = arith.constant 2640 : index
    %swap3A_664 = tpu.vector_load %arg6[%swap3A_663] {strides = array<i32>} : memref<3136xf32, #tpu.memory_space<vmem>>, vector<16xf32>,
    %swap3A_665 = vector.shape_cast %swap3A_664 : vector<16xf32> to vector<16xf32>
    %swap3A_666 = vector.shape_cast %broadcast_in_dim3A_3 : vector<16xf32> to vector<16xf32>
    tpu.vector_store %arg6[%swap3A_663], %swap3A_666 {strides = array<i32>} : memref<3136xf32, #tpu.memory_space<vmem>>, vector<16xf32>,
    %swap3A_667 = arith.constant 2656 : index
    %swap3A_668 = tpu.vector_load %arg6[%swap3A_667] {strides = array<i32>} : memref<3136xf32, #tpu.memory_space<vmem>>, vector<16xf32>,
    %swap3A_669 = vector.shape_cast %swap3A_668 : vector<16xf32> to vector<16xf32>
    %swap3A_670 = vector.shape_cast %broadcast_in_dim3A_3 : vector<16xf32> to vector<16xf32>
    tpu.vector_store %arg6[%swap3A_667], %swap3A_670 {strides = array<i32>} : memref<3136xf32, #tpu.memory_space<vmem>>, vector<16xf32>,
    %swap3A_671 = arith.constant 2672 : index
    %swap3A_672 = tpu.vector_load %arg6[%swap3A_671] {strides = array<i32>} : memref<3136xf32, #tpu.memory_space<vmem>>, vector<16xf32>,
    %swap3A_673 = vector.shape_cast %swap3A_672 : vector<16xf32> to vector<16xf32>
    %swap3A_674 = vector.shape_cast %broadcast_in_dim3A_3 : vector<16xf32> to vector<16xf32>
    tpu.vector_store %arg6[%swap3A_671], %swap3A_674 {strides = array<i32>} : memref<3136xf32, #tpu.memory_space<vmem>>, vector<16xf32>,
    %swap3A_675 = arith.constant 2688 : index
    %swap3A_676 = tpu.vector_load %arg6[%swap3A_675] {strides = array<i32>} : memref<3136xf32, #tpu.memory_space<vmem>>, vector<16xf32>,
    %swap3A_677 = vector.shape_cast %swap3A_676 : vector<16xf32> to vector<16xf32>
    %swap3A_678 = vector.shape_cast %broadcast_in_dim3A_3 : vector<16xf32> to vector<16xf32>
    tpu.vector_store %arg6[%swap3A_675], %swap3A_678 {strides = array<i32>} : memref<3136xf32, #tpu.memory_space<vmem>>, vector<16xf32>,
    %swap3A_679 = arith.constant 2704 : index
    %swap3A_680 = tpu.vector_load %arg6[%swap3A_679] {strides = array<i32>} : memref<3136xf32, #tpu.memory_space<vmem>>, vector<16xf32>,
    %swap3A_681 = vector.shape_cast %swap3A_680 : vector<16xf32> to vector<16xf32>
    %swap3A_682 = vector.shape_cast %broadcast_in_dim3A_3 : vector<16xf32> to vector<16xf32>
    tpu.vector_store %arg6[%swap3A_679], %swap3A_682 {strides = array<i32>} : memref<3136xf32, #tpu.memory_space<vmem>>, vector<16xf32>,
    %swap3A_683 = arith.constant 2720 : index
    %swap3A_684 = tpu.vector_load %arg6[%swap3A_683] {strides = array<i32>} : memref<3136xf32, #tpu.memory_space<vmem>>, vector<16xf32>,
    %swap3A_685 = vector.shape_cast %swap3A_684 : vector<16xf32> to vector<16xf32>
    %swap3A_686 = vector.shape_cast %broadcast_in_dim3A_3 : vector<16xf32> to vector<16xf32>
    tpu.vector_store %arg6[%swap3A_683], %swap3A_686 {strides = array<i32>} : memref<3136xf32, #tpu.memory_space<vmem>>, vector<16xf32>,
    %swap3A_687 = arith.constant 2736 : index
    %swap3A_688 = tpu.vector_load %arg6[%swap3A_687] {strides = array<i32>} : memref<3136xf32, #tpu.memory_space<vmem>>, vector<16xf32>,
    %swap3A_689 = vector.shape_cast %swap3A_688 : vector<16xf32> to vector<16xf32>
    %swap3A_690 = vector.shape_cast %broadcast_in_dim3A_3 : vector<16xf32> to vector<16xf32>
    tpu.vector_store %arg6[%swap3A_687], %swap3A_690 {strides = array<i32>} : memref<3136xf32, #tpu.memory_space<vmem>>, vector<16xf32>,
    %swap3A_691 = arith.constant 2752 : index
    %swap3A_692 = tpu.vector_load %arg6[%swap3A_691] {strides = array<i32>} : memref<3136xf32, #tpu.memory_space<vmem>>, vector<16xf32>,
    %swap3A_693 = vector.shape_cast %swap3A_692 : vector<16xf32> to vector<16xf32>
    %swap3A_694 = vector.shape_cast %broadcast_in_dim3A_3 : vector<16xf32> to vector<16xf32>
    tpu.vector_store %arg6[%swap3A_691], %swap3A_694 {strides = array<i32>} : memref<3136xf32, #tpu.memory_space<vmem>>, vector<16xf32>,
    %swap3A_695 = arith.constant 2768 : index
    %swap3A_696 = tpu.vector_load %arg6[%swap3A_695] {strides = array<i32>} : memref<3136xf32, #tpu.memory_space<vmem>>, vector<16xf32>,
    %swap3A_697 = vector.shape_cast %swap3A_696 : vector<16xf32> to vector<16xf32>
    %swap3A_698 = vector.shape_cast %broadcast_in_dim3A_3 : vector<16xf32> to vector<16xf32>
    tpu.vector_store %arg6[%swap3A_695], %swap3A_698 {strides = array<i32>} : memref<3136xf32, #tpu.memory_space<vmem>>, vector<16xf32>,
    %swap3A_699 = arith.constant 2784 : index
    %swap3A_700 = tpu.vector_load %arg6[%swap3A_699] {strides = array<i32>} : memref<3136xf32, #tpu.memory_space<vmem>>, vector<16xf32>,
    %swap3A_701 = vector.shape_cast %swap3A_700 : vector<16xf32> to vector<16xf32>
    %swap3A_702 = vector.shape_cast %broadcast_in_dim3A_3 : vector<16xf32> to vector<16xf32>
    tpu.vector_store %arg6[%swap3A_699], %swap3A_702 {strides = array<i32>} : memref<3136xf32, #tpu.memory_space<vmem>>, vector<16xf32>,
    %swap3A_703 = arith.constant 2800 : index
    %swap3A_704 = tpu.vector_load %arg6[%swap3A_703] {strides = array<i32>} : memref<3136xf32, #tpu.memory_space<vmem>>, vector<16xf32>,
    %swap3A_705 = vector.shape_cast %swap3A_704 : vector<16xf32> to vector<16xf32>
    %swap3A_706 = vector.shape_cast %broadcast_in_dim3A_3 : vector<16xf32> to vector<16xf32>
    tpu.vector_store %arg6[%swap3A_703], %swap3A_706 {strides = array<i32>} : memref<3136xf32, #tpu.memory_space<vmem>>, vector<16xf32>,
    %swap3A_707 = arith.constant 2816 : index
    %swap3A_708 = tpu.vector_load %arg6[%swap3A_707] {strides = array<i32>} : memref<3136xf32, #tpu.memory_space<vmem>>, vector<16xf32>,
    %swap3A_709 = vector.shape_cast %swap3A_708 : vector<16xf32> to vector<16xf32>
    %swap3A_710 = vector.shape_cast %broadcast_in_dim3A_3 : vector<16xf32> to vector<16xf32>
    tpu.vector_store %arg6[%swap3A_707], %swap3A_710 {strides = array<i32>} : memref<3136xf32, #tpu.memory_space<vmem>>, vector<16xf32>,
    %swap3A_711 = arith.constant 2832 : index
    %swap3A_712 = tpu.vector_load %arg6[%swap3A_711] {strides = array<i32>} : memref<3136xf32, #tpu.memory_space<vmem>>, vector<16xf32>,
    %swap3A_713 = vector.shape_cast %swap3A_712 : vector<16xf32> to vector<16xf32>
    %swap3A_714 = vector.shape_cast %broadcast_in_dim3A_3 : vector<16xf32> to vector<16xf32>
    tpu.vector_store %arg6[%swap3A_711], %swap3A_714 {strides = array<i32>} : memref<3136xf32, #tpu.memory_space<vmem>>, vector<16xf32>,
    %swap3A_715 = arith.constant 2848 : index
    %swap3A_716 = tpu.vector_load %arg6[%swap3A_715] {strides = array<i32>} : memref<3136xf32, #tpu.memory_space<vmem>>, vector<16xf32>,
    %swap3A_717 = vector.shape_cast %swap3A_716 : vector<16xf32> to vector<16xf32>
    %swap3A_718 = vector.shape_cast %broadcast_in_dim3A_3 : vector<16xf32> to vector<16xf32>
    tpu.vector_store %arg6[%swap3A_715], %swap3A_718 {strides = array<i32>} : memref<3136xf32, #tpu.memory_space<vmem>>, vector<16xf32>,
    %swap3A_719 = arith.constant 2864 : index
    %swap3A_720 = tpu.vector_load %arg6[%swap3A_719] {strides = array<i32>} : memref<3136xf32, #tpu.memory_space<vmem>>, vector<16xf32>,
    %swap3A_721 = vector.shape_cast %swap3A_720 : vector<16xf32> to vector<16xf32>
    %swap3A_722 = vector.shape_cast %broadcast_in_dim3A_3 : vector<16xf32> to vector<16xf32>
    tpu.vector_store %arg6[%swap3A_719], %swap3A_722 {strides = array<i32>} : memref<3136xf32, #tpu.memory_space<vmem>>, vector<16xf32>,
    %swap3A_723 = arith.constant 2880 : index
    %swap3A_724 = tpu.vector_load %arg6[%swap3A_723] {strides = array<i32>} : memref<3136xf32, #tpu.memory_space<vmem>>, vector<16xf32>,
    %swap3A_725 = vector.shape_cast %swap3A_724 : vector<16xf32> to vector<16xf32>
    %swap3A_726 = vector.shape_cast %broadcast_in_dim3A_3 : vector<16xf32> to vector<16xf32>
    tpu.vector_store %arg6[%swap3A_723], %swap3A_726 {strides = array<i32>} : memref<3136xf32, #tpu.memory_space<vmem>>, vector<16xf32>,
    %swap3A_727 = arith.constant 2896 : index
    %swap3A_728 = tpu.vector_load %arg6[%swap3A_727] {strides = array<i32>} : memref<3136xf32, #tpu.memory_space<vmem>>, vector<16xf32>,
    %swap3A_729 = vector.shape_cast %swap3A_728 : vector<16xf32> to vector<16xf32>
    %swap3A_730 = vector.shape_cast %broadcast_in_dim3A_3 : vector<16xf32> to vector<16xf32>
    tpu.vector_store %arg6[%swap3A_727], %swap3A_730 {strides = array<i32>} : memref<3136xf32, #tpu.memory_space<vmem>>, vector<16xf32>,
    %swap3A_731 = arith.constant 2912 : index
    %swap3A_732 = tpu.vector_load %arg6[%swap3A_731] {strides = array<i32>} : memref<3136xf32, #tpu.memory_space<vmem>>, vector<16xf32>,
    %swap3A_733 = vector.shape_cast %swap3A_732 : vector<16xf32> to vector<16xf32>
    %swap3A_734 = vector.shape_cast %broadcast_in_dim3A_3 : vector<16xf32> to vector<16xf32>
    tpu.vector_store %arg6[%swap3A_731], %swap3A_734 {strides = array<i32>} : memref<3136xf32, #tpu.memory_space<vmem>>, vector<16xf32>,
    %swap3A_735 = arith.constant 2928 : index
    %swap3A_736 = tpu.vector_load %arg6[%swap3A_735] {strides = array<i32>} : memref<3136xf32, #tpu.memory_space<vmem>>, vector<16xf32>,
    %swap3A_737 = vector.shape_cast %swap3A_736 : vector<16xf32> to vector<16xf32>
    %swap3A_738 = vector.shape_cast %broadcast_in_dim3A_3 : vector<16xf32> to vector<16xf32>
    tpu.vector_store %arg6[%swap3A_735], %swap3A_738 {strides = array<i32>} : memref<3136xf32, #tpu.memory_space<vmem>>, vector<16xf32>,
    %swap3A_739 = arith.constant 2944 : index
    %swap3A_740 = tpu.vector_load %arg6[%swap3A_739] {strides = array<i32>} : memref<3136xf32, #tpu.memory_space<vmem>>, vector<16xf32>,
    %swap3A_741 = vector.shape_cast %swap3A_740 : vector<16xf32> to vector<16xf32>
    %swap3A_742 = vector.shape_cast %broadcast_in_dim3A_3 : vector<16xf32> to vector<16xf32>
    tpu.vector_store %arg6[%swap3A_739], %swap3A_742 {strides = array<i32>} : memref<3136xf32, #tpu.memory_space<vmem>>, vector<16xf32>,
    %swap3A_743 = arith.constant 2960 : index
    %swap3A_744 = tpu.vector_load %arg6[%swap3A_743] {strides = array<i32>} : memref<3136xf32, #tpu.memory_space<vmem>>, vector<16xf32>,
    %swap3A_745 = vector.shape_cast %swap3A_744 : vector<16xf32> to vector<16xf32>
    %swap3A_746 = vector.shape_cast %broadcast_in_dim3A_3 : vector<16xf32> to vector<16xf32>
    tpu.vector_store %arg6[%swap3A_743], %swap3A_746 {strides = array<i32>} : memref<3136xf32, #tpu.memory_space<vmem>>, vector<16xf32>,
    %swap3A_747 = arith.constant 2976 : index
    %swap3A_748 = tpu.vector_load %arg6[%swap3A_747] {strides = array<i32>} : memref<3136xf32, #tpu.memory_space<vmem>>, vector<16xf32>,
    %swap3A_749 = vector.shape_cast %swap3A_748 : vector<16xf32> to vector<16xf32>
    %swap3A_750 = vector.shape_cast %broadcast_in_dim3A_3 : vector<16xf32> to vector<16xf32>
    tpu.vector_store %arg6[%swap3A_747], %swap3A_750 {strides = array<i32>} : memref<3136xf32, #tpu.memory_space<vmem>>, vector<16xf32>,
    %swap3A_751 = arith.constant 2992 : index
    %swap3A_752 = tpu.vector_load %arg6[%swap3A_751] {strides = array<i32>} : memref<3136xf32, #tpu.memory_space<vmem>>, vector<16xf32>,
    %swap3A_753 = vector.shape_cast %swap3A_752 : vector<16xf32> to vector<16xf32>
    %swap3A_754 = vector.shape_cast %broadcast_in_dim3A_3 : vector<16xf32> to vector<16xf32>
    tpu.vector_store %arg6[%swap3A_751], %swap3A_754 {strides = array<i32>} : memref<3136xf32, #tpu.memory_space<vmem>>, vector<16xf32>,
    %swap3A_755 = arith.constant 3008 : index
    %swap3A_756 = tpu.vector_load %arg6[%swap3A_755] {strides = array<i32>} : memref<3136xf32, #tpu.memory_space<vmem>>, vector<16xf32>,
    %swap3A_757 = vector.shape_cast %swap3A_756 : vector<16xf32> to vector<16xf32>
    %swap3A_758 = vector.shape_cast %broadcast_in_dim3A_3 : vector<16xf32> to vector<16xf32>
    tpu.vector_store %arg6[%swap3A_755], %swap3A_758 {strides = array<i32>} : memref<3136xf32, #tpu.memory_space<vmem>>, vector<16xf32>,
    %swap3A_759 = arith.constant 3024 : index
    %swap3A_760 = tpu.vector_load %arg6[%swap3A_759] {strides = array<i32>} : memref<3136xf32, #tpu.memory_space<vmem>>, vector<16xf32>,
    %swap3A_761 = vector.shape_cast %swap3A_760 : vector<16xf32> to vector<16xf32>
    %swap3A_762 = vector.shape_cast %broadcast_in_dim3A_3 : vector<16xf32> to vector<16xf32>
    tpu.vector_store %arg6[%swap3A_759], %swap3A_762 {strides = array<i32>} : memref<3136xf32, #tpu.memory_space<vmem>>, vector<16xf32>,
    %swap3A_763 = arith.constant 3040 : index
    %swap3A_764 = tpu.vector_load %arg6[%swap3A_763] {strides = array<i32>} : memref<3136xf32, #tpu.memory_space<vmem>>, vector<16xf32>,
    %swap3A_765 = vector.shape_cast %swap3A_764 : vector<16xf32> to vector<16xf32>
    %swap3A_766 = vector.shape_cast %broadcast_in_dim3A_3 : vector<16xf32> to vector<16xf32>
    tpu.vector_store %arg6[%swap3A_763], %swap3A_766 {strides = array<i32>} : memref<3136xf32, #tpu.memory_space<vmem>>, vector<16xf32>,
    %swap3A_767 = arith.constant 3056 : index
    %swap3A_768 = tpu.vector_load %arg6[%swap3A_767] {strides = array<i32>} : memref<3136xf32, #tpu.memory_space<vmem>>, vector<16xf32>,
    %swap3A_769 = vector.shape_cast %swap3A_768 : vector<16xf32> to vector<16xf32>
    %swap3A_770 = vector.shape_cast %broadcast_in_dim3A_3 : vector<16xf32> to vector<16xf32>
    tpu.vector_store %arg6[%swap3A_767], %swap3A_770 {strides = array<i32>} : memref<3136xf32, #tpu.memory_space<vmem>>, vector<16xf32>,
    %swap3A_771 = arith.constant 3072 : index
    %swap3A_772 = tpu.vector_load %arg6[%swap3A_771] {strides = array<i32>} : memref<3136xf32, #tpu.memory_space<vmem>>, vector<16xf32>,
    %swap3A_773 = vector.shape_cast %swap3A_772 : vector<16xf32> to vector<16xf32>
    %swap3A_774 = vector.shape_cast %broadcast_in_dim3A_3 : vector<16xf32> to vector<16xf32>
    tpu.vector_store %arg6[%swap3A_771], %swap3A_774 {strides = array<i32>} : memref<3136xf32, #tpu.memory_space<vmem>>, vector<16xf32>,
    %swap3A_775 = arith.constant 3088 : index
    %swap3A_776 = tpu.vector_load %arg6[%swap3A_775] {strides = array<i32>} : memref<3136xf32, #tpu.memory_space<vmem>>, vector<16xf32>,
    %swap3A_777 = vector.shape_cast %swap3A_776 : vector<16xf32> to vector<16xf32>
    %swap3A_778 = vector.shape_cast %broadcast_in_dim3A_3 : vector<16xf32> to vector<16xf32>
    tpu.vector_store %arg6[%swap3A_775], %swap3A_778 {strides = array<i32>} : memref<3136xf32, #tpu.memory_space<vmem>>, vector<16xf32>,
    %swap3A_779 = arith.constant 3104 : index
    %swap3A_780 = tpu.vector_load %arg6[%swap3A_779] {strides = array<i32>} : memref<3136xf32, #tpu.memory_space<vmem>>, vector<16xf32>,
    %swap3A_781 = vector.shape_cast %swap3A_780 : vector<16xf32> to vector<16xf32>
    %swap3A_782 = vector.shape_cast %broadcast_in_dim3A_3 : vector<16xf32> to vector<16xf32>
    tpu.vector_store %arg6[%swap3A_779], %swap3A_782 {strides = array<i32>} : memref<3136xf32, #tpu.memory_space<vmem>>, vector<16xf32>,
    %swap3A_783 = arith.constant 3120 : index
    %swap3A_784 = tpu.vector_load %arg6[%swap3A_783] {strides = array<i32>} : memref<3136xf32, #tpu.memory_space<vmem>>, vector<16xf32>,
    %swap3A_785 = vector.shape_cast %swap3A_784 : vector<16xf32> to vector<16xf32>
    %swap3A_786 = vector.shape_cast %broadcast_in_dim3A_3 : vector<16xf32> to vector<16xf32>
    tpu.vector_store %arg6[%swap3A_783], %swap3A_786 {strides = array<i32>} : memref<3136xf32, #tpu.memory_space<vmem>>, vector<16xf32>,
    %mul3A_787 = arith.constant 3136 : i32
    %mul3A_788 = arith.muli %arg1, %mul3A_787 : i32
    "tpu.region"() ({
      %run_scoped3A = tpu.sem_alloc : memref<!tpu.dma_semaphore, #tpu.memory_space<semaphore_mem>>
      %dma_start3A = tpu.memref_slice %arg5[%mul3A_788] : memref<50176xf32, #tpu.memory_space<vmem_shared>> -> memref<3136xf32, #tpu.memory_space<vmem_shared>>
      %dma_start3A_907 = tpu.memref_slice %arg5[%mul3A_788] : memref<50176xf32, #tpu.memory_space<vmem_shared>> -> memref<3136xf32, #tpu.memory_space<vmem_shared>>
      tpu.enqueue_dma source(%arg6 : memref<3136xf32, #tpu.memory_space<vmem>>) target(%dma_start3A_907 : memref<3136xf32, #tpu.memory_space<vmem_shared>>) target_semaphore(%run_scoped3A : memref<!tpu.dma_semaphore, #tpu.memory_space<semaphore_mem>>)
      %dma_wait3A = tpu.memref_slice %arg5[%mul3A_788] : memref<50176xf32, #tpu.memory_space<vmem_shared>> -> memref<3136xf32, #tpu.memory_space<vmem_shared>>
      %dma_wait3A_908 = tpu.memref_slice %arg5[%mul3A_788] : memref<50176xf32, #tpu.memory_space<vmem_shared>> -> memref<3136xf32, #tpu.memory_space<vmem_shared>>
      tpu.wait_dma2 semaphore(%run_scoped3A : memref<!tpu.dma_semaphore, #tpu.memory_space<semaphore_mem>>) src(%arg6 : memref<3136xf32, #tpu.memory_space<vmem>>) dst(%dma_wait3A_908 : memref<3136xf32, #tpu.memory_space<vmem_shared>>)
      tpu.yield
    }) : () -> ()
    %barrier3A = arith.constant 0 : index
    tpu.barrier barrier_id(%barrier3A)
    %iota3A = tpu.iota {dimensions = array<i32: 0>} : vector<16xi32>
    %scan3A = arith.constant 0 : i32
    %scan3A_789 = arith.constant 0 : i32
    %scan3A_790 = arith.constant 12 : i32
    %scan3A_791 = arith.addi %scan3A_789, %scan3A_790 : i32
    %scan3A_792 = arith.constant 1 : i32
    %scan3A_793 = scf.for %scan3A_907 = %scan3A_789 to %scan3A_791 step %scan3A_792 iter_args(%scan3A_908 = %scan3A) -> (i32)  : i32 {
      %mul3A_909 = arith.constant 2000 : i32
      %mul3A_910 = arith.muli %scan3A_907, %mul3A_909 : i32
      %add3A_911 = arith.addi %mul3A_2, %mul3A_910 : i32
      %mul3A_912 = arith.constant 2000 : i32
      %mul3A_913 = arith.muli %scan3A_907, %mul3A_912 : i32
      "tpu.region"() ({
        %run_scoped3A = tpu.sem_alloc : memref<!tpu.dma_semaphore, #tpu.memory_space<semaphore_mem>>
        %dma_start3A = arith.constant 0 : i32
        %dma_start3A_922 = tpu.memref_slice %arg7[%dma_start3A] : memref<2016xi32, #tpu.memory_space<vmem>> -> memref<2000xi32, #tpu.memory_space<vmem>>
        %dma_start3A_923 = tpu.memref_slice %arg2[%add3A_911] : memref<800000xi32, #tpu.memory_space<hbm>> -> memref<2000xi32, #tpu.memory_space<hbm>>
        %dma_start3A_924 = arith.constant 0 : i32
        %dma_start3A_925 = tpu.memref_slice %arg7[%dma_start3A_924] : memref<2016xi32, #tpu.memory_space<vmem>> -> memref<2000xi32, #tpu.memory_space<vmem>>
        %dma_start3A_926 = tpu.memref_slice %arg2[%add3A_911] : memref<800000xi32, #tpu.memory_space<hbm>> -> memref<2000xi32, #tpu.memory_space<hbm>>
        tpu.enqueue_dma source(%dma_start3A_926 : memref<2000xi32, #tpu.memory_space<hbm>>) target(%dma_start3A_925 : memref<2000xi32, #tpu.memory_space<vmem>>) target_semaphore(%run_scoped3A : memref<!tpu.dma_semaphore, #tpu.memory_space<semaphore_mem>>)
        %dma_wait3A = arith.constant 0 : i32
        %dma_wait3A_927 = tpu.memref_slice %arg7[%dma_wait3A] : memref<2016xi32, #tpu.memory_space<vmem>> -> memref<2000xi32, #tpu.memory_space<vmem>>
        %dma_wait3A_928 = tpu.memref_slice %arg2[%add3A_911] : memref<800000xi32, #tpu.memory_space<hbm>> -> memref<2000xi32, #tpu.memory_space<hbm>>
        %dma_wait3A_929 = arith.constant 0 : i32
        %dma_wait3A_930 = tpu.memref_slice %arg7[%dma_wait3A_929] : memref<2016xi32, #tpu.memory_space<vmem>> -> memref<2000xi32, #tpu.memory_space<vmem>>
        %dma_wait3A_931 = tpu.memref_slice %arg2[%add3A_911] : memref<800000xi32, #tpu.memory_space<hbm>> -> memref<2000xi32, #tpu.memory_space<hbm>>
        tpu.wait_dma2 semaphore(%run_scoped3A : memref<!tpu.dma_semaphore, #tpu.memory_space<semaphore_mem>>) src(%dma_wait3A_931 : memref<2000xi32, #tpu.memory_space<hbm>>) dst(%dma_wait3A_930 : memref<2000xi32, #tpu.memory_space<vmem>>)
        tpu.yield
      }) : () -> ()
      "tpu.region"() ({
        %run_scoped3A = tpu.sem_alloc : memref<!tpu.dma_semaphore, #tpu.memory_space<semaphore_mem>>
        %dma_start3A = arith.constant 0 : i32
        %dma_start3A_922 = tpu.memref_slice %arg8[%dma_start3A] : memref<2016xi32, #tpu.memory_space<vmem>> -> memref<2000xi32, #tpu.memory_space<vmem>>
        %dma_start3A_923 = tpu.memref_slice %arg3[%add3A_911] : memref<800000xi32, #tpu.memory_space<hbm>> -> memref<2000xi32, #tpu.memory_space<hbm>>
        %dma_start3A_924 = arith.constant 0 : i32
        %dma_start3A_925 = tpu.memref_slice %arg8[%dma_start3A_924] : memref<2016xi32, #tpu.memory_space<vmem>> -> memref<2000xi32, #tpu.memory_space<vmem>>
        %dma_start3A_926 = tpu.memref_slice %arg3[%add3A_911] : memref<800000xi32, #tpu.memory_space<hbm>> -> memref<2000xi32, #tpu.memory_space<hbm>>
        tpu.enqueue_dma source(%dma_start3A_926 : memref<2000xi32, #tpu.memory_space<hbm>>) target(%dma_start3A_925 : memref<2000xi32, #tpu.memory_space<vmem>>) target_semaphore(%run_scoped3A : memref<!tpu.dma_semaphore, #tpu.memory_space<semaphore_mem>>)
        %dma_wait3A = arith.constant 0 : i32
        %dma_wait3A_927 = tpu.memref_slice %arg8[%dma_wait3A] : memref<2016xi32, #tpu.memory_space<vmem>> -> memref<2000xi32, #tpu.memory_space<vmem>>
        %dma_wait3A_928 = tpu.memref_slice %arg3[%add3A_911] : memref<800000xi32, #tpu.memory_space<hbm>> -> memref<2000xi32, #tpu.memory_space<hbm>>
        %dma_wait3A_929 = arith.constant 0 : i32
        %dma_wait3A_930 = tpu.memref_slice %arg8[%dma_wait3A_929] : memref<2016xi32, #tpu.memory_space<vmem>> -> memref<2000xi32, #tpu.memory_space<vmem>>
        %dma_wait3A_931 = tpu.memref_slice %arg3[%add3A_911] : memref<800000xi32, #tpu.memory_space<hbm>> -> memref<2000xi32, #tpu.memory_space<hbm>>
        tpu.wait_dma2 semaphore(%run_scoped3A : memref<!tpu.dma_semaphore, #tpu.memory_space<semaphore_mem>>) src(%dma_wait3A_931 : memref<2000xi32, #tpu.memory_space<hbm>>) dst(%dma_wait3A_930 : memref<2000xi32, #tpu.memory_space<vmem>>)
        tpu.yield
      }) : () -> ()
      %scan3A_914 = arith.constant 0 : i32
      %scan3A_915 = arith.constant 0 : i32
      %scan3A_916 = arith.constant 125 : i32
      %scan3A_917 = arith.addi %scan3A_915, %scan3A_916 : i32
      %scan3A_918 = arith.constant 1 : i32
      %scan3A_919 = scf.for %scan3A_922 = %scan3A_915 to %scan3A_917 step %scan3A_918 iter_args(%scan3A_923 = %scan3A_914) -> (i32)  : i32 {
        %mul3A_924 = arith.constant 16 : i32
        %mul3A_925 = arith.muli %scan3A_922, %mul3A_924 : i32
        %get3A_926 = arith.index_cast %mul3A_925 : i32 to index
        %get3A_927 = tpu.vector_load %arg7[%get3A_926] {strides = array<i32>} : memref<2016xi32, #tpu.memory_space<vmem>>, vector<16xi32>,
        %get3A_928 = vector.shape_cast %get3A_927 : vector<16xi32> to vector<16xi32>
        %mul3A_929 = arith.constant 16 : i32
        %mul3A_930 = arith.muli %scan3A_922, %mul3A_929 : i32
        %get3A_931 = arith.index_cast %mul3A_930 : i32 to index
        %get3A_932 = tpu.vector_load %arg8[%get3A_931] {strides = array<i32>} : memref<2016xi32, #tpu.memory_space<vmem>>, vector<16xi32>,
        %get3A_933 = vector.shape_cast %get3A_932 : vector<16xi32> to vector<16xi32>
        %ne3A_934 = arith.cmpi ne, %get3A_928, %get3A_933 : vector<16xi32>
        %jit3A_935 = arith.constant 1.000000e+00 : f32
        %jit3A_936 = arith.constant 0.000000e+00 : f32
        %broadcast_in_dim3A_937 = vector.broadcast %jit3A_935 : f32 to vector<16xf32>
        %broadcast_in_dim3A_938 = vector.broadcast %jit3A_936 : f32 to vector<16xf32>
        %select_n3A_939 = arith.select %ne3A_934, %broadcast_in_dim3A_937, %broadcast_in_dim3A_938 : vector<16xi1>, vector<16xf32>
        %mul3A_940 = arith.constant 16 : i32
        %mul3A_941 = arith.muli %scan3A_922, %mul3A_940 : i32
        %add3A_942 = arith.addi %mul3A_913, %mul3A_941 : i32
        %swap3A_943 = arith.index_cast %add3A_942 : i32 to index
        %swap3A_944 = tpu.vector_load %arg9[%swap3A_943] {strides = array<i32>} : memref<25088xf32, #tpu.memory_space<vmem>>, vector<16xf32>,
        %swap3A_945 = vector.shape_cast %swap3A_944 : vector<16xf32> to vector<16xf32>
        %swap3A_946 = vector.shape_cast %select_n3A_939 : vector<16xf32> to vector<16xf32>
        tpu.vector_store %arg9[%swap3A_943], %swap3A_946 {strides = array<i32>} : memref<25088xf32, #tpu.memory_space<vmem>>, vector<16xf32>,
        %shift_right_logical3A_947 = arith.constant 7 : i32
        %shift_right_logical3A_948 = arith.shrui %add3A_942, %shift_right_logical3A_947 : i32
        %and3A_949 = arith.constant 127 : i32
        %and3A_950 = arith.andi %add3A_942, %and3A_949 : i32
        %swap3A_951 = arith.index_cast %shift_right_logical3A_948 : i32 to index
        %swap3A_952 = arith.index_cast %and3A_950 : i32 to index
        %swap3A_953 = tpu.vector_load %arg10[%swap3A_951, %swap3A_952] {strides = array<i32>} : memref<196x128xi32, #tpu.memory_space<vmem>>, vector<1x16xi32>,
        %swap3A_954 = vector.shape_cast %swap3A_953 : vector<1x16xi32> to vector<16xi32>
        %swap3A_955 = vector.shape_cast %get3A_933 : vector<16xi32> to vector<1x16xi32>
        tpu.vector_store %arg10[%swap3A_951, %swap3A_952], %swap3A_955 {strides = array<i32>} : memref<196x128xi32, #tpu.memory_space<vmem>>, vector<1x16xi32>,
        %scan3A_956 = arith.constant 0 : i32
        scf.yield %scan3A_956 : i32
      }
      %scan3A_920 = arith.constant 125 : i32
      %scan3A_921 = arith.constant 0 : i32
      scf.yield %scan3A_921 : i32
    }
    %scan3A_794 = arith.constant 12 : i32
    %add3A_795 = arith.constant 24000 : i32
    %add3A_796 = arith.addi %mul3A_2, %add3A_795 : i32
    "tpu.region"() ({
      %run_scoped3A = tpu.sem_alloc : memref<!tpu.dma_semaphore, #tpu.memory_space<semaphore_mem>>
      %dma_start3A = arith.constant 0 : i32
      %dma_start3A_907 = tpu.memref_slice %arg7[%dma_start3A] : memref<2016xi32, #tpu.memory_space<vmem>> -> memref<1000xi32, #tpu.memory_space<vmem>>
      %dma_start3A_908 = tpu.memref_slice %arg2[%add3A_796] : memref<800000xi32, #tpu.memory_space<hbm>> -> memref<1000xi32, #tpu.memory_space<hbm>>
      %dma_start3A_909 = arith.constant 0 : i32
      %dma_start3A_910 = tpu.memref_slice %arg7[%dma_start3A_909] : memref<2016xi32, #tpu.memory_space<vmem>> -> memref<1000xi32, #tpu.memory_space<vmem>>
      %dma_start3A_911 = tpu.memref_slice %arg2[%add3A_796] : memref<800000xi32, #tpu.memory_space<hbm>> -> memref<1000xi32, #tpu.memory_space<hbm>>
      tpu.enqueue_dma source(%dma_start3A_911 : memref<1000xi32, #tpu.memory_space<hbm>>) target(%dma_start3A_910 : memref<1000xi32, #tpu.memory_space<vmem>>) target_semaphore(%run_scoped3A : memref<!tpu.dma_semaphore, #tpu.memory_space<semaphore_mem>>)
      %dma_wait3A = arith.constant 0 : i32
      %dma_wait3A_912 = tpu.memref_slice %arg7[%dma_wait3A] : memref<2016xi32, #tpu.memory_space<vmem>> -> memref<1000xi32, #tpu.memory_space<vmem>>
      %dma_wait3A_913 = tpu.memref_slice %arg2[%add3A_796] : memref<800000xi32, #tpu.memory_space<hbm>> -> memref<1000xi32, #tpu.memory_space<hbm>>
      %dma_wait3A_914 = arith.constant 0 : i32
      %dma_wait3A_915 = tpu.memref_slice %arg7[%dma_wait3A_914] : memref<2016xi32, #tpu.memory_space<vmem>> -> memref<1000xi32, #tpu.memory_space<vmem>>
      %dma_wait3A_916 = tpu.memref_slice %arg2[%add3A_796] : memref<800000xi32, #tpu.memory_space<hbm>> -> memref<1000xi32, #tpu.memory_space<hbm>>
      tpu.wait_dma2 semaphore(%run_scoped3A : memref<!tpu.dma_semaphore, #tpu.memory_space<semaphore_mem>>) src(%dma_wait3A_916 : memref<1000xi32, #tpu.memory_space<hbm>>) dst(%dma_wait3A_915 : memref<1000xi32, #tpu.memory_space<vmem>>)
      tpu.yield
    }) : () -> ()
    "tpu.region"() ({
      %run_scoped3A = tpu.sem_alloc : memref<!tpu.dma_semaphore, #tpu.memory_space<semaphore_mem>>
      %dma_start3A = arith.constant 0 : i32
      %dma_start3A_907 = tpu.memref_slice %arg8[%dma_start3A] : memref<2016xi32, #tpu.memory_space<vmem>> -> memref<1000xi32, #tpu.memory_space<vmem>>
      %dma_start3A_908 = tpu.memref_slice %arg3[%add3A_796] : memref<800000xi32, #tpu.memory_space<hbm>> -> memref<1000xi32, #tpu.memory_space<hbm>>
      %dma_start3A_909 = arith.constant 0 : i32
      %dma_start3A_910 = tpu.memref_slice %arg8[%dma_start3A_909] : memref<2016xi32, #tpu.memory_space<vmem>> -> memref<1000xi32, #tpu.memory_space<vmem>>
      %dma_start3A_911 = tpu.memref_slice %arg3[%add3A_796] : memref<800000xi32, #tpu.memory_space<hbm>> -> memref<1000xi32, #tpu.memory_space<hbm>>
      tpu.enqueue_dma source(%dma_start3A_911 : memref<1000xi32, #tpu.memory_space<hbm>>) target(%dma_start3A_910 : memref<1000xi32, #tpu.memory_space<vmem>>) target_semaphore(%run_scoped3A : memref<!tpu.dma_semaphore, #tpu.memory_space<semaphore_mem>>)
      %dma_wait3A = arith.constant 0 : i32
      %dma_wait3A_912 = tpu.memref_slice %arg8[%dma_wait3A] : memref<2016xi32, #tpu.memory_space<vmem>> -> memref<1000xi32, #tpu.memory_space<vmem>>
      %dma_wait3A_913 = tpu.memref_slice %arg3[%add3A_796] : memref<800000xi32, #tpu.memory_space<hbm>> -> memref<1000xi32, #tpu.memory_space<hbm>>
      %dma_wait3A_914 = arith.constant 0 : i32
      %dma_wait3A_915 = tpu.memref_slice %arg8[%dma_wait3A_914] : memref<2016xi32, #tpu.memory_space<vmem>> -> memref<1000xi32, #tpu.memory_space<vmem>>
      %dma_wait3A_916 = tpu.memref_slice %arg3[%add3A_796] : memref<800000xi32, #tpu.memory_space<hbm>> -> memref<1000xi32, #tpu.memory_space<hbm>>
      tpu.wait_dma2 semaphore(%run_scoped3A : memref<!tpu.dma_semaphore, #tpu.memory_space<semaphore_mem>>) src(%dma_wait3A_916 : memref<1000xi32, #tpu.memory_space<hbm>>) dst(%dma_wait3A_915 : memref<1000xi32, #tpu.memory_space<vmem>>)
      tpu.yield
    }) : () -> ()
    %scan3A_797 = arith.constant 0 : i32
    %scan3A_798 = arith.constant 0 : i32
    %scan3A_799 = arith.constant 62 : i32
    %scan3A_800 = arith.addi %scan3A_798, %scan3A_799 : i32
    %scan3A_801 = arith.constant 1 : i32
    %scan3A_802 = scf.for %scan3A_907 = %scan3A_798 to %scan3A_800 step %scan3A_801 iter_args(%scan3A_908 = %scan3A_797) -> (i32)  : i32 {
      %mul3A_909 = arith.constant 16 : i32
      %mul3A_910 = arith.muli %scan3A_907, %mul3A_909 : i32
      %get3A_911 = arith.index_cast %mul3A_910 : i32 to index
      %get3A_912 = tpu.vector_load %arg7[%get3A_911] {strides = array<i32>} : memref<2016xi32, #tpu.memory_space<vmem>>, vector<16xi32>,
      %get3A_913 = vector.shape_cast %get3A_912 : vector<16xi32> to vector<16xi32>
      %mul3A_914 = arith.constant 16 : i32
      %mul3A_915 = arith.muli %scan3A_907, %mul3A_914 : i32
      %get3A_916 = arith.index_cast %mul3A_915 : i32 to index
      %get3A_917 = tpu.vector_load %arg8[%get3A_916] {strides = array<i32>} : memref<2016xi32, #tpu.memory_space<vmem>>, vector<16xi32>,
      %get3A_918 = vector.shape_cast %get3A_917 : vector<16xi32> to vector<16xi32>
      %ne3A_919 = arith.cmpi ne, %get3A_913, %get3A_918 : vector<16xi32>
      %jit3A_920 = arith.constant 1.000000e+00 : f32
      %jit3A_921 = arith.constant 0.000000e+00 : f32
      %broadcast_in_dim3A_922 = vector.broadcast %jit3A_920 : f32 to vector<16xf32>
      %broadcast_in_dim3A_923 = vector.broadcast %jit3A_921 : f32 to vector<16xf32>
      %select_n3A_924 = arith.select %ne3A_919, %broadcast_in_dim3A_922, %broadcast_in_dim3A_923 : vector<16xi1>, vector<16xf32>
      %mul3A_925 = arith.constant 16 : i32
      %mul3A_926 = arith.muli %scan3A_907, %mul3A_925 : i32
      %add3A_927 = arith.constant 24000 : i32
      %add3A_928 = arith.addi %add3A_927, %mul3A_926 : i32
      %swap3A_929 = arith.index_cast %add3A_928 : i32 to index
      %swap3A_930 = tpu.vector_load %arg9[%swap3A_929] {strides = array<i32>} : memref<25088xf32, #tpu.memory_space<vmem>>, vector<16xf32>,
      %swap3A_931 = vector.shape_cast %swap3A_930 : vector<16xf32> to vector<16xf32>
      %swap3A_932 = vector.shape_cast %select_n3A_924 : vector<16xf32> to vector<16xf32>
      tpu.vector_store %arg9[%swap3A_929], %swap3A_932 {strides = array<i32>} : memref<25088xf32, #tpu.memory_space<vmem>>, vector<16xf32>,
      %jit3A_933 = arith.constant 128 : i32
      %div3A = arith.divsi %add3A_928, %jit3A_933 : i32
      %sign3A = arith.constant 0 : i32
      %sign3A_934 = arith.cmpi sgt, %add3A_928, %sign3A : i32
      %sign3A_935 = arith.extui %sign3A_934 : i1 to i32
      %sign3A_936 = arith.constant 0 : i32
      %sign3A_937 = arith.cmpi slt, %add3A_928, %sign3A_936 : i32
      %sign3A_938 = arith.extui %sign3A_937 : i1 to i32
      %sign3A_939 = arith.subi %sign3A_935, %sign3A_938 : i32
      %sign3A_940 = arith.constant 0 : i32
      %sign3A_941 = arith.cmpi sgt, %jit3A_933, %sign3A_940 : i32
      %sign3A_942 = arith.extui %sign3A_941 : i1 to i32
      %sign3A_943 = arith.constant 0 : i32
      %sign3A_944 = arith.cmpi slt, %jit3A_933, %sign3A_943 : i32
      %sign3A_945 = arith.extui %sign3A_944 : i1 to i32
      %sign3A_946 = arith.subi %sign3A_942, %sign3A_945 : i32
      %ne3A_947 = arith.cmpi ne, %sign3A_939, %sign3A_946 : i32
      %rem3A = arith.remsi %add3A_928, %jit3A_933 : i32
      %ne3A_948 = arith.constant 0 : i32
      %ne3A_949 = arith.cmpi ne, %rem3A, %ne3A_948 : i32
      %and3A_950 = arith.andi %ne3A_947, %ne3A_949 : i1
      %sub3A = arith.constant 1 : i32
      %sub3A_951 = arith.subi %div3A, %sub3A : i32
      %select_n3A_952 = arith.select %and3A_950, %sub3A_951, %div3A : i32
      %jit3A_953 = arith.constant 128 : i32
      %eq3A_954 = arith.constant 0 : i32
      %eq3A_955 = arith.cmpi eq, %jit3A_953, %eq3A_954 : i32
      %jit3A_956 = arith.constant 1 : i32
      %select_n3A_957 = arith.select %eq3A_955, %jit3A_956, %jit3A_953 : i32
      %rem3A_958 = arith.remsi %add3A_928, %select_n3A_957 : i32
      %ne3A_959 = arith.constant 0 : i32
      %ne3A_960 = arith.cmpi ne, %rem3A_958, %ne3A_959 : i32
      %lt3A_961 = arith.constant 0 : i32
      %lt3A_962 = arith.cmpi slt, %rem3A_958, %lt3A_961 : i32
      %lt3A_963 = arith.constant 0 : i32
      %lt3A_964 = arith.cmpi slt, %select_n3A_957, %lt3A_963 : i32
      %ne3A_965 = arith.xori %lt3A_962, %lt3A_964 : i1
      %and3A_966 = arith.andi %ne3A_965, %ne3A_960 : i1
      %add3A_967 = arith.addi %rem3A_958, %select_n3A_957 : i32
      %select_n3A_968 = arith.select %and3A_966, %add3A_967, %rem3A_958 : i32
      %swap3A_969 = arith.index_cast %select_n3A_952 : i32 to index
      %swap3A_970 = arith.index_cast %select_n3A_968 : i32 to index
      %swap3A_971 = tpu.vector_load %arg10[%swap3A_969, %swap3A_970] {strides = array<i32>} : memref<196x128xi32, #tpu.memory_space<vmem>>, vector<1x16xi32>,
      %swap3A_972 = vector.shape_cast %swap3A_971 : vector<1x16xi32> to vector<16xi32>
      %swap3A_973 = vector.shape_cast %get3A_918 : vector<16xi32> to vector<1x16xi32>
      tpu.vector_store %arg10[%swap3A_969, %swap3A_970], %swap3A_973 {strides = array<i32>} : memref<196x128xi32, #tpu.memory_space<vmem>>, vector<1x16xi32>,
      %scan3A_974 = arith.constant 0 : i32
      scf.yield %scan3A_974 : i32
    }
    %scan3A_803 = arith.constant 62 : i32
    %get3A = arith.constant 992 : index
    %get3A_804 = tpu.vector_load %arg7[%get3A] {strides = array<i32>} : memref<2016xi32, #tpu.memory_space<vmem>>, vector<16xi32>,
    %get3A_805 = vector.shape_cast %get3A_804 : vector<16xi32> to vector<16xi32>
    %get3A_806 = arith.constant 992 : index
    %get3A_807 = tpu.vector_load %arg8[%get3A_806] {strides = array<i32>} : memref<2016xi32, #tpu.memory_space<vmem>>, vector<16xi32>,
    %get3A_808 = vector.shape_cast %get3A_807 : vector<16xi32> to vector<16xi32>
    %lt3A = arith.constant 8 : i32
    %lt3A_809 = vector.broadcast %lt3A : i32 to vector<16xi32>
    %lt3A_810 = arith.cmpi slt, %iota3A, %lt3A_809 : vector<16xi32>
    %ne3A = arith.cmpi ne, %get3A_805, %get3A_808 : vector<16xi32>
    %and3A = arith.andi %ne3A, %lt3A_810 : vector<16xi1>
    %jit3A = arith.constant 1.000000e+00 : f32
    %jit3A_811 = arith.constant 0.000000e+00 : f32
    %broadcast_in_dim3A_812 = vector.broadcast %jit3A : f32 to vector<16xf32>
    %broadcast_in_dim3A_813 = vector.broadcast %jit3A_811 : f32 to vector<16xf32>
    %select_n3A = arith.select %and3A, %broadcast_in_dim3A_812, %broadcast_in_dim3A_813 : vector<16xi1>, vector<16xf32>
    %jit3A_814 = arith.constant 0 : i32
    %broadcast_in_dim3A_815 = vector.broadcast %jit3A_814 : i32 to vector<16xi32>
    %select_n3A_816 = arith.select %lt3A_810, %get3A_808, %broadcast_in_dim3A_815 : vector<16xi1>, vector<16xi32>
    %swap3A_817 = arith.constant 24992 : index
    %swap3A_818 = tpu.vector_load %arg9[%swap3A_817] {strides = array<i32>} : memref<25088xf32, #tpu.memory_space<vmem>>, vector<16xf32>,
    %swap3A_819 = vector.shape_cast %swap3A_818 : vector<16xf32> to vector<16xf32>
    %swap3A_820 = vector.shape_cast %select_n3A : vector<16xf32> to vector<16xf32>
    tpu.vector_store %arg9[%swap3A_817], %swap3A_820 {strides = array<i32>} : memref<25088xf32, #tpu.memory_space<vmem>>, vector<16xf32>,
    %shift_right_logical3A = arith.constant 24992 : i32
    %shift_right_logical3A_821 = arith.constant 7 : i32
    %shift_right_logical3A_822 = arith.shrui %shift_right_logical3A, %shift_right_logical3A_821 : i32
    %and3A_823 = arith.constant 24992 : i32
    %and3A_824 = arith.constant 127 : i32
    %and3A_825 = arith.andi %and3A_823, %and3A_824 : i32
    %swap3A_826 = arith.index_cast %shift_right_logical3A_822 : i32 to index
    %swap3A_827 = arith.index_cast %and3A_825 : i32 to index
    %swap3A_828 = tpu.vector_load %arg10[%swap3A_826, %swap3A_827] {strides = array<i32>} : memref<196x128xi32, #tpu.memory_space<vmem>>, vector<1x16xi32>,
    %swap3A_829 = vector.shape_cast %swap3A_828 : vector<1x16xi32> to vector<16xi32>
    %swap3A_830 = vector.shape_cast %select_n3A_816 : vector<16xi32> to vector<1x16xi32>
    tpu.vector_store %arg10[%swap3A_826, %swap3A_827], %swap3A_830 {strides = array<i32>} : memref<196x128xi32, #tpu.memory_space<vmem>>, vector<1x16xi32>,
    %broadcast_in_dim3A_831 = arith.constant 0 : i32
    %broadcast_in_dim3A_832 = vector.broadcast %broadcast_in_dim3A_831 : i32 to vector<16xi32>
    %swap3A_833 = arith.constant 25008 : index
    %swap3A_834 = tpu.vector_load %arg9[%swap3A_833] {strides = array<i32>} : memref<25088xf32, #tpu.memory_space<vmem>>, vector<16xf32>,
    %swap3A_835 = vector.shape_cast %swap3A_834 : vector<16xf32> to vector<16xf32>
    %swap3A_836 = vector.shape_cast %broadcast_in_dim3A_3 : vector<16xf32> to vector<16xf32>
    tpu.vector_store %arg9[%swap3A_833], %swap3A_836 {strides = array<i32>} : memref<25088xf32, #tpu.memory_space<vmem>>, vector<16xf32>,
    %swap3A_837 = arith.constant 195 : i32
    %swap3A_838 = arith.index_cast %swap3A_837 : i32 to index
    %swap3A_839 = arith.constant 48 : index
    %swap3A_840 = tpu.vector_load %arg10[%swap3A_838, %swap3A_839] {strides = array<i32>} : memref<196x128xi32, #tpu.memory_space<vmem>>, vector<1x16xi32>,
    %swap3A_841 = vector.shape_cast %swap3A_840 : vector<1x16xi32> to vector<16xi32>
    %swap3A_842 = vector.shape_cast %broadcast_in_dim3A_832 : vector<16xi32> to vector<1x16xi32>
    tpu.vector_store %arg10[%swap3A_838, %swap3A_839], %swap3A_842 {strides = array<i32>} : memref<196x128xi32, #tpu.memory_space<vmem>>, vector<1x16xi32>,
    %swap3A_843 = arith.constant 25024 : index
    %swap3A_844 = tpu.vector_load %arg9[%swap3A_843] {strides = array<i32>} : memref<25088xf32, #tpu.memory_space<vmem>>, vector<16xf32>,
    %swap3A_845 = vector.shape_cast %swap3A_844 : vector<16xf32> to vector<16xf32>
    %swap3A_846 = vector.shape_cast %broadcast_in_dim3A_3 : vector<16xf32> to vector<16xf32>
    tpu.vector_store %arg9[%swap3A_843], %swap3A_846 {strides = array<i32>} : memref<25088xf32, #tpu.memory_space<vmem>>, vector<16xf32>,
    %swap3A_847 = arith.constant 195 : i32
    %swap3A_848 = arith.index_cast %swap3A_847 : i32 to index
    %swap3A_849 = arith.constant 64 : index
    %swap3A_850 = tpu.vector_load %arg10[%swap3A_848, %swap3A_849] {strides = array<i32>} : memref<196x128xi32, #tpu.memory_space<vmem>>, vector<1x16xi32>,
    %swap3A_851 = vector.shape_cast %swap3A_850 : vector<1x16xi32> to vector<16xi32>
    %swap3A_852 = vector.shape_cast %broadcast_in_dim3A_832 : vector<16xi32> to vector<1x16xi32>
    tpu.vector_store %arg10[%swap3A_848, %swap3A_849], %swap3A_852 {strides = array<i32>} : memref<196x128xi32, #tpu.memory_space<vmem>>, vector<1x16xi32>,
    %swap3A_853 = arith.constant 25040 : index
    %swap3A_854 = tpu.vector_load %arg9[%swap3A_853] {strides = array<i32>} : memref<25088xf32, #tpu.memory_space<vmem>>, vector<16xf32>,
    %swap3A_855 = vector.shape_cast %swap3A_854 : vector<16xf32> to vector<16xf32>
    %swap3A_856 = vector.shape_cast %broadcast_in_dim3A_3 : vector<16xf32> to vector<16xf32>
    tpu.vector_store %arg9[%swap3A_853], %swap3A_856 {strides = array<i32>} : memref<25088xf32, #tpu.memory_space<vmem>>, vector<16xf32>,
    %swap3A_857 = arith.constant 195 : i32
    %swap3A_858 = arith.index_cast %swap3A_857 : i32 to index
    %swap3A_859 = arith.constant 80 : index
    %swap3A_860 = tpu.vector_load %arg10[%swap3A_858, %swap3A_859] {strides = array<i32>} : memref<196x128xi32, #tpu.memory_space<vmem>>, vector<1x16xi32>,
    %swap3A_861 = vector.shape_cast %swap3A_860 : vector<1x16xi32> to vector<16xi32>
    %swap3A_862 = vector.shape_cast %broadcast_in_dim3A_832 : vector<16xi32> to vector<1x16xi32>
    tpu.vector_store %arg10[%swap3A_858, %swap3A_859], %swap3A_862 {strides = array<i32>} : memref<196x128xi32, #tpu.memory_space<vmem>>, vector<1x16xi32>,
    %swap3A_863 = arith.constant 25056 : index
    %swap3A_864 = tpu.vector_load %arg9[%swap3A_863] {strides = array<i32>} : memref<25088xf32, #tpu.memory_space<vmem>>, vector<16xf32>,
    %swap3A_865 = vector.shape_cast %swap3A_864 : vector<16xf32> to vector<16xf32>
    %swap3A_866 = vector.shape_cast %broadcast_in_dim3A_3 : vector<16xf32> to vector<16xf32>
    tpu.vector_store %arg9[%swap3A_863], %swap3A_866 {strides = array<i32>} : memref<25088xf32, #tpu.memory_space<vmem>>, vector<16xf32>,
    %swap3A_867 = arith.constant 195 : i32
    %swap3A_868 = arith.index_cast %swap3A_867 : i32 to index
    %swap3A_869 = arith.constant 96 : index
    %swap3A_870 = tpu.vector_load %arg10[%swap3A_868, %swap3A_869] {strides = array<i32>} : memref<196x128xi32, #tpu.memory_space<vmem>>, vector<1x16xi32>,
    %swap3A_871 = vector.shape_cast %swap3A_870 : vector<1x16xi32> to vector<16xi32>
    %swap3A_872 = vector.shape_cast %broadcast_in_dim3A_832 : vector<16xi32> to vector<1x16xi32>
    tpu.vector_store %arg10[%swap3A_868, %swap3A_869], %swap3A_872 {strides = array<i32>} : memref<196x128xi32, #tpu.memory_space<vmem>>, vector<1x16xi32>,
    %swap3A_873 = arith.constant 25072 : index
    %swap3A_874 = tpu.vector_load %arg9[%swap3A_873] {strides = array<i32>} : memref<25088xf32, #tpu.memory_space<vmem>>, vector<16xf32>,
    %swap3A_875 = vector.shape_cast %swap3A_874 : vector<16xf32> to vector<16xf32>
    %swap3A_876 = vector.shape_cast %broadcast_in_dim3A_3 : vector<16xf32> to vector<16xf32>
    tpu.vector_store %arg9[%swap3A_873], %swap3A_876 {strides = array<i32>} : memref<25088xf32, #tpu.memory_space<vmem>>, vector<16xf32>,
    %swap3A_877 = arith.constant 195 : i32
    %swap3A_878 = arith.index_cast %swap3A_877 : i32 to index
    %swap3A_879 = arith.constant 112 : index
    %swap3A_880 = tpu.vector_load %arg10[%swap3A_878, %swap3A_879] {strides = array<i32>} : memref<196x128xi32, #tpu.memory_space<vmem>>, vector<1x16xi32>,
    %swap3A_881 = vector.shape_cast %swap3A_880 : vector<1x16xi32> to vector<16xi32>
    %swap3A_882 = vector.shape_cast %broadcast_in_dim3A_832 : vector<16xi32> to vector<1x16xi32>
    tpu.vector_store %arg10[%swap3A_878, %swap3A_879], %swap3A_882 {strides = array<i32>} : memref<196x128xi32, #tpu.memory_space<vmem>>, vector<1x16xi32>,
    %scan3A_883 = arith.constant 0 : i32
    %scan3A_884 = arith.constant 0 : i32
    %scan3A_885 = arith.constant 196 : i32
    %scan3A_886 = arith.addi %scan3A_884, %scan3A_885 : i32
    %scan3A_887 = arith.constant 1 : i32
    %scan3A_888 = scf.for %scan3A_907 = %scan3A_884 to %scan3A_886 step %scan3A_887 iter_args(%scan3A_908 = %scan3A_883) -> (i32)  : i32 {
      %mul3A_909 = arith.constant 128 : i32
      %mul3A_910 = arith.muli %scan3A_907, %mul3A_909 : i32
      %dma_start3A = tpu.memref_slice %arg9[%mul3A_910] : memref<25088xf32, #tpu.memory_space<vmem>> -> memref<128xf32, #tpu.memory_space<vmem>>
      %dma_start3A_911 = arith.constant 0 : i32
      %dma_start3A_912 = tpu.memref_slice %arg10[%scan3A_907, %dma_start3A_911] : memref<196x128xi32, #tpu.memory_space<vmem>> -> memref<1x128xi32, #tpu.memory_space<vmem>>
      %dma_start3A_913 = tpu.memref_squeeze %dma_start3A_912 : memref<1x128xi32, #tpu.memory_space<vmem>> -> memref<128xi32, #tpu.memory_space<vmem>>
      %dma_start3A_914 = arith.constant 0 : i32
      %dma_start3A_915 = tpu.memref_slice %arg5[%dma_start3A_914] : memref<50176xf32, #tpu.memory_space<vmem_shared>> -> memref<50176xf32, #tpu.memory_space<vmem_shared>>
      tpu.enqueue_indirect_dma source(%dma_start3A : memref<128xf32, #tpu.memory_space<vmem>>) target(%dma_start3A_915 : memref<50176xf32, #tpu.memory_space<vmem_shared>>) offsets(%dma_start3A_913 : memref<128xi32, #tpu.memory_space<vmem>>) semaphore(%arg11 : memref<!tpu.dma_semaphore, #tpu.memory_space<semaphore_mem>>) {add = true}
      %scan3A_916 = arith.constant 0 : i32
      scf.yield %scan3A_916 : i32
    }
    %scan3A_889 = arith.constant 196 : i32
    %scan3A_890 = arith.constant 0 : i32
    %scan3A_891 = arith.constant 0 : i32
    %scan3A_892 = arith.constant 196 : i32
    %scan3A_893 = arith.addi %scan3A_891, %scan3A_892 : i32
    %scan3A_894 = arith.constant 1 : i32
    %scan3A_895 = scf.for %scan3A_907 = %scan3A_891 to %scan3A_893 step %scan3A_894 iter_args(%scan3A_908 = %scan3A_890) -> (i32)  : i32 {
      %dma_wait3A = arith.constant 0 : i32
      %dma_wait3A_909 = arith.constant 0 : i32
      %dma_wait3A_910 = tpu.memref_slice %arg9[%dma_wait3A_909] : memref<25088xf32, #tpu.memory_space<vmem>> -> memref<128xf32, #tpu.memory_space<vmem>>
      %dma_wait3A_911 = arith.constant 0 : i32
      %dma_wait3A_912 = tpu.memref_slice %arg10[%dma_wait3A, %dma_wait3A_911] : memref<196x128xi32, #tpu.memory_space<vmem>> -> memref<1x128xi32, #tpu.memory_space<vmem>>
      %dma_wait3A_913 = tpu.memref_squeeze %dma_wait3A_912 : memref<1x128xi32, #tpu.memory_space<vmem>> -> memref<128xi32, #tpu.memory_space<vmem>>
      %dma_wait3A_914 = arith.constant 0 : i32
      %dma_wait3A_915 = tpu.memref_slice %arg5[%dma_wait3A_914] : memref<50176xf32, #tpu.memory_space<vmem_shared>> -> memref<50176xf32, #tpu.memory_space<vmem_shared>>
      tpu.wait_indirect_dma semaphore(%arg11 : memref<!tpu.dma_semaphore, #tpu.memory_space<semaphore_mem>>) src(%dma_wait3A_910 : memref<128xf32, #tpu.memory_space<vmem>>) dst(%dma_wait3A_915 : memref<50176xf32, #tpu.memory_space<vmem_shared>>)
      %scan3A_916 = arith.constant 0 : i32
      scf.yield %scan3A_916 : i32
    }
    %scan3A_896 = arith.constant 196 : i32
    %barrier3A_897 = arith.constant 0 : index
    tpu.barrier barrier_id(%barrier3A_897)
    %mul3A_898 = arith.constant 3136 : i32
    %mul3A_899 = arith.muli %arg1, %mul3A_898 : i32
    "tpu.region"() ({
      %run_scoped3A = tpu.sem_alloc : memref<!tpu.dma_semaphore, #tpu.memory_space<semaphore_mem>>
      %dma_start3A = tpu.memref_slice %arg5[%mul3A_899] : memref<50176xf32, #tpu.memory_space<vmem_shared>> -> memref<3136xf32, #tpu.memory_space<vmem_shared>>
      %dma_start3A_907 = tpu.memref_slice %arg5[%mul3A_899] : memref<50176xf32, #tpu.memory_space<vmem_shared>> -> memref<3136xf32, #tpu.memory_space<vmem_shared>>
      tpu.enqueue_dma source(%dma_start3A_907 : memref<3136xf32, #tpu.memory_space<vmem_shared>>) target(%arg6 : memref<3136xf32, #tpu.memory_space<vmem>>) target_semaphore(%run_scoped3A : memref<!tpu.dma_semaphore, #tpu.memory_space<semaphore_mem>>)
      %dma_wait3A = tpu.memref_slice %arg5[%mul3A_899] : memref<50176xf32, #tpu.memory_space<vmem_shared>> -> memref<3136xf32, #tpu.memory_space<vmem_shared>>
      %dma_wait3A_908 = tpu.memref_slice %arg5[%mul3A_899] : memref<50176xf32, #tpu.memory_space<vmem_shared>> -> memref<3136xf32, #tpu.memory_space<vmem_shared>>
      tpu.wait_dma2 semaphore(%run_scoped3A : memref<!tpu.dma_semaphore, #tpu.memory_space<semaphore_mem>>) src(%dma_wait3A_908 : memref<3136xf32, #tpu.memory_space<vmem_shared>>) dst(%arg6 : memref<3136xf32, #tpu.memory_space<vmem>>)
      tpu.yield
    }) : () -> ()
    %lt3A_900 = arith.constant 15 : i32
    %lt3A_901 = arith.cmpi slt, %arg1, %lt3A_900 : i32
    %convert_element_type3A = arith.extui %lt3A_901 : i1 to i32
    %cond3A = arith.constant 0 : i32
    %cond3A_902 = arith.cmpi ne, %convert_element_type3A, %cond3A : i32
    scf.if %cond3A_902 {
      %mul3A_907 = arith.constant 50000 : i32
      %mul3A_908 = arith.muli %arg0, %mul3A_907 : i32
      %mul3A_909 = arith.constant 3136 : i32
      %mul3A_910 = arith.muli %arg1, %mul3A_909 : i32
      %add3A_911 = arith.addi %mul3A_908, %mul3A_910 : i32
      "tpu.region"() ({
        %run_scoped3A = tpu.sem_alloc : memref<!tpu.dma_semaphore, #tpu.memory_space<semaphore_mem>>
        %dma_start3A = tpu.memref_slice %arg4[%add3A_911] : memref<100000xf32, #tpu.memory_space<hbm>> -> memref<3136xf32, #tpu.memory_space<hbm>>
        %dma_start3A_912 = tpu.memref_slice %arg4[%add3A_911] : memref<100000xf32, #tpu.memory_space<hbm>> -> memref<3136xf32, #tpu.memory_space<hbm>>
        tpu.enqueue_dma source(%arg6 : memref<3136xf32, #tpu.memory_space<vmem>>) target(%dma_start3A_912 : memref<3136xf32, #tpu.memory_space<hbm>>) target_semaphore(%run_scoped3A : memref<!tpu.dma_semaphore, #tpu.memory_space<semaphore_mem>>)
        %dma_wait3A = tpu.memref_slice %arg4[%add3A_911] : memref<100000xf32, #tpu.memory_space<hbm>> -> memref<3136xf32, #tpu.memory_space<hbm>>
        %dma_wait3A_913 = tpu.memref_slice %arg4[%add3A_911] : memref<100000xf32, #tpu.memory_space<hbm>> -> memref<3136xf32, #tpu.memory_space<hbm>>
        tpu.wait_dma2 semaphore(%run_scoped3A : memref<!tpu.dma_semaphore, #tpu.memory_space<semaphore_mem>>) src(%arg6 : memref<3136xf32, #tpu.memory_space<vmem>>) dst(%dma_wait3A_913 : memref<3136xf32, #tpu.memory_space<hbm>>)
        tpu.yield
      }) : () -> ()
    } else {
    }
    %eq3A = arith.constant 15 : i32
    %eq3A_903 = arith.cmpi eq, %arg1, %eq3A : i32
    %convert_element_type3A_904 = arith.extui %eq3A_903 : i1 to i32
    %cond3A_905 = arith.constant 0 : i32
    %cond3A_906 = arith.cmpi ne, %convert_element_type3A_904, %cond3A_905 : i32
    scf.if %cond3A_906 {
      %mul3A_907 = arith.constant 50000 : i32
      %mul3A_908 = arith.muli %arg0, %mul3A_907 : i32
      %add3A_909 = arith.constant 47040 : i32
      %add3A_910 = arith.addi %mul3A_908, %add3A_909 : i32
      "tpu.region"() ({
        %run_scoped3A = tpu.sem_alloc : memref<!tpu.dma_semaphore, #tpu.memory_space<semaphore_mem>>
        %dma_start3A = arith.constant 0 : i32
        %dma_start3A_911 = tpu.memref_slice %arg6[%dma_start3A] : memref<3136xf32, #tpu.memory_space<vmem>> -> memref<2960xf32, #tpu.memory_space<vmem>>
        %dma_start3A_912 = tpu.memref_slice %arg4[%add3A_910] : memref<100000xf32, #tpu.memory_space<hbm>> -> memref<2960xf32, #tpu.memory_space<hbm>>
        %dma_start3A_913 = tpu.memref_slice %arg4[%add3A_910] : memref<100000xf32, #tpu.memory_space<hbm>> -> memref<2960xf32, #tpu.memory_space<hbm>>
        %dma_start3A_914 = arith.constant 0 : i32
        %dma_start3A_915 = tpu.memref_slice %arg6[%dma_start3A_914] : memref<3136xf32, #tpu.memory_space<vmem>> -> memref<2960xf32, #tpu.memory_space<vmem>>
        tpu.enqueue_dma source(%dma_start3A_915 : memref<2960xf32, #tpu.memory_space<vmem>>) target(%dma_start3A_913 : memref<2960xf32, #tpu.memory_space<hbm>>) target_semaphore(%run_scoped3A : memref<!tpu.dma_semaphore, #tpu.memory_space<semaphore_mem>>)
        %dma_wait3A = arith.constant 0 : i32
        %dma_wait3A_916 = tpu.memref_slice %arg6[%dma_wait3A] : memref<3136xf32, #tpu.memory_space<vmem>> -> memref<2960xf32, #tpu.memory_space<vmem>>
        %dma_wait3A_917 = tpu.memref_slice %arg4[%add3A_910] : memref<100000xf32, #tpu.memory_space<hbm>> -> memref<2960xf32, #tpu.memory_space<hbm>>
        %dma_wait3A_918 = tpu.memref_slice %arg4[%add3A_910] : memref<100000xf32, #tpu.memory_space<hbm>> -> memref<2960xf32, #tpu.memory_space<hbm>>
        %dma_wait3A_919 = arith.constant 0 : i32
        %dma_wait3A_920 = tpu.memref_slice %arg6[%dma_wait3A_919] : memref<3136xf32, #tpu.memory_space<vmem>> -> memref<2960xf32, #tpu.memory_space<vmem>>
        tpu.wait_dma2 semaphore(%run_scoped3A : memref<!tpu.dma_semaphore, #tpu.memory_space<semaphore_mem>>) src(%dma_wait3A_920 : memref<2960xf32, #tpu.memory_space<vmem>>) dst(%dma_wait3A_918 : memref<2960xf32, #tpu.memory_space<hbm>>)
        tpu.yield
      }) : () -> ()
    } else {
    }
    return
  }
}

#map = affine_map<(d0, d1) -> (0)>
#map1 = affine_map<(d0, d1) -> (0, 0)>
module attributes {stable_mosaic.version = 14 : i64} {
  func.func @_scatter_body(%arg0: i32, %arg1: i32, %arg2: memref<800000xi32, #tpu.memory_space<hbm>>, %arg3: memref<800000xi32, #tpu.memory_space<hbm>>, %arg4: memref<50000x64xf32, #tpu.memory_space<hbm>>, %arg5: memref<100000xf32, #tpu.memory_space<hbm>>, %arg6: memref<50000x64xf32, #tpu.memory_space<hbm>>, %arg7: memref<25008x64xf32, #tpu.memory_space<vmem_shared>>, %arg8: memref<2000xi32, #tpu.memory_space<vmem>>, %arg9: memref<2000xi32, #tpu.memory_space<vmem>>, %arg10: memref<2304xi32, #tpu.memory_space<vmem>>, %arg11: memref<18x128xi32, #tpu.memory_space<vmem>>, %arg12: memref<128x64xf32, #tpu.memory_space<vmem>>, %arg13: memref<128x64xf32, #tpu.memory_space<vmem>>, %arg14: memref<128xf32, #tpu.memory_space<vmem>>, %arg15: memref<1568xf32, #tpu.memory_space<vmem>>, %arg16: memref<1568xf32, #tpu.memory_space<vmem>>, %arg17: memref<!tpu.dma_semaphore, #tpu.memory_space<semaphore_mem>>, %arg18: memref<!tpu.dma_semaphore, #tpu.memory_space<semaphore_mem>>, %arg19: memref<!tpu.dma_semaphore, #tpu.memory_space<semaphore_mem>>, %arg20: memref<!tpu.dma_semaphore, #tpu.memory_space<semaphore_mem>>) attributes {dimension_semantics = [#tpu.dimension_semantics<core_parallel>, #tpu.dimension_semantics<subcore_parallel>], iteration_bounds = array<i64: 2, 16>, scalar_prefetch = 0 : i64, scratch_operands = 14 : i64, tpu.core_type = #tpu.core_type<sc_vector_subcore>, window_params = [{transform_indices = #map}, {transform_indices = #map}, {transform_indices = #map1}, {transform_indices = #map}, {transform_indices = #map1}]} {
    %mul3A = arith.constant 25000 : i32
    %mul3A_0 = arith.muli %arg0, %mul3A : i32
    %lt3A = arith.constant 15 : i32
    %lt3A_1 = arith.cmpi slt, %arg1, %lt3A : i32
    %convert_element_type3A = arith.extui %lt3A_1 : i1 to i32
    %cond3A = arith.constant 0 : i32
    %cond3A_2 = arith.cmpi ne, %convert_element_type3A, %cond3A : i32
    scf.if %cond3A_2 {
      %scan3A_41 = arith.constant 0 : i32
      %scan3A_42 = arith.constant 0 : i32
      %scan3A_43 = arith.constant 12 : i32
      %scan3A_44 = arith.addi %scan3A_42, %scan3A_43 : i32
      %scan3A_45 = arith.constant 1 : i32
      %scan3A_46 = scf.for %scan3A_52 = %scan3A_42 to %scan3A_44 step %scan3A_45 iter_args(%scan3A_53 = %scan3A_41) -> (i32)  : i32 {
        %mul3A_54 = arith.constant 1568 : i32
        %mul3A_55 = arith.muli %arg1, %mul3A_54 : i32
        %mul3A_56 = arith.constant 128 : i32
        %mul3A_57 = arith.muli %scan3A_52, %mul3A_56 : i32
        %add3A_58 = arith.addi %mul3A_55, %mul3A_57 : i32
        %add3A_59 = arith.addi %mul3A_0, %add3A_58 : i32
        "tpu.region"() ({
          %run_scoped3A = tpu.sem_alloc : memref<!tpu.dma_semaphore, #tpu.memory_space<semaphore_mem>>
          %dma_start3A = arith.constant 0 : i32
          %dma_start3A_61 = arith.constant 0 : i32
          %dma_start3A_62 = tpu.memref_slice %arg12[%dma_start3A, %dma_start3A_61] : memref<128x64xf32, #tpu.memory_space<vmem>> -> memref<128x64xf32, #tpu.memory_space<vmem>>
          %dma_start3A_63 = arith.constant 0 : i32
          %dma_start3A_64 = tpu.memref_slice %arg4[%add3A_59, %dma_start3A_63] : memref<50000x64xf32, #tpu.memory_space<hbm>> -> memref<128x64xf32, #tpu.memory_space<hbm>>
          %dma_start3A_65 = arith.constant 0 : i32
          %dma_start3A_66 = arith.constant 0 : i32
          %dma_start3A_67 = tpu.memref_slice %arg12[%dma_start3A_65, %dma_start3A_66] : memref<128x64xf32, #tpu.memory_space<vmem>> -> memref<128x64xf32, #tpu.memory_space<vmem>>
          %dma_start3A_68 = arith.constant 0 : i32
          %dma_start3A_69 = tpu.memref_slice %arg4[%add3A_59, %dma_start3A_68] : memref<50000x64xf32, #tpu.memory_space<hbm>> -> memref<128x64xf32, #tpu.memory_space<hbm>>
          tpu.enqueue_dma source(%dma_start3A_69 : memref<128x64xf32, #tpu.memory_space<hbm>>) target(%dma_start3A_67 : memref<128x64xf32, #tpu.memory_space<vmem>>) target_semaphore(%run_scoped3A : memref<!tpu.dma_semaphore, #tpu.memory_space<semaphore_mem>>)
          %dma_wait3A = arith.constant 0 : i32
          %dma_wait3A_70 = arith.constant 0 : i32
          %dma_wait3A_71 = tpu.memref_slice %arg12[%dma_wait3A, %dma_wait3A_70] : memref<128x64xf32, #tpu.memory_space<vmem>> -> memref<128x64xf32, #tpu.memory_space<vmem>>
          %dma_wait3A_72 = arith.constant 0 : i32
          %dma_wait3A_73 = tpu.memref_slice %arg4[%add3A_59, %dma_wait3A_72] : memref<50000x64xf32, #tpu.memory_space<hbm>> -> memref<128x64xf32, #tpu.memory_space<hbm>>
          %dma_wait3A_74 = arith.constant 0 : i32
          %dma_wait3A_75 = arith.constant 0 : i32
          %dma_wait3A_76 = tpu.memref_slice %arg12[%dma_wait3A_74, %dma_wait3A_75] : memref<128x64xf32, #tpu.memory_space<vmem>> -> memref<128x64xf32, #tpu.memory_space<vmem>>
          %dma_wait3A_77 = arith.constant 0 : i32
          %dma_wait3A_78 = tpu.memref_slice %arg4[%add3A_59, %dma_wait3A_77] : memref<50000x64xf32, #tpu.memory_space<hbm>> -> memref<128x64xf32, #tpu.memory_space<hbm>>
          tpu.wait_dma2 semaphore(%run_scoped3A : memref<!tpu.dma_semaphore, #tpu.memory_space<semaphore_mem>>) src(%dma_wait3A_78 : memref<128x64xf32, #tpu.memory_space<hbm>>) dst(%dma_wait3A_76 : memref<128x64xf32, #tpu.memory_space<vmem>>)
          tpu.yield
        }) : () -> ()
        "tpu.region"() ({
          %run_scoped3A = tpu.sem_alloc : memref<!tpu.dma_semaphore, #tpu.memory_space<semaphore_mem>>
          %dma_start3A = arith.constant 0 : i32
          %dma_start3A_61 = arith.constant 0 : i32
          %dma_start3A_62 = tpu.memref_slice %arg12[%dma_start3A, %dma_start3A_61] : memref<128x64xf32, #tpu.memory_space<vmem>> -> memref<128x64xf32, #tpu.memory_space<vmem>>
          %dma_start3A_63 = arith.constant 0 : i32
          %dma_start3A_64 = tpu.memref_slice %arg7[%add3A_58, %dma_start3A_63] : memref<25008x64xf32, #tpu.memory_space<vmem_shared>> -> memref<128x64xf32, #tpu.memory_space<vmem_shared>>
          %dma_start3A_65 = arith.constant 0 : i32
          %dma_start3A_66 = tpu.memref_slice %arg7[%add3A_58, %dma_start3A_65] : memref<25008x64xf32, #tpu.memory_space<vmem_shared>> -> memref<128x64xf32, #tpu.memory_space<vmem_shared>>
          %dma_start3A_67 = arith.constant 0 : i32
          %dma_start3A_68 = arith.constant 0 : i32
          %dma_start3A_69 = tpu.memref_slice %arg12[%dma_start3A_67, %dma_start3A_68] : memref<128x64xf32, #tpu.memory_space<vmem>> -> memref<128x64xf32, #tpu.memory_space<vmem>>
          tpu.enqueue_dma source(%dma_start3A_69 : memref<128x64xf32, #tpu.memory_space<vmem>>) target(%dma_start3A_66 : memref<128x64xf32, #tpu.memory_space<vmem_shared>>) target_semaphore(%run_scoped3A : memref<!tpu.dma_semaphore, #tpu.memory_space<semaphore_mem>>)
          %dma_wait3A = arith.constant 0 : i32
          %dma_wait3A_70 = arith.constant 0 : i32
          %dma_wait3A_71 = tpu.memref_slice %arg12[%dma_wait3A, %dma_wait3A_70] : memref<128x64xf32, #tpu.memory_space<vmem>> -> memref<128x64xf32, #tpu.memory_space<vmem>>
          %dma_wait3A_72 = arith.constant 0 : i32
          %dma_wait3A_73 = tpu.memref_slice %arg7[%add3A_58, %dma_wait3A_72] : memref<25008x64xf32, #tpu.memory_space<vmem_shared>> -> memref<128x64xf32, #tpu.memory_space<vmem_shared>>
          %dma_wait3A_74 = arith.constant 0 : i32
          %dma_wait3A_75 = tpu.memref_slice %arg7[%add3A_58, %dma_wait3A_74] : memref<25008x64xf32, #tpu.memory_space<vmem_shared>> -> memref<128x64xf32, #tpu.memory_space<vmem_shared>>
          %dma_wait3A_76 = arith.constant 0 : i32
          %dma_wait3A_77 = arith.constant 0 : i32
          %dma_wait3A_78 = tpu.memref_slice %arg12[%dma_wait3A_76, %dma_wait3A_77] : memref<128x64xf32, #tpu.memory_space<vmem>> -> memref<128x64xf32, #tpu.memory_space<vmem>>
          tpu.wait_dma2 semaphore(%run_scoped3A : memref<!tpu.dma_semaphore, #tpu.memory_space<semaphore_mem>>) src(%dma_wait3A_78 : memref<128x64xf32, #tpu.memory_space<vmem>>) dst(%dma_wait3A_75 : memref<128x64xf32, #tpu.memory_space<vmem_shared>>)
          tpu.yield
        }) : () -> ()
        %scan3A_60 = arith.constant 0 : i32
        scf.yield %scan3A_60 : i32
      }
      %scan3A_47 = arith.constant 12 : i32
      %mul3A_48 = arith.constant 1568 : i32
      %mul3A_49 = arith.muli %arg1, %mul3A_48 : i32
      %add3A = arith.constant 1536 : i32
      %add3A_50 = arith.addi %mul3A_49, %add3A : i32
      %add3A_51 = arith.addi %mul3A_0, %add3A_50 : i32
      "tpu.region"() ({
        %run_scoped3A = tpu.sem_alloc : memref<!tpu.dma_semaphore, #tpu.memory_space<semaphore_mem>>
        %dma_start3A = arith.constant 0 : i32
        %dma_start3A_52 = arith.constant 0 : i32
        %dma_start3A_53 = tpu.memref_slice %arg12[%dma_start3A, %dma_start3A_52] : memref<128x64xf32, #tpu.memory_space<vmem>> -> memref<32x64xf32, #tpu.memory_space<vmem>>
        %dma_start3A_54 = arith.constant 0 : i32
        %dma_start3A_55 = tpu.memref_slice %arg4[%add3A_51, %dma_start3A_54] : memref<50000x64xf32, #tpu.memory_space<hbm>> -> memref<32x64xf32, #tpu.memory_space<hbm>>
        %dma_start3A_56 = arith.constant 0 : i32
        %dma_start3A_57 = arith.constant 0 : i32
        %dma_start3A_58 = tpu.memref_slice %arg12[%dma_start3A_56, %dma_start3A_57] : memref<128x64xf32, #tpu.memory_space<vmem>> -> memref<32x64xf32, #tpu.memory_space<vmem>>
        %dma_start3A_59 = arith.constant 0 : i32
        %dma_start3A_60 = tpu.memref_slice %arg4[%add3A_51, %dma_start3A_59] : memref<50000x64xf32, #tpu.memory_space<hbm>> -> memref<32x64xf32, #tpu.memory_space<hbm>>
        tpu.enqueue_dma source(%dma_start3A_60 : memref<32x64xf32, #tpu.memory_space<hbm>>) target(%dma_start3A_58 : memref<32x64xf32, #tpu.memory_space<vmem>>) target_semaphore(%run_scoped3A : memref<!tpu.dma_semaphore, #tpu.memory_space<semaphore_mem>>)
        %dma_wait3A = arith.constant 0 : i32
        %dma_wait3A_61 = arith.constant 0 : i32
        %dma_wait3A_62 = tpu.memref_slice %arg12[%dma_wait3A, %dma_wait3A_61] : memref<128x64xf32, #tpu.memory_space<vmem>> -> memref<32x64xf32, #tpu.memory_space<vmem>>
        %dma_wait3A_63 = arith.constant 0 : i32
        %dma_wait3A_64 = tpu.memref_slice %arg4[%add3A_51, %dma_wait3A_63] : memref<50000x64xf32, #tpu.memory_space<hbm>> -> memref<32x64xf32, #tpu.memory_space<hbm>>
        %dma_wait3A_65 = arith.constant 0 : i32
        %dma_wait3A_66 = arith.constant 0 : i32
        %dma_wait3A_67 = tpu.memref_slice %arg12[%dma_wait3A_65, %dma_wait3A_66] : memref<128x64xf32, #tpu.memory_space<vmem>> -> memref<32x64xf32, #tpu.memory_space<vmem>>
        %dma_wait3A_68 = arith.constant 0 : i32
        %dma_wait3A_69 = tpu.memref_slice %arg4[%add3A_51, %dma_wait3A_68] : memref<50000x64xf32, #tpu.memory_space<hbm>> -> memref<32x64xf32, #tpu.memory_space<hbm>>
        tpu.wait_dma2 semaphore(%run_scoped3A : memref<!tpu.dma_semaphore, #tpu.memory_space<semaphore_mem>>) src(%dma_wait3A_69 : memref<32x64xf32, #tpu.memory_space<hbm>>) dst(%dma_wait3A_67 : memref<32x64xf32, #tpu.memory_space<vmem>>)
        tpu.yield
      }) : () -> ()
      "tpu.region"() ({
        %run_scoped3A = tpu.sem_alloc : memref<!tpu.dma_semaphore, #tpu.memory_space<semaphore_mem>>
        %dma_start3A = arith.constant 0 : i32
        %dma_start3A_52 = arith.constant 0 : i32
        %dma_start3A_53 = tpu.memref_slice %arg12[%dma_start3A, %dma_start3A_52] : memref<128x64xf32, #tpu.memory_space<vmem>> -> memref<32x64xf32, #tpu.memory_space<vmem>>
        %dma_start3A_54 = arith.constant 0 : i32
        %dma_start3A_55 = tpu.memref_slice %arg7[%add3A_50, %dma_start3A_54] : memref<25008x64xf32, #tpu.memory_space<vmem_shared>> -> memref<32x64xf32, #tpu.memory_space<vmem_shared>>
        %dma_start3A_56 = arith.constant 0 : i32
        %dma_start3A_57 = tpu.memref_slice %arg7[%add3A_50, %dma_start3A_56] : memref<25008x64xf32, #tpu.memory_space<vmem_shared>> -> memref<32x64xf32, #tpu.memory_space<vmem_shared>>
        %dma_start3A_58 = arith.constant 0 : i32
        %dma_start3A_59 = arith.constant 0 : i32
        %dma_start3A_60 = tpu.memref_slice %arg12[%dma_start3A_58, %dma_start3A_59] : memref<128x64xf32, #tpu.memory_space<vmem>> -> memref<32x64xf32, #tpu.memory_space<vmem>>
        tpu.enqueue_dma source(%dma_start3A_60 : memref<32x64xf32, #tpu.memory_space<vmem>>) target(%dma_start3A_57 : memref<32x64xf32, #tpu.memory_space<vmem_shared>>) target_semaphore(%run_scoped3A : memref<!tpu.dma_semaphore, #tpu.memory_space<semaphore_mem>>)
        %dma_wait3A = arith.constant 0 : i32
        %dma_wait3A_61 = arith.constant 0 : i32
        %dma_wait3A_62 = tpu.memref_slice %arg12[%dma_wait3A, %dma_wait3A_61] : memref<128x64xf32, #tpu.memory_space<vmem>> -> memref<32x64xf32, #tpu.memory_space<vmem>>
        %dma_wait3A_63 = arith.constant 0 : i32
        %dma_wait3A_64 = tpu.memref_slice %arg7[%add3A_50, %dma_wait3A_63] : memref<25008x64xf32, #tpu.memory_space<vmem_shared>> -> memref<32x64xf32, #tpu.memory_space<vmem_shared>>
        %dma_wait3A_65 = arith.constant 0 : i32
        %dma_wait3A_66 = tpu.memref_slice %arg7[%add3A_50, %dma_wait3A_65] : memref<25008x64xf32, #tpu.memory_space<vmem_shared>> -> memref<32x64xf32, #tpu.memory_space<vmem_shared>>
        %dma_wait3A_67 = arith.constant 0 : i32
        %dma_wait3A_68 = arith.constant 0 : i32
        %dma_wait3A_69 = tpu.memref_slice %arg12[%dma_wait3A_67, %dma_wait3A_68] : memref<128x64xf32, #tpu.memory_space<vmem>> -> memref<32x64xf32, #tpu.memory_space<vmem>>
        tpu.wait_dma2 semaphore(%run_scoped3A : memref<!tpu.dma_semaphore, #tpu.memory_space<semaphore_mem>>) src(%dma_wait3A_69 : memref<32x64xf32, #tpu.memory_space<vmem>>) dst(%dma_wait3A_66 : memref<32x64xf32, #tpu.memory_space<vmem_shared>>)
        tpu.yield
      }) : () -> ()
    } else {
    }
    %eq3A = arith.constant 15 : i32
    %eq3A_3 = arith.cmpi eq, %arg1, %eq3A : i32
    %convert_element_type3A_4 = arith.extui %eq3A_3 : i1 to i32
    %cond3A_5 = arith.constant 0 : i32
    %cond3A_6 = arith.cmpi ne, %convert_element_type3A_4, %cond3A_5 : i32
    scf.if %cond3A_6 {
      %scan3A_41 = arith.constant 0 : i32
      %scan3A_42 = arith.constant 0 : i32
      %scan3A_43 = arith.constant 11 : i32
      %scan3A_44 = arith.addi %scan3A_42, %scan3A_43 : i32
      %scan3A_45 = arith.constant 1 : i32
      %scan3A_46 = scf.for %scan3A_49 = %scan3A_42 to %scan3A_44 step %scan3A_45 iter_args(%scan3A_50 = %scan3A_41) -> (i32)  : i32 {
        %mul3A_51 = arith.constant 128 : i32
        %mul3A_52 = arith.muli %scan3A_49, %mul3A_51 : i32
        %add3A_53 = arith.constant 23520 : i32
        %add3A_54 = arith.addi %add3A_53, %mul3A_52 : i32
        %add3A_55 = arith.addi %mul3A_0, %add3A_54 : i32
        "tpu.region"() ({
          %run_scoped3A = tpu.sem_alloc : memref<!tpu.dma_semaphore, #tpu.memory_space<semaphore_mem>>
          %dma_start3A = arith.constant 0 : i32
          %dma_start3A_57 = arith.constant 0 : i32
          %dma_start3A_58 = tpu.memref_slice %arg12[%dma_start3A, %dma_start3A_57] : memref<128x64xf32, #tpu.memory_space<vmem>> -> memref<128x64xf32, #tpu.memory_space<vmem>>
          %dma_start3A_59 = arith.constant 0 : i32
          %dma_start3A_60 = tpu.memref_slice %arg4[%add3A_55, %dma_start3A_59] : memref<50000x64xf32, #tpu.memory_space<hbm>> -> memref<128x64xf32, #tpu.memory_space<hbm>>
          %dma_start3A_61 = arith.constant 0 : i32
          %dma_start3A_62 = arith.constant 0 : i32
          %dma_start3A_63 = tpu.memref_slice %arg12[%dma_start3A_61, %dma_start3A_62] : memref<128x64xf32, #tpu.memory_space<vmem>> -> memref<128x64xf32, #tpu.memory_space<vmem>>
          %dma_start3A_64 = arith.constant 0 : i32
          %dma_start3A_65 = tpu.memref_slice %arg4[%add3A_55, %dma_start3A_64] : memref<50000x64xf32, #tpu.memory_space<hbm>> -> memref<128x64xf32, #tpu.memory_space<hbm>>
          tpu.enqueue_dma source(%dma_start3A_65 : memref<128x64xf32, #tpu.memory_space<hbm>>) target(%dma_start3A_63 : memref<128x64xf32, #tpu.memory_space<vmem>>) target_semaphore(%run_scoped3A : memref<!tpu.dma_semaphore, #tpu.memory_space<semaphore_mem>>)
          %dma_wait3A = arith.constant 0 : i32
          %dma_wait3A_66 = arith.constant 0 : i32
          %dma_wait3A_67 = tpu.memref_slice %arg12[%dma_wait3A, %dma_wait3A_66] : memref<128x64xf32, #tpu.memory_space<vmem>> -> memref<128x64xf32, #tpu.memory_space<vmem>>
          %dma_wait3A_68 = arith.constant 0 : i32
          %dma_wait3A_69 = tpu.memref_slice %arg4[%add3A_55, %dma_wait3A_68] : memref<50000x64xf32, #tpu.memory_space<hbm>> -> memref<128x64xf32, #tpu.memory_space<hbm>>
          %dma_wait3A_70 = arith.constant 0 : i32
          %dma_wait3A_71 = arith.constant 0 : i32
          %dma_wait3A_72 = tpu.memref_slice %arg12[%dma_wait3A_70, %dma_wait3A_71] : memref<128x64xf32, #tpu.memory_space<vmem>> -> memref<128x64xf32, #tpu.memory_space<vmem>>
          %dma_wait3A_73 = arith.constant 0 : i32
          %dma_wait3A_74 = tpu.memref_slice %arg4[%add3A_55, %dma_wait3A_73] : memref<50000x64xf32, #tpu.memory_space<hbm>> -> memref<128x64xf32, #tpu.memory_space<hbm>>
          tpu.wait_dma2 semaphore(%run_scoped3A : memref<!tpu.dma_semaphore, #tpu.memory_space<semaphore_mem>>) src(%dma_wait3A_74 : memref<128x64xf32, #tpu.memory_space<hbm>>) dst(%dma_wait3A_72 : memref<128x64xf32, #tpu.memory_space<vmem>>)
          tpu.yield
        }) : () -> ()
        "tpu.region"() ({
          %run_scoped3A = tpu.sem_alloc : memref<!tpu.dma_semaphore, #tpu.memory_space<semaphore_mem>>
          %dma_start3A = arith.constant 0 : i32
          %dma_start3A_57 = arith.constant 0 : i32
          %dma_start3A_58 = tpu.memref_slice %arg12[%dma_start3A, %dma_start3A_57] : memref<128x64xf32, #tpu.memory_space<vmem>> -> memref<128x64xf32, #tpu.memory_space<vmem>>
          %dma_start3A_59 = arith.constant 0 : i32
          %dma_start3A_60 = tpu.memref_slice %arg7[%add3A_54, %dma_start3A_59] : memref<25008x64xf32, #tpu.memory_space<vmem_shared>> -> memref<128x64xf32, #tpu.memory_space<vmem_shared>>
          %dma_start3A_61 = arith.constant 0 : i32
          %dma_start3A_62 = tpu.memref_slice %arg7[%add3A_54, %dma_start3A_61] : memref<25008x64xf32, #tpu.memory_space<vmem_shared>> -> memref<128x64xf32, #tpu.memory_space<vmem_shared>>
          %dma_start3A_63 = arith.constant 0 : i32
          %dma_start3A_64 = arith.constant 0 : i32
          %dma_start3A_65 = tpu.memref_slice %arg12[%dma_start3A_63, %dma_start3A_64] : memref<128x64xf32, #tpu.memory_space<vmem>> -> memref<128x64xf32, #tpu.memory_space<vmem>>
          tpu.enqueue_dma source(%dma_start3A_65 : memref<128x64xf32, #tpu.memory_space<vmem>>) target(%dma_start3A_62 : memref<128x64xf32, #tpu.memory_space<vmem_shared>>) target_semaphore(%run_scoped3A : memref<!tpu.dma_semaphore, #tpu.memory_space<semaphore_mem>>)
          %dma_wait3A = arith.constant 0 : i32
          %dma_wait3A_66 = arith.constant 0 : i32
          %dma_wait3A_67 = tpu.memref_slice %arg12[%dma_wait3A, %dma_wait3A_66] : memref<128x64xf32, #tpu.memory_space<vmem>> -> memref<128x64xf32, #tpu.memory_space<vmem>>
          %dma_wait3A_68 = arith.constant 0 : i32
          %dma_wait3A_69 = tpu.memref_slice %arg7[%add3A_54, %dma_wait3A_68] : memref<25008x64xf32, #tpu.memory_space<vmem_shared>> -> memref<128x64xf32, #tpu.memory_space<vmem_shared>>
          %dma_wait3A_70 = arith.constant 0 : i32
          %dma_wait3A_71 = tpu.memref_slice %arg7[%add3A_54, %dma_wait3A_70] : memref<25008x64xf32, #tpu.memory_space<vmem_shared>> -> memref<128x64xf32, #tpu.memory_space<vmem_shared>>
          %dma_wait3A_72 = arith.constant 0 : i32
          %dma_wait3A_73 = arith.constant 0 : i32
          %dma_wait3A_74 = tpu.memref_slice %arg12[%dma_wait3A_72, %dma_wait3A_73] : memref<128x64xf32, #tpu.memory_space<vmem>> -> memref<128x64xf32, #tpu.memory_space<vmem>>
          tpu.wait_dma2 semaphore(%run_scoped3A : memref<!tpu.dma_semaphore, #tpu.memory_space<semaphore_mem>>) src(%dma_wait3A_74 : memref<128x64xf32, #tpu.memory_space<vmem>>) dst(%dma_wait3A_71 : memref<128x64xf32, #tpu.memory_space<vmem_shared>>)
          tpu.yield
        }) : () -> ()
        %scan3A_56 = arith.constant 0 : i32
        scf.yield %scan3A_56 : i32
      }
      %scan3A_47 = arith.constant 11 : i32
      %add3A = arith.constant 24928 : i32
      %add3A_48 = arith.addi %mul3A_0, %add3A : i32
      "tpu.region"() ({
        %run_scoped3A = tpu.sem_alloc : memref<!tpu.dma_semaphore, #tpu.memory_space<semaphore_mem>>
        %dma_start3A = arith.constant 0 : i32
        %dma_start3A_49 = arith.constant 0 : i32
        %dma_start3A_50 = tpu.memref_slice %arg12[%dma_start3A, %dma_start3A_49] : memref<128x64xf32, #tpu.memory_space<vmem>> -> memref<72x64xf32, #tpu.memory_space<vmem>>
        %dma_start3A_51 = arith.constant 0 : i32
        %dma_start3A_52 = tpu.memref_slice %arg4[%add3A_48, %dma_start3A_51] : memref<50000x64xf32, #tpu.memory_space<hbm>> -> memref<72x64xf32, #tpu.memory_space<hbm>>
        %dma_start3A_53 = arith.constant 0 : i32
        %dma_start3A_54 = arith.constant 0 : i32
        %dma_start3A_55 = tpu.memref_slice %arg12[%dma_start3A_53, %dma_start3A_54] : memref<128x64xf32, #tpu.memory_space<vmem>> -> memref<72x64xf32, #tpu.memory_space<vmem>>
        %dma_start3A_56 = arith.constant 0 : i32
        %dma_start3A_57 = tpu.memref_slice %arg4[%add3A_48, %dma_start3A_56] : memref<50000x64xf32, #tpu.memory_space<hbm>> -> memref<72x64xf32, #tpu.memory_space<hbm>>
        tpu.enqueue_dma source(%dma_start3A_57 : memref<72x64xf32, #tpu.memory_space<hbm>>) target(%dma_start3A_55 : memref<72x64xf32, #tpu.memory_space<vmem>>) target_semaphore(%run_scoped3A : memref<!tpu.dma_semaphore, #tpu.memory_space<semaphore_mem>>)
        %dma_wait3A = arith.constant 0 : i32
        %dma_wait3A_58 = arith.constant 0 : i32
        %dma_wait3A_59 = tpu.memref_slice %arg12[%dma_wait3A, %dma_wait3A_58] : memref<128x64xf32, #tpu.memory_space<vmem>> -> memref<72x64xf32, #tpu.memory_space<vmem>>
        %dma_wait3A_60 = arith.constant 0 : i32
        %dma_wait3A_61 = tpu.memref_slice %arg4[%add3A_48, %dma_wait3A_60] : memref<50000x64xf32, #tpu.memory_space<hbm>> -> memref<72x64xf32, #tpu.memory_space<hbm>>
        %dma_wait3A_62 = arith.constant 0 : i32
        %dma_wait3A_63 = arith.constant 0 : i32
        %dma_wait3A_64 = tpu.memref_slice %arg12[%dma_wait3A_62, %dma_wait3A_63] : memref<128x64xf32, #tpu.memory_space<vmem>> -> memref<72x64xf32, #tpu.memory_space<vmem>>
        %dma_wait3A_65 = arith.constant 0 : i32
        %dma_wait3A_66 = tpu.memref_slice %arg4[%add3A_48, %dma_wait3A_65] : memref<50000x64xf32, #tpu.memory_space<hbm>> -> memref<72x64xf32, #tpu.memory_space<hbm>>
        tpu.wait_dma2 semaphore(%run_scoped3A : memref<!tpu.dma_semaphore, #tpu.memory_space<semaphore_mem>>) src(%dma_wait3A_66 : memref<72x64xf32, #tpu.memory_space<hbm>>) dst(%dma_wait3A_64 : memref<72x64xf32, #tpu.memory_space<vmem>>)
        tpu.yield
      }) : () -> ()
      "tpu.region"() ({
        %run_scoped3A = tpu.sem_alloc : memref<!tpu.dma_semaphore, #tpu.memory_space<semaphore_mem>>
        %dma_start3A = arith.constant 0 : i32
        %dma_start3A_49 = arith.constant 0 : i32
        %dma_start3A_50 = tpu.memref_slice %arg12[%dma_start3A, %dma_start3A_49] : memref<128x64xf32, #tpu.memory_space<vmem>> -> memref<72x64xf32, #tpu.memory_space<vmem>>
        %dma_start3A_51 = arith.constant 24928 : i32
        %dma_start3A_52 = arith.constant 0 : i32
        %dma_start3A_53 = tpu.memref_slice %arg7[%dma_start3A_51, %dma_start3A_52] : memref<25008x64xf32, #tpu.memory_space<vmem_shared>> -> memref<72x64xf32, #tpu.memory_space<vmem_shared>>
        %dma_start3A_54 = arith.constant 24928 : i32
        %dma_start3A_55 = arith.constant 0 : i32
        %dma_start3A_56 = tpu.memref_slice %arg7[%dma_start3A_54, %dma_start3A_55] : memref<25008x64xf32, #tpu.memory_space<vmem_shared>> -> memref<72x64xf32, #tpu.memory_space<vmem_shared>>
        %dma_start3A_57 = arith.constant 0 : i32
        %dma_start3A_58 = arith.constant 0 : i32
        %dma_start3A_59 = tpu.memref_slice %arg12[%dma_start3A_57, %dma_start3A_58] : memref<128x64xf32, #tpu.memory_space<vmem>> -> memref<72x64xf32, #tpu.memory_space<vmem>>
        tpu.enqueue_dma source(%dma_start3A_59 : memref<72x64xf32, #tpu.memory_space<vmem>>) target(%dma_start3A_56 : memref<72x64xf32, #tpu.memory_space<vmem_shared>>) target_semaphore(%run_scoped3A : memref<!tpu.dma_semaphore, #tpu.memory_space<semaphore_mem>>)
        %dma_wait3A = arith.constant 0 : i32
        %dma_wait3A_60 = arith.constant 0 : i32
        %dma_wait3A_61 = tpu.memref_slice %arg12[%dma_wait3A, %dma_wait3A_60] : memref<128x64xf32, #tpu.memory_space<vmem>> -> memref<72x64xf32, #tpu.memory_space<vmem>>
        %dma_wait3A_62 = arith.constant 24928 : i32
        %dma_wait3A_63 = arith.constant 0 : i32
        %dma_wait3A_64 = tpu.memref_slice %arg7[%dma_wait3A_62, %dma_wait3A_63] : memref<25008x64xf32, #tpu.memory_space<vmem_shared>> -> memref<72x64xf32, #tpu.memory_space<vmem_shared>>
        %dma_wait3A_65 = arith.constant 24928 : i32
        %dma_wait3A_66 = arith.constant 0 : i32
        %dma_wait3A_67 = tpu.memref_slice %arg7[%dma_wait3A_65, %dma_wait3A_66] : memref<25008x64xf32, #tpu.memory_space<vmem_shared>> -> memref<72x64xf32, #tpu.memory_space<vmem_shared>>
        %dma_wait3A_68 = arith.constant 0 : i32
        %dma_wait3A_69 = arith.constant 0 : i32
        %dma_wait3A_70 = tpu.memref_slice %arg12[%dma_wait3A_68, %dma_wait3A_69] : memref<128x64xf32, #tpu.memory_space<vmem>> -> memref<72x64xf32, #tpu.memory_space<vmem>>
        tpu.wait_dma2 semaphore(%run_scoped3A : memref<!tpu.dma_semaphore, #tpu.memory_space<semaphore_mem>>) src(%dma_wait3A_70 : memref<72x64xf32, #tpu.memory_space<vmem>>) dst(%dma_wait3A_67 : memref<72x64xf32, #tpu.memory_space<vmem_shared>>)
        tpu.yield
      }) : () -> ()
    } else {
    }
    %barrier3A = arith.constant 0 : index
    tpu.barrier barrier_id(%barrier3A)
    %broadcast_in_dim3A = arith.constant 0 : i32
    %broadcast_in_dim3A_7 = vector.broadcast %broadcast_in_dim3A : i32 to vector<16xi32>
    %broadcast_in_dim3A_8 = arith.constant 25000 : i32
    %broadcast_in_dim3A_9 = vector.broadcast %broadcast_in_dim3A_8 : i32 to vector<16xi32>
    %iota3A = tpu.iota {dimensions = array<i32: 0>} : vector<16xi32>
    %scan3A = arith.constant 0 : i32
    %scan3A_10 = arith.constant 0 : i32
    %scan3A_11 = arith.constant 25 : i32
    %scan3A_12 = arith.addi %scan3A_10, %scan3A_11 : i32
    %scan3A_13 = arith.constant 1 : i32
    %scan3A_14 = scf.for %scan3A_41 = %scan3A_10 to %scan3A_12 step %scan3A_13 iter_args(%scan3A_42 = %scan3A) -> (i32)  : i32 {
      %mul3A_43 = arith.constant 50000 : i32
      %mul3A_44 = arith.muli %arg1, %mul3A_43 : i32
      %mul3A_45 = arith.constant 2000 : i32
      %mul3A_46 = arith.muli %scan3A_41, %mul3A_45 : i32
      %add3A = arith.addi %mul3A_44, %mul3A_46 : i32
      %dma_start3A = tpu.memref_slice %arg2[%add3A] : memref<800000xi32, #tpu.memory_space<hbm>> -> memref<2000xi32, #tpu.memory_space<hbm>>
      %dma_start3A_47 = tpu.memref_slice %arg2[%add3A] : memref<800000xi32, #tpu.memory_space<hbm>> -> memref<2000xi32, #tpu.memory_space<hbm>>
      tpu.enqueue_dma source(%dma_start3A_47 : memref<2000xi32, #tpu.memory_space<hbm>>) target(%arg8 : memref<2000xi32, #tpu.memory_space<vmem>>) target_semaphore(%arg17 : memref<!tpu.dma_semaphore, #tpu.memory_space<semaphore_mem>>)
      %dma_start3A_48 = tpu.memref_slice %arg3[%add3A] : memref<800000xi32, #tpu.memory_space<hbm>> -> memref<2000xi32, #tpu.memory_space<hbm>>
      %dma_start3A_49 = tpu.memref_slice %arg3[%add3A] : memref<800000xi32, #tpu.memory_space<hbm>> -> memref<2000xi32, #tpu.memory_space<hbm>>
      tpu.enqueue_dma source(%dma_start3A_49 : memref<2000xi32, #tpu.memory_space<hbm>>) target(%arg9 : memref<2000xi32, #tpu.memory_space<vmem>>) target_semaphore(%arg18 : memref<!tpu.dma_semaphore, #tpu.memory_space<semaphore_mem>>)
      %dma_wait3A = tpu.memref_slice %arg2[%add3A] : memref<800000xi32, #tpu.memory_space<hbm>> -> memref<2000xi32, #tpu.memory_space<hbm>>
      %dma_wait3A_50 = tpu.memref_slice %arg2[%add3A] : memref<800000xi32, #tpu.memory_space<hbm>> -> memref<2000xi32, #tpu.memory_space<hbm>>
      tpu.wait_dma2 semaphore(%arg17 : memref<!tpu.dma_semaphore, #tpu.memory_space<semaphore_mem>>) src(%dma_wait3A_50 : memref<2000xi32, #tpu.memory_space<hbm>>) dst(%arg8 : memref<2000xi32, #tpu.memory_space<vmem>>)
      %dma_wait3A_51 = tpu.memref_slice %arg3[%add3A] : memref<800000xi32, #tpu.memory_space<hbm>> -> memref<2000xi32, #tpu.memory_space<hbm>>
      %dma_wait3A_52 = tpu.memref_slice %arg3[%add3A] : memref<800000xi32, #tpu.memory_space<hbm>> -> memref<2000xi32, #tpu.memory_space<hbm>>
      tpu.wait_dma2 semaphore(%arg18 : memref<!tpu.dma_semaphore, #tpu.memory_space<semaphore_mem>>) src(%dma_wait3A_52 : memref<2000xi32, #tpu.memory_space<hbm>>) dst(%arg9 : memref<2000xi32, #tpu.memory_space<vmem>>)
      %scan3A_53 = arith.constant 0 : i32
      %scan3A_54 = arith.constant 125 : i32
      %scan3A_55 = arith.addi %scan3A_53, %scan3A_54 : i32
      %scan3A_56 = arith.constant 1 : i32
      %scan3A_57 = scf.for %scan3A_83 = %scan3A_53 to %scan3A_55 step %scan3A_56 iter_args(%scan3A_84 = %scan3A_42) -> (i32)  : i32 {
        %mul3A_85 = arith.constant 16 : i32
        %mul3A_86 = arith.muli %scan3A_83, %mul3A_85 : i32
        %get3A = arith.index_cast %mul3A_86 : i32 to index
        %get3A_87 = tpu.vector_load %arg8[%get3A] {strides = array<i32>} : memref<2000xi32, #tpu.memory_space<vmem>>, vector<16xi32>,
        %mul3A_88 = arith.constant 16 : i32
        %mul3A_89 = arith.muli %scan3A_83, %mul3A_88 : i32
        %get3A_90 = arith.index_cast %mul3A_89 : i32 to index
        %get3A_91 = tpu.vector_load %arg9[%get3A_90] {strides = array<i32>} : memref<2000xi32, #tpu.memory_space<vmem>>, vector<16xi32>,
        %sub3A_92 = vector.broadcast %mul3A_0 : i32 to vector<16xi32>
        %sub3A_93 = arith.subi %get3A_91, %sub3A_92 : vector<16xi32>
        %ge3A = arith.constant 0 : i32
        %ge3A_94 = vector.broadcast %ge3A : i32 to vector<16xi32>
        %ge3A_95 = arith.cmpi sge, %sub3A_93, %ge3A_94 : vector<16xi32>
        %lt3A_96 = arith.constant 25000 : i32
        %lt3A_97 = vector.broadcast %lt3A_96 : i32 to vector<16xi32>
        %lt3A_98 = arith.cmpi slt, %sub3A_93, %lt3A_97 : vector<16xi32>
        %and3A_99 = arith.andi %ge3A_95, %lt3A_98 : vector<16xi1>
        %ne3A_100 = arith.cmpi ne, %get3A_87, %get3A_91 : vector<16xi32>
        %and3A_101 = arith.andi %and3A_99, %ne3A_100 : vector<16xi1>
        %convert_element_type3A_102 = arith.extui %and3A_101 : vector<16xi1> to vector<16xi32>
        %broadcast_in_dim3A_103 = arith.constant true
        %broadcast_in_dim3A_104 = vector.broadcast %broadcast_in_dim3A_103 : i1 to vector<16xi1>
        %masked_cumsum3A = tpu.scan <sum>, %convert_element_type3A_102 masked %broadcast_in_dim3A_104 : vector<16xi32>, vector<16xi1> -> vector<16xi32>
        %add3A_105 = vector.broadcast %scan3A_84 : i32 to vector<16xi32>
        %add3A_106 = arith.addi %add3A_105, %masked_cumsum3A : vector<16xi32>
        %sub3A_107 = arith.constant 1 : i32
        %sub3A_108 = vector.broadcast %sub3A_107 : i32 to vector<16xi32>
        %sub3A_109 = arith.subi %add3A_106, %sub3A_108 : vector<16xi32>
        %add3A_110 = arith.constant 2288 : i32
        %add3A_111 = vector.broadcast %add3A_110 : i32 to vector<16xi32>
        %add3A_112 = arith.addi %add3A_111, %iota3A : vector<16xi32>
        %select_n3A_113 = arith.select %and3A_101, %sub3A_109, %add3A_112 : vector<16xi1>, vector<16xi32>
        tpu.vector_store_idx %arg10[%select_n3A_113], %get3A_87 : memref<2304xi32, #tpu.memory_space<vmem>>[vector<16xi32>], vector<16xi32>,
        %shift_right_logical3A = arith.constant 7 : i32
        %shift_right_logical3A_114 = vector.broadcast %shift_right_logical3A : i32 to vector<16xi32>
        %shift_right_logical3A_115 = arith.shrui %select_n3A_113, %shift_right_logical3A_114 : vector<16xi32>
        %and3A_116 = arith.constant 127 : i32
        %and3A_117 = vector.broadcast %and3A_116 : i32 to vector<16xi32>
        %and3A_118 = arith.andi %select_n3A_113, %and3A_117 : vector<16xi32>
        tpu.vector_store_idx %arg11[%shift_right_logical3A_115, %and3A_118], %sub3A_93 : memref<18x128xi32, #tpu.memory_space<vmem>>[vector<16xi32>, vector<16xi32>], vector<16xi32>,
        %reduce_max3A = arith.constant true
        %reduce_max3A_119 = vector.broadcast %reduce_max3A : i1 to vector<16xi1>
        %reduce_max3A_120 = arith.constant -2147483648 : i32
        %reduce_max3A_121 = vector.broadcast %reduce_max3A_120 : i32 to vector<16xi32>
        %reduce_max3A_122 = arith.xori %masked_cumsum3A, %reduce_max3A_121 : vector<16xi32>
        %reduce_max3A_123 = tpu.scan <max>, %reduce_max3A_122 masked %reduce_max3A_119 : vector<16xi32>, vector<16xi1> -> vector<16xi32>
        %reduce_max3A_124 = arith.xori %reduce_max3A_123, %reduce_max3A_121 : vector<16xi32>
        %reduce_max3A_125 = vector.extract %reduce_max3A_124[15] : i32 from vector<16xi32>
        %add3A_126 = arith.addi %scan3A_84, %reduce_max3A_125 : i32
        scf.yield %add3A_126 : i32
      }
      %scan3A_58 = arith.constant 125 : i32
      %jit3A = arith.constant 128 : i32
      %div3A = arith.divsi %scan3A_57, %jit3A : i32
      %sign3A = arith.constant 0 : i32
      %sign3A_59 = arith.cmpi sgt, %scan3A_57, %sign3A : i32
      %sign3A_60 = arith.extui %sign3A_59 : i1 to i32
      %sign3A_61 = arith.constant 0 : i32
      %sign3A_62 = arith.cmpi slt, %scan3A_57, %sign3A_61 : i32
      %sign3A_63 = arith.extui %sign3A_62 : i1 to i32
      %sign3A_64 = arith.subi %sign3A_60, %sign3A_63 : i32
      %sign3A_65 = arith.constant 0 : i32
      %sign3A_66 = arith.cmpi sgt, %jit3A, %sign3A_65 : i32
      %sign3A_67 = arith.extui %sign3A_66 : i1 to i32
      %sign3A_68 = arith.constant 0 : i32
      %sign3A_69 = arith.cmpi slt, %jit3A, %sign3A_68 : i32
      %sign3A_70 = arith.extui %sign3A_69 : i1 to i32
      %sign3A_71 = arith.subi %sign3A_67, %sign3A_70 : i32
      %ne3A = arith.cmpi ne, %sign3A_64, %sign3A_71 : i32
      %rem3A = arith.remsi %scan3A_57, %jit3A : i32
      %ne3A_72 = arith.constant 0 : i32
      %ne3A_73 = arith.cmpi ne, %rem3A, %ne3A_72 : i32
      %and3A = arith.andi %ne3A, %ne3A_73 : i1
      %sub3A = arith.constant 1 : i32
      %sub3A_74 = arith.subi %div3A, %sub3A : i32
      %select_n3A = arith.select %and3A, %sub3A_74, %div3A : i32
      %gt3A_75 = arith.constant 0 : i32
      %gt3A_76 = arith.cmpi sgt, %select_n3A, %gt3A_75 : i32
      %convert_element_type3A_77 = arith.extui %gt3A_76 : i1 to i32
      %cond3A_78 = arith.constant 0 : i32
      %cond3A_79 = arith.cmpi ne, %convert_element_type3A_77, %cond3A_78 : i32
      scf.if %cond3A_79 {
        %dma_start3A_83 = arith.constant 0 : i32
        %dma_start3A_84 = tpu.memref_slice %arg10[%dma_start3A_83] : memref<2304xi32, #tpu.memory_space<vmem>> -> memref<128xi32, #tpu.memory_space<vmem>>
        %dma_start3A_85 = arith.constant 0 : i32
        %dma_start3A_86 = arith.constant 0 : i32
        %dma_start3A_87 = tpu.memref_slice %arg4[%dma_start3A_85, %dma_start3A_86] : memref<50000x64xf32, #tpu.memory_space<hbm>> -> memref<50000x64xf32, #tpu.memory_space<hbm>>
        tpu.enqueue_indirect_dma source(%dma_start3A_87 : memref<50000x64xf32, #tpu.memory_space<hbm>>) target(%arg12 : memref<128x64xf32, #tpu.memory_space<vmem>>) offsets(%dma_start3A_84 : memref<128xi32, #tpu.memory_space<vmem>>) semaphore(%arg19 : memref<!tpu.dma_semaphore, #tpu.memory_space<semaphore_mem>>)
        %while3A = arith.constant 0 : i32
        %while3A_88 = arith.constant 0 : i32
        %while3A_89 = arith.subi %select_n3A, %while3A : i32
        %while3A_90 = arith.addi %while3A, %while3A_89 : i32
        %while3A_91 = arith.constant 1 : i32
        %while3A_92 = arith.divsi %while3A_89, %while3A_91 : i32
        %while3A_93 = arith.muli %while3A_92, %while3A_91 : i32
        %while3A_94 = arith.addi %while3A, %while3A_93 : i32
        %while3A_95 = arith.constant 1 : i32
        %while3A_96 = scf.for %while3A_217 = %while3A to %while3A_94 step %while3A_95 iter_args(%while3A_218 = %while3A_88) -> (i32)  : i32 {
          %jit3A_219 = arith.constant 2 : i32
          %eq3A_220 = arith.constant 0 : i32
          %eq3A_221 = arith.cmpi eq, %jit3A_219, %eq3A_220 : i32
          %jit3A_222 = arith.constant 1 : i32
          %select_n3A_223 = arith.select %eq3A_221, %jit3A_222, %jit3A_219 : i32
          %rem3A_224 = arith.remsi %while3A_217, %select_n3A_223 : i32
          %ne3A_225 = arith.constant 0 : i32
          %ne3A_226 = arith.cmpi ne, %rem3A_224, %ne3A_225 : i32
          %lt3A_227 = arith.constant 0 : i32
          %lt3A_228 = arith.cmpi slt, %rem3A_224, %lt3A_227 : i32
          %lt3A_229 = arith.constant 0 : i32
          %lt3A_230 = arith.cmpi slt, %select_n3A_223, %lt3A_229 : i32
          %ne3A_231 = arith.xori %lt3A_228, %lt3A_230 : i1
          %and3A_232 = arith.andi %ne3A_231, %ne3A_226 : i1
          %add3A_233 = arith.addi %rem3A_224, %select_n3A_223 : i32
          %select_n3A_234 = arith.select %and3A_232, %add3A_233, %rem3A_224 : i32
          %eq3A_235 = arith.constant 0 : i32
          %eq3A_236 = arith.cmpi eq, %select_n3A_234, %eq3A_235 : i32
          %add3A_237 = arith.constant 1 : i32
          %add3A_238 = arith.addi %while3A_217, %add3A_237 : i32
          %lt3A_239 = arith.cmpi slt, %add3A_238, %select_n3A : i32
          %convert_element_type3A_240 = arith.extui %lt3A_239 : i1 to i32
          %cond3A_241 = arith.constant 0 : i32
          %cond3A_242 = arith.cmpi ne, %convert_element_type3A_240, %cond3A_241 : i32
          scf.if %cond3A_242 {
            %convert_element_type3A_251 = arith.extui %eq3A_236 : i1 to i32
            %cond3A_252 = arith.constant 0 : i32
            %cond3A_253 = arith.cmpi ne, %convert_element_type3A_251, %cond3A_252 : i32
            scf.if %cond3A_253 {
              %add3A_259 = arith.constant 1 : i32
              %add3A_260 = arith.addi %while3A_217, %add3A_259 : i32
              %mul3A_261 = arith.constant 128 : i32
              %mul3A_262 = arith.muli %add3A_260, %mul3A_261 : i32
              %dma_start3A_263 = tpu.memref_slice %arg10[%mul3A_262] : memref<2304xi32, #tpu.memory_space<vmem>> -> memref<128xi32, #tpu.memory_space<vmem>>
              %dma_start3A_264 = arith.constant 0 : i32
              %dma_start3A_265 = arith.constant 0 : i32
              %dma_start3A_266 = tpu.memref_slice %arg4[%dma_start3A_264, %dma_start3A_265] : memref<50000x64xf32, #tpu.memory_space<hbm>> -> memref<50000x64xf32, #tpu.memory_space<hbm>>
              tpu.enqueue_indirect_dma source(%dma_start3A_266 : memref<50000x64xf32, #tpu.memory_space<hbm>>) target(%arg13 : memref<128x64xf32, #tpu.memory_space<vmem>>) offsets(%dma_start3A_263 : memref<128xi32, #tpu.memory_space<vmem>>) semaphore(%arg20 : memref<!tpu.dma_semaphore, #tpu.memory_space<semaphore_mem>>)
            } else {
            }
            %not3A_254 = arith.constant true
            %not3A_255 = arith.xori %eq3A_236, %not3A_254 : i1
            %convert_element_type3A_256 = arith.extui %not3A_255 : i1 to i32
            %cond3A_257 = arith.constant 0 : i32
            %cond3A_258 = arith.cmpi ne, %convert_element_type3A_256, %cond3A_257 : i32
            scf.if %cond3A_258 {
              %add3A_259 = arith.constant 1 : i32
              %add3A_260 = arith.addi %while3A_217, %add3A_259 : i32
              %mul3A_261 = arith.constant 128 : i32
              %mul3A_262 = arith.muli %add3A_260, %mul3A_261 : i32
              %dma_start3A_263 = tpu.memref_slice %arg10[%mul3A_262] : memref<2304xi32, #tpu.memory_space<vmem>> -> memref<128xi32, #tpu.memory_space<vmem>>
              %dma_start3A_264 = arith.constant 0 : i32
              %dma_start3A_265 = arith.constant 0 : i32
              %dma_start3A_266 = tpu.memref_slice %arg4[%dma_start3A_264, %dma_start3A_265] : memref<50000x64xf32, #tpu.memory_space<hbm>> -> memref<50000x64xf32, #tpu.memory_space<hbm>>
              tpu.enqueue_indirect_dma source(%dma_start3A_266 : memref<50000x64xf32, #tpu.memory_space<hbm>>) target(%arg12 : memref<128x64xf32, #tpu.memory_space<vmem>>) offsets(%dma_start3A_263 : memref<128xi32, #tpu.memory_space<vmem>>) semaphore(%arg19 : memref<!tpu.dma_semaphore, #tpu.memory_space<semaphore_mem>>)
            } else {
            }
          } else {
          }
          %convert_element_type3A_243 = arith.extui %eq3A_236 : i1 to i32
          %cond3A_244 = arith.constant 0 : i32
          %cond3A_245 = arith.cmpi ne, %convert_element_type3A_243, %cond3A_244 : i32
          scf.if %cond3A_245 {
            %dma_wait3A_251 = arith.constant 0 : i32
            %dma_wait3A_252 = tpu.memref_slice %arg10[%dma_wait3A_251] : memref<2304xi32, #tpu.memory_space<vmem>> -> memref<128xi32, #tpu.memory_space<vmem>>
            %dma_wait3A_253 = arith.constant 0 : i32
            %dma_wait3A_254 = arith.constant 0 : i32
            %dma_wait3A_255 = tpu.memref_slice %arg4[%dma_wait3A_253, %dma_wait3A_254] : memref<50000x64xf32, #tpu.memory_space<hbm>> -> memref<50000x64xf32, #tpu.memory_space<hbm>>
            tpu.wait_indirect_dma semaphore(%arg19 : memref<!tpu.dma_semaphore, #tpu.memory_space<semaphore_mem>>) src(%dma_wait3A_255 : memref<50000x64xf32, #tpu.memory_space<hbm>>) dst(%arg12 : memref<128x64xf32, #tpu.memory_space<vmem>>)
            "tpu.region"() ({
              %run_scoped3A = tpu.sem_alloc : memref<!tpu.dma_semaphore, #tpu.memory_space<semaphore_mem>>
              %dma_start3A_256 = arith.constant 0 : i32
              %dma_start3A_257 = tpu.memref_slice %arg11[%while3A_217, %dma_start3A_256] : memref<18x128xi32, #tpu.memory_space<vmem>> -> memref<1x128xi32, #tpu.memory_space<vmem>>
              %dma_start3A_258 = tpu.memref_squeeze %dma_start3A_257 : memref<1x128xi32, #tpu.memory_space<vmem>> -> memref<128xi32, #tpu.memory_space<vmem>>
              %dma_start3A_259 = arith.constant 0 : i32
              %dma_start3A_260 = arith.constant 0 : i32
              %dma_start3A_261 = tpu.memref_slice %arg7[%dma_start3A_259, %dma_start3A_260] : memref<25008x64xf32, #tpu.memory_space<vmem_shared>> -> memref<25008x64xf32, #tpu.memory_space<vmem_shared>>
              tpu.enqueue_indirect_dma source(%arg12 : memref<128x64xf32, #tpu.memory_space<vmem>>) target(%dma_start3A_261 : memref<25008x64xf32, #tpu.memory_space<vmem_shared>>) offsets(%dma_start3A_258 : memref<128xi32, #tpu.memory_space<vmem>>) semaphore(%run_scoped3A : memref<!tpu.dma_semaphore, #tpu.memory_space<semaphore_mem>>) {add = true}
              %dma_wait3A_262 = arith.constant 0 : i32
              %dma_wait3A_263 = tpu.memref_slice %arg11[%while3A_217, %dma_wait3A_262] : memref<18x128xi32, #tpu.memory_space<vmem>> -> memref<1x128xi32, #tpu.memory_space<vmem>>
              %dma_wait3A_264 = tpu.memref_squeeze %dma_wait3A_263 : memref<1x128xi32, #tpu.memory_space<vmem>> -> memref<128xi32, #tpu.memory_space<vmem>>
              %dma_wait3A_265 = arith.constant 0 : i32
              %dma_wait3A_266 = arith.constant 0 : i32
              %dma_wait3A_267 = tpu.memref_slice %arg7[%dma_wait3A_265, %dma_wait3A_266] : memref<25008x64xf32, #tpu.memory_space<vmem_shared>> -> memref<25008x64xf32, #tpu.memory_space<vmem_shared>>
              tpu.wait_indirect_dma semaphore(%run_scoped3A : memref<!tpu.dma_semaphore, #tpu.memory_space<semaphore_mem>>) src(%arg12 : memref<128x64xf32, #tpu.memory_space<vmem>>) dst(%dma_wait3A_267 : memref<25008x64xf32, #tpu.memory_space<vmem_shared>>)
              tpu.yield
            }) : () -> ()
          } else {
          }
          %not3A = arith.constant true
          %not3A_246 = arith.xori %eq3A_236, %not3A : i1
          %convert_element_type3A_247 = arith.extui %not3A_246 : i1 to i32
          %cond3A_248 = arith.constant 0 : i32
          %cond3A_249 = arith.cmpi ne, %convert_element_type3A_247, %cond3A_248 : i32
          scf.if %cond3A_249 {
            %dma_wait3A_251 = arith.constant 0 : i32
            %dma_wait3A_252 = tpu.memref_slice %arg10[%dma_wait3A_251] : memref<2304xi32, #tpu.memory_space<vmem>> -> memref<128xi32, #tpu.memory_space<vmem>>
            %dma_wait3A_253 = arith.constant 0 : i32
            %dma_wait3A_254 = arith.constant 0 : i32
            %dma_wait3A_255 = tpu.memref_slice %arg4[%dma_wait3A_253, %dma_wait3A_254] : memref<50000x64xf32, #tpu.memory_space<hbm>> -> memref<50000x64xf32, #tpu.memory_space<hbm>>
            tpu.wait_indirect_dma semaphore(%arg20 : memref<!tpu.dma_semaphore, #tpu.memory_space<semaphore_mem>>) src(%dma_wait3A_255 : memref<50000x64xf32, #tpu.memory_space<hbm>>) dst(%arg13 : memref<128x64xf32, #tpu.memory_space<vmem>>)
            "tpu.region"() ({
              %run_scoped3A = tpu.sem_alloc : memref<!tpu.dma_semaphore, #tpu.memory_space<semaphore_mem>>
              %dma_start3A_256 = arith.constant 0 : i32
              %dma_start3A_257 = tpu.memref_slice %arg11[%while3A_217, %dma_start3A_256] : memref<18x128xi32, #tpu.memory_space<vmem>> -> memref<1x128xi32, #tpu.memory_space<vmem>>
              %dma_start3A_258 = tpu.memref_squeeze %dma_start3A_257 : memref<1x128xi32, #tpu.memory_space<vmem>> -> memref<128xi32, #tpu.memory_space<vmem>>
              %dma_start3A_259 = arith.constant 0 : i32
              %dma_start3A_260 = arith.constant 0 : i32
              %dma_start3A_261 = tpu.memref_slice %arg7[%dma_start3A_259, %dma_start3A_260] : memref<25008x64xf32, #tpu.memory_space<vmem_shared>> -> memref<25008x64xf32, #tpu.memory_space<vmem_shared>>
              tpu.enqueue_indirect_dma source(%arg13 : memref<128x64xf32, #tpu.memory_space<vmem>>) target(%dma_start3A_261 : memref<25008x64xf32, #tpu.memory_space<vmem_shared>>) offsets(%dma_start3A_258 : memref<128xi32, #tpu.memory_space<vmem>>) semaphore(%run_scoped3A : memref<!tpu.dma_semaphore, #tpu.memory_space<semaphore_mem>>) {add = true}
              %dma_wait3A_262 = arith.constant 0 : i32
              %dma_wait3A_263 = tpu.memref_slice %arg11[%while3A_217, %dma_wait3A_262] : memref<18x128xi32, #tpu.memory_space<vmem>> -> memref<1x128xi32, #tpu.memory_space<vmem>>
              %dma_wait3A_264 = tpu.memref_squeeze %dma_wait3A_263 : memref<1x128xi32, #tpu.memory_space<vmem>> -> memref<128xi32, #tpu.memory_space<vmem>>
              %dma_wait3A_265 = arith.constant 0 : i32
              %dma_wait3A_266 = arith.constant 0 : i32
              %dma_wait3A_267 = tpu.memref_slice %arg7[%dma_wait3A_265, %dma_wait3A_266] : memref<25008x64xf32, #tpu.memory_space<vmem_shared>> -> memref<25008x64xf32, #tpu.memory_space<vmem_shared>>
              tpu.wait_indirect_dma semaphore(%run_scoped3A : memref<!tpu.dma_semaphore, #tpu.memory_space<semaphore_mem>>) src(%arg13 : memref<128x64xf32, #tpu.memory_space<vmem>>) dst(%dma_wait3A_267 : memref<25008x64xf32, #tpu.memory_space<vmem_shared>>)
              tpu.yield
            }) : () -> ()
          } else {
          }
          %while3A_250 = arith.constant 0 : i32
          scf.yield %while3A_250 : i32
        }
        %while3A_97 = arith.constant 1 : i32
        %while3A_98 = scf.for %while3A_217 = %while3A_94 to %while3A_90 step %while3A_97 iter_args(%while3A_218 = %while3A_96) -> (i32)  : i32 {
          %jit3A_219 = arith.constant 2 : i32
          %eq3A_220 = arith.constant 0 : i32
          %eq3A_221 = arith.cmpi eq, %jit3A_219, %eq3A_220 : i32
          %jit3A_222 = arith.constant 1 : i32
          %select_n3A_223 = arith.select %eq3A_221, %jit3A_222, %jit3A_219 : i32
          %rem3A_224 = arith.remsi %while3A_217, %select_n3A_223 : i32
          %ne3A_225 = arith.constant 0 : i32
          %ne3A_226 = arith.cmpi ne, %rem3A_224, %ne3A_225 : i32
          %lt3A_227 = arith.constant 0 : i32
          %lt3A_228 = arith.cmpi slt, %rem3A_224, %lt3A_227 : i32
          %lt3A_229 = arith.constant 0 : i32
          %lt3A_230 = arith.cmpi slt, %select_n3A_223, %lt3A_229 : i32
          %ne3A_231 = arith.xori %lt3A_228, %lt3A_230 : i1
          %and3A_232 = arith.andi %ne3A_231, %ne3A_226 : i1
          %add3A_233 = arith.addi %rem3A_224, %select_n3A_223 : i32
          %select_n3A_234 = arith.select %and3A_232, %add3A_233, %rem3A_224 : i32
          %eq3A_235 = arith.constant 0 : i32
          %eq3A_236 = arith.cmpi eq, %select_n3A_234, %eq3A_235 : i32
          %add3A_237 = arith.constant 1 : i32
          %add3A_238 = arith.addi %while3A_217, %add3A_237 : i32
          %lt3A_239 = arith.cmpi slt, %add3A_238, %select_n3A : i32
          %convert_element_type3A_240 = arith.extui %lt3A_239 : i1 to i32
          %cond3A_241 = arith.constant 0 : i32
          %cond3A_242 = arith.cmpi ne, %convert_element_type3A_240, %cond3A_241 : i32
          scf.if %cond3A_242 {
            %convert_element_type3A_251 = arith.extui %eq3A_236 : i1 to i32
            %cond3A_252 = arith.constant 0 : i32
            %cond3A_253 = arith.cmpi ne, %convert_element_type3A_251, %cond3A_252 : i32
            scf.if %cond3A_253 {
              %add3A_259 = arith.constant 1 : i32
              %add3A_260 = arith.addi %while3A_217, %add3A_259 : i32
              %mul3A_261 = arith.constant 128 : i32
              %mul3A_262 = arith.muli %add3A_260, %mul3A_261 : i32
              %dma_start3A_263 = tpu.memref_slice %arg10[%mul3A_262] : memref<2304xi32, #tpu.memory_space<vmem>> -> memref<128xi32, #tpu.memory_space<vmem>>
              %dma_start3A_264 = arith.constant 0 : i32
              %dma_start3A_265 = arith.constant 0 : i32
              %dma_start3A_266 = tpu.memref_slice %arg4[%dma_start3A_264, %dma_start3A_265] : memref<50000x64xf32, #tpu.memory_space<hbm>> -> memref<50000x64xf32, #tpu.memory_space<hbm>>
              tpu.enqueue_indirect_dma source(%dma_start3A_266 : memref<50000x64xf32, #tpu.memory_space<hbm>>) target(%arg13 : memref<128x64xf32, #tpu.memory_space<vmem>>) offsets(%dma_start3A_263 : memref<128xi32, #tpu.memory_space<vmem>>) semaphore(%arg20 : memref<!tpu.dma_semaphore, #tpu.memory_space<semaphore_mem>>)
            } else {
            }
            %not3A_254 = arith.constant true
            %not3A_255 = arith.xori %eq3A_236, %not3A_254 : i1
            %convert_element_type3A_256 = arith.extui %not3A_255 : i1 to i32
            %cond3A_257 = arith.constant 0 : i32
            %cond3A_258 = arith.cmpi ne, %convert_element_type3A_256, %cond3A_257 : i32
            scf.if %cond3A_258 {
              %add3A_259 = arith.constant 1 : i32
              %add3A_260 = arith.addi %while3A_217, %add3A_259 : i32
              %mul3A_261 = arith.constant 128 : i32
              %mul3A_262 = arith.muli %add3A_260, %mul3A_261 : i32
              %dma_start3A_263 = tpu.memref_slice %arg10[%mul3A_262] : memref<2304xi32, #tpu.memory_space<vmem>> -> memref<128xi32, #tpu.memory_space<vmem>>
              %dma_start3A_264 = arith.constant 0 : i32
              %dma_start3A_265 = arith.constant 0 : i32
              %dma_start3A_266 = tpu.memref_slice %arg4[%dma_start3A_264, %dma_start3A_265] : memref<50000x64xf32, #tpu.memory_space<hbm>> -> memref<50000x64xf32, #tpu.memory_space<hbm>>
              tpu.enqueue_indirect_dma source(%dma_start3A_266 : memref<50000x64xf32, #tpu.memory_space<hbm>>) target(%arg12 : memref<128x64xf32, #tpu.memory_space<vmem>>) offsets(%dma_start3A_263 : memref<128xi32, #tpu.memory_space<vmem>>) semaphore(%arg19 : memref<!tpu.dma_semaphore, #tpu.memory_space<semaphore_mem>>)
            } else {
            }
          } else {
          }
          %convert_element_type3A_243 = arith.extui %eq3A_236 : i1 to i32
          %cond3A_244 = arith.constant 0 : i32
          %cond3A_245 = arith.cmpi ne, %convert_element_type3A_243, %cond3A_244 : i32
          scf.if %cond3A_245 {
            %dma_wait3A_251 = arith.constant 0 : i32
            %dma_wait3A_252 = tpu.memref_slice %arg10[%dma_wait3A_251] : memref<2304xi32, #tpu.memory_space<vmem>> -> memref<128xi32, #tpu.memory_space<vmem>>
            %dma_wait3A_253 = arith.constant 0 : i32
            %dma_wait3A_254 = arith.constant 0 : i32
            %dma_wait3A_255 = tpu.memref_slice %arg4[%dma_wait3A_253, %dma_wait3A_254] : memref<50000x64xf32, #tpu.memory_space<hbm>> -> memref<50000x64xf32, #tpu.memory_space<hbm>>
            tpu.wait_indirect_dma semaphore(%arg19 : memref<!tpu.dma_semaphore, #tpu.memory_space<semaphore_mem>>) src(%dma_wait3A_255 : memref<50000x64xf32, #tpu.memory_space<hbm>>) dst(%arg12 : memref<128x64xf32, #tpu.memory_space<vmem>>)
            "tpu.region"() ({
              %run_scoped3A = tpu.sem_alloc : memref<!tpu.dma_semaphore, #tpu.memory_space<semaphore_mem>>
              %dma_start3A_256 = arith.constant 0 : i32
              %dma_start3A_257 = tpu.memref_slice %arg11[%while3A_217, %dma_start3A_256] : memref<18x128xi32, #tpu.memory_space<vmem>> -> memref<1x128xi32, #tpu.memory_space<vmem>>
              %dma_start3A_258 = tpu.memref_squeeze %dma_start3A_257 : memref<1x128xi32, #tpu.memory_space<vmem>> -> memref<128xi32, #tpu.memory_space<vmem>>
              %dma_start3A_259 = arith.constant 0 : i32
              %dma_start3A_260 = arith.constant 0 : i32
              %dma_start3A_261 = tpu.memref_slice %arg7[%dma_start3A_259, %dma_start3A_260] : memref<25008x64xf32, #tpu.memory_space<vmem_shared>> -> memref<25008x64xf32, #tpu.memory_space<vmem_shared>>
              tpu.enqueue_indirect_dma source(%arg12 : memref<128x64xf32, #tpu.memory_space<vmem>>) target(%dma_start3A_261 : memref<25008x64xf32, #tpu.memory_space<vmem_shared>>) offsets(%dma_start3A_258 : memref<128xi32, #tpu.memory_space<vmem>>) semaphore(%run_scoped3A : memref<!tpu.dma_semaphore, #tpu.memory_space<semaphore_mem>>) {add = true}
              %dma_wait3A_262 = arith.constant 0 : i32
              %dma_wait3A_263 = tpu.memref_slice %arg11[%while3A_217, %dma_wait3A_262] : memref<18x128xi32, #tpu.memory_space<vmem>> -> memref<1x128xi32, #tpu.memory_space<vmem>>
              %dma_wait3A_264 = tpu.memref_squeeze %dma_wait3A_263 : memref<1x128xi32, #tpu.memory_space<vmem>> -> memref<128xi32, #tpu.memory_space<vmem>>
              %dma_wait3A_265 = arith.constant 0 : i32
              %dma_wait3A_266 = arith.constant 0 : i32
              %dma_wait3A_267 = tpu.memref_slice %arg7[%dma_wait3A_265, %dma_wait3A_266] : memref<25008x64xf32, #tpu.memory_space<vmem_shared>> -> memref<25008x64xf32, #tpu.memory_space<vmem_shared>>
              tpu.wait_indirect_dma semaphore(%run_scoped3A : memref<!tpu.dma_semaphore, #tpu.memory_space<semaphore_mem>>) src(%arg12 : memref<128x64xf32, #tpu.memory_space<vmem>>) dst(%dma_wait3A_267 : memref<25008x64xf32, #tpu.memory_space<vmem_shared>>)
              tpu.yield
            }) : () -> ()
          } else {
          }
          %not3A = arith.constant true
          %not3A_246 = arith.xori %eq3A_236, %not3A : i1
          %convert_element_type3A_247 = arith.extui %not3A_246 : i1 to i32
          %cond3A_248 = arith.constant 0 : i32
          %cond3A_249 = arith.cmpi ne, %convert_element_type3A_247, %cond3A_248 : i32
          scf.if %cond3A_249 {
            %dma_wait3A_251 = arith.constant 0 : i32
            %dma_wait3A_252 = tpu.memref_slice %arg10[%dma_wait3A_251] : memref<2304xi32, #tpu.memory_space<vmem>> -> memref<128xi32, #tpu.memory_space<vmem>>
            %dma_wait3A_253 = arith.constant 0 : i32
            %dma_wait3A_254 = arith.constant 0 : i32
            %dma_wait3A_255 = tpu.memref_slice %arg4[%dma_wait3A_253, %dma_wait3A_254] : memref<50000x64xf32, #tpu.memory_space<hbm>> -> memref<50000x64xf32, #tpu.memory_space<hbm>>
            tpu.wait_indirect_dma semaphore(%arg20 : memref<!tpu.dma_semaphore, #tpu.memory_space<semaphore_mem>>) src(%dma_wait3A_255 : memref<50000x64xf32, #tpu.memory_space<hbm>>) dst(%arg13 : memref<128x64xf32, #tpu.memory_space<vmem>>)
            "tpu.region"() ({
              %run_scoped3A = tpu.sem_alloc : memref<!tpu.dma_semaphore, #tpu.memory_space<semaphore_mem>>
              %dma_start3A_256 = arith.constant 0 : i32
              %dma_start3A_257 = tpu.memref_slice %arg11[%while3A_217, %dma_start3A_256] : memref<18x128xi32, #tpu.memory_space<vmem>> -> memref<1x128xi32, #tpu.memory_space<vmem>>
              %dma_start3A_258 = tpu.memref_squeeze %dma_start3A_257 : memref<1x128xi32, #tpu.memory_space<vmem>> -> memref<128xi32, #tpu.memory_space<vmem>>
              %dma_start3A_259 = arith.constant 0 : i32
              %dma_start3A_260 = arith.constant 0 : i32
              %dma_start3A_261 = tpu.memref_slice %arg7[%dma_start3A_259, %dma_start3A_260] : memref<25008x64xf32, #tpu.memory_space<vmem_shared>> -> memref<25008x64xf32, #tpu.memory_space<vmem_shared>>
              tpu.enqueue_indirect_dma source(%arg13 : memref<128x64xf32, #tpu.memory_space<vmem>>) target(%dma_start3A_261 : memref<25008x64xf32, #tpu.memory_space<vmem_shared>>) offsets(%dma_start3A_258 : memref<128xi32, #tpu.memory_space<vmem>>) semaphore(%run_scoped3A : memref<!tpu.dma_semaphore, #tpu.memory_space<semaphore_mem>>) {add = true}
              %dma_wait3A_262 = arith.constant 0 : i32
              %dma_wait3A_263 = tpu.memref_slice %arg11[%while3A_217, %dma_wait3A_262] : memref<18x128xi32, #tpu.memory_space<vmem>> -> memref<1x128xi32, #tpu.memory_space<vmem>>
              %dma_wait3A_264 = tpu.memref_squeeze %dma_wait3A_263 : memref<1x128xi32, #tpu.memory_space<vmem>> -> memref<128xi32, #tpu.memory_space<vmem>>
              %dma_wait3A_265 = arith.constant 0 : i32
              %dma_wait3A_266 = arith.constant 0 : i32
              %dma_wait3A_267 = tpu.memref_slice %arg7[%dma_wait3A_265, %dma_wait3A_266] : memref<25008x64xf32, #tpu.memory_space<vmem_shared>> -> memref<25008x64xf32, #tpu.memory_space<vmem_shared>>
              tpu.wait_indirect_dma semaphore(%run_scoped3A : memref<!tpu.dma_semaphore, #tpu.memory_space<semaphore_mem>>) src(%arg13 : memref<128x64xf32, #tpu.memory_space<vmem>>) dst(%dma_wait3A_267 : memref<25008x64xf32, #tpu.memory_space<vmem_shared>>)
              tpu.yield
            }) : () -> ()
          } else {
          }
          %while3A_250 = arith.constant 0 : i32
          scf.yield %while3A_250 : i32
        }
        %mul3A_99 = arith.constant 128 : i32
        %mul3A_100 = arith.muli %select_n3A, %mul3A_99 : i32
        %add3A_101 = arith.constant 0 : i32
        %add3A_102 = arith.addi %mul3A_100, %add3A_101 : i32
        %get3A = arith.index_cast %add3A_102 : i32 to index
        %get3A_103 = tpu.vector_load %arg10[%get3A] {strides = array<i32>} : memref<2304xi32, #tpu.memory_space<vmem>>, vector<16xi32>,
        %swap3A = arith.constant 0 : index
        %swap3A_104 = tpu.vector_load %arg10[%swap3A] {strides = array<i32>} : memref<2304xi32, #tpu.memory_space<vmem>>, vector<16xi32>,
        tpu.vector_store %arg10[%swap3A], %get3A_103 {strides = array<i32>} : memref<2304xi32, #tpu.memory_space<vmem>>, vector<16xi32>,
        %get3A_105 = arith.index_cast %select_n3A : i32 to index
        %get3A_106 = arith.constant 0 : index
        %get3A_107 = tpu.vector_load %arg11[%get3A_105, %get3A_106] {strides = array<i32>} : memref<18x128xi32, #tpu.memory_space<vmem>>, vector<16xi32>,
        %swap3A_108 = arith.constant 0 : i32
        %swap3A_109 = arith.index_cast %swap3A_108 : i32 to index
        %swap3A_110 = arith.constant 0 : index
        %swap3A_111 = tpu.vector_load %arg11[%swap3A_109, %swap3A_110] {strides = array<i32>} : memref<18x128xi32, #tpu.memory_space<vmem>>, vector<16xi32>,
        tpu.vector_store %arg11[%swap3A_109, %swap3A_110], %get3A_107 {strides = array<i32>} : memref<18x128xi32, #tpu.memory_space<vmem>>, vector<16xi32>,
        %mul3A_112 = arith.constant 128 : i32
        %mul3A_113 = arith.muli %select_n3A, %mul3A_112 : i32
        %add3A_114 = arith.constant 16 : i32
        %add3A_115 = arith.addi %mul3A_113, %add3A_114 : i32
        %get3A_116 = arith.index_cast %add3A_115 : i32 to index
        %get3A_117 = tpu.vector_load %arg10[%get3A_116] {strides = array<i32>} : memref<2304xi32, #tpu.memory_space<vmem>>, vector<16xi32>,
        %swap3A_118 = arith.constant 16 : index
        %swap3A_119 = tpu.vector_load %arg10[%swap3A_118] {strides = array<i32>} : memref<2304xi32, #tpu.memory_space<vmem>>, vector<16xi32>,
        tpu.vector_store %arg10[%swap3A_118], %get3A_117 {strides = array<i32>} : memref<2304xi32, #tpu.memory_space<vmem>>, vector<16xi32>,
        %get3A_120 = arith.index_cast %select_n3A : i32 to index
        %get3A_121 = arith.constant 16 : index
        %get3A_122 = tpu.vector_load %arg11[%get3A_120, %get3A_121] {strides = array<i32>} : memref<18x128xi32, #tpu.memory_space<vmem>>, vector<16xi32>,
        %swap3A_123 = arith.constant 0 : i32
        %swap3A_124 = arith.index_cast %swap3A_123 : i32 to index
        %swap3A_125 = arith.constant 16 : index
        %swap3A_126 = tpu.vector_load %arg11[%swap3A_124, %swap3A_125] {strides = array<i32>} : memref<18x128xi32, #tpu.memory_space<vmem>>, vector<16xi32>,
        tpu.vector_store %arg11[%swap3A_124, %swap3A_125], %get3A_122 {strides = array<i32>} : memref<18x128xi32, #tpu.memory_space<vmem>>, vector<16xi32>,
        %mul3A_127 = arith.constant 128 : i32
        %mul3A_128 = arith.muli %select_n3A, %mul3A_127 : i32
        %add3A_129 = arith.constant 32 : i32
        %add3A_130 = arith.addi %mul3A_128, %add3A_129 : i32
        %get3A_131 = arith.index_cast %add3A_130 : i32 to index
        %get3A_132 = tpu.vector_load %arg10[%get3A_131] {strides = array<i32>} : memref<2304xi32, #tpu.memory_space<vmem>>, vector<16xi32>,
        %swap3A_133 = arith.constant 32 : index
        %swap3A_134 = tpu.vector_load %arg10[%swap3A_133] {strides = array<i32>} : memref<2304xi32, #tpu.memory_space<vmem>>, vector<16xi32>,
        tpu.vector_store %arg10[%swap3A_133], %get3A_132 {strides = array<i32>} : memref<2304xi32, #tpu.memory_space<vmem>>, vector<16xi32>,
        %get3A_135 = arith.index_cast %select_n3A : i32 to index
        %get3A_136 = arith.constant 32 : index
        %get3A_137 = tpu.vector_load %arg11[%get3A_135, %get3A_136] {strides = array<i32>} : memref<18x128xi32, #tpu.memory_space<vmem>>, vector<16xi32>,
        %swap3A_138 = arith.constant 0 : i32
        %swap3A_139 = arith.index_cast %swap3A_138 : i32 to index
        %swap3A_140 = arith.constant 32 : index
        %swap3A_141 = tpu.vector_load %arg11[%swap3A_139, %swap3A_140] {strides = array<i32>} : memref<18x128xi32, #tpu.memory_space<vmem>>, vector<16xi32>,
        tpu.vector_store %arg11[%swap3A_139, %swap3A_140], %get3A_137 {strides = array<i32>} : memref<18x128xi32, #tpu.memory_space<vmem>>, vector<16xi32>,
        %mul3A_142 = arith.constant 128 : i32
        %mul3A_143 = arith.muli %select_n3A, %mul3A_142 : i32
        %add3A_144 = arith.constant 48 : i32
        %add3A_145 = arith.addi %mul3A_143, %add3A_144 : i32
        %get3A_146 = arith.index_cast %add3A_145 : i32 to index
        %get3A_147 = tpu.vector_load %arg10[%get3A_146] {strides = array<i32>} : memref<2304xi32, #tpu.memory_space<vmem>>, vector<16xi32>,
        %swap3A_148 = arith.constant 48 : index
        %swap3A_149 = tpu.vector_load %arg10[%swap3A_148] {strides = array<i32>} : memref<2304xi32, #tpu.memory_space<vmem>>, vector<16xi32>,
        tpu.vector_store %arg10[%swap3A_148], %get3A_147 {strides = array<i32>} : memref<2304xi32, #tpu.memory_space<vmem>>, vector<16xi32>,
        %get3A_150 = arith.index_cast %select_n3A : i32 to index
        %get3A_151 = arith.constant 48 : index
        %get3A_152 = tpu.vector_load %arg11[%get3A_150, %get3A_151] {strides = array<i32>} : memref<18x128xi32, #tpu.memory_space<vmem>>, vector<16xi32>,
        %swap3A_153 = arith.constant 0 : i32
        %swap3A_154 = arith.index_cast %swap3A_153 : i32 to index
        %swap3A_155 = arith.constant 48 : index
        %swap3A_156 = tpu.vector_load %arg11[%swap3A_154, %swap3A_155] {strides = array<i32>} : memref<18x128xi32, #tpu.memory_space<vmem>>, vector<16xi32>,
        tpu.vector_store %arg11[%swap3A_154, %swap3A_155], %get3A_152 {strides = array<i32>} : memref<18x128xi32, #tpu.memory_space<vmem>>, vector<16xi32>,
        %mul3A_157 = arith.constant 128 : i32
        %mul3A_158 = arith.muli %select_n3A, %mul3A_157 : i32
        %add3A_159 = arith.constant 64 : i32
        %add3A_160 = arith.addi %mul3A_158, %add3A_159 : i32
        %get3A_161 = arith.index_cast %add3A_160 : i32 to index
        %get3A_162 = tpu.vector_load %arg10[%get3A_161] {strides = array<i32>} : memref<2304xi32, #tpu.memory_space<vmem>>, vector<16xi32>,
        %swap3A_163 = arith.constant 64 : index
        %swap3A_164 = tpu.vector_load %arg10[%swap3A_163] {strides = array<i32>} : memref<2304xi32, #tpu.memory_space<vmem>>, vector<16xi32>,
        tpu.vector_store %arg10[%swap3A_163], %get3A_162 {strides = array<i32>} : memref<2304xi32, #tpu.memory_space<vmem>>, vector<16xi32>,
        %get3A_165 = arith.index_cast %select_n3A : i32 to index
        %get3A_166 = arith.constant 64 : index
        %get3A_167 = tpu.vector_load %arg11[%get3A_165, %get3A_166] {strides = array<i32>} : memref<18x128xi32, #tpu.memory_space<vmem>>, vector<16xi32>,
        %swap3A_168 = arith.constant 0 : i32
        %swap3A_169 = arith.index_cast %swap3A_168 : i32 to index
        %swap3A_170 = arith.constant 64 : index
        %swap3A_171 = tpu.vector_load %arg11[%swap3A_169, %swap3A_170] {strides = array<i32>} : memref<18x128xi32, #tpu.memory_space<vmem>>, vector<16xi32>,
        tpu.vector_store %arg11[%swap3A_169, %swap3A_170], %get3A_167 {strides = array<i32>} : memref<18x128xi32, #tpu.memory_space<vmem>>, vector<16xi32>,
        %mul3A_172 = arith.constant 128 : i32
        %mul3A_173 = arith.muli %select_n3A, %mul3A_172 : i32
        %add3A_174 = arith.constant 80 : i32
        %add3A_175 = arith.addi %mul3A_173, %add3A_174 : i32
        %get3A_176 = arith.index_cast %add3A_175 : i32 to index
        %get3A_177 = tpu.vector_load %arg10[%get3A_176] {strides = array<i32>} : memref<2304xi32, #tpu.memory_space<vmem>>, vector<16xi32>,
        %swap3A_178 = arith.constant 80 : index
        %swap3A_179 = tpu.vector_load %arg10[%swap3A_178] {strides = array<i32>} : memref<2304xi32, #tpu.memory_space<vmem>>, vector<16xi32>,
        tpu.vector_store %arg10[%swap3A_178], %get3A_177 {strides = array<i32>} : memref<2304xi32, #tpu.memory_space<vmem>>, vector<16xi32>,
        %get3A_180 = arith.index_cast %select_n3A : i32 to index
        %get3A_181 = arith.constant 80 : index
        %get3A_182 = tpu.vector_load %arg11[%get3A_180, %get3A_181] {strides = array<i32>} : memref<18x128xi32, #tpu.memory_space<vmem>>, vector<16xi32>,
        %swap3A_183 = arith.constant 0 : i32
        %swap3A_184 = arith.index_cast %swap3A_183 : i32 to index
        %swap3A_185 = arith.constant 80 : index
        %swap3A_186 = tpu.vector_load %arg11[%swap3A_184, %swap3A_185] {strides = array<i32>} : memref<18x128xi32, #tpu.memory_space<vmem>>, vector<16xi32>,
        tpu.vector_store %arg11[%swap3A_184, %swap3A_185], %get3A_182 {strides = array<i32>} : memref<18x128xi32, #tpu.memory_space<vmem>>, vector<16xi32>,
        %mul3A_187 = arith.constant 128 : i32
        %mul3A_188 = arith.muli %select_n3A, %mul3A_187 : i32
        %add3A_189 = arith.constant 96 : i32
        %add3A_190 = arith.addi %mul3A_188, %add3A_189 : i32
        %get3A_191 = arith.index_cast %add3A_190 : i32 to index
        %get3A_192 = tpu.vector_load %arg10[%get3A_191] {strides = array<i32>} : memref<2304xi32, #tpu.memory_space<vmem>>, vector<16xi32>,
        %swap3A_193 = arith.constant 96 : index
        %swap3A_194 = tpu.vector_load %arg10[%swap3A_193] {strides = array<i32>} : memref<2304xi32, #tpu.memory_space<vmem>>, vector<16xi32>,
        tpu.vector_store %arg10[%swap3A_193], %get3A_192 {strides = array<i32>} : memref<2304xi32, #tpu.memory_space<vmem>>, vector<16xi32>,
        %get3A_195 = arith.index_cast %select_n3A : i32 to index
        %get3A_196 = arith.constant 96 : index
        %get3A_197 = tpu.vector_load %arg11[%get3A_195, %get3A_196] {strides = array<i32>} : memref<18x128xi32, #tpu.memory_space<vmem>>, vector<16xi32>,
        %swap3A_198 = arith.constant 0 : i32
        %swap3A_199 = arith.index_cast %swap3A_198 : i32 to index
        %swap3A_200 = arith.constant 96 : index
        %swap3A_201 = tpu.vector_load %arg11[%swap3A_199, %swap3A_200] {strides = array<i32>} : memref<18x128xi32, #tpu.memory_space<vmem>>, vector<16xi32>,
        tpu.vector_store %arg11[%swap3A_199, %swap3A_200], %get3A_197 {strides = array<i32>} : memref<18x128xi32, #tpu.memory_space<vmem>>, vector<16xi32>,
        %mul3A_202 = arith.constant 128 : i32
        %mul3A_203 = arith.muli %select_n3A, %mul3A_202 : i32
        %add3A_204 = arith.constant 112 : i32
        %add3A_205 = arith.addi %mul3A_203, %add3A_204 : i32
        %get3A_206 = arith.index_cast %add3A_205 : i32 to index
        %get3A_207 = tpu.vector_load %arg10[%get3A_206] {strides = array<i32>} : memref<2304xi32, #tpu.memory_space<vmem>>, vector<16xi32>,
        %swap3A_208 = arith.constant 112 : index
        %swap3A_209 = tpu.vector_load %arg10[%swap3A_208] {strides = array<i32>} : memref<2304xi32, #tpu.memory_space<vmem>>, vector<16xi32>,
        tpu.vector_store %arg10[%swap3A_208], %get3A_207 {strides = array<i32>} : memref<2304xi32, #tpu.memory_space<vmem>>, vector<16xi32>,
        %get3A_210 = arith.index_cast %select_n3A : i32 to index
        %get3A_211 = arith.constant 112 : index
        %get3A_212 = tpu.vector_load %arg11[%get3A_210, %get3A_211] {strides = array<i32>} : memref<18x128xi32, #tpu.memory_space<vmem>>, vector<16xi32>,
        %swap3A_213 = arith.constant 0 : i32
        %swap3A_214 = arith.index_cast %swap3A_213 : i32 to index
        %swap3A_215 = arith.constant 112 : index
        %swap3A_216 = tpu.vector_load %arg11[%swap3A_214, %swap3A_215] {strides = array<i32>} : memref<18x128xi32, #tpu.memory_space<vmem>>, vector<16xi32>,
        tpu.vector_store %arg11[%swap3A_214, %swap3A_215], %get3A_212 {strides = array<i32>} : memref<18x128xi32, #tpu.memory_space<vmem>>, vector<16xi32>,
      } else {
      }
      %mul3A_80 = arith.constant 128 : i32
      %mul3A_81 = arith.muli %select_n3A, %mul3A_80 : i32
      %sub3A_82 = arith.subi %scan3A_57, %mul3A_81 : i32
      scf.yield %sub3A_82 : i32
    }
    %scan3A_15 = arith.constant 25 : i32
    %lt3A_16 = arith.constant 15 : i32
    %lt3A_17 = arith.cmpi slt, %arg1, %lt3A_16 : i32
    %convert_element_type3A_18 = arith.extui %lt3A_17 : i1 to i32
    %cond3A_19 = arith.constant 0 : i32
    %cond3A_20 = arith.cmpi ne, %convert_element_type3A_18, %cond3A_19 : i32
    scf.if %cond3A_20 {
      %mul3A_41 = arith.constant 1568 : i32
      %mul3A_42 = arith.muli %arg1, %mul3A_41 : i32
      %add3A = arith.addi %mul3A_0, %mul3A_42 : i32
      "tpu.region"() ({
        %run_scoped3A = tpu.sem_alloc : memref<!tpu.dma_semaphore, #tpu.memory_space<semaphore_mem>>
        %dma_start3A = tpu.memref_slice %arg5[%add3A] : memref<100000xf32, #tpu.memory_space<hbm>> -> memref<1568xf32, #tpu.memory_space<hbm>>
        %dma_start3A_48 = tpu.memref_slice %arg5[%add3A] : memref<100000xf32, #tpu.memory_space<hbm>> -> memref<1568xf32, #tpu.memory_space<hbm>>
        tpu.enqueue_dma source(%dma_start3A_48 : memref<1568xf32, #tpu.memory_space<hbm>>) target(%arg15 : memref<1568xf32, #tpu.memory_space<vmem>>) target_semaphore(%run_scoped3A : memref<!tpu.dma_semaphore, #tpu.memory_space<semaphore_mem>>)
        %dma_wait3A = tpu.memref_slice %arg5[%add3A] : memref<100000xf32, #tpu.memory_space<hbm>> -> memref<1568xf32, #tpu.memory_space<hbm>>
        %dma_wait3A_49 = tpu.memref_slice %arg5[%add3A] : memref<100000xf32, #tpu.memory_space<hbm>> -> memref<1568xf32, #tpu.memory_space<hbm>>
        tpu.wait_dma2 semaphore(%run_scoped3A : memref<!tpu.dma_semaphore, #tpu.memory_space<semaphore_mem>>) src(%dma_wait3A_49 : memref<1568xf32, #tpu.memory_space<hbm>>) dst(%arg15 : memref<1568xf32, #tpu.memory_space<vmem>>)
        tpu.yield
      }) : () -> ()
      %add3A_43 = arith.constant 50000 : i32
      %add3A_44 = arith.addi %add3A_43, %mul3A_0 : i32
      %mul3A_45 = arith.constant 1568 : i32
      %mul3A_46 = arith.muli %arg1, %mul3A_45 : i32
      %add3A_47 = arith.addi %add3A_44, %mul3A_46 : i32
      "tpu.region"() ({
        %run_scoped3A = tpu.sem_alloc : memref<!tpu.dma_semaphore, #tpu.memory_space<semaphore_mem>>
        %dma_start3A = tpu.memref_slice %arg5[%add3A_47] : memref<100000xf32, #tpu.memory_space<hbm>> -> memref<1568xf32, #tpu.memory_space<hbm>>
        %dma_start3A_48 = tpu.memref_slice %arg5[%add3A_47] : memref<100000xf32, #tpu.memory_space<hbm>> -> memref<1568xf32, #tpu.memory_space<hbm>>
        tpu.enqueue_dma source(%dma_start3A_48 : memref<1568xf32, #tpu.memory_space<hbm>>) target(%arg16 : memref<1568xf32, #tpu.memory_space<vmem>>) target_semaphore(%run_scoped3A : memref<!tpu.dma_semaphore, #tpu.memory_space<semaphore_mem>>)
        %dma_wait3A = tpu.memref_slice %arg5[%add3A_47] : memref<100000xf32, #tpu.memory_space<hbm>> -> memref<1568xf32, #tpu.memory_space<hbm>>
        %dma_wait3A_49 = tpu.memref_slice %arg5[%add3A_47] : memref<100000xf32, #tpu.memory_space<hbm>> -> memref<1568xf32, #tpu.memory_space<hbm>>
        tpu.wait_dma2 semaphore(%run_scoped3A : memref<!tpu.dma_semaphore, #tpu.memory_space<semaphore_mem>>) src(%dma_wait3A_49 : memref<1568xf32, #tpu.memory_space<hbm>>) dst(%arg16 : memref<1568xf32, #tpu.memory_space<vmem>>)
        tpu.yield
      }) : () -> ()
    } else {
    }
    %eq3A_21 = arith.constant 15 : i32
    %eq3A_22 = arith.cmpi eq, %arg1, %eq3A_21 : i32
    %convert_element_type3A_23 = arith.extui %eq3A_22 : i1 to i32
    %cond3A_24 = arith.constant 0 : i32
    %cond3A_25 = arith.cmpi ne, %convert_element_type3A_23, %cond3A_24 : i32
    scf.if %cond3A_25 {
      %add3A = arith.constant 23520 : i32
      %add3A_41 = arith.addi %mul3A_0, %add3A : i32
      "tpu.region"() ({
        %run_scoped3A = tpu.sem_alloc : memref<!tpu.dma_semaphore, #tpu.memory_space<semaphore_mem>>
        %dma_start3A = arith.constant 0 : i32
        %dma_start3A_46 = tpu.memref_slice %arg15[%dma_start3A] : memref<1568xf32, #tpu.memory_space<vmem>> -> memref<1480xf32, #tpu.memory_space<vmem>>
        %dma_start3A_47 = tpu.memref_slice %arg5[%add3A_41] : memref<100000xf32, #tpu.memory_space<hbm>> -> memref<1480xf32, #tpu.memory_space<hbm>>
        %dma_start3A_48 = arith.constant 0 : i32
        %dma_start3A_49 = tpu.memref_slice %arg15[%dma_start3A_48] : memref<1568xf32, #tpu.memory_space<vmem>> -> memref<1480xf32, #tpu.memory_space<vmem>>
        %dma_start3A_50 = tpu.memref_slice %arg5[%add3A_41] : memref<100000xf32, #tpu.memory_space<hbm>> -> memref<1480xf32, #tpu.memory_space<hbm>>
        tpu.enqueue_dma source(%dma_start3A_50 : memref<1480xf32, #tpu.memory_space<hbm>>) target(%dma_start3A_49 : memref<1480xf32, #tpu.memory_space<vmem>>) target_semaphore(%run_scoped3A : memref<!tpu.dma_semaphore, #tpu.memory_space<semaphore_mem>>)
        %dma_wait3A = arith.constant 0 : i32
        %dma_wait3A_51 = tpu.memref_slice %arg15[%dma_wait3A] : memref<1568xf32, #tpu.memory_space<vmem>> -> memref<1480xf32, #tpu.memory_space<vmem>>
        %dma_wait3A_52 = tpu.memref_slice %arg5[%add3A_41] : memref<100000xf32, #tpu.memory_space<hbm>> -> memref<1480xf32, #tpu.memory_space<hbm>>
        %dma_wait3A_53 = arith.constant 0 : i32
        %dma_wait3A_54 = tpu.memref_slice %arg15[%dma_wait3A_53] : memref<1568xf32, #tpu.memory_space<vmem>> -> memref<1480xf32, #tpu.memory_space<vmem>>
        %dma_wait3A_55 = tpu.memref_slice %arg5[%add3A_41] : memref<100000xf32, #tpu.memory_space<hbm>> -> memref<1480xf32, #tpu.memory_space<hbm>>
        tpu.wait_dma2 semaphore(%run_scoped3A : memref<!tpu.dma_semaphore, #tpu.memory_space<semaphore_mem>>) src(%dma_wait3A_55 : memref<1480xf32, #tpu.memory_space<hbm>>) dst(%dma_wait3A_54 : memref<1480xf32, #tpu.memory_space<vmem>>)
        tpu.yield
      }) : () -> ()
      %add3A_42 = arith.constant 50000 : i32
      %add3A_43 = arith.addi %add3A_42, %mul3A_0 : i32
      %add3A_44 = arith.constant 23520 : i32
      %add3A_45 = arith.addi %add3A_43, %add3A_44 : i32
      "tpu.region"() ({
        %run_scoped3A = tpu.sem_alloc : memref<!tpu.dma_semaphore, #tpu.memory_space<semaphore_mem>>
        %dma_start3A = arith.constant 0 : i32
        %dma_start3A_46 = tpu.memref_slice %arg16[%dma_start3A] : memref<1568xf32, #tpu.memory_space<vmem>> -> memref<1480xf32, #tpu.memory_space<vmem>>
        %dma_start3A_47 = tpu.memref_slice %arg5[%add3A_45] : memref<100000xf32, #tpu.memory_space<hbm>> -> memref<1480xf32, #tpu.memory_space<hbm>>
        %dma_start3A_48 = arith.constant 0 : i32
        %dma_start3A_49 = tpu.memref_slice %arg16[%dma_start3A_48] : memref<1568xf32, #tpu.memory_space<vmem>> -> memref<1480xf32, #tpu.memory_space<vmem>>
        %dma_start3A_50 = tpu.memref_slice %arg5[%add3A_45] : memref<100000xf32, #tpu.memory_space<hbm>> -> memref<1480xf32, #tpu.memory_space<hbm>>
        tpu.enqueue_dma source(%dma_start3A_50 : memref<1480xf32, #tpu.memory_space<hbm>>) target(%dma_start3A_49 : memref<1480xf32, #tpu.memory_space<vmem>>) target_semaphore(%run_scoped3A : memref<!tpu.dma_semaphore, #tpu.memory_space<semaphore_mem>>)
        %dma_wait3A = arith.constant 0 : i32
        %dma_wait3A_51 = tpu.memref_slice %arg16[%dma_wait3A] : memref<1568xf32, #tpu.memory_space<vmem>> -> memref<1480xf32, #tpu.memory_space<vmem>>
        %dma_wait3A_52 = tpu.memref_slice %arg5[%add3A_45] : memref<100000xf32, #tpu.memory_space<hbm>> -> memref<1480xf32, #tpu.memory_space<hbm>>
        %dma_wait3A_53 = arith.constant 0 : i32
        %dma_wait3A_54 = tpu.memref_slice %arg16[%dma_wait3A_53] : memref<1568xf32, #tpu.memory_space<vmem>> -> memref<1480xf32, #tpu.memory_space<vmem>>
        %dma_wait3A_55 = tpu.memref_slice %arg5[%add3A_45] : memref<100000xf32, #tpu.memory_space<hbm>> -> memref<1480xf32, #tpu.memory_space<hbm>>
        tpu.wait_dma2 semaphore(%run_scoped3A : memref<!tpu.dma_semaphore, #tpu.memory_space<semaphore_mem>>) src(%dma_wait3A_55 : memref<1480xf32, #tpu.memory_space<hbm>>) dst(%dma_wait3A_54 : memref<1480xf32, #tpu.memory_space<vmem>>)
        tpu.yield
      }) : () -> ()
    } else {
    }
    %gt3A = arith.constant 0 : i32
    %gt3A_26 = arith.cmpi sgt, %scan3A_14, %gt3A : i32
    %convert_element_type3A_27 = arith.extui %gt3A_26 : i1 to i32
    %cond3A_28 = arith.constant 0 : i32
    %cond3A_29 = arith.cmpi ne, %convert_element_type3A_27, %cond3A_28 : i32
    scf.if %cond3A_29 {
      %add3A = arith.constant 0 : i32
      %add3A_41 = arith.addi %scan3A_14, %add3A : i32
      %add3A_42 = vector.broadcast %add3A_41 : i32 to vector<16xi32>
      %add3A_43 = arith.addi %add3A_42, %iota3A : vector<16xi32>
      %add3A_44 = arith.constant 0 : i32
      %add3A_45 = arith.addi %scan3A_14, %add3A_44 : i32
      %swap3A = arith.index_cast %add3A_45 : i32 to index
      %swap3A_46 = tpu.vector_load %arg10[%swap3A] {strides = array<i32>} : memref<2304xi32, #tpu.memory_space<vmem>>, vector<16xi32>,
      tpu.vector_store %arg10[%swap3A], %broadcast_in_dim3A_7 {strides = array<i32>} : memref<2304xi32, #tpu.memory_space<vmem>>, vector<16xi32>,
      %shift_right_logical3A = arith.constant 7 : i32
      %shift_right_logical3A_47 = vector.broadcast %shift_right_logical3A : i32 to vector<16xi32>
      %shift_right_logical3A_48 = arith.shrui %add3A_43, %shift_right_logical3A_47 : vector<16xi32>
      %and3A = arith.constant 127 : i32
      %and3A_49 = vector.broadcast %and3A : i32 to vector<16xi32>
      %and3A_50 = arith.andi %add3A_43, %and3A_49 : vector<16xi32>
      tpu.vector_store_idx %arg11[%shift_right_logical3A_48, %and3A_50], %broadcast_in_dim3A_9 : memref<18x128xi32, #tpu.memory_space<vmem>>[vector<16xi32>, vector<16xi32>], vector<16xi32>,
      %add3A_51 = arith.constant 16 : i32
      %add3A_52 = arith.addi %scan3A_14, %add3A_51 : i32
      %add3A_53 = vector.broadcast %add3A_52 : i32 to vector<16xi32>
      %add3A_54 = arith.addi %add3A_53, %iota3A : vector<16xi32>
      %add3A_55 = arith.constant 16 : i32
      %add3A_56 = arith.addi %scan3A_14, %add3A_55 : i32
      %swap3A_57 = arith.index_cast %add3A_56 : i32 to index
      %swap3A_58 = tpu.vector_load %arg10[%swap3A_57] {strides = array<i32>} : memref<2304xi32, #tpu.memory_space<vmem>>, vector<16xi32>,
      tpu.vector_store %arg10[%swap3A_57], %broadcast_in_dim3A_7 {strides = array<i32>} : memref<2304xi32, #tpu.memory_space<vmem>>, vector<16xi32>,
      %shift_right_logical3A_59 = arith.constant 7 : i32
      %shift_right_logical3A_60 = vector.broadcast %shift_right_logical3A_59 : i32 to vector<16xi32>
      %shift_right_logical3A_61 = arith.shrui %add3A_54, %shift_right_logical3A_60 : vector<16xi32>
      %and3A_62 = arith.constant 127 : i32
      %and3A_63 = vector.broadcast %and3A_62 : i32 to vector<16xi32>
      %and3A_64 = arith.andi %add3A_54, %and3A_63 : vector<16xi32>
      tpu.vector_store_idx %arg11[%shift_right_logical3A_61, %and3A_64], %broadcast_in_dim3A_9 : memref<18x128xi32, #tpu.memory_space<vmem>>[vector<16xi32>, vector<16xi32>], vector<16xi32>,
      %add3A_65 = arith.constant 32 : i32
      %add3A_66 = arith.addi %scan3A_14, %add3A_65 : i32
      %add3A_67 = vector.broadcast %add3A_66 : i32 to vector<16xi32>
      %add3A_68 = arith.addi %add3A_67, %iota3A : vector<16xi32>
      %add3A_69 = arith.constant 32 : i32
      %add3A_70 = arith.addi %scan3A_14, %add3A_69 : i32
      %swap3A_71 = arith.index_cast %add3A_70 : i32 to index
      %swap3A_72 = tpu.vector_load %arg10[%swap3A_71] {strides = array<i32>} : memref<2304xi32, #tpu.memory_space<vmem>>, vector<16xi32>,
      tpu.vector_store %arg10[%swap3A_71], %broadcast_in_dim3A_7 {strides = array<i32>} : memref<2304xi32, #tpu.memory_space<vmem>>, vector<16xi32>,
      %shift_right_logical3A_73 = arith.constant 7 : i32
      %shift_right_logical3A_74 = vector.broadcast %shift_right_logical3A_73 : i32 to vector<16xi32>
      %shift_right_logical3A_75 = arith.shrui %add3A_68, %shift_right_logical3A_74 : vector<16xi32>
      %and3A_76 = arith.constant 127 : i32
      %and3A_77 = vector.broadcast %and3A_76 : i32 to vector<16xi32>
      %and3A_78 = arith.andi %add3A_68, %and3A_77 : vector<16xi32>
      tpu.vector_store_idx %arg11[%shift_right_logical3A_75, %and3A_78], %broadcast_in_dim3A_9 : memref<18x128xi32, #tpu.memory_space<vmem>>[vector<16xi32>, vector<16xi32>], vector<16xi32>,
      %add3A_79 = arith.constant 48 : i32
      %add3A_80 = arith.addi %scan3A_14, %add3A_79 : i32
      %add3A_81 = vector.broadcast %add3A_80 : i32 to vector<16xi32>
      %add3A_82 = arith.addi %add3A_81, %iota3A : vector<16xi32>
      %add3A_83 = arith.constant 48 : i32
      %add3A_84 = arith.addi %scan3A_14, %add3A_83 : i32
      %swap3A_85 = arith.index_cast %add3A_84 : i32 to index
      %swap3A_86 = tpu.vector_load %arg10[%swap3A_85] {strides = array<i32>} : memref<2304xi32, #tpu.memory_space<vmem>>, vector<16xi32>,
      tpu.vector_store %arg10[%swap3A_85], %broadcast_in_dim3A_7 {strides = array<i32>} : memref<2304xi32, #tpu.memory_space<vmem>>, vector<16xi32>,
      %shift_right_logical3A_87 = arith.constant 7 : i32
      %shift_right_logical3A_88 = vector.broadcast %shift_right_logical3A_87 : i32 to vector<16xi32>
      %shift_right_logical3A_89 = arith.shrui %add3A_82, %shift_right_logical3A_88 : vector<16xi32>
      %and3A_90 = arith.constant 127 : i32
      %and3A_91 = vector.broadcast %and3A_90 : i32 to vector<16xi32>
      %and3A_92 = arith.andi %add3A_82, %and3A_91 : vector<16xi32>
      tpu.vector_store_idx %arg11[%shift_right_logical3A_89, %and3A_92], %broadcast_in_dim3A_9 : memref<18x128xi32, #tpu.memory_space<vmem>>[vector<16xi32>, vector<16xi32>], vector<16xi32>,
      %add3A_93 = arith.constant 64 : i32
      %add3A_94 = arith.addi %scan3A_14, %add3A_93 : i32
      %add3A_95 = vector.broadcast %add3A_94 : i32 to vector<16xi32>
      %add3A_96 = arith.addi %add3A_95, %iota3A : vector<16xi32>
      %add3A_97 = arith.constant 64 : i32
      %add3A_98 = arith.addi %scan3A_14, %add3A_97 : i32
      %swap3A_99 = arith.index_cast %add3A_98 : i32 to index
      %swap3A_100 = tpu.vector_load %arg10[%swap3A_99] {strides = array<i32>} : memref<2304xi32, #tpu.memory_space<vmem>>, vector<16xi32>,
      tpu.vector_store %arg10[%swap3A_99], %broadcast_in_dim3A_7 {strides = array<i32>} : memref<2304xi32, #tpu.memory_space<vmem>>, vector<16xi32>,
      %shift_right_logical3A_101 = arith.constant 7 : i32
      %shift_right_logical3A_102 = vector.broadcast %shift_right_logical3A_101 : i32 to vector<16xi32>
      %shift_right_logical3A_103 = arith.shrui %add3A_96, %shift_right_logical3A_102 : vector<16xi32>
      %and3A_104 = arith.constant 127 : i32
      %and3A_105 = vector.broadcast %and3A_104 : i32 to vector<16xi32>
      %and3A_106 = arith.andi %add3A_96, %and3A_105 : vector<16xi32>
      tpu.vector_store_idx %arg11[%shift_right_logical3A_103, %and3A_106], %broadcast_in_dim3A_9 : memref<18x128xi32, #tpu.memory_space<vmem>>[vector<16xi32>, vector<16xi32>], vector<16xi32>,
      %add3A_107 = arith.constant 80 : i32
      %add3A_108 = arith.addi %scan3A_14, %add3A_107 : i32
      %add3A_109 = vector.broadcast %add3A_108 : i32 to vector<16xi32>
      %add3A_110 = arith.addi %add3A_109, %iota3A : vector<16xi32>
      %add3A_111 = arith.constant 80 : i32
      %add3A_112 = arith.addi %scan3A_14, %add3A_111 : i32
      %swap3A_113 = arith.index_cast %add3A_112 : i32 to index
      %swap3A_114 = tpu.vector_load %arg10[%swap3A_113] {strides = array<i32>} : memref<2304xi32, #tpu.memory_space<vmem>>, vector<16xi32>,
      tpu.vector_store %arg10[%swap3A_113], %broadcast_in_dim3A_7 {strides = array<i32>} : memref<2304xi32, #tpu.memory_space<vmem>>, vector<16xi32>,
      %shift_right_logical3A_115 = arith.constant 7 : i32
      %shift_right_logical3A_116 = vector.broadcast %shift_right_logical3A_115 : i32 to vector<16xi32>
      %shift_right_logical3A_117 = arith.shrui %add3A_110, %shift_right_logical3A_116 : vector<16xi32>
      %and3A_118 = arith.constant 127 : i32
      %and3A_119 = vector.broadcast %and3A_118 : i32 to vector<16xi32>
      %and3A_120 = arith.andi %add3A_110, %and3A_119 : vector<16xi32>
      tpu.vector_store_idx %arg11[%shift_right_logical3A_117, %and3A_120], %broadcast_in_dim3A_9 : memref<18x128xi32, #tpu.memory_space<vmem>>[vector<16xi32>, vector<16xi32>], vector<16xi32>,
      %add3A_121 = arith.constant 96 : i32
      %add3A_122 = arith.addi %scan3A_14, %add3A_121 : i32
      %add3A_123 = vector.broadcast %add3A_122 : i32 to vector<16xi32>
      %add3A_124 = arith.addi %add3A_123, %iota3A : vector<16xi32>
      %add3A_125 = arith.constant 96 : i32
      %add3A_126 = arith.addi %scan3A_14, %add3A_125 : i32
      %swap3A_127 = arith.index_cast %add3A_126 : i32 to index
      %swap3A_128 = tpu.vector_load %arg10[%swap3A_127] {strides = array<i32>} : memref<2304xi32, #tpu.memory_space<vmem>>, vector<16xi32>,
      tpu.vector_store %arg10[%swap3A_127], %broadcast_in_dim3A_7 {strides = array<i32>} : memref<2304xi32, #tpu.memory_space<vmem>>, vector<16xi32>,
      %shift_right_logical3A_129 = arith.constant 7 : i32
      %shift_right_logical3A_130 = vector.broadcast %shift_right_logical3A_129 : i32 to vector<16xi32>
      %shift_right_logical3A_131 = arith.shrui %add3A_124, %shift_right_logical3A_130 : vector<16xi32>
      %and3A_132 = arith.constant 127 : i32
      %and3A_133 = vector.broadcast %and3A_132 : i32 to vector<16xi32>
      %and3A_134 = arith.andi %add3A_124, %and3A_133 : vector<16xi32>
      tpu.vector_store_idx %arg11[%shift_right_logical3A_131, %and3A_134], %broadcast_in_dim3A_9 : memref<18x128xi32, #tpu.memory_space<vmem>>[vector<16xi32>, vector<16xi32>], vector<16xi32>,
      %add3A_135 = arith.constant 112 : i32
      %add3A_136 = arith.addi %scan3A_14, %add3A_135 : i32
      %add3A_137 = vector.broadcast %add3A_136 : i32 to vector<16xi32>
      %add3A_138 = arith.addi %add3A_137, %iota3A : vector<16xi32>
      %add3A_139 = arith.constant 112 : i32
      %add3A_140 = arith.addi %scan3A_14, %add3A_139 : i32
      %swap3A_141 = arith.index_cast %add3A_140 : i32 to index
      %swap3A_142 = tpu.vector_load %arg10[%swap3A_141] {strides = array<i32>} : memref<2304xi32, #tpu.memory_space<vmem>>, vector<16xi32>,
      tpu.vector_store %arg10[%swap3A_141], %broadcast_in_dim3A_7 {strides = array<i32>} : memref<2304xi32, #tpu.memory_space<vmem>>, vector<16xi32>,
      %shift_right_logical3A_143 = arith.constant 7 : i32
      %shift_right_logical3A_144 = vector.broadcast %shift_right_logical3A_143 : i32 to vector<16xi32>
      %shift_right_logical3A_145 = arith.shrui %add3A_138, %shift_right_logical3A_144 : vector<16xi32>
      %and3A_146 = arith.constant 127 : i32
      %and3A_147 = vector.broadcast %and3A_146 : i32 to vector<16xi32>
      %and3A_148 = arith.andi %add3A_138, %and3A_147 : vector<16xi32>
      tpu.vector_store_idx %arg11[%shift_right_logical3A_145, %and3A_148], %broadcast_in_dim3A_9 : memref<18x128xi32, #tpu.memory_space<vmem>>[vector<16xi32>, vector<16xi32>], vector<16xi32>,
      "tpu.region"() ({
        %run_scoped3A_149 = tpu.sem_alloc : memref<!tpu.dma_semaphore, #tpu.memory_space<semaphore_mem>>
        %dma_start3A = arith.constant 0 : i32
        %dma_start3A_150 = tpu.memref_slice %arg10[%dma_start3A] : memref<2304xi32, #tpu.memory_space<vmem>> -> memref<128xi32, #tpu.memory_space<vmem>>
        %dma_start3A_151 = arith.constant 0 : i32
        %dma_start3A_152 = arith.constant 0 : i32
        %dma_start3A_153 = tpu.memref_slice %arg4[%dma_start3A_151, %dma_start3A_152] : memref<50000x64xf32, #tpu.memory_space<hbm>> -> memref<50000x64xf32, #tpu.memory_space<hbm>>
        tpu.enqueue_indirect_dma source(%dma_start3A_153 : memref<50000x64xf32, #tpu.memory_space<hbm>>) target(%arg12 : memref<128x64xf32, #tpu.memory_space<vmem>>) offsets(%dma_start3A_150 : memref<128xi32, #tpu.memory_space<vmem>>) semaphore(%run_scoped3A_149 : memref<!tpu.dma_semaphore, #tpu.memory_space<semaphore_mem>>)
        %dma_wait3A = arith.constant 0 : i32
        %dma_wait3A_154 = tpu.memref_slice %arg10[%dma_wait3A] : memref<2304xi32, #tpu.memory_space<vmem>> -> memref<128xi32, #tpu.memory_space<vmem>>
        %dma_wait3A_155 = arith.constant 0 : i32
        %dma_wait3A_156 = arith.constant 0 : i32
        %dma_wait3A_157 = tpu.memref_slice %arg4[%dma_wait3A_155, %dma_wait3A_156] : memref<50000x64xf32, #tpu.memory_space<hbm>> -> memref<50000x64xf32, #tpu.memory_space<hbm>>
        tpu.wait_indirect_dma semaphore(%run_scoped3A_149 : memref<!tpu.dma_semaphore, #tpu.memory_space<semaphore_mem>>) src(%dma_wait3A_157 : memref<50000x64xf32, #tpu.memory_space<hbm>>) dst(%arg12 : memref<128x64xf32, #tpu.memory_space<vmem>>)
        tpu.yield
      }) : () -> ()
      %run_scoped3A = arith.constant 0 : i32
      "tpu.region"() ({
        %run_scoped3A_149 = tpu.sem_alloc : memref<!tpu.dma_semaphore, #tpu.memory_space<semaphore_mem>>
        %dma_start3A = arith.constant 0 : i32
        %dma_start3A_150 = tpu.memref_slice %arg11[%run_scoped3A, %dma_start3A] : memref<18x128xi32, #tpu.memory_space<vmem>> -> memref<1x128xi32, #tpu.memory_space<vmem>>
        %dma_start3A_151 = tpu.memref_squeeze %dma_start3A_150 : memref<1x128xi32, #tpu.memory_space<vmem>> -> memref<128xi32, #tpu.memory_space<vmem>>
        %dma_start3A_152 = arith.constant 0 : i32
        %dma_start3A_153 = arith.constant 0 : i32
        %dma_start3A_154 = tpu.memref_slice %arg7[%dma_start3A_152, %dma_start3A_153] : memref<25008x64xf32, #tpu.memory_space<vmem_shared>> -> memref<25008x64xf32, #tpu.memory_space<vmem_shared>>
        tpu.enqueue_indirect_dma source(%arg12 : memref<128x64xf32, #tpu.memory_space<vmem>>) target(%dma_start3A_154 : memref<25008x64xf32, #tpu.memory_space<vmem_shared>>) offsets(%dma_start3A_151 : memref<128xi32, #tpu.memory_space<vmem>>) semaphore(%run_scoped3A_149 : memref<!tpu.dma_semaphore, #tpu.memory_space<semaphore_mem>>) {add = true}
        %dma_wait3A = arith.constant 0 : i32
        %dma_wait3A_155 = tpu.memref_slice %arg11[%run_scoped3A, %dma_wait3A] : memref<18x128xi32, #tpu.memory_space<vmem>> -> memref<1x128xi32, #tpu.memory_space<vmem>>
        %dma_wait3A_156 = tpu.memref_squeeze %dma_wait3A_155 : memref<1x128xi32, #tpu.memory_space<vmem>> -> memref<128xi32, #tpu.memory_space<vmem>>
        %dma_wait3A_157 = arith.constant 0 : i32
        %dma_wait3A_158 = arith.constant 0 : i32
        %dma_wait3A_159 = tpu.memref_slice %arg7[%dma_wait3A_157, %dma_wait3A_158] : memref<25008x64xf32, #tpu.memory_space<vmem_shared>> -> memref<25008x64xf32, #tpu.memory_space<vmem_shared>>
        tpu.wait_indirect_dma semaphore(%run_scoped3A_149 : memref<!tpu.dma_semaphore, #tpu.memory_space<semaphore_mem>>) src(%arg12 : memref<128x64xf32, #tpu.memory_space<vmem>>) dst(%dma_wait3A_159 : memref<25008x64xf32, #tpu.memory_space<vmem_shared>>)
        tpu.yield
      }) : () -> ()
    } else {
    }
    %barrier3A_30 = arith.constant 0 : index
    tpu.barrier barrier_id(%barrier3A_30)
    %lt3A_31 = arith.constant 15 : i32
    %lt3A_32 = arith.cmpi slt, %arg1, %lt3A_31 : i32
    %convert_element_type3A_33 = arith.extui %lt3A_32 : i1 to i32
    %cond3A_34 = arith.constant 0 : i32
    %cond3A_35 = arith.cmpi ne, %convert_element_type3A_33, %cond3A_34 : i32
    scf.if %cond3A_35 {
      %scan3A_41 = arith.constant 0 : i32
      %scan3A_42 = arith.constant 0 : i32
      %scan3A_43 = arith.constant 12 : i32
      %scan3A_44 = arith.addi %scan3A_42, %scan3A_43 : i32
      %scan3A_45 = arith.constant 1 : i32
      %scan3A_46 = scf.for %scan3A_66 = %scan3A_42 to %scan3A_44 step %scan3A_45 iter_args(%scan3A_67 = %scan3A_41) -> (i32)  : i32 {
        %mul3A_68 = arith.constant 1568 : i32
        %mul3A_69 = arith.muli %arg1, %mul3A_68 : i32
        %mul3A_70 = arith.constant 128 : i32
        %mul3A_71 = arith.muli %scan3A_66, %mul3A_70 : i32
        %add3A_72 = arith.addi %mul3A_69, %mul3A_71 : i32
        %mul3A_73 = arith.constant 128 : i32
        %mul3A_74 = arith.muli %scan3A_66, %mul3A_73 : i32
        "tpu.region"() ({
          %run_scoped3A = tpu.sem_alloc : memref<!tpu.dma_semaphore, #tpu.memory_space<semaphore_mem>>
          %dma_start3A = arith.constant 0 : i32
          %dma_start3A_91 = arith.constant 0 : i32
          %dma_start3A_92 = tpu.memref_slice %arg12[%dma_start3A, %dma_start3A_91] : memref<128x64xf32, #tpu.memory_space<vmem>> -> memref<128x64xf32, #tpu.memory_space<vmem>>
          %dma_start3A_93 = arith.constant 0 : i32
          %dma_start3A_94 = tpu.memref_slice %arg7[%add3A_72, %dma_start3A_93] : memref<25008x64xf32, #tpu.memory_space<vmem_shared>> -> memref<128x64xf32, #tpu.memory_space<vmem_shared>>
          %dma_start3A_95 = arith.constant 0 : i32
          %dma_start3A_96 = arith.constant 0 : i32
          %dma_start3A_97 = tpu.memref_slice %arg12[%dma_start3A_95, %dma_start3A_96] : memref<128x64xf32, #tpu.memory_space<vmem>> -> memref<128x64xf32, #tpu.memory_space<vmem>>
          %dma_start3A_98 = arith.constant 0 : i32
          %dma_start3A_99 = tpu.memref_slice %arg7[%add3A_72, %dma_start3A_98] : memref<25008x64xf32, #tpu.memory_space<vmem_shared>> -> memref<128x64xf32, #tpu.memory_space<vmem_shared>>
          tpu.enqueue_dma source(%dma_start3A_99 : memref<128x64xf32, #tpu.memory_space<vmem_shared>>) target(%dma_start3A_97 : memref<128x64xf32, #tpu.memory_space<vmem>>) target_semaphore(%run_scoped3A : memref<!tpu.dma_semaphore, #tpu.memory_space<semaphore_mem>>)
          %dma_wait3A = arith.constant 0 : i32
          %dma_wait3A_100 = arith.constant 0 : i32
          %dma_wait3A_101 = tpu.memref_slice %arg12[%dma_wait3A, %dma_wait3A_100] : memref<128x64xf32, #tpu.memory_space<vmem>> -> memref<128x64xf32, #tpu.memory_space<vmem>>
          %dma_wait3A_102 = arith.constant 0 : i32
          %dma_wait3A_103 = tpu.memref_slice %arg7[%add3A_72, %dma_wait3A_102] : memref<25008x64xf32, #tpu.memory_space<vmem_shared>> -> memref<128x64xf32, #tpu.memory_space<vmem_shared>>
          %dma_wait3A_104 = arith.constant 0 : i32
          %dma_wait3A_105 = arith.constant 0 : i32
          %dma_wait3A_106 = tpu.memref_slice %arg12[%dma_wait3A_104, %dma_wait3A_105] : memref<128x64xf32, #tpu.memory_space<vmem>> -> memref<128x64xf32, #tpu.memory_space<vmem>>
          %dma_wait3A_107 = arith.constant 0 : i32
          %dma_wait3A_108 = tpu.memref_slice %arg7[%add3A_72, %dma_wait3A_107] : memref<25008x64xf32, #tpu.memory_space<vmem_shared>> -> memref<128x64xf32, #tpu.memory_space<vmem_shared>>
          tpu.wait_dma2 semaphore(%run_scoped3A : memref<!tpu.dma_semaphore, #tpu.memory_space<semaphore_mem>>) src(%dma_wait3A_108 : memref<128x64xf32, #tpu.memory_space<vmem_shared>>) dst(%dma_wait3A_106 : memref<128x64xf32, #tpu.memory_space<vmem>>)
          tpu.yield
        }) : () -> ()
        %scan3A_75 = arith.constant 0 : i32
        %scan3A_76 = arith.constant 0 : i32
        %scan3A_77 = arith.constant 8 : i32
        %scan3A_78 = arith.addi %scan3A_76, %scan3A_77 : i32
        %scan3A_79 = arith.constant 1 : i32
        %scan3A_80 = scf.for %scan3A_91 = %scan3A_76 to %scan3A_78 step %scan3A_79 iter_args(%scan3A_92 = %scan3A_75) -> (i32)  : i32 {
          %mul3A_93 = arith.constant 16 : i32
          %mul3A_94 = arith.muli %scan3A_91, %mul3A_93 : i32
          %add3A_95 = arith.addi %mul3A_74, %mul3A_94 : i32
          %get3A = arith.index_cast %add3A_95 : i32 to index
          %get3A_96 = tpu.vector_load %arg15[%get3A] {strides = array<i32>} : memref<1568xf32, #tpu.memory_space<vmem>>, vector<16xf32>,
          %mul3A_97 = arith.constant 16 : i32
          %mul3A_98 = arith.muli %scan3A_91, %mul3A_97 : i32
          %add3A_99 = arith.addi %mul3A_74, %mul3A_98 : i32
          %get3A_100 = arith.index_cast %add3A_99 : i32 to index
          %get3A_101 = tpu.vector_load %arg16[%get3A_100] {strides = array<i32>} : memref<1568xf32, #tpu.memory_space<vmem>>, vector<16xf32>,
          %add3A_102 = arith.addf %get3A_96, %get3A_101 : vector<16xf32>
          %add3A_103 = arith.constant 1.000000e+00 : f32
          %add3A_104 = vector.broadcast %add3A_103 : f32 to vector<16xf32>
          %add3A_105 = arith.addf %add3A_102, %add3A_104 : vector<16xf32>
          %bitcast3A = vector.bitcast %add3A_105 : vector<16xf32> to vector<16xi32>
          %shift_right_logical3A = arith.constant 1 : i32
          %shift_right_logical3A_106 = vector.broadcast %shift_right_logical3A : i32 to vector<16xi32>
          %shift_right_logical3A_107 = arith.shrui %bitcast3A, %shift_right_logical3A_106 : vector<16xi32>
          %sub3A = arith.constant 1597463007 : i32
          %sub3A_108 = vector.broadcast %sub3A : i32 to vector<16xi32>
          %sub3A_109 = arith.subi %sub3A_108, %shift_right_logical3A_107 : vector<16xi32>
          %bitcast3A_110 = vector.bitcast %sub3A_109 : vector<16xi32> to vector<16xf32>
          %mul3A_111 = arith.constant 5.000000e-01 : f32
          %mul3A_112 = vector.broadcast %mul3A_111 : f32 to vector<16xf32>
          %mul3A_113 = arith.mulf %mul3A_112, %add3A_105 : vector<16xf32>
          %mul3A_114 = arith.mulf %mul3A_113, %bitcast3A_110 : vector<16xf32>
          %mul3A_115 = arith.mulf %mul3A_114, %bitcast3A_110 : vector<16xf32>
          %sub3A_116 = arith.constant 1.500000e+00 : f32
          %sub3A_117 = vector.broadcast %sub3A_116 : f32 to vector<16xf32>
          %sub3A_118 = arith.subf %sub3A_117, %mul3A_115 : vector<16xf32>
          %mul3A_119 = arith.mulf %bitcast3A_110, %sub3A_118 : vector<16xf32>
          %mul3A_120 = arith.constant 5.000000e-01 : f32
          %mul3A_121 = vector.broadcast %mul3A_120 : f32 to vector<16xf32>
          %mul3A_122 = arith.mulf %mul3A_121, %add3A_105 : vector<16xf32>
          %mul3A_123 = arith.mulf %mul3A_122, %mul3A_119 : vector<16xf32>
          %mul3A_124 = arith.mulf %mul3A_123, %mul3A_119 : vector<16xf32>
          %sub3A_125 = arith.constant 1.500000e+00 : f32
          %sub3A_126 = vector.broadcast %sub3A_125 : f32 to vector<16xf32>
          %sub3A_127 = arith.subf %sub3A_126, %mul3A_124 : vector<16xf32>
          %mul3A_128 = arith.mulf %mul3A_119, %sub3A_127 : vector<16xf32>
          %mul3A_129 = arith.constant 5.000000e-01 : f32
          %mul3A_130 = vector.broadcast %mul3A_129 : f32 to vector<16xf32>
          %mul3A_131 = arith.mulf %mul3A_130, %add3A_105 : vector<16xf32>
          %mul3A_132 = arith.mulf %mul3A_131, %mul3A_128 : vector<16xf32>
          %mul3A_133 = arith.mulf %mul3A_132, %mul3A_128 : vector<16xf32>
          %sub3A_134 = arith.constant 1.500000e+00 : f32
          %sub3A_135 = vector.broadcast %sub3A_134 : f32 to vector<16xf32>
          %sub3A_136 = arith.subf %sub3A_135, %mul3A_133 : vector<16xf32>
          %mul3A_137 = arith.mulf %mul3A_128, %sub3A_136 : vector<16xf32>
          %mul3A_138 = arith.constant 16 : i32
          %mul3A_139 = arith.muli %scan3A_91, %mul3A_138 : i32
          %swap3A = arith.index_cast %mul3A_139 : i32 to index
          %swap3A_140 = tpu.vector_load %arg14[%swap3A] {strides = array<i32>} : memref<128xf32, #tpu.memory_space<vmem>>, vector<16xf32>,
          tpu.vector_store %arg14[%swap3A], %mul3A_137 {strides = array<i32>} : memref<128xf32, #tpu.memory_space<vmem>>, vector<16xf32>,
          %scan3A_141 = arith.constant 0 : i32
          scf.yield %scan3A_141 : i32
        }
        %scan3A_81 = arith.constant 8 : i32
        %scan3A_82 = arith.constant 0 : i32
        %scan3A_83 = arith.constant 0 : i32
        %scan3A_84 = arith.constant 128 : i32
        %scan3A_85 = arith.addi %scan3A_83, %scan3A_84 : i32
        %scan3A_86 = arith.constant 1 : i32
        %scan3A_87 = scf.for %scan3A_91 = %scan3A_83 to %scan3A_85 step %scan3A_86 iter_args(%scan3A_92 = %scan3A_82) -> (i32)  : i32 {
          %and3A = arith.constant -16 : i32
          %and3A_93 = arith.andi %scan3A_91, %and3A : i32
          %get3A = arith.index_cast %and3A_93 : i32 to index
          %get3A_94 = tpu.vector_load %arg14[%get3A] {strides = array<i32>} : memref<128xf32, #tpu.memory_space<vmem>>, vector<16xf32>,
          %and3A_95 = arith.constant 15 : i32
          %and3A_96 = arith.andi %scan3A_91, %and3A_95 : i32
          %eq3A_97 = vector.broadcast %and3A_96 : i32 to vector<16xi32>
          %eq3A_98 = arith.cmpi eq, %iota3A, %eq3A_97 : vector<16xi32>
          %jit3A = arith.constant -3.000000e+38 : f32
          %broadcast_in_dim3A_99 = vector.broadcast %jit3A : f32 to vector<16xf32>
          %select_n3A = arith.select %eq3A_98, %get3A_94, %broadcast_in_dim3A_99 : vector<16xi1>, vector<16xf32>
          %reduce_max3A = arith.constant true
          %reduce_max3A_100 = vector.broadcast %reduce_max3A : i1 to vector<16xi1>
          %reduce_max3A_101 = tpu.scan <max>, %select_n3A masked %reduce_max3A_100 : vector<16xf32>, vector<16xi1> -> vector<16xf32>
          %reduce_max3A_102 = vector.extract %reduce_max3A_101[15] : f32 from vector<16xf32>
          %get3A_103 = arith.index_cast %scan3A_91 : i32 to index
          %get3A_104 = arith.constant 0 : index
          %get3A_105 = tpu.vector_load %arg12[%get3A_103, %get3A_104] {strides = array<i32>} : memref<128x64xf32, #tpu.memory_space<vmem>>, vector<16xf32>,
          %mul3A_106 = vector.broadcast %reduce_max3A_102 : f32 to vector<16xf32>
          %mul3A_107 = arith.mulf %get3A_105, %mul3A_106 : vector<16xf32>
          %max3A = arith.constant 0.000000e+00 : f32
          %max3A_108 = vector.broadcast %max3A : f32 to vector<16xf32>
          %max3A_109 = arith.maximumf %mul3A_107, %max3A_108 : vector<16xf32>
          %swap3A = arith.index_cast %scan3A_91 : i32 to index
          %swap3A_110 = arith.constant 0 : index
          %swap3A_111 = tpu.vector_load %arg12[%swap3A, %swap3A_110] {strides = array<i32>} : memref<128x64xf32, #tpu.memory_space<vmem>>, vector<16xf32>,
          tpu.vector_store %arg12[%swap3A, %swap3A_110], %max3A_109 {strides = array<i32>} : memref<128x64xf32, #tpu.memory_space<vmem>>, vector<16xf32>,
          %get3A_112 = arith.index_cast %scan3A_91 : i32 to index
          %get3A_113 = arith.constant 16 : index
          %get3A_114 = tpu.vector_load %arg12[%get3A_112, %get3A_113] {strides = array<i32>} : memref<128x64xf32, #tpu.memory_space<vmem>>, vector<16xf32>,
          %mul3A_115 = vector.broadcast %reduce_max3A_102 : f32 to vector<16xf32>
          %mul3A_116 = arith.mulf %get3A_114, %mul3A_115 : vector<16xf32>
          %max3A_117 = arith.constant 0.000000e+00 : f32
          %max3A_118 = vector.broadcast %max3A_117 : f32 to vector<16xf32>
          %max3A_119 = arith.maximumf %mul3A_116, %max3A_118 : vector<16xf32>
          %swap3A_120 = arith.index_cast %scan3A_91 : i32 to index
          %swap3A_121 = arith.constant 16 : index
          %swap3A_122 = tpu.vector_load %arg12[%swap3A_120, %swap3A_121] {strides = array<i32>} : memref<128x64xf32, #tpu.memory_space<vmem>>, vector<16xf32>,
          tpu.vector_store %arg12[%swap3A_120, %swap3A_121], %max3A_119 {strides = array<i32>} : memref<128x64xf32, #tpu.memory_space<vmem>>, vector<16xf32>,
          %get3A_123 = arith.index_cast %scan3A_91 : i32 to index
          %get3A_124 = arith.constant 32 : index
          %get3A_125 = tpu.vector_load %arg12[%get3A_123, %get3A_124] {strides = array<i32>} : memref<128x64xf32, #tpu.memory_space<vmem>>, vector<16xf32>,
          %mul3A_126 = vector.broadcast %reduce_max3A_102 : f32 to vector<16xf32>
          %mul3A_127 = arith.mulf %get3A_125, %mul3A_126 : vector<16xf32>
          %max3A_128 = arith.constant 0.000000e+00 : f32
          %max3A_129 = vector.broadcast %max3A_128 : f32 to vector<16xf32>
          %max3A_130 = arith.maximumf %mul3A_127, %max3A_129 : vector<16xf32>
          %swap3A_131 = arith.index_cast %scan3A_91 : i32 to index
          %swap3A_132 = arith.constant 32 : index
          %swap3A_133 = tpu.vector_load %arg12[%swap3A_131, %swap3A_132] {strides = array<i32>} : memref<128x64xf32, #tpu.memory_space<vmem>>, vector<16xf32>,
          tpu.vector_store %arg12[%swap3A_131, %swap3A_132], %max3A_130 {strides = array<i32>} : memref<128x64xf32, #tpu.memory_space<vmem>>, vector<16xf32>,
          %get3A_134 = arith.index_cast %scan3A_91 : i32 to index
          %get3A_135 = arith.constant 48 : index
          %get3A_136 = tpu.vector_load %arg12[%get3A_134, %get3A_135] {strides = array<i32>} : memref<128x64xf32, #tpu.memory_space<vmem>>, vector<16xf32>,
          %mul3A_137 = vector.broadcast %reduce_max3A_102 : f32 to vector<16xf32>
          %mul3A_138 = arith.mulf %get3A_136, %mul3A_137 : vector<16xf32>
          %max3A_139 = arith.constant 0.000000e+00 : f32
          %max3A_140 = vector.broadcast %max3A_139 : f32 to vector<16xf32>
          %max3A_141 = arith.maximumf %mul3A_138, %max3A_140 : vector<16xf32>
          %swap3A_142 = arith.index_cast %scan3A_91 : i32 to index
          %swap3A_143 = arith.constant 48 : index
          %swap3A_144 = tpu.vector_load %arg12[%swap3A_142, %swap3A_143] {strides = array<i32>} : memref<128x64xf32, #tpu.memory_space<vmem>>, vector<16xf32>,
          tpu.vector_store %arg12[%swap3A_142, %swap3A_143], %max3A_141 {strides = array<i32>} : memref<128x64xf32, #tpu.memory_space<vmem>>, vector<16xf32>,
          %scan3A_145 = arith.constant 0 : i32
          scf.yield %scan3A_145 : i32
        }
        %scan3A_88 = arith.constant 128 : i32
        %add3A_89 = arith.addi %mul3A_0, %add3A_72 : i32
        "tpu.region"() ({
          %run_scoped3A = tpu.sem_alloc : memref<!tpu.dma_semaphore, #tpu.memory_space<semaphore_mem>>
          %dma_start3A = arith.constant 0 : i32
          %dma_start3A_91 = arith.constant 0 : i32
          %dma_start3A_92 = tpu.memref_slice %arg12[%dma_start3A, %dma_start3A_91] : memref<128x64xf32, #tpu.memory_space<vmem>> -> memref<128x64xf32, #tpu.memory_space<vmem>>
          %dma_start3A_93 = arith.constant 0 : i32
          %dma_start3A_94 = tpu.memref_slice %arg6[%add3A_89, %dma_start3A_93] : memref<50000x64xf32, #tpu.memory_space<hbm>> -> memref<128x64xf32, #tpu.memory_space<hbm>>
          %dma_start3A_95 = arith.constant 0 : i32
          %dma_start3A_96 = tpu.memref_slice %arg6[%add3A_89, %dma_start3A_95] : memref<50000x64xf32, #tpu.memory_space<hbm>> -> memref<128x64xf32, #tpu.memory_space<hbm>>
          %dma_start3A_97 = arith.constant 0 : i32
          %dma_start3A_98 = arith.constant 0 : i32
          %dma_start3A_99 = tpu.memref_slice %arg12[%dma_start3A_97, %dma_start3A_98] : memref<128x64xf32, #tpu.memory_space<vmem>> -> memref<128x64xf32, #tpu.memory_space<vmem>>
          tpu.enqueue_dma source(%dma_start3A_99 : memref<128x64xf32, #tpu.memory_space<vmem>>) target(%dma_start3A_96 : memref<128x64xf32, #tpu.memory_space<hbm>>) target_semaphore(%run_scoped3A : memref<!tpu.dma_semaphore, #tpu.memory_space<semaphore_mem>>)
          %dma_wait3A = arith.constant 0 : i32
          %dma_wait3A_100 = arith.constant 0 : i32
          %dma_wait3A_101 = tpu.memref_slice %arg12[%dma_wait3A, %dma_wait3A_100] : memref<128x64xf32, #tpu.memory_space<vmem>> -> memref<128x64xf32, #tpu.memory_space<vmem>>
          %dma_wait3A_102 = arith.constant 0 : i32
          %dma_wait3A_103 = tpu.memref_slice %arg6[%add3A_89, %dma_wait3A_102] : memref<50000x64xf32, #tpu.memory_space<hbm>> -> memref<128x64xf32, #tpu.memory_space<hbm>>
          %dma_wait3A_104 = arith.constant 0 : i32
          %dma_wait3A_105 = tpu.memref_slice %arg6[%add3A_89, %dma_wait3A_104] : memref<50000x64xf32, #tpu.memory_space<hbm>> -> memref<128x64xf32, #tpu.memory_space<hbm>>
          %dma_wait3A_106 = arith.constant 0 : i32
          %dma_wait3A_107 = arith.constant 0 : i32
          %dma_wait3A_108 = tpu.memref_slice %arg12[%dma_wait3A_106, %dma_wait3A_107] : memref<128x64xf32, #tpu.memory_space<vmem>> -> memref<128x64xf32, #tpu.memory_space<vmem>>
          tpu.wait_dma2 semaphore(%run_scoped3A : memref<!tpu.dma_semaphore, #tpu.memory_space<semaphore_mem>>) src(%dma_wait3A_108 : memref<128x64xf32, #tpu.memory_space<vmem>>) dst(%dma_wait3A_105 : memref<128x64xf32, #tpu.memory_space<hbm>>)
          tpu.yield
        }) : () -> ()
        %scan3A_90 = arith.constant 0 : i32
        scf.yield %scan3A_90 : i32
      }
      %scan3A_47 = arith.constant 12 : i32
      %mul3A_48 = arith.constant 1568 : i32
      %mul3A_49 = arith.muli %arg1, %mul3A_48 : i32
      %add3A = arith.constant 1536 : i32
      %add3A_50 = arith.addi %mul3A_49, %add3A : i32
      "tpu.region"() ({
        %run_scoped3A = tpu.sem_alloc : memref<!tpu.dma_semaphore, #tpu.memory_space<semaphore_mem>>
        %dma_start3A = arith.constant 0 : i32
        %dma_start3A_66 = arith.constant 0 : i32
        %dma_start3A_67 = tpu.memref_slice %arg12[%dma_start3A, %dma_start3A_66] : memref<128x64xf32, #tpu.memory_space<vmem>> -> memref<32x64xf32, #tpu.memory_space<vmem>>
        %dma_start3A_68 = arith.constant 0 : i32
        %dma_start3A_69 = tpu.memref_slice %arg7[%add3A_50, %dma_start3A_68] : memref<25008x64xf32, #tpu.memory_space<vmem_shared>> -> memref<32x64xf32, #tpu.memory_space<vmem_shared>>
        %dma_start3A_70 = arith.constant 0 : i32
        %dma_start3A_71 = arith.constant 0 : i32
        %dma_start3A_72 = tpu.memref_slice %arg12[%dma_start3A_70, %dma_start3A_71] : memref<128x64xf32, #tpu.memory_space<vmem>> -> memref<32x64xf32, #tpu.memory_space<vmem>>
        %dma_start3A_73 = arith.constant 0 : i32
        %dma_start3A_74 = tpu.memref_slice %arg7[%add3A_50, %dma_start3A_73] : memref<25008x64xf32, #tpu.memory_space<vmem_shared>> -> memref<32x64xf32, #tpu.memory_space<vmem_shared>>
        tpu.enqueue_dma source(%dma_start3A_74 : memref<32x64xf32, #tpu.memory_space<vmem_shared>>) target(%dma_start3A_72 : memref<32x64xf32, #tpu.memory_space<vmem>>) target_semaphore(%run_scoped3A : memref<!tpu.dma_semaphore, #tpu.memory_space<semaphore_mem>>)
        %dma_wait3A = arith.constant 0 : i32
        %dma_wait3A_75 = arith.constant 0 : i32
        %dma_wait3A_76 = tpu.memref_slice %arg12[%dma_wait3A, %dma_wait3A_75] : memref<128x64xf32, #tpu.memory_space<vmem>> -> memref<32x64xf32, #tpu.memory_space<vmem>>
        %dma_wait3A_77 = arith.constant 0 : i32
        %dma_wait3A_78 = tpu.memref_slice %arg7[%add3A_50, %dma_wait3A_77] : memref<25008x64xf32, #tpu.memory_space<vmem_shared>> -> memref<32x64xf32, #tpu.memory_space<vmem_shared>>
        %dma_wait3A_79 = arith.constant 0 : i32
        %dma_wait3A_80 = arith.constant 0 : i32
        %dma_wait3A_81 = tpu.memref_slice %arg12[%dma_wait3A_79, %dma_wait3A_80] : memref<128x64xf32, #tpu.memory_space<vmem>> -> memref<32x64xf32, #tpu.memory_space<vmem>>
        %dma_wait3A_82 = arith.constant 0 : i32
        %dma_wait3A_83 = tpu.memref_slice %arg7[%add3A_50, %dma_wait3A_82] : memref<25008x64xf32, #tpu.memory_space<vmem_shared>> -> memref<32x64xf32, #tpu.memory_space<vmem_shared>>
        tpu.wait_dma2 semaphore(%run_scoped3A : memref<!tpu.dma_semaphore, #tpu.memory_space<semaphore_mem>>) src(%dma_wait3A_83 : memref<32x64xf32, #tpu.memory_space<vmem_shared>>) dst(%dma_wait3A_81 : memref<32x64xf32, #tpu.memory_space<vmem>>)
        tpu.yield
      }) : () -> ()
      %scan3A_51 = arith.constant 0 : i32
      %scan3A_52 = arith.constant 0 : i32
      %scan3A_53 = arith.constant 2 : i32
      %scan3A_54 = arith.addi %scan3A_52, %scan3A_53 : i32
      %scan3A_55 = arith.constant 1 : i32
      %scan3A_56 = scf.for %scan3A_66 = %scan3A_52 to %scan3A_54 step %scan3A_55 iter_args(%scan3A_67 = %scan3A_51) -> (i32)  : i32 {
        %mul3A_68 = arith.constant 16 : i32
        %mul3A_69 = arith.muli %scan3A_66, %mul3A_68 : i32
        %add3A_70 = arith.constant 1536 : i32
        %add3A_71 = arith.addi %add3A_70, %mul3A_69 : i32
        %get3A = arith.index_cast %add3A_71 : i32 to index
        %get3A_72 = tpu.vector_load %arg15[%get3A] {strides = array<i32>} : memref<1568xf32, #tpu.memory_space<vmem>>, vector<16xf32>,
        %mul3A_73 = arith.constant 16 : i32
        %mul3A_74 = arith.muli %scan3A_66, %mul3A_73 : i32
        %add3A_75 = arith.constant 1536 : i32
        %add3A_76 = arith.addi %add3A_75, %mul3A_74 : i32
        %get3A_77 = arith.index_cast %add3A_76 : i32 to index
        %get3A_78 = tpu.vector_load %arg16[%get3A_77] {strides = array<i32>} : memref<1568xf32, #tpu.memory_space<vmem>>, vector<16xf32>,
        %add3A_79 = arith.addf %get3A_72, %get3A_78 : vector<16xf32>
        %add3A_80 = arith.constant 1.000000e+00 : f32
        %add3A_81 = vector.broadcast %add3A_80 : f32 to vector<16xf32>
        %add3A_82 = arith.addf %add3A_79, %add3A_81 : vector<16xf32>
        %bitcast3A = vector.bitcast %add3A_82 : vector<16xf32> to vector<16xi32>
        %shift_right_logical3A = arith.constant 1 : i32
        %shift_right_logical3A_83 = vector.broadcast %shift_right_logical3A : i32 to vector<16xi32>
        %shift_right_logical3A_84 = arith.shrui %bitcast3A, %shift_right_logical3A_83 : vector<16xi32>
        %sub3A = arith.constant 1597463007 : i32
        %sub3A_85 = vector.broadcast %sub3A : i32 to vector<16xi32>
        %sub3A_86 = arith.subi %sub3A_85, %shift_right_logical3A_84 : vector<16xi32>
        %bitcast3A_87 = vector.bitcast %sub3A_86 : vector<16xi32> to vector<16xf32>
        %mul3A_88 = arith.constant 5.000000e-01 : f32
        %mul3A_89 = vector.broadcast %mul3A_88 : f32 to vector<16xf32>
        %mul3A_90 = arith.mulf %mul3A_89, %add3A_82 : vector<16xf32>
        %mul3A_91 = arith.mulf %mul3A_90, %bitcast3A_87 : vector<16xf32>
        %mul3A_92 = arith.mulf %mul3A_91, %bitcast3A_87 : vector<16xf32>
        %sub3A_93 = arith.constant 1.500000e+00 : f32
        %sub3A_94 = vector.broadcast %sub3A_93 : f32 to vector<16xf32>
        %sub3A_95 = arith.subf %sub3A_94, %mul3A_92 : vector<16xf32>
        %mul3A_96 = arith.mulf %bitcast3A_87, %sub3A_95 : vector<16xf32>
        %mul3A_97 = arith.constant 5.000000e-01 : f32
        %mul3A_98 = vector.broadcast %mul3A_97 : f32 to vector<16xf32>
        %mul3A_99 = arith.mulf %mul3A_98, %add3A_82 : vector<16xf32>
        %mul3A_100 = arith.mulf %mul3A_99, %mul3A_96 : vector<16xf32>
        %mul3A_101 = arith.mulf %mul3A_100, %mul3A_96 : vector<16xf32>
        %sub3A_102 = arith.constant 1.500000e+00 : f32
        %sub3A_103 = vector.broadcast %sub3A_102 : f32 to vector<16xf32>
        %sub3A_104 = arith.subf %sub3A_103, %mul3A_101 : vector<16xf32>
        %mul3A_105 = arith.mulf %mul3A_96, %sub3A_104 : vector<16xf32>
        %mul3A_106 = arith.constant 5.000000e-01 : f32
        %mul3A_107 = vector.broadcast %mul3A_106 : f32 to vector<16xf32>
        %mul3A_108 = arith.mulf %mul3A_107, %add3A_82 : vector<16xf32>
        %mul3A_109 = arith.mulf %mul3A_108, %mul3A_105 : vector<16xf32>
        %mul3A_110 = arith.mulf %mul3A_109, %mul3A_105 : vector<16xf32>
        %sub3A_111 = arith.constant 1.500000e+00 : f32
        %sub3A_112 = vector.broadcast %sub3A_111 : f32 to vector<16xf32>
        %sub3A_113 = arith.subf %sub3A_112, %mul3A_110 : vector<16xf32>
        %mul3A_114 = arith.mulf %mul3A_105, %sub3A_113 : vector<16xf32>
        %mul3A_115 = arith.constant 16 : i32
        %mul3A_116 = arith.muli %scan3A_66, %mul3A_115 : i32
        %swap3A = arith.index_cast %mul3A_116 : i32 to index
        %swap3A_117 = tpu.vector_load %arg14[%swap3A] {strides = array<i32>} : memref<128xf32, #tpu.memory_space<vmem>>, vector<16xf32>,
        tpu.vector_store %arg14[%swap3A], %mul3A_114 {strides = array<i32>} : memref<128xf32, #tpu.memory_space<vmem>>, vector<16xf32>,
        %scan3A_118 = arith.constant 0 : i32
        scf.yield %scan3A_118 : i32
      }
      %scan3A_57 = arith.constant 2 : i32
      %scan3A_58 = arith.constant 0 : i32
      %scan3A_59 = arith.constant 0 : i32
      %scan3A_60 = arith.constant 32 : i32
      %scan3A_61 = arith.addi %scan3A_59, %scan3A_60 : i32
      %scan3A_62 = arith.constant 1 : i32
      %scan3A_63 = scf.for %scan3A_66 = %scan3A_59 to %scan3A_61 step %scan3A_62 iter_args(%scan3A_67 = %scan3A_58) -> (i32)  : i32 {
        %and3A = arith.constant -16 : i32
        %and3A_68 = arith.andi %scan3A_66, %and3A : i32
        %get3A = arith.index_cast %and3A_68 : i32 to index
        %get3A_69 = tpu.vector_load %arg14[%get3A] {strides = array<i32>} : memref<128xf32, #tpu.memory_space<vmem>>, vector<16xf32>,
        %and3A_70 = arith.constant 15 : i32
        %and3A_71 = arith.andi %scan3A_66, %and3A_70 : i32
        %eq3A_72 = vector.broadcast %and3A_71 : i32 to vector<16xi32>
        %eq3A_73 = arith.cmpi eq, %iota3A, %eq3A_72 : vector<16xi32>
        %jit3A = arith.constant -3.000000e+38 : f32
        %broadcast_in_dim3A_74 = vector.broadcast %jit3A : f32 to vector<16xf32>
        %select_n3A = arith.select %eq3A_73, %get3A_69, %broadcast_in_dim3A_74 : vector<16xi1>, vector<16xf32>
        %reduce_max3A = arith.constant true
        %reduce_max3A_75 = vector.broadcast %reduce_max3A : i1 to vector<16xi1>
        %reduce_max3A_76 = tpu.scan <max>, %select_n3A masked %reduce_max3A_75 : vector<16xf32>, vector<16xi1> -> vector<16xf32>
        %reduce_max3A_77 = vector.extract %reduce_max3A_76[15] : f32 from vector<16xf32>
        %get3A_78 = arith.index_cast %scan3A_66 : i32 to index
        %get3A_79 = arith.constant 0 : index
        %get3A_80 = tpu.vector_load %arg12[%get3A_78, %get3A_79] {strides = array<i32>} : memref<128x64xf32, #tpu.memory_space<vmem>>, vector<16xf32>,
        %mul3A_81 = vector.broadcast %reduce_max3A_77 : f32 to vector<16xf32>
        %mul3A_82 = arith.mulf %get3A_80, %mul3A_81 : vector<16xf32>
        %max3A = arith.constant 0.000000e+00 : f32
        %max3A_83 = vector.broadcast %max3A : f32 to vector<16xf32>
        %max3A_84 = arith.maximumf %mul3A_82, %max3A_83 : vector<16xf32>
        %swap3A = arith.index_cast %scan3A_66 : i32 to index
        %swap3A_85 = arith.constant 0 : index
        %swap3A_86 = tpu.vector_load %arg12[%swap3A, %swap3A_85] {strides = array<i32>} : memref<128x64xf32, #tpu.memory_space<vmem>>, vector<16xf32>,
        tpu.vector_store %arg12[%swap3A, %swap3A_85], %max3A_84 {strides = array<i32>} : memref<128x64xf32, #tpu.memory_space<vmem>>, vector<16xf32>,
        %get3A_87 = arith.index_cast %scan3A_66 : i32 to index
        %get3A_88 = arith.constant 16 : index
        %get3A_89 = tpu.vector_load %arg12[%get3A_87, %get3A_88] {strides = array<i32>} : memref<128x64xf32, #tpu.memory_space<vmem>>, vector<16xf32>,
        %mul3A_90 = vector.broadcast %reduce_max3A_77 : f32 to vector<16xf32>
        %mul3A_91 = arith.mulf %get3A_89, %mul3A_90 : vector<16xf32>
        %max3A_92 = arith.constant 0.000000e+00 : f32
        %max3A_93 = vector.broadcast %max3A_92 : f32 to vector<16xf32>
        %max3A_94 = arith.maximumf %mul3A_91, %max3A_93 : vector<16xf32>
        %swap3A_95 = arith.index_cast %scan3A_66 : i32 to index
        %swap3A_96 = arith.constant 16 : index
        %swap3A_97 = tpu.vector_load %arg12[%swap3A_95, %swap3A_96] {strides = array<i32>} : memref<128x64xf32, #tpu.memory_space<vmem>>, vector<16xf32>,
        tpu.vector_store %arg12[%swap3A_95, %swap3A_96], %max3A_94 {strides = array<i32>} : memref<128x64xf32, #tpu.memory_space<vmem>>, vector<16xf32>,
        %get3A_98 = arith.index_cast %scan3A_66 : i32 to index
        %get3A_99 = arith.constant 32 : index
        %get3A_100 = tpu.vector_load %arg12[%get3A_98, %get3A_99] {strides = array<i32>} : memref<128x64xf32, #tpu.memory_space<vmem>>, vector<16xf32>,
        %mul3A_101 = vector.broadcast %reduce_max3A_77 : f32 to vector<16xf32>
        %mul3A_102 = arith.mulf %get3A_100, %mul3A_101 : vector<16xf32>
        %max3A_103 = arith.constant 0.000000e+00 : f32
        %max3A_104 = vector.broadcast %max3A_103 : f32 to vector<16xf32>
        %max3A_105 = arith.maximumf %mul3A_102, %max3A_104 : vector<16xf32>
        %swap3A_106 = arith.index_cast %scan3A_66 : i32 to index
        %swap3A_107 = arith.constant 32 : index
        %swap3A_108 = tpu.vector_load %arg12[%swap3A_106, %swap3A_107] {strides = array<i32>} : memref<128x64xf32, #tpu.memory_space<vmem>>, vector<16xf32>,
        tpu.vector_store %arg12[%swap3A_106, %swap3A_107], %max3A_105 {strides = array<i32>} : memref<128x64xf32, #tpu.memory_space<vmem>>, vector<16xf32>,
        %get3A_109 = arith.index_cast %scan3A_66 : i32 to index
        %get3A_110 = arith.constant 48 : index
        %get3A_111 = tpu.vector_load %arg12[%get3A_109, %get3A_110] {strides = array<i32>} : memref<128x64xf32, #tpu.memory_space<vmem>>, vector<16xf32>,
        %mul3A_112 = vector.broadcast %reduce_max3A_77 : f32 to vector<16xf32>
        %mul3A_113 = arith.mulf %get3A_111, %mul3A_112 : vector<16xf32>
        %max3A_114 = arith.constant 0.000000e+00 : f32
        %max3A_115 = vector.broadcast %max3A_114 : f32 to vector<16xf32>
        %max3A_116 = arith.maximumf %mul3A_113, %max3A_115 : vector<16xf32>
        %swap3A_117 = arith.index_cast %scan3A_66 : i32 to index
        %swap3A_118 = arith.constant 48 : index
        %swap3A_119 = tpu.vector_load %arg12[%swap3A_117, %swap3A_118] {strides = array<i32>} : memref<128x64xf32, #tpu.memory_space<vmem>>, vector<16xf32>,
        tpu.vector_store %arg12[%swap3A_117, %swap3A_118], %max3A_116 {strides = array<i32>} : memref<128x64xf32, #tpu.memory_space<vmem>>, vector<16xf32>,
        %scan3A_120 = arith.constant 0 : i32
        scf.yield %scan3A_120 : i32
      }
      %scan3A_64 = arith.constant 32 : i32
      %add3A_65 = arith.addi %mul3A_0, %add3A_50 : i32
      "tpu.region"() ({
        %run_scoped3A = tpu.sem_alloc : memref<!tpu.dma_semaphore, #tpu.memory_space<semaphore_mem>>
        %dma_start3A = arith.constant 0 : i32
        %dma_start3A_66 = arith.constant 0 : i32
        %dma_start3A_67 = tpu.memref_slice %arg12[%dma_start3A, %dma_start3A_66] : memref<128x64xf32, #tpu.memory_space<vmem>> -> memref<32x64xf32, #tpu.memory_space<vmem>>
        %dma_start3A_68 = arith.constant 0 : i32
        %dma_start3A_69 = tpu.memref_slice %arg6[%add3A_65, %dma_start3A_68] : memref<50000x64xf32, #tpu.memory_space<hbm>> -> memref<32x64xf32, #tpu.memory_space<hbm>>
        %dma_start3A_70 = arith.constant 0 : i32
        %dma_start3A_71 = tpu.memref_slice %arg6[%add3A_65, %dma_start3A_70] : memref<50000x64xf32, #tpu.memory_space<hbm>> -> memref<32x64xf32, #tpu.memory_space<hbm>>
        %dma_start3A_72 = arith.constant 0 : i32
        %dma_start3A_73 = arith.constant 0 : i32
        %dma_start3A_74 = tpu.memref_slice %arg12[%dma_start3A_72, %dma_start3A_73] : memref<128x64xf32, #tpu.memory_space<vmem>> -> memref<32x64xf32, #tpu.memory_space<vmem>>
        tpu.enqueue_dma source(%dma_start3A_74 : memref<32x64xf32, #tpu.memory_space<vmem>>) target(%dma_start3A_71 : memref<32x64xf32, #tpu.memory_space<hbm>>) target_semaphore(%run_scoped3A : memref<!tpu.dma_semaphore, #tpu.memory_space<semaphore_mem>>)
        %dma_wait3A = arith.constant 0 : i32
        %dma_wait3A_75 = arith.constant 0 : i32
        %dma_wait3A_76 = tpu.memref_slice %arg12[%dma_wait3A, %dma_wait3A_75] : memref<128x64xf32, #tpu.memory_space<vmem>> -> memref<32x64xf32, #tpu.memory_space<vmem>>
        %dma_wait3A_77 = arith.constant 0 : i32
        %dma_wait3A_78 = tpu.memref_slice %arg6[%add3A_65, %dma_wait3A_77] : memref<50000x64xf32, #tpu.memory_space<hbm>> -> memref<32x64xf32, #tpu.memory_space<hbm>>
        %dma_wait3A_79 = arith.constant 0 : i32
        %dma_wait3A_80 = tpu.memref_slice %arg6[%add3A_65, %dma_wait3A_79] : memref<50000x64xf32, #tpu.memory_space<hbm>> -> memref<32x64xf32, #tpu.memory_space<hbm>>
        %dma_wait3A_81 = arith.constant 0 : i32
        %dma_wait3A_82 = arith.constant 0 : i32
        %dma_wait3A_83 = tpu.memref_slice %arg12[%dma_wait3A_81, %dma_wait3A_82] : memref<128x64xf32, #tpu.memory_space<vmem>> -> memref<32x64xf32, #tpu.memory_space<vmem>>
        tpu.wait_dma2 semaphore(%run_scoped3A : memref<!tpu.dma_semaphore, #tpu.memory_space<semaphore_mem>>) src(%dma_wait3A_83 : memref<32x64xf32, #tpu.memory_space<vmem>>) dst(%dma_wait3A_80 : memref<32x64xf32, #tpu.memory_space<hbm>>)
        tpu.yield
      }) : () -> ()
    } else {
    }
    %eq3A_36 = arith.constant 15 : i32
    %eq3A_37 = arith.cmpi eq, %arg1, %eq3A_36 : i32
    %convert_element_type3A_38 = arith.extui %eq3A_37 : i1 to i32
    %cond3A_39 = arith.constant 0 : i32
    %cond3A_40 = arith.cmpi ne, %convert_element_type3A_38, %cond3A_39 : i32
    scf.if %cond3A_40 {
      %scan3A_41 = arith.constant 0 : i32
      %scan3A_42 = arith.constant 0 : i32
      %scan3A_43 = arith.constant 11 : i32
      %scan3A_44 = arith.addi %scan3A_42, %scan3A_43 : i32
      %scan3A_45 = arith.constant 1 : i32
      %scan3A_46 = scf.for %scan3A_63 = %scan3A_42 to %scan3A_44 step %scan3A_45 iter_args(%scan3A_64 = %scan3A_41) -> (i32)  : i32 {
        %mul3A_65 = arith.constant 128 : i32
        %mul3A_66 = arith.muli %scan3A_63, %mul3A_65 : i32
        %add3A_67 = arith.constant 23520 : i32
        %add3A_68 = arith.addi %add3A_67, %mul3A_66 : i32
        %mul3A_69 = arith.constant 128 : i32
        %mul3A_70 = arith.muli %scan3A_63, %mul3A_69 : i32
        "tpu.region"() ({
          %run_scoped3A = tpu.sem_alloc : memref<!tpu.dma_semaphore, #tpu.memory_space<semaphore_mem>>
          %dma_start3A = arith.constant 0 : i32
          %dma_start3A_87 = arith.constant 0 : i32
          %dma_start3A_88 = tpu.memref_slice %arg12[%dma_start3A, %dma_start3A_87] : memref<128x64xf32, #tpu.memory_space<vmem>> -> memref<128x64xf32, #tpu.memory_space<vmem>>
          %dma_start3A_89 = arith.constant 0 : i32
          %dma_start3A_90 = tpu.memref_slice %arg7[%add3A_68, %dma_start3A_89] : memref<25008x64xf32, #tpu.memory_space<vmem_shared>> -> memref<128x64xf32, #tpu.memory_space<vmem_shared>>
          %dma_start3A_91 = arith.constant 0 : i32
          %dma_start3A_92 = arith.constant 0 : i32
          %dma_start3A_93 = tpu.memref_slice %arg12[%dma_start3A_91, %dma_start3A_92] : memref<128x64xf32, #tpu.memory_space<vmem>> -> memref<128x64xf32, #tpu.memory_space<vmem>>
          %dma_start3A_94 = arith.constant 0 : i32
          %dma_start3A_95 = tpu.memref_slice %arg7[%add3A_68, %dma_start3A_94] : memref<25008x64xf32, #tpu.memory_space<vmem_shared>> -> memref<128x64xf32, #tpu.memory_space<vmem_shared>>
          tpu.enqueue_dma source(%dma_start3A_95 : memref<128x64xf32, #tpu.memory_space<vmem_shared>>) target(%dma_start3A_93 : memref<128x64xf32, #tpu.memory_space<vmem>>) target_semaphore(%run_scoped3A : memref<!tpu.dma_semaphore, #tpu.memory_space<semaphore_mem>>)
          %dma_wait3A = arith.constant 0 : i32
          %dma_wait3A_96 = arith.constant 0 : i32
          %dma_wait3A_97 = tpu.memref_slice %arg12[%dma_wait3A, %dma_wait3A_96] : memref<128x64xf32, #tpu.memory_space<vmem>> -> memref<128x64xf32, #tpu.memory_space<vmem>>
          %dma_wait3A_98 = arith.constant 0 : i32
          %dma_wait3A_99 = tpu.memref_slice %arg7[%add3A_68, %dma_wait3A_98] : memref<25008x64xf32, #tpu.memory_space<vmem_shared>> -> memref<128x64xf32, #tpu.memory_space<vmem_shared>>
          %dma_wait3A_100 = arith.constant 0 : i32
          %dma_wait3A_101 = arith.constant 0 : i32
          %dma_wait3A_102 = tpu.memref_slice %arg12[%dma_wait3A_100, %dma_wait3A_101] : memref<128x64xf32, #tpu.memory_space<vmem>> -> memref<128x64xf32, #tpu.memory_space<vmem>>
          %dma_wait3A_103 = arith.constant 0 : i32
          %dma_wait3A_104 = tpu.memref_slice %arg7[%add3A_68, %dma_wait3A_103] : memref<25008x64xf32, #tpu.memory_space<vmem_shared>> -> memref<128x64xf32, #tpu.memory_space<vmem_shared>>
          tpu.wait_dma2 semaphore(%run_scoped3A : memref<!tpu.dma_semaphore, #tpu.memory_space<semaphore_mem>>) src(%dma_wait3A_104 : memref<128x64xf32, #tpu.memory_space<vmem_shared>>) dst(%dma_wait3A_102 : memref<128x64xf32, #tpu.memory_space<vmem>>)
          tpu.yield
        }) : () -> ()
        %scan3A_71 = arith.constant 0 : i32
        %scan3A_72 = arith.constant 0 : i32
        %scan3A_73 = arith.constant 8 : i32
        %scan3A_74 = arith.addi %scan3A_72, %scan3A_73 : i32
        %scan3A_75 = arith.constant 1 : i32
        %scan3A_76 = scf.for %scan3A_87 = %scan3A_72 to %scan3A_74 step %scan3A_75 iter_args(%scan3A_88 = %scan3A_71) -> (i32)  : i32 {
          %mul3A_89 = arith.constant 16 : i32
          %mul3A_90 = arith.muli %scan3A_87, %mul3A_89 : i32
          %add3A_91 = arith.addi %mul3A_70, %mul3A_90 : i32
          %get3A = arith.index_cast %add3A_91 : i32 to index
          %get3A_92 = tpu.vector_load %arg15[%get3A] {strides = array<i32>} : memref<1568xf32, #tpu.memory_space<vmem>>, vector<16xf32>,
          %mul3A_93 = arith.constant 16 : i32
          %mul3A_94 = arith.muli %scan3A_87, %mul3A_93 : i32
          %add3A_95 = arith.addi %mul3A_70, %mul3A_94 : i32
          %get3A_96 = arith.index_cast %add3A_95 : i32 to index
          %get3A_97 = tpu.vector_load %arg16[%get3A_96] {strides = array<i32>} : memref<1568xf32, #tpu.memory_space<vmem>>, vector<16xf32>,
          %add3A_98 = arith.addf %get3A_92, %get3A_97 : vector<16xf32>
          %add3A_99 = arith.constant 1.000000e+00 : f32
          %add3A_100 = vector.broadcast %add3A_99 : f32 to vector<16xf32>
          %add3A_101 = arith.addf %add3A_98, %add3A_100 : vector<16xf32>
          %bitcast3A = vector.bitcast %add3A_101 : vector<16xf32> to vector<16xi32>
          %shift_right_logical3A = arith.constant 1 : i32
          %shift_right_logical3A_102 = vector.broadcast %shift_right_logical3A : i32 to vector<16xi32>
          %shift_right_logical3A_103 = arith.shrui %bitcast3A, %shift_right_logical3A_102 : vector<16xi32>
          %sub3A = arith.constant 1597463007 : i32
          %sub3A_104 = vector.broadcast %sub3A : i32 to vector<16xi32>
          %sub3A_105 = arith.subi %sub3A_104, %shift_right_logical3A_103 : vector<16xi32>
          %bitcast3A_106 = vector.bitcast %sub3A_105 : vector<16xi32> to vector<16xf32>
          %mul3A_107 = arith.constant 5.000000e-01 : f32
          %mul3A_108 = vector.broadcast %mul3A_107 : f32 to vector<16xf32>
          %mul3A_109 = arith.mulf %mul3A_108, %add3A_101 : vector<16xf32>
          %mul3A_110 = arith.mulf %mul3A_109, %bitcast3A_106 : vector<16xf32>
          %mul3A_111 = arith.mulf %mul3A_110, %bitcast3A_106 : vector<16xf32>
          %sub3A_112 = arith.constant 1.500000e+00 : f32
          %sub3A_113 = vector.broadcast %sub3A_112 : f32 to vector<16xf32>
          %sub3A_114 = arith.subf %sub3A_113, %mul3A_111 : vector<16xf32>
          %mul3A_115 = arith.mulf %bitcast3A_106, %sub3A_114 : vector<16xf32>
          %mul3A_116 = arith.constant 5.000000e-01 : f32
          %mul3A_117 = vector.broadcast %mul3A_116 : f32 to vector<16xf32>
          %mul3A_118 = arith.mulf %mul3A_117, %add3A_101 : vector<16xf32>
          %mul3A_119 = arith.mulf %mul3A_118, %mul3A_115 : vector<16xf32>
          %mul3A_120 = arith.mulf %mul3A_119, %mul3A_115 : vector<16xf32>
          %sub3A_121 = arith.constant 1.500000e+00 : f32
          %sub3A_122 = vector.broadcast %sub3A_121 : f32 to vector<16xf32>
          %sub3A_123 = arith.subf %sub3A_122, %mul3A_120 : vector<16xf32>
          %mul3A_124 = arith.mulf %mul3A_115, %sub3A_123 : vector<16xf32>
          %mul3A_125 = arith.constant 5.000000e-01 : f32
          %mul3A_126 = vector.broadcast %mul3A_125 : f32 to vector<16xf32>
          %mul3A_127 = arith.mulf %mul3A_126, %add3A_101 : vector<16xf32>
          %mul3A_128 = arith.mulf %mul3A_127, %mul3A_124 : vector<16xf32>
          %mul3A_129 = arith.mulf %mul3A_128, %mul3A_124 : vector<16xf32>
          %sub3A_130 = arith.constant 1.500000e+00 : f32
          %sub3A_131 = vector.broadcast %sub3A_130 : f32 to vector<16xf32>
          %sub3A_132 = arith.subf %sub3A_131, %mul3A_129 : vector<16xf32>
          %mul3A_133 = arith.mulf %mul3A_124, %sub3A_132 : vector<16xf32>
          %mul3A_134 = arith.constant 16 : i32
          %mul3A_135 = arith.muli %scan3A_87, %mul3A_134 : i32
          %swap3A = arith.index_cast %mul3A_135 : i32 to index
          %swap3A_136 = tpu.vector_load %arg14[%swap3A] {strides = array<i32>} : memref<128xf32, #tpu.memory_space<vmem>>, vector<16xf32>,
          tpu.vector_store %arg14[%swap3A], %mul3A_133 {strides = array<i32>} : memref<128xf32, #tpu.memory_space<vmem>>, vector<16xf32>,
          %scan3A_137 = arith.constant 0 : i32
          scf.yield %scan3A_137 : i32
        }
        %scan3A_77 = arith.constant 8 : i32
        %scan3A_78 = arith.constant 0 : i32
        %scan3A_79 = arith.constant 0 : i32
        %scan3A_80 = arith.constant 128 : i32
        %scan3A_81 = arith.addi %scan3A_79, %scan3A_80 : i32
        %scan3A_82 = arith.constant 1 : i32
        %scan3A_83 = scf.for %scan3A_87 = %scan3A_79 to %scan3A_81 step %scan3A_82 iter_args(%scan3A_88 = %scan3A_78) -> (i32)  : i32 {
          %and3A = arith.constant -16 : i32
          %and3A_89 = arith.andi %scan3A_87, %and3A : i32
          %get3A = arith.index_cast %and3A_89 : i32 to index
          %get3A_90 = tpu.vector_load %arg14[%get3A] {strides = array<i32>} : memref<128xf32, #tpu.memory_space<vmem>>, vector<16xf32>,
          %and3A_91 = arith.constant 15 : i32
          %and3A_92 = arith.andi %scan3A_87, %and3A_91 : i32
          %eq3A_93 = vector.broadcast %and3A_92 : i32 to vector<16xi32>
          %eq3A_94 = arith.cmpi eq, %iota3A, %eq3A_93 : vector<16xi32>
          %jit3A = arith.constant -3.000000e+38 : f32
          %broadcast_in_dim3A_95 = vector.broadcast %jit3A : f32 to vector<16xf32>
          %select_n3A = arith.select %eq3A_94, %get3A_90, %broadcast_in_dim3A_95 : vector<16xi1>, vector<16xf32>
          %reduce_max3A = arith.constant true
          %reduce_max3A_96 = vector.broadcast %reduce_max3A : i1 to vector<16xi1>
          %reduce_max3A_97 = tpu.scan <max>, %select_n3A masked %reduce_max3A_96 : vector<16xf32>, vector<16xi1> -> vector<16xf32>
          %reduce_max3A_98 = vector.extract %reduce_max3A_97[15] : f32 from vector<16xf32>
          %get3A_99 = arith.index_cast %scan3A_87 : i32 to index
          %get3A_100 = arith.constant 0 : index
          %get3A_101 = tpu.vector_load %arg12[%get3A_99, %get3A_100] {strides = array<i32>} : memref<128x64xf32, #tpu.memory_space<vmem>>, vector<16xf32>,
          %mul3A_102 = vector.broadcast %reduce_max3A_98 : f32 to vector<16xf32>
          %mul3A_103 = arith.mulf %get3A_101, %mul3A_102 : vector<16xf32>
          %max3A = arith.constant 0.000000e+00 : f32
          %max3A_104 = vector.broadcast %max3A : f32 to vector<16xf32>
          %max3A_105 = arith.maximumf %mul3A_103, %max3A_104 : vector<16xf32>
          %swap3A = arith.index_cast %scan3A_87 : i32 to index
          %swap3A_106 = arith.constant 0 : index
          %swap3A_107 = tpu.vector_load %arg12[%swap3A, %swap3A_106] {strides = array<i32>} : memref<128x64xf32, #tpu.memory_space<vmem>>, vector<16xf32>,
          tpu.vector_store %arg12[%swap3A, %swap3A_106], %max3A_105 {strides = array<i32>} : memref<128x64xf32, #tpu.memory_space<vmem>>, vector<16xf32>,
          %get3A_108 = arith.index_cast %scan3A_87 : i32 to index
          %get3A_109 = arith.constant 16 : index
          %get3A_110 = tpu.vector_load %arg12[%get3A_108, %get3A_109] {strides = array<i32>} : memref<128x64xf32, #tpu.memory_space<vmem>>, vector<16xf32>,
          %mul3A_111 = vector.broadcast %reduce_max3A_98 : f32 to vector<16xf32>
          %mul3A_112 = arith.mulf %get3A_110, %mul3A_111 : vector<16xf32>
          %max3A_113 = arith.constant 0.000000e+00 : f32
          %max3A_114 = vector.broadcast %max3A_113 : f32 to vector<16xf32>
          %max3A_115 = arith.maximumf %mul3A_112, %max3A_114 : vector<16xf32>
          %swap3A_116 = arith.index_cast %scan3A_87 : i32 to index
          %swap3A_117 = arith.constant 16 : index
          %swap3A_118 = tpu.vector_load %arg12[%swap3A_116, %swap3A_117] {strides = array<i32>} : memref<128x64xf32, #tpu.memory_space<vmem>>, vector<16xf32>,
          tpu.vector_store %arg12[%swap3A_116, %swap3A_117], %max3A_115 {strides = array<i32>} : memref<128x64xf32, #tpu.memory_space<vmem>>, vector<16xf32>,
          %get3A_119 = arith.index_cast %scan3A_87 : i32 to index
          %get3A_120 = arith.constant 32 : index
          %get3A_121 = tpu.vector_load %arg12[%get3A_119, %get3A_120] {strides = array<i32>} : memref<128x64xf32, #tpu.memory_space<vmem>>, vector<16xf32>,
          %mul3A_122 = vector.broadcast %reduce_max3A_98 : f32 to vector<16xf32>
          %mul3A_123 = arith.mulf %get3A_121, %mul3A_122 : vector<16xf32>
          %max3A_124 = arith.constant 0.000000e+00 : f32
          %max3A_125 = vector.broadcast %max3A_124 : f32 to vector<16xf32>
          %max3A_126 = arith.maximumf %mul3A_123, %max3A_125 : vector<16xf32>
          %swap3A_127 = arith.index_cast %scan3A_87 : i32 to index
          %swap3A_128 = arith.constant 32 : index
          %swap3A_129 = tpu.vector_load %arg12[%swap3A_127, %swap3A_128] {strides = array<i32>} : memref<128x64xf32, #tpu.memory_space<vmem>>, vector<16xf32>,
          tpu.vector_store %arg12[%swap3A_127, %swap3A_128], %max3A_126 {strides = array<i32>} : memref<128x64xf32, #tpu.memory_space<vmem>>, vector<16xf32>,
          %get3A_130 = arith.index_cast %scan3A_87 : i32 to index
          %get3A_131 = arith.constant 48 : index
          %get3A_132 = tpu.vector_load %arg12[%get3A_130, %get3A_131] {strides = array<i32>} : memref<128x64xf32, #tpu.memory_space<vmem>>, vector<16xf32>,
          %mul3A_133 = vector.broadcast %reduce_max3A_98 : f32 to vector<16xf32>
          %mul3A_134 = arith.mulf %get3A_132, %mul3A_133 : vector<16xf32>
          %max3A_135 = arith.constant 0.000000e+00 : f32
          %max3A_136 = vector.broadcast %max3A_135 : f32 to vector<16xf32>
          %max3A_137 = arith.maximumf %mul3A_134, %max3A_136 : vector<16xf32>
          %swap3A_138 = arith.index_cast %scan3A_87 : i32 to index
          %swap3A_139 = arith.constant 48 : index
          %swap3A_140 = tpu.vector_load %arg12[%swap3A_138, %swap3A_139] {strides = array<i32>} : memref<128x64xf32, #tpu.memory_space<vmem>>, vector<16xf32>,
          tpu.vector_store %arg12[%swap3A_138, %swap3A_139], %max3A_137 {strides = array<i32>} : memref<128x64xf32, #tpu.memory_space<vmem>>, vector<16xf32>,
          %scan3A_141 = arith.constant 0 : i32
          scf.yield %scan3A_141 : i32
        }
        %scan3A_84 = arith.constant 128 : i32
        %add3A_85 = arith.addi %mul3A_0, %add3A_68 : i32
        "tpu.region"() ({
          %run_scoped3A = tpu.sem_alloc : memref<!tpu.dma_semaphore, #tpu.memory_space<semaphore_mem>>
          %dma_start3A = arith.constant 0 : i32
          %dma_start3A_87 = arith.constant 0 : i32
          %dma_start3A_88 = tpu.memref_slice %arg12[%dma_start3A, %dma_start3A_87] : memref<128x64xf32, #tpu.memory_space<vmem>> -> memref<128x64xf32, #tpu.memory_space<vmem>>
          %dma_start3A_89 = arith.constant 0 : i32
          %dma_start3A_90 = tpu.memref_slice %arg6[%add3A_85, %dma_start3A_89] : memref<50000x64xf32, #tpu.memory_space<hbm>> -> memref<128x64xf32, #tpu.memory_space<hbm>>
          %dma_start3A_91 = arith.constant 0 : i32
          %dma_start3A_92 = tpu.memref_slice %arg6[%add3A_85, %dma_start3A_91] : memref<50000x64xf32, #tpu.memory_space<hbm>> -> memref<128x64xf32, #tpu.memory_space<hbm>>
          %dma_start3A_93 = arith.constant 0 : i32
          %dma_start3A_94 = arith.constant 0 : i32
          %dma_start3A_95 = tpu.memref_slice %arg12[%dma_start3A_93, %dma_start3A_94] : memref<128x64xf32, #tpu.memory_space<vmem>> -> memref<128x64xf32, #tpu.memory_space<vmem>>
          tpu.enqueue_dma source(%dma_start3A_95 : memref<128x64xf32, #tpu.memory_space<vmem>>) target(%dma_start3A_92 : memref<128x64xf32, #tpu.memory_space<hbm>>) target_semaphore(%run_scoped3A : memref<!tpu.dma_semaphore, #tpu.memory_space<semaphore_mem>>)
          %dma_wait3A = arith.constant 0 : i32
          %dma_wait3A_96 = arith.constant 0 : i32
          %dma_wait3A_97 = tpu.memref_slice %arg12[%dma_wait3A, %dma_wait3A_96] : memref<128x64xf32, #tpu.memory_space<vmem>> -> memref<128x64xf32, #tpu.memory_space<vmem>>
          %dma_wait3A_98 = arith.constant 0 : i32
          %dma_wait3A_99 = tpu.memref_slice %arg6[%add3A_85, %dma_wait3A_98] : memref<50000x64xf32, #tpu.memory_space<hbm>> -> memref<128x64xf32, #tpu.memory_space<hbm>>
          %dma_wait3A_100 = arith.constant 0 : i32
          %dma_wait3A_101 = tpu.memref_slice %arg6[%add3A_85, %dma_wait3A_100] : memref<50000x64xf32, #tpu.memory_space<hbm>> -> memref<128x64xf32, #tpu.memory_space<hbm>>
          %dma_wait3A_102 = arith.constant 0 : i32
          %dma_wait3A_103 = arith.constant 0 : i32
          %dma_wait3A_104 = tpu.memref_slice %arg12[%dma_wait3A_102, %dma_wait3A_103] : memref<128x64xf32, #tpu.memory_space<vmem>> -> memref<128x64xf32, #tpu.memory_space<vmem>>
          tpu.wait_dma2 semaphore(%run_scoped3A : memref<!tpu.dma_semaphore, #tpu.memory_space<semaphore_mem>>) src(%dma_wait3A_104 : memref<128x64xf32, #tpu.memory_space<vmem>>) dst(%dma_wait3A_101 : memref<128x64xf32, #tpu.memory_space<hbm>>)
          tpu.yield
        }) : () -> ()
        %scan3A_86 = arith.constant 0 : i32
        scf.yield %scan3A_86 : i32
      }
      %scan3A_47 = arith.constant 11 : i32
      "tpu.region"() ({
        %run_scoped3A = tpu.sem_alloc : memref<!tpu.dma_semaphore, #tpu.memory_space<semaphore_mem>>
        %dma_start3A = arith.constant 0 : i32
        %dma_start3A_63 = arith.constant 0 : i32
        %dma_start3A_64 = tpu.memref_slice %arg12[%dma_start3A, %dma_start3A_63] : memref<128x64xf32, #tpu.memory_space<vmem>> -> memref<72x64xf32, #tpu.memory_space<vmem>>
        %dma_start3A_65 = arith.constant 24928 : i32
        %dma_start3A_66 = arith.constant 0 : i32
        %dma_start3A_67 = tpu.memref_slice %arg7[%dma_start3A_65, %dma_start3A_66] : memref<25008x64xf32, #tpu.memory_space<vmem_shared>> -> memref<72x64xf32, #tpu.memory_space<vmem_shared>>
        %dma_start3A_68 = arith.constant 0 : i32
        %dma_start3A_69 = arith.constant 0 : i32
        %dma_start3A_70 = tpu.memref_slice %arg12[%dma_start3A_68, %dma_start3A_69] : memref<128x64xf32, #tpu.memory_space<vmem>> -> memref<72x64xf32, #tpu.memory_space<vmem>>
        %dma_start3A_71 = arith.constant 24928 : i32
        %dma_start3A_72 = arith.constant 0 : i32
        %dma_start3A_73 = tpu.memref_slice %arg7[%dma_start3A_71, %dma_start3A_72] : memref<25008x64xf32, #tpu.memory_space<vmem_shared>> -> memref<72x64xf32, #tpu.memory_space<vmem_shared>>
        tpu.enqueue_dma source(%dma_start3A_73 : memref<72x64xf32, #tpu.memory_space<vmem_shared>>) target(%dma_start3A_70 : memref<72x64xf32, #tpu.memory_space<vmem>>) target_semaphore(%run_scoped3A : memref<!tpu.dma_semaphore, #tpu.memory_space<semaphore_mem>>)
        %dma_wait3A = arith.constant 0 : i32
        %dma_wait3A_74 = arith.constant 0 : i32
        %dma_wait3A_75 = tpu.memref_slice %arg12[%dma_wait3A, %dma_wait3A_74] : memref<128x64xf32, #tpu.memory_space<vmem>> -> memref<72x64xf32, #tpu.memory_space<vmem>>
        %dma_wait3A_76 = arith.constant 24928 : i32
        %dma_wait3A_77 = arith.constant 0 : i32
        %dma_wait3A_78 = tpu.memref_slice %arg7[%dma_wait3A_76, %dma_wait3A_77] : memref<25008x64xf32, #tpu.memory_space<vmem_shared>> -> memref<72x64xf32, #tpu.memory_space<vmem_shared>>
        %dma_wait3A_79 = arith.constant 0 : i32
        %dma_wait3A_80 = arith.constant 0 : i32
        %dma_wait3A_81 = tpu.memref_slice %arg12[%dma_wait3A_79, %dma_wait3A_80] : memref<128x64xf32, #tpu.memory_space<vmem>> -> memref<72x64xf32, #tpu.memory_space<vmem>>
        %dma_wait3A_82 = arith.constant 24928 : i32
        %dma_wait3A_83 = arith.constant 0 : i32
        %dma_wait3A_84 = tpu.memref_slice %arg7[%dma_wait3A_82, %dma_wait3A_83] : memref<25008x64xf32, #tpu.memory_space<vmem_shared>> -> memref<72x64xf32, #tpu.memory_space<vmem_shared>>
        tpu.wait_dma2 semaphore(%run_scoped3A : memref<!tpu.dma_semaphore, #tpu.memory_space<semaphore_mem>>) src(%dma_wait3A_84 : memref<72x64xf32, #tpu.memory_space<vmem_shared>>) dst(%dma_wait3A_81 : memref<72x64xf32, #tpu.memory_space<vmem>>)
        tpu.yield
      }) : () -> ()
      %scan3A_48 = arith.constant 0 : i32
      %scan3A_49 = arith.constant 0 : i32
      %scan3A_50 = arith.constant 5 : i32
      %scan3A_51 = arith.addi %scan3A_49, %scan3A_50 : i32
      %scan3A_52 = arith.constant 1 : i32
      %scan3A_53 = scf.for %scan3A_63 = %scan3A_49 to %scan3A_51 step %scan3A_52 iter_args(%scan3A_64 = %scan3A_48) -> (i32)  : i32 {
        %mul3A_65 = arith.constant 16 : i32
        %mul3A_66 = arith.muli %scan3A_63, %mul3A_65 : i32
        %add3A_67 = arith.constant 1408 : i32
        %add3A_68 = arith.addi %add3A_67, %mul3A_66 : i32
        %get3A = arith.index_cast %add3A_68 : i32 to index
        %get3A_69 = tpu.vector_load %arg15[%get3A] {strides = array<i32>} : memref<1568xf32, #tpu.memory_space<vmem>>, vector<16xf32>,
        %mul3A_70 = arith.constant 16 : i32
        %mul3A_71 = arith.muli %scan3A_63, %mul3A_70 : i32
        %add3A_72 = arith.constant 1408 : i32
        %add3A_73 = arith.addi %add3A_72, %mul3A_71 : i32
        %get3A_74 = arith.index_cast %add3A_73 : i32 to index
        %get3A_75 = tpu.vector_load %arg16[%get3A_74] {strides = array<i32>} : memref<1568xf32, #tpu.memory_space<vmem>>, vector<16xf32>,
        %add3A_76 = arith.addf %get3A_69, %get3A_75 : vector<16xf32>
        %add3A_77 = arith.constant 1.000000e+00 : f32
        %add3A_78 = vector.broadcast %add3A_77 : f32 to vector<16xf32>
        %add3A_79 = arith.addf %add3A_76, %add3A_78 : vector<16xf32>
        %bitcast3A = vector.bitcast %add3A_79 : vector<16xf32> to vector<16xi32>
        %shift_right_logical3A = arith.constant 1 : i32
        %shift_right_logical3A_80 = vector.broadcast %shift_right_logical3A : i32 to vector<16xi32>
        %shift_right_logical3A_81 = arith.shrui %bitcast3A, %shift_right_logical3A_80 : vector<16xi32>
        %sub3A = arith.constant 1597463007 : i32
        %sub3A_82 = vector.broadcast %sub3A : i32 to vector<16xi32>
        %sub3A_83 = arith.subi %sub3A_82, %shift_right_logical3A_81 : vector<16xi32>
        %bitcast3A_84 = vector.bitcast %sub3A_83 : vector<16xi32> to vector<16xf32>
        %mul3A_85 = arith.constant 5.000000e-01 : f32
        %mul3A_86 = vector.broadcast %mul3A_85 : f32 to vector<16xf32>
        %mul3A_87 = arith.mulf %mul3A_86, %add3A_79 : vector<16xf32>
        %mul3A_88 = arith.mulf %mul3A_87, %bitcast3A_84 : vector<16xf32>
        %mul3A_89 = arith.mulf %mul3A_88, %bitcast3A_84 : vector<16xf32>
        %sub3A_90 = arith.constant 1.500000e+00 : f32
        %sub3A_91 = vector.broadcast %sub3A_90 : f32 to vector<16xf32>
        %sub3A_92 = arith.subf %sub3A_91, %mul3A_89 : vector<16xf32>
        %mul3A_93 = arith.mulf %bitcast3A_84, %sub3A_92 : vector<16xf32>
        %mul3A_94 = arith.constant 5.000000e-01 : f32
        %mul3A_95 = vector.broadcast %mul3A_94 : f32 to vector<16xf32>
        %mul3A_96 = arith.mulf %mul3A_95, %add3A_79 : vector<16xf32>
        %mul3A_97 = arith.mulf %mul3A_96, %mul3A_93 : vector<16xf32>
        %mul3A_98 = arith.mulf %mul3A_97, %mul3A_93 : vector<16xf32>
        %sub3A_99 = arith.constant 1.500000e+00 : f32
        %sub3A_100 = vector.broadcast %sub3A_99 : f32 to vector<16xf32>
        %sub3A_101 = arith.subf %sub3A_100, %mul3A_98 : vector<16xf32>
        %mul3A_102 = arith.mulf %mul3A_93, %sub3A_101 : vector<16xf32>
        %mul3A_103 = arith.constant 5.000000e-01 : f32
        %mul3A_104 = vector.broadcast %mul3A_103 : f32 to vector<16xf32>
        %mul3A_105 = arith.mulf %mul3A_104, %add3A_79 : vector<16xf32>
        %mul3A_106 = arith.mulf %mul3A_105, %mul3A_102 : vector<16xf32>
        %mul3A_107 = arith.mulf %mul3A_106, %mul3A_102 : vector<16xf32>
        %sub3A_108 = arith.constant 1.500000e+00 : f32
        %sub3A_109 = vector.broadcast %sub3A_108 : f32 to vector<16xf32>
        %sub3A_110 = arith.subf %sub3A_109, %mul3A_107 : vector<16xf32>
        %mul3A_111 = arith.mulf %mul3A_102, %sub3A_110 : vector<16xf32>
        %mul3A_112 = arith.constant 16 : i32
        %mul3A_113 = arith.muli %scan3A_63, %mul3A_112 : i32
        %swap3A = arith.index_cast %mul3A_113 : i32 to index
        %swap3A_114 = tpu.vector_load %arg14[%swap3A] {strides = array<i32>} : memref<128xf32, #tpu.memory_space<vmem>>, vector<16xf32>,
        tpu.vector_store %arg14[%swap3A], %mul3A_111 {strides = array<i32>} : memref<128xf32, #tpu.memory_space<vmem>>, vector<16xf32>,
        %scan3A_115 = arith.constant 0 : i32
        scf.yield %scan3A_115 : i32
      }
      %scan3A_54 = arith.constant 5 : i32
      %scan3A_55 = arith.constant 0 : i32
      %scan3A_56 = arith.constant 0 : i32
      %scan3A_57 = arith.constant 72 : i32
      %scan3A_58 = arith.addi %scan3A_56, %scan3A_57 : i32
      %scan3A_59 = arith.constant 1 : i32
      %scan3A_60 = scf.for %scan3A_63 = %scan3A_56 to %scan3A_58 step %scan3A_59 iter_args(%scan3A_64 = %scan3A_55) -> (i32)  : i32 {
        %and3A = arith.constant -16 : i32
        %and3A_65 = arith.andi %scan3A_63, %and3A : i32
        %get3A = arith.index_cast %and3A_65 : i32 to index
        %get3A_66 = tpu.vector_load %arg14[%get3A] {strides = array<i32>} : memref<128xf32, #tpu.memory_space<vmem>>, vector<16xf32>,
        %and3A_67 = arith.constant 15 : i32
        %and3A_68 = arith.andi %scan3A_63, %and3A_67 : i32
        %eq3A_69 = vector.broadcast %and3A_68 : i32 to vector<16xi32>
        %eq3A_70 = arith.cmpi eq, %iota3A, %eq3A_69 : vector<16xi32>
        %jit3A = arith.constant -3.000000e+38 : f32
        %broadcast_in_dim3A_71 = vector.broadcast %jit3A : f32 to vector<16xf32>
        %select_n3A = arith.select %eq3A_70, %get3A_66, %broadcast_in_dim3A_71 : vector<16xi1>, vector<16xf32>
        %reduce_max3A = arith.constant true
        %reduce_max3A_72 = vector.broadcast %reduce_max3A : i1 to vector<16xi1>
        %reduce_max3A_73 = tpu.scan <max>, %select_n3A masked %reduce_max3A_72 : vector<16xf32>, vector<16xi1> -> vector<16xf32>
        %reduce_max3A_74 = vector.extract %reduce_max3A_73[15] : f32 from vector<16xf32>
        %get3A_75 = arith.index_cast %scan3A_63 : i32 to index
        %get3A_76 = arith.constant 0 : index
        %get3A_77 = tpu.vector_load %arg12[%get3A_75, %get3A_76] {strides = array<i32>} : memref<128x64xf32, #tpu.memory_space<vmem>>, vector<16xf32>,
        %mul3A_78 = vector.broadcast %reduce_max3A_74 : f32 to vector<16xf32>
        %mul3A_79 = arith.mulf %get3A_77, %mul3A_78 : vector<16xf32>
        %max3A = arith.constant 0.000000e+00 : f32
        %max3A_80 = vector.broadcast %max3A : f32 to vector<16xf32>
        %max3A_81 = arith.maximumf %mul3A_79, %max3A_80 : vector<16xf32>
        %swap3A = arith.index_cast %scan3A_63 : i32 to index
        %swap3A_82 = arith.constant 0 : index
        %swap3A_83 = tpu.vector_load %arg12[%swap3A, %swap3A_82] {strides = array<i32>} : memref<128x64xf32, #tpu.memory_space<vmem>>, vector<16xf32>,
        tpu.vector_store %arg12[%swap3A, %swap3A_82], %max3A_81 {strides = array<i32>} : memref<128x64xf32, #tpu.memory_space<vmem>>, vector<16xf32>,
        %get3A_84 = arith.index_cast %scan3A_63 : i32 to index
        %get3A_85 = arith.constant 16 : index
        %get3A_86 = tpu.vector_load %arg12[%get3A_84, %get3A_85] {strides = array<i32>} : memref<128x64xf32, #tpu.memory_space<vmem>>, vector<16xf32>,
        %mul3A_87 = vector.broadcast %reduce_max3A_74 : f32 to vector<16xf32>
        %mul3A_88 = arith.mulf %get3A_86, %mul3A_87 : vector<16xf32>
        %max3A_89 = arith.constant 0.000000e+00 : f32
        %max3A_90 = vector.broadcast %max3A_89 : f32 to vector<16xf32>
        %max3A_91 = arith.maximumf %mul3A_88, %max3A_90 : vector<16xf32>
        %swap3A_92 = arith.index_cast %scan3A_63 : i32 to index
        %swap3A_93 = arith.constant 16 : index
        %swap3A_94 = tpu.vector_load %arg12[%swap3A_92, %swap3A_93] {strides = array<i32>} : memref<128x64xf32, #tpu.memory_space<vmem>>, vector<16xf32>,
        tpu.vector_store %arg12[%swap3A_92, %swap3A_93], %max3A_91 {strides = array<i32>} : memref<128x64xf32, #tpu.memory_space<vmem>>, vector<16xf32>,
        %get3A_95 = arith.index_cast %scan3A_63 : i32 to index
        %get3A_96 = arith.constant 32 : index
        %get3A_97 = tpu.vector_load %arg12[%get3A_95, %get3A_96] {strides = array<i32>} : memref<128x64xf32, #tpu.memory_space<vmem>>, vector<16xf32>,
        %mul3A_98 = vector.broadcast %reduce_max3A_74 : f32 to vector<16xf32>
        %mul3A_99 = arith.mulf %get3A_97, %mul3A_98 : vector<16xf32>
        %max3A_100 = arith.constant 0.000000e+00 : f32
        %max3A_101 = vector.broadcast %max3A_100 : f32 to vector<16xf32>
        %max3A_102 = arith.maximumf %mul3A_99, %max3A_101 : vector<16xf32>
        %swap3A_103 = arith.index_cast %scan3A_63 : i32 to index
        %swap3A_104 = arith.constant 32 : index
        %swap3A_105 = tpu.vector_load %arg12[%swap3A_103, %swap3A_104] {strides = array<i32>} : memref<128x64xf32, #tpu.memory_space<vmem>>, vector<16xf32>,
        tpu.vector_store %arg12[%swap3A_103, %swap3A_104], %max3A_102 {strides = array<i32>} : memref<128x64xf32, #tpu.memory_space<vmem>>, vector<16xf32>,
        %get3A_106 = arith.index_cast %scan3A_63 : i32 to index
        %get3A_107 = arith.constant 48 : index
        %get3A_108 = tpu.vector_load %arg12[%get3A_106, %get3A_107] {strides = array<i32>} : memref<128x64xf32, #tpu.memory_space<vmem>>, vector<16xf32>,
        %mul3A_109 = vector.broadcast %reduce_max3A_74 : f32 to vector<16xf32>
        %mul3A_110 = arith.mulf %get3A_108, %mul3A_109 : vector<16xf32>
        %max3A_111 = arith.constant 0.000000e+00 : f32
        %max3A_112 = vector.broadcast %max3A_111 : f32 to vector<16xf32>
        %max3A_113 = arith.maximumf %mul3A_110, %max3A_112 : vector<16xf32>
        %swap3A_114 = arith.index_cast %scan3A_63 : i32 to index
        %swap3A_115 = arith.constant 48 : index
        %swap3A_116 = tpu.vector_load %arg12[%swap3A_114, %swap3A_115] {strides = array<i32>} : memref<128x64xf32, #tpu.memory_space<vmem>>, vector<16xf32>,
        tpu.vector_store %arg12[%swap3A_114, %swap3A_115], %max3A_113 {strides = array<i32>} : memref<128x64xf32, #tpu.memory_space<vmem>>, vector<16xf32>,
        %scan3A_117 = arith.constant 0 : i32
        scf.yield %scan3A_117 : i32
      }
      %scan3A_61 = arith.constant 72 : i32
      %add3A = arith.constant 24928 : i32
      %add3A_62 = arith.addi %mul3A_0, %add3A : i32
      "tpu.region"() ({
        %run_scoped3A = tpu.sem_alloc : memref<!tpu.dma_semaphore, #tpu.memory_space<semaphore_mem>>
        %dma_start3A = arith.constant 0 : i32
        %dma_start3A_63 = arith.constant 0 : i32
        %dma_start3A_64 = tpu.memref_slice %arg12[%dma_start3A, %dma_start3A_63] : memref<128x64xf32, #tpu.memory_space<vmem>> -> memref<72x64xf32, #tpu.memory_space<vmem>>
        %dma_start3A_65 = arith.constant 0 : i32
        %dma_start3A_66 = tpu.memref_slice %arg6[%add3A_62, %dma_start3A_65] : memref<50000x64xf32, #tpu.memory_space<hbm>> -> memref<72x64xf32, #tpu.memory_space<hbm>>
        %dma_start3A_67 = arith.constant 0 : i32
        %dma_start3A_68 = tpu.memref_slice %arg6[%add3A_62, %dma_start3A_67] : memref<50000x64xf32, #tpu.memory_space<hbm>> -> memref<72x64xf32, #tpu.memory_space<hbm>>
        %dma_start3A_69 = arith.constant 0 : i32
        %dma_start3A_70 = arith.constant 0 : i32
        %dma_start3A_71 = tpu.memref_slice %arg12[%dma_start3A_69, %dma_start3A_70] : memref<128x64xf32, #tpu.memory_space<vmem>> -> memref<72x64xf32, #tpu.memory_space<vmem>>
        tpu.enqueue_dma source(%dma_start3A_71 : memref<72x64xf32, #tpu.memory_space<vmem>>) target(%dma_start3A_68 : memref<72x64xf32, #tpu.memory_space<hbm>>) target_semaphore(%run_scoped3A : memref<!tpu.dma_semaphore, #tpu.memory_space<semaphore_mem>>)
        %dma_wait3A = arith.constant 0 : i32
        %dma_wait3A_72 = arith.constant 0 : i32
        %dma_wait3A_73 = tpu.memref_slice %arg12[%dma_wait3A, %dma_wait3A_72] : memref<128x64xf32, #tpu.memory_space<vmem>> -> memref<72x64xf32, #tpu.memory_space<vmem>>
        %dma_wait3A_74 = arith.constant 0 : i32
        %dma_wait3A_75 = tpu.memref_slice %arg6[%add3A_62, %dma_wait3A_74] : memref<50000x64xf32, #tpu.memory_space<hbm>> -> memref<72x64xf32, #tpu.memory_space<hbm>>
        %dma_wait3A_76 = arith.constant 0 : i32
        %dma_wait3A_77 = tpu.memref_slice %arg6[%add3A_62, %dma_wait3A_76] : memref<50000x64xf32, #tpu.memory_space<hbm>> -> memref<72x64xf32, #tpu.memory_space<hbm>>
        %dma_wait3A_78 = arith.constant 0 : i32
        %dma_wait3A_79 = arith.constant 0 : i32
        %dma_wait3A_80 = tpu.memref_slice %arg12[%dma_wait3A_78, %dma_wait3A_79] : memref<128x64xf32, #tpu.memory_space<vmem>> -> memref<72x64xf32, #tpu.memory_space<vmem>>
        tpu.wait_dma2 semaphore(%run_scoped3A : memref<!tpu.dma_semaphore, #tpu.memory_space<semaphore_mem>>) src(%dma_wait3A_80 : memref<72x64xf32, #tpu.memory_space<vmem>>) dst(%dma_wait3A_77 : memref<72x64xf32, #tpu.memory_space<hbm>>)
        tpu.yield
      }) : () -> ()
    } else {
    }
    return
  }
}

module attributes {stable_mosaic.version = 14 : i64} {
  func.func @_gru_body(%arg0: i32, %arg1: memref<1x4096xf32, #tpu.memory_space<vmem>>, %arg2: memref<512x4096xf32, #tpu.memory_space<vmem>>, %arg3: memref<512x4096xf32, #tpu.memory_space<vmem>>, %arg4: memref<1x512xf32, #tpu.memory_space<vmem>>, %arg5: memref<1x512xf32, #tpu.memory_space<vmem>>, %arg6: memref<1x4096xf32, #tpu.memory_space<vmem>>, %arg7: memref<1x12288xf32, #tpu.memory_space<vmem>>, %arg8: memref<1x12288xf32, #tpu.memory_space<vmem>>) attributes {dimension_semantics = [#tpu.dimension_semantics<arbitrary>], iteration_bounds = array<i64: 24>, scalar_prefetch = 0 : i64, scratch_operands = 2 : i64, tpu.core_type = #tpu.core_type<tc>, window_params = [{pipeline_mode = #tpu.pipeline_mode<synchronous>, transform_indices = @transform_0, window_bounds = array<i64: 1, 4096>}, {transform_indices = @transform_1, window_bounds = array<i64: 512, 4096>}, {transform_indices = @transform_2, window_bounds = array<i64: 512, 4096>}, {transform_indices = @transform_3, window_bounds = array<i64: 1, 512>}, {transform_indices = @transform_4, window_bounds = array<i64: 1, 512>}, {pipeline_mode = #tpu.pipeline_mode<synchronous>, transform_indices = @transform_5, window_bounds = array<i64: 1, 4096>}]} {
    %get3A = arith.constant 0 : index
    %get3A_0 = arith.constant 0 : index
    %get3A_1 = vector.load %arg1[%get3A, %get3A_0] : memref<1x4096xf32, #tpu.memory_space<vmem>>, vector<1x4096xf32>
    %get3A_2 = arith.constant 0 : index
    %get3A_3 = arith.constant 0 : index
    %get3A_4 = vector.load %arg2[%get3A_2, %get3A_3] : memref<512x4096xf32, #tpu.memory_space<vmem>>, vector<512x4096xf32>
    %dot_general3A = arith.constant dense<0.000000e+00> : vector<1x512xf32>
    %dot_general3A_5 = tpu.matmul %get3A_1, %get3A_4, %dot_general3A {dimension_numbers = #tpu.dot_dimension_numbers<[1], [1], [0], [0], [0, 0, 1, 0], [], []>, transpose_lhs_hint = false} : vector<1x4096xf32>, vector<512x4096xf32>, vector<1x512xf32> -> vector<1x512xf32>
    %get3A_6 = arith.constant 0 : index
    %get3A_7 = arith.constant 0 : index
    %get3A_8 = vector.load %arg4[%get3A_6, %get3A_7] : memref<1x512xf32, #tpu.memory_space<vmem>>, vector<1x512xf32>
    %add3A = arith.addf %dot_general3A_5, %get3A_8 : vector<1x512xf32>
    %get3A_9 = arith.constant 0 : index
    %get3A_10 = arith.constant 0 : index
    %get3A_11 = vector.load %arg3[%get3A_9, %get3A_10] : memref<512x4096xf32, #tpu.memory_space<vmem>>, vector<512x4096xf32>
    %dot_general3A_12 = arith.constant dense<0.000000e+00> : vector<1x512xf32>
    %dot_general3A_13 = tpu.matmul %get3A_1, %get3A_11, %dot_general3A_12 {dimension_numbers = #tpu.dot_dimension_numbers<[1], [1], [0], [0], [0, 0, 1, 0], [], []>, transpose_lhs_hint = false} : vector<1x4096xf32>, vector<512x4096xf32>, vector<1x512xf32> -> vector<1x512xf32>
    %get3A_14 = arith.constant 0 : index
    %get3A_15 = arith.constant 0 : index
    %get3A_16 = vector.load %arg5[%get3A_14, %get3A_15] : memref<1x512xf32, #tpu.memory_space<vmem>>, vector<1x512xf32>
    %add3A_17 = arith.addf %dot_general3A_13, %get3A_16 : vector<1x512xf32>
    %mul3A = arith.constant 512 : i32
    %mul3A_18 = arith.muli %arg0, %mul3A : i32
    %swap3A = arith.constant 0 : index
    %swap3A_19 = arith.index_cast %mul3A_18 : i32 to index
    %swap3A_20 = vector.load %arg7[%swap3A, %swap3A_19] : memref<1x12288xf32, #tpu.memory_space<vmem>>, vector<1x512xf32>
    tpu.vector_store %arg7[%swap3A, %swap3A_19], %add3A {strides = array<i32>} : memref<1x12288xf32, #tpu.memory_space<vmem>>, vector<1x512xf32>,
    %mul3A_21 = arith.constant 512 : i32
    %mul3A_22 = arith.muli %arg0, %mul3A_21 : i32
    %swap3A_23 = arith.constant 0 : index
    %swap3A_24 = arith.index_cast %mul3A_22 : i32 to index
    %swap3A_25 = vector.load %arg8[%swap3A_23, %swap3A_24] : memref<1x12288xf32, #tpu.memory_space<vmem>>, vector<1x512xf32>
    tpu.vector_store %arg8[%swap3A_23, %swap3A_24], %add3A_17 {strides = array<i32>} : memref<1x12288xf32, #tpu.memory_space<vmem>>, vector<1x512xf32>,
    %eq3A = arith.constant 23 : i32
    %eq3A_26 = arith.cmpi eq, %arg0, %eq3A : i32
    %convert_element_type3A = arith.extui %eq3A_26 : i1 to i32
    %cond3A = arith.constant 0 : i32
    %cond3A_27 = arith.cmpi ne, %convert_element_type3A, %cond3A : i32
    scf.if %cond3A_27 {
      %get3A_28 = arith.constant 0 : index
      %get3A_29 = arith.constant 0 : index
      %get3A_30 = vector.load %arg7[%get3A_28, %get3A_29] : memref<1x12288xf32, #tpu.memory_space<vmem>>, vector<1x4096xf32>
      %get3A_31 = arith.constant 0 : index
      %get3A_32 = arith.constant 0 : index
      %get3A_33 = vector.load %arg8[%get3A_31, %get3A_32] : memref<1x12288xf32, #tpu.memory_space<vmem>>, vector<1x4096xf32>
      %add3A_34 = arith.addf %get3A_30, %get3A_33 : vector<1x4096xf32>
      %logistic3A = arith.negf %add3A_34 : vector<1x4096xf32>
      %logistic3A_35 = math.exp %logistic3A : vector<1x4096xf32>
      %logistic3A_36 = arith.constant 1.000000e+00 : f32
      %logistic3A_37 = vector.broadcast %logistic3A_36 : f32 to vector<1x4096xf32>
      %logistic3A_38 = arith.addf %logistic3A_37, %logistic3A_35 : vector<1x4096xf32>
      %logistic3A_39 = arith.divf %logistic3A_37, %logistic3A_38 : vector<1x4096xf32>
      %get3A_40 = arith.constant 0 : index
      %get3A_41 = arith.constant 4096 : index
      %get3A_42 = vector.load %arg7[%get3A_40, %get3A_41] : memref<1x12288xf32, #tpu.memory_space<vmem>>, vector<1x4096xf32>
      %get3A_43 = arith.constant 0 : index
      %get3A_44 = arith.constant 4096 : index
      %get3A_45 = vector.load %arg8[%get3A_43, %get3A_44] : memref<1x12288xf32, #tpu.memory_space<vmem>>, vector<1x4096xf32>
      %add3A_46 = arith.addf %get3A_42, %get3A_45 : vector<1x4096xf32>
      %logistic3A_47 = arith.negf %add3A_46 : vector<1x4096xf32>
      %logistic3A_48 = math.exp %logistic3A_47 : vector<1x4096xf32>
      %logistic3A_49 = arith.constant 1.000000e+00 : f32
      %logistic3A_50 = vector.broadcast %logistic3A_49 : f32 to vector<1x4096xf32>
      %logistic3A_51 = arith.addf %logistic3A_50, %logistic3A_48 : vector<1x4096xf32>
      %logistic3A_52 = arith.divf %logistic3A_50, %logistic3A_51 : vector<1x4096xf32>
      %get3A_53 = arith.constant 0 : index
      %get3A_54 = arith.constant 8192 : index
      %get3A_55 = vector.load %arg7[%get3A_53, %get3A_54] : memref<1x12288xf32, #tpu.memory_space<vmem>>, vector<1x4096xf32>
      %get3A_56 = arith.constant 0 : index
      %get3A_57 = arith.constant 8192 : index
      %get3A_58 = vector.load %arg8[%get3A_56, %get3A_57] : memref<1x12288xf32, #tpu.memory_space<vmem>>, vector<1x4096xf32>
      %mul3A_59 = arith.mulf %logistic3A_39, %get3A_58 : vector<1x4096xf32>
      %add3A_60 = arith.addf %get3A_55, %mul3A_59 : vector<1x4096xf32>
      %tanh3A = math.tanh %add3A_60 : vector<1x4096xf32>
      %sub3A = arith.constant 1.000000e+00 : f32
      %sub3A_61 = vector.broadcast %sub3A : f32 to vector<1x4096xf32>
      %sub3A_62 = arith.subf %sub3A_61, %logistic3A_52 : vector<1x4096xf32>
      %mul3A_63 = arith.mulf %sub3A_62, %tanh3A : vector<1x4096xf32>
      %mul3A_64 = arith.mulf %logistic3A_52, %get3A_1 : vector<1x4096xf32>
      %add3A_65 = arith.addf %mul3A_63, %mul3A_64 : vector<1x4096xf32>
      %swap3A_66 = arith.constant 0 : index
      %swap3A_67 = arith.constant 0 : index
      %swap3A_68 = vector.load %arg6[%swap3A_66, %swap3A_67] : memref<1x4096xf32, #tpu.memory_space<vmem>>, vector<1x4096xf32>
      tpu.vector_store %arg6[%swap3A_66, %swap3A_67], %add3A_65 {strides = array<i32>} : memref<1x4096xf32, #tpu.memory_space<vmem>>, vector<1x4096xf32>,
    } else {
    }
    return
  }
  func.func @transform_0(%arg0: i32) -> (i32, i32) {
    %c0_i32 = arith.constant 0 : i32
    %c0_i32_0 = arith.constant 0 : i32
    %c0_i32_1 = arith.constant 0 : i32
    return %c0_i32, %c0_i32_0 : i32, i32
  }
  func.func @transform_1(%arg0: i32) -> (i32, i32) {
    %c0_i32 = arith.constant 0 : i32
    %c0_i32_0 = arith.constant 0 : i32
    return %arg0, %c0_i32 : i32, i32
  }
  func.func @transform_2(%arg0: i32) -> (i32, i32) {
    %c0_i32 = arith.constant 0 : i32
    %c0_i32_0 = arith.constant 0 : i32
    return %arg0, %c0_i32 : i32, i32
  }
  func.func @transform_3(%arg0: i32) -> (i32, i32) {
    %c0_i32 = arith.constant 0 : i32
    %c0_i32_0 = arith.constant 0 : i32
    return %c0_i32, %arg0 : i32, i32
  }
  func.func @transform_4(%arg0: i32) -> (i32, i32) {
    %c0_i32 = arith.constant 0 : i32
    %c0_i32_0 = arith.constant 0 : i32
    return %c0_i32, %arg0 : i32, i32
  }
  func.func @transform_5(%arg0: i32) -> (i32, i32) {
    %c0_i32 = arith.constant 0 : i32
    %c0_i32_0 = arith.constant 0 : i32
    %c0_i32_1 = arith.constant 0 : i32
    return %c0_i32, %c0_i32_0 : i32, i32
  }
}

module attributes {stable_mosaic.version = 14 : i64} {
  func.func @_hp_body(%arg0: i32, %arg1: memref<64x2048xf32, #tpu.memory_space<vmem>>, %arg2: memref<64x64xf32, #tpu.memory_space<vmem>>, %arg3: memref<2048x2xf32, #tpu.memory_space<vmem>>, %arg4: memref<2048x64xf32, #tpu.memory_space<vmem>>) attributes {dimension_semantics = [#tpu.dimension_semantics<arbitrary>], iteration_bounds = array<i64: 25>, scalar_prefetch = 0 : i64, scratch_operands = 0 : i64, tpu.core_type = #tpu.core_type<tc>, window_params = [{transform_indices = @transform_0, window_bounds = array<i64: 64, 2048>}, {pipeline_mode = #tpu.pipeline_mode<synchronous>, transform_indices = @transform_1, window_bounds = array<i64: 64, 64>}, {transform_indices = @transform_2, window_bounds = array<i64: 2048, 2>}, {transform_indices = @transform_3, window_bounds = array<i64: 2048, 64>}]} {
    %get3A = arith.constant 0 : index
    %get3A_0 = arith.constant 0 : index
    %get3A_1 = vector.load %arg3[%get3A, %get3A_0] : memref<2048x2xf32, #tpu.memory_space<vmem>>, vector<2048x1xf32>
    %get3A_2 = vector.shape_cast %get3A_1 : vector<2048x1xf32> to vector<2048xf32>
    %get3A_3 = arith.constant 0 : index
    %get3A_4 = arith.constant 1 : index
    %get3A_5 = vector.load %arg3[%get3A_3, %get3A_4] : memref<2048x2xf32, #tpu.memory_space<vmem>>, vector<2048x1xf32>
    %get3A_6 = vector.shape_cast %get3A_5 : vector<2048x1xf32> to vector<2048xf32>
    %add3A = arith.addf %get3A_2, %get3A_6 : vector<2048xf32>
    %add3A_7 = arith.constant 1.000000e+00 : f32
    %add3A_8 = vector.broadcast %add3A_7 : f32 to vector<2048xf32>
    %add3A_9 = arith.addf %add3A, %add3A_8 : vector<2048xf32>
    %rsqrt3A = math.rsqrt %add3A_9 : vector<2048xf32>
    %get3A_10 = arith.constant 0 : index
    %get3A_11 = arith.constant 0 : index
    %get3A_12 = vector.load %arg1[%get3A_10, %get3A_11] : memref<64x2048xf32, #tpu.memory_space<vmem>>, vector<64x2048xf32>
    %get3A_13 = arith.constant 0 : index
    %get3A_14 = arith.constant 0 : index
    %get3A_15 = vector.load %arg2[%get3A_13, %get3A_14] : memref<64x64xf32, #tpu.memory_space<vmem>>, vector<64x64xf32>
    %dot_general3A = arith.constant dense<0.000000e+00> : vector<2048x64xf32>
    %dot_general3A_16 = tpu.matmul %get3A_12, %get3A_15, %dot_general3A {dimension_numbers = #tpu.dot_dimension_numbers<[0], [0], [1], [1], [0, 1, 1, 1], [], []>, transpose_lhs_hint = false} : vector<64x2048xf32>, vector<64x64xf32>, vector<2048x64xf32> -> vector<2048x64xf32>
    %broadcast_in_dim3A = vector.shape_cast %rsqrt3A : vector<2048xf32> to vector<2048x1xf32>
    %mul3A = vector.broadcast %broadcast_in_dim3A : vector<2048x1xf32> to vector<2048x64xf32>
    %mul3A_17 = arith.mulf %dot_general3A_16, %mul3A : vector<2048x64xf32>
    %swap3A = arith.constant 0 : index
    %swap3A_18 = arith.constant 0 : index
    %swap3A_19 = vector.load %arg4[%swap3A, %swap3A_18] : memref<2048x64xf32, #tpu.memory_space<vmem>>, vector<2048x64xf32>
    tpu.vector_store %arg4[%swap3A, %swap3A_18], %mul3A_17 {strides = array<i32>} : memref<2048x64xf32, #tpu.memory_space<vmem>>, vector<2048x64xf32>,
    return
  }
  func.func @transform_0(%arg0: i32) -> (i32, i32) {
    %c0_i32 = arith.constant 0 : i32
    %c0_i32_0 = arith.constant 0 : i32
    return %c0_i32, %arg0 : i32, i32
  }
  func.func @transform_1(%arg0: i32) -> (i32, i32) {
    %c0_i32 = arith.constant 0 : i32
    %c0_i32_0 = arith.constant 0 : i32
    %c0_i32_1 = arith.constant 0 : i32
    return %c0_i32, %c0_i32_0 : i32, i32
  }
  func.func @transform_2(%arg0: i32) -> (i32, i32) {
    %c0_i32 = arith.constant 0 : i32
    %c0_i32_0 = arith.constant 0 : i32
    return %arg0, %c0_i32 : i32, i32
  }
  func.func @transform_3(%arg0: i32) -> (i32, i32) {
    %c0_i32 = arith.constant 0 : i32
    %c0_i32_0 = arith.constant 0 : i32
    return %arg0, %c0_i32 : i32, i32
  }
}

</mosaic_0001>

<sc_bundles>
// kernel: kernel.6.cloned.1.call-start
scs
__scs_entry_jumppad:
0x0: {  	(pc) =	sbr.rel $0x88, $3  }
0x1: {  	(tag) =	ssettag $0x0;
	lr =	simm.s32 $0x1  }
0x2: {  	[smem:$0x3F9A] =	sst lr;
	_ =	strace $0xD0000000  }
0x3: {  	_ = 	snop  }
0x4: {  	_ = 	snop  }
0x5: {  	_ = 	snop  }
0x6: {  	_ = 	snop  }
0x7: {  	_ = 	snop  }
__scs_overlays_trampoline_lowered:
0x8: {  	[smem:$0x3FA9] =	sst s0  }
0x9: {  	[smem:$0x3FAA] =	sst s1  }
0xa: {  	[smem:$0x3FAB] =	sst s2  }
0xb: {  	[smem:$0x3FAC] =	sst s3  }
0xc: {  	[smem:$0x3FAD] =	sst s4  }
0xd: {  	[smem:$0x3FAE] =	sst s5  }
0xe: {  	[smem:$0x3FAF] =	sst s6  }
0xf: {  	[smem:$0x3FB0] =	sst s7  }
0x10: {  	[smem:$0x3FB1] =	sst s8  }
0x11: {  	[smem:$0x3FB2] =	sst s9;
	s0 =	simm.s32 @!p0 $0x0  }
0x12: {  	s1 =	sld [smem:$0x3F98];
	s0 =	simm.s32 @p0 $0x1  }
0x13: {  	[smem:$0x3FB3] =	sst s0;
	s0 =	simm.s32 @!p1 $0x0  }
0x14: {  	s2 =	sld [smem:$0x3F97];
	s0 =	simm.s32 @p1 $0x1  }
0x15: {  	[smem:$0x3FB4] =	sst s0;
	s0 =	simm.s32 @!p2 $0x0  }
0x16: {  	s3 =	sld [smem:$0x3FDB];
	s0 =	simm.s32 @p2 $0x1  }
0x17: {  	s4 =	simm.s32 $0x1BF5;
	[smem:$0x3FB6] =	sst s0  }
0x18: {  	s0 =	sld [smem:$0x3F99];
	_ =	swait.ge [sflag:s4], $0x0  }
0x19: {  	s7 =	sld [smem:$0x3F9A]  }
0x1a: {  	s8 =	sadd.s32 $0xFFFFE003, lr  }
0x1b: {  	s9 =	sadd.s32 $0xFFFFFEF7, lr;
	s5 =	simm.s32 $0xFFFFFFFF;
	p2 =	slt.u32 s8, $0xFFFFF086  }
0x1c: {  	p1 =	slt.u32 s9, $0xF7A;
	s5 =	simm.s32 @!p2 $0x0  }
0x1d: {  	s5 =	simm.s32 @p1 $0x1;
	p0 =	seq.s32 s7, s2  }
0x1e: {  	s7 =	smul.u32 @!p0 $0xF7A, s2;
	p2 =	seq.s32 @!p0 s5, $0x0  }
0x1f: {  	s9 =	smul.u32 $0xF7A, s1;
	s8 =	simm.s32 @!p0 $0x1BF5;
	p2 =	por !p2, p0  }
0x20: {  	[sflag:s8] =	ssyncset.s32 @!p0 $0xFFFFF086;
	s6 =	sadd.s32 @!p0 s3, s7;
	s7 =	simm.s32 @!p0 $0x108  }
0x21: {  	s3 =	sadd.s32 s3, s9;
	s6 =	sadd.s32 @!p0 $0x88, s6;
	s7 =	simm.s32 @p2 $0x1082  }
0x22: {  	[simem:s7], [sflag:s8] =	dma.local @!p0 [hbm:s6], $0xF7A  }
0x23: {  	s9 =	sor.u32 $0xD0000000, s2;
	s6 =	simm.s32 $0x108;
	_ =	swait.ge @!p0 [sflag:s8], $0x0  }
0x24: {  	s3 =	sadd.s32 $0x88, s3;
	s6 =	simm.s32 @!p1 $0x1082;
	[sflag:s4] =	ssyncset.s32 $0xFFFFF086  }
0x25: {  	[simem:s6], [sflag:s4] =	dma.local [hbm:s3], $0xF7A  }
0x26: {  	[smem:$0x3F9A] =	sst s1;
	(tag) =	ssettag s2;
	_ =	strace s9  }
0x27: {  	s1 =	sld [smem:$0x3FAA]  }
0x28: {  	s2 =	sld [smem:$0x3FAB]  }
0x29: {  	s4 =	sld [smem:$0x3FAD]  }
0x2a: {  	p0 =	seq.s32 s5, $0x0;
	s5 =	sld [smem:$0x3FAE]  }
0x2b: {  	s6 =	sld [smem:$0x3FAF]  }
0x2c: {  	s7 =	sld [smem:$0x3FB0]  }
0x2d: {  	s3 =	simm.s32 $0x108;
	s8 =	sld [smem:$0x3FB1]  }
0x2e: {  	s3 =	simm.s32 @!p0 $0x1082;
	s9 =	sld [smem:$0x3FB2]  }
0x2f: {  	lr =	sadd.s32 s0, s3;
	s0 =	sld [smem:$0x3FA9]  }
0x30: {  	s3 =	sld [smem:$0x3FAC]  }
0x31: {  	[smem:$0x3FB5] =	sst s10  }
0x32: {  	s10 =	sld [smem:$0x3FB3];
	_ =	sdelay $0x3  }
0x33: {  	p0 =	seq.s32 s10, $0x1;
	s10 =	sld [smem:$0x3FB5];
	_ =	sdelay $0x3  }
0x34: {  	[smem:$0x3FB5] =	sst s10  }
0x35: {  	s10 =	sld [smem:$0x3FB4];
	_ =	sdelay $0x3  }
0x36: {  	p1 =	seq.s32 s10, $0x1;
	s10 =	sld [smem:$0x3FB5];
	_ =	sdelay $0x3  }
0x37: {  	[smem:$0x3FB5] =	sst s10  }
0x38: {  	s10 =	sld [smem:$0x3FB6]  }
0x39: {  	_ = 	snop;
	(pc) =	sbr.ind lr, $3  }
0x3a: {  	_ = 	snop  }
0x3b: {  	_ = 	snop  }
0x3c: {  	p2 =	seq.s32 s10, $0x1;
	s10 =	sld [smem:$0x3FB5]  }
0x3d: {  	_ =	shalt  }
0x3e: {  	_ =	shalt  }
0x3f: {  	_ =	shalt  }
0x40: {  	_ =	shalt  }
0x41: {  	_ =	shalt  }
0x42: {  	_ =	shalt  }
0x43: {  	_ =	shalt  }
0x44: {  	_ =	shalt  }
0x45: {  	_ =	shalt  }
0x46: {  	_ =	shalt  }
0x47: {  	_ =	shalt  }
0x48: {  	_ =	shalt  }
0x49: {  	_ =	shalt  }
0x4a: {  	_ =	shalt  }
0x4b: {  	_ =	shalt  }
0x4c: {  	_ =	shalt  }
0x4d: {  	_ =	shalt  }
0x4e: {  	_ =	shalt  }
0x4f: {  	_ =	shalt  }
0x50: {  	_ =	shalt  }
0x51: {  	_ =	shalt  }
0x52: {  	_ =	shalt  }
0x53: {  	_ =	shalt  }
0x54: {  	_ =	shalt  }
0x55: {  	_ =	shalt  }
0x56: {  	_ =	shalt  }
0x57: {  	_ =	shalt  }
0x58: {  	_ =	shalt  }
0x59: {  	_ =	shalt  }
0x5a: {  	_ =	shalt  }
0x5b: {  	_ =	shalt  }
0x5c: {  	_ =	shalt  }
0x5d: {  	_ =	shalt  }
0x5e: {  	_ =	shalt  }
0x5f: {  	_ =	shalt  }
0x60: {  	_ =	shalt  }
0x61: {  	_ =	shalt  }
0x62: {  	_ =	shalt  }
0x63: {  	_ =	shalt  }
0x64: {  	_ =	shalt  }
0x65: {  	_ =	shalt  }
0x66: {  	_ =	shalt  }
0x67: {  	_ =	shalt  }
0x68: {  	_ =	shalt  }
0x69: {  	_ =	shalt  }
0x6a: {  	_ =	shalt  }
0x6b: {  	_ =	shalt  }
0x6c: {  	_ =	shalt  }
0x6d: {  	_ =	shalt  }
0x6e: {  	_ =	shalt  }
0x6f: {  	_ =	shalt  }
0x70: {  	_ =	shalt  }
0x71: {  	_ =	shalt  }
0x72: {  	_ =	shalt  }
0x73: {  	_ =	shalt  }
0x74: {  	_ =	shalt  }
0x75: {  	_ =	shalt  }
0x76: {  	_ =	shalt  }
0x77: {  	_ =	shalt  }
0x78: {  	_ =	shalt  }
0x79: {  	_ =	shalt  }
0x7a: {  	_ =	shalt  }
0x7b: {  	_ =	shalt  }
0x7c: {  	_ =	shalt  }
0x7d: {  	_ =	shalt  }
0x7e: {  	_ =	shalt  }
0x7f: {  	_ =	shalt  }
0x80: {  	_ =	shalt  }
0x81: {  	_ =	shalt  }
0x82: {  	_ =	shalt  }
0x83: {  	_ =	shalt  }
0x84: {  	_ =	shalt  }
0x85: {  	_ =	shalt  }
0x86: {  	_ =	shalt  }
0x87: {  	_ =	shalt  }
.Lfunc_end0:
.L_simem_size_0:
called_computation_lowered:
.L_overlay_start_0:
0x88: {  	s2 =	sld [smem:$0x3FD9]  }
0x89: {  	s3 =	sld [smem:$0x3FFE];
	_ =	sdelay $0x1  }
0x8a: {  	s1 =	srdreg.scid  }
0x8b: {  	s0 =	sand.u32 $0x1, s1  }
0x8c: {  	s16 =	sshll.u32 s0, $0xA;
	s2 =	sadd.s32 s3, s2  }
0x8d: {  	s2 =	sadd.s32 s2, s16  }
0x8e: {  	[smem:$0x3FC1] =	sst s2  }
0x8f: {  	_ = 	snop  }
0x90: {  	(tm) =	ssettm $0x1  }
0x91: {  	s17 =	sld [smem:$0x3FFB];
	_ =	sdelay $0x3  }
0x92: {  	_ =	strace s17  }
0x93: {  	s2 =	sld [smem:$0x3FFC];
	_ =	sdelay $0x3  }
0x94: {  	_ =	strace s2  }
0x95: {  	s2 =	sld [smem:$0x3FFD];
	_ =	sdelay $0x3  }
0x96: {  	_ =	strace s2  }
0x97: {  	_ =	strace $0x8FFFFFFF  }
0x98: {  	s18 =	sld [smem:$0x3FDB];
	_ =	sdelay $0x1  }
0x99: {  	s19 =	simm.s32 $_scs_section_size  }
0x9a: {  	s4 =	simm.s32 $_size__tile_overlayer_lowered;
	s5 =	simm.s32 $_tile_overlayer_lowered  }
0x9b: {  	s22 =	simm.s32 $0x1BFF;
	s21 =	sshll.u32 s5, $0x1;
	s2 =	sadd.s32 s19, s18  }
0x9c: {  	s6 =	simm.s32 $0x0;
	s20 =	sshll.u32 s4, $0x1;
	s4 =	sadd.s32 s21, s2  }
0x9d: {  	[timem:s6], [sflag:s22] =	dma.local [hbm:s4], s20  }
0x9e: {  	_ =	swait.ge [sflag:s22], s20  }
0x9f: {  	s3 =	ssub.s32 $0x0, s20;
	[sflag:s22] =	ssyncset.done $0x0  }
0xa0: {  	[sflag:s22] =	ssyncadd.s32 s3;
	_ =	sdelay $0x1  }
0xa1: {  	s23 =	simm.s32 $0x1B8B  }
0xa2: {  	_ =	swait.ge [sflag:s23], $0x1  }
0xa3: {  	[sflag:s23] =	ssyncset.done $0x0  }
0xa4: {  	s25 =	simm.s32 $0x1B8E;
	s24 =	sld [smem:$0x3FFE];
	[sflag:s23] =	ssyncadd.s32 $0xFFFFFFFF  }
0xa5: {  	s26 =	simm.s32 $execute0_lowered;
	[smem:$0x3FD2] =	sst s25  }
0xa6: {  	s4 =	sshll.u32 s26, $0x1;
	_ =	strace $0x80000046;
	[dreg:$0x1] =	wrdreg $0xFFFFFFFF  }
0xa7: {  	s28 =	simm.s32 $_size_execute0_lowered;
	s2 =	sadd.s32 s2, s4;
	[dreg:$0x0] =	wrdreg $0x0  }
0xa8: {  	s4 =	sshll.u32 s28, $0x1;
	[dreg:$0x2] =	wrdreg s2  }
0xa9: {  	[dreg:$0x3] =	wrdreg s4  }
0xaa: {  	[dreg:$0x4] =	wrdreg $0xC0  }
0xab: {  	_ =	task [dreg:s6], $0x5FFFF  }
0xac: {  	[dreg:$0x1] =	wrdreg $0xFFFFFFFF  }
0xad: {  	[dreg:$0x0] =	wrdreg $0x60  }
0xae: {  	[dreg:$0x2] =	wrdreg s24  }
0xaf: {  	[dreg:$0x3] =	wrdreg $0x0  }
0xb0: {  	[dreg:$0x4] =	wrdreg $0x9  }
0xb1: {  	_ =	task.clear_ibuf [dreg:s6], $0x5FFFF;
	_ =	strace $0x90000046  }
0xb2: {  	s29 =	simm.s32 $0x9;
	_ =	strace $0x80000048  }
0xb3: {  	_ =	swait.ge [sflag:s29], $0x1  }
0xb4: {  	[sflag:s29] =	ssyncadd.s32 $0xFFFFFFFF  }
0xb5: {  	_ =	strace $0x90000048  }
0xb6: {  	_ =	sfence  }
0xb7: {  	s30 =	sld [smem:$0x0];
	_ =	sdelay $0x2  }
0xb8: {  	s31 =	sshll.u32 s1, $0xD;
	s1 =	sshrl.u32 s1, $0x2  }
0xb9: {  	s3 =	sand.u32 $0x4000, s31;
	s1 =	sadd.s32 s1, s30  }
0xba: {  	s0 =	sor.u32 s3, s0;
	s1 =	sshll.u32 s1, $0x11  }
0xbb: {  	s0 =	sor.u32 s1, s0  }
0xbc: {  	s0 =	sadd.s32 $0x8F2B, s0  }
0xbd: {  	[sflag:s0] =	ssyncadd.remote.s32 $0x1  }
0xbe: {  	_ =	sfence.sel $0xFFFF  }
0xbf: {  	[dreg:$0x0] =	wrdreg $0xFFFFFFFF;
	(pc) =	sbr.abs _section_cstart, $3  }
0xc0: {  	[dreg:$0x1] =	wrdreg $0xFFFFFFFF  }
0xc1: {  	_ =	task.clear_ibuf [dreg:s6], $0x2FFFF;
	_ =	strace $0x9FFFFFFF  }
0xc2: {  	(tm) =	ssettm $0x7FFFFFFF  }
0xc3: {  	_ =	shalt  }
tec
execute0_lowered:
.L_overlay_start_1:
0x0: {  	(tag) =	ssettag $0x1  }
0x1: {  	s7 =	rddreg [dreg:$0x0]  }
0x2: {  	s1 =	rddreg [dreg:$0x1]  }
0x3: {  	s2 =	srdreg.scid;
	s0 =	rddreg [dreg:$0x2]  }
0x4: {  	s3 =	simm.s32 $0x0;
	s15 =	simm.s32 $0x18C0;
	s16 =	simm.s32 $0x20C0  }
0x5: {  	s17 =	simm.s32 $0x80;
	s18 =	simm.s32 $0x1;
	s24 =	simm.s32 $0x0  }
0x6: {  	s8 =	sand.u32 $0x1, s2;
	s2 =	stileid.u32;
	[smem:$0x7FF] =	sst s3  }
0x7: {  	s5 =	sadd.s32 $0x19800, s7;
	s6 =	sadd.s32 $0x1000, s7;
	s13 =	sadd.s32 $0x32000, s7  }
0x8: {  	s4 =	sshll.u32 s8, $0x4;
	_ =	strace $0x80000047;
	s10 =	smul.u32 $0xC40, s2  }
0x9: {  	s9 =	ssub.s32 $0x2, s8;
	s12 =	smul.u32 $0xC350, s8;
	s4 =	sor.u32 s2, s4  }
0xa: {  	p0 =	seq.s32 s2, $0xF;
	s11 =	sshrl.u32 s9, $0x1;
	s4 =	smul.u32 $0x61A8, s4  }
0xb: {  	s7 =	sadd.s32 s10, s1;
	s10 =	sadd.s32 s10, s12;
	s31 =	sshrl.u32 s12, $0x3  }
0xc: {  	s14 =	ssub.s32 s9, s11;
	s10 =	sshrl.u32 s10, $0x3;
	s11 =	sadd.s32 s13, s31  }
0xd: {  	s12 =	smax.u32 s14, $0x1;
	s14 =	simm.s32 $0x2;
	s29 =	sshrl.u32 s4, $0x3  }
0xe: {  	v0 =	vimm.f32 $0.0e+00;
	v1 =	vimm.f32 $1.000000000e+00;
	vm0 =	vcmask $0x1F00;
	s10 =	sadd.s32 s13, s10;
	s11 =	sadd.s32 $0x16F8, s11;
	s30 =	sadd.s32 $0xBB8, s29  }
0xf: {  	v3 =	vimm.s32 $0x0;
	v2 =	vsel vm0, $0x3F800000, v0;
	vm0 =	vmmov $0xff;
	s13 =	simm.s32 $0xC40;
	s8 =	sadd.s32 s5, s30;
	s9 =	sadd.s32 s6, s30  }
.LBB2_1:
0x10: {  	[tilespmem:$0xC40] =	vst v0  }
0x11: {  	[tilespmem:$0xC50] =	vst v0  }
0x12: {  	[tilespmem:$0xC60] =	vst v0  }
0x13: {  	[tilespmem:$0xC70] =	vst v0  }
0x14: {  	[tilespmem:$0xC80] =	vst v0  }
0x15: {  	[tilespmem:$0xC90] =	vst v0  }
0x16: {  	[tilespmem:$0xCA0] =	vst v0  }
0x17: {  	[tilespmem:$0xCB0] =	vst v0  }
0x18: {  	[tilespmem:$0xCC0] =	vst v0  }
0x19: {  	[tilespmem:$0xCD0] =	vst v0  }
0x1a: {  	[tilespmem:$0xCE0] =	vst v0  }
0x1b: {  	[tilespmem:$0xCF0] =	vst v0  }
0x1c: {  	[tilespmem:$0xD00] =	vst v0  }
0x1d: {  	[tilespmem:$0xD10] =	vst v0  }
0x1e: {  	[tilespmem:$0xD20] =	vst v0  }
0x1f: {  	[tilespmem:$0xD30] =	vst v0  }
0x20: {  	[tilespmem:$0xD40] =	vst v0  }
0x21: {  	[tilespmem:$0xD50] =	vst v0  }
0x22: {  	[tilespmem:$0xD60] =	vst v0  }
0x23: {  	[tilespmem:$0xD70] =	vst v0  }
0x24: {  	[tilespmem:$0xD80] =	vst v0  }
0x25: {  	[tilespmem:$0xD90] =	vst v0  }
0x26: {  	[tilespmem:$0xDA0] =	vst v0  }
0x27: {  	[tilespmem:$0xDB0] =	vst v0  }
0x28: {  	[tilespmem:$0xDC0] =	vst v0  }
0x29: {  	[tilespmem:$0xDD0] =	vst v0  }
0x2a: {  	[tilespmem:$0xDE0] =	vst v0  }
0x2b: {  	[tilespmem:$0xDF0] =	vst v0  }
0x2c: {  	[tilespmem:$0xE00] =	vst v0  }
0x2d: {  	[tilespmem:$0xE10] =	vst v0  }
0x2e: {  	[tilespmem:$0xE20] =	vst v0  }
0x2f: {  	[tilespmem:$0xE30] =	vst v0  }
0x30: {  	[tilespmem:$0xE40] =	vst v0  }
0x31: {  	[tilespmem:$0xE50] =	vst v0  }
0x32: {  	[tilespmem:$0xE60] =	vst v0  }
0x33: {  	[tilespmem:$0xE70] =	vst v0  }
0x34: {  	[tilespmem:$0xE80] =	vst v0  }
0x35: {  	[tilespmem:$0xE90] =	vst v0  }
0x36: {  	[tilespmem:$0xEA0] =	vst v0  }
0x37: {  	[tilespmem:$0xEB0] =	vst v0  }
0x38: {  	[tilespmem:$0xEC0] =	vst v0  }
0x39: {  	[tilespmem:$0xED0] =	vst v0  }
0x3a: {  	[tilespmem:$0xEE0] =	vst v0  }
0x3b: {  	[tilespmem:$0xEF0] =	vst v0  }
0x3c: {  	[tilespmem:$0xF00] =	vst v0  }
0x3d: {  	[tilespmem:$0xF10] =	vst v0  }
0x3e: {  	[tilespmem:$0xF20] =	vst v0  }
0x3f: {  	[tilespmem:$0xF30] =	vst v0  }
0x40: {  	[tilespmem:$0xF40] =	vst v0  }
0x41: {  	[tilespmem:$0xF50] =	vst v0  }
0x42: {  	[tilespmem:$0xF60] =	vst v0  }
0x43: {  	[tilespmem:$0xF70] =	vst v0  }
0x44: {  	[tilespmem:$0xF80] =	vst v0  }
0x45: {  	[tilespmem:$0xF90] =	vst v0  }
0x46: {  	[tilespmem:$0xFA0] =	vst v0  }
0x47: {  	[tilespmem:$0xFB0] =	vst v0  }
0x48: {  	[tilespmem:$0xFC0] =	vst v0  }
0x49: {  	[tilespmem:$0xFD0] =	vst v0  }
0x4a: {  	[tilespmem:$0xFE0] =	vst v0  }
0x4b: {  	[tilespmem:$0xFF0] =	vst v0  }
0x4c: {  	[tilespmem:$0x1000] =	vst v0  }
0x4d: {  	[tilespmem:$0x1010] =	vst v0  }
0x4e: {  	[tilespmem:$0x1020] =	vst v0  }
0x4f: {  	[tilespmem:$0x1030] =	vst v0  }
0x50: {  	[tilespmem:$0x1040] =	vst v0  }
0x51: {  	[tilespmem:$0x1050] =	vst v0  }
0x52: {  	[tilespmem:$0x1060] =	vst v0  }
0x53: {  	[tilespmem:$0x1070] =	vst v0  }
0x54: {  	[tilespmem:$0x1080] =	vst v0  }
0x55: {  	[tilespmem:$0x1090] =	vst v0  }
0x56: {  	[tilespmem:$0x10A0] =	vst v0  }
0x57: {  	[tilespmem:$0x10B0] =	vst v0  }
0x58: {  	[tilespmem:$0x10C0] =	vst v0  }
0x59: {  	[tilespmem:$0x10D0] =	vst v0  }
0x5a: {  	[tilespmem:$0x10E0] =	vst v0  }
0x5b: {  	[tilespmem:$0x10F0] =	vst v0  }
0x5c: {  	[tilespmem:$0x1100] =	vst v0  }
0x5d: {  	[tilespmem:$0x1110] =	vst v0  }
0x5e: {  	[tilespmem:$0x1120] =	vst v0  }
0x5f: {  	[tilespmem:$0x1130] =	vst v0  }
0x60: {  	[tilespmem:$0x1140] =	vst v0  }
0x61: {  	[tilespmem:$0x1150] =	vst v0  }
0x62: {  	[tilespmem:$0x1160] =	vst v0  }
0x63: {  	[tilespmem:$0x1170] =	vst v0  }
0x64: {  	[tilespmem:$0x1180] =	vst v0  }
0x65: {  	[tilespmem:$0x1190] =	vst v0  }
0x66: {  	[tilespmem:$0x11A0] =	vst v0  }
0x67: {  	[tilespmem:$0x11B0] =	vst v0  }
0x68: {  	[tilespmem:$0x11C0] =	vst v0  }
0x69: {  	[tilespmem:$0x11D0] =	vst v0  }
0x6a: {  	[tilespmem:$0x11E0] =	vst v0  }
0x6b: {  	[tilespmem:$0x11F0] =	vst v0  }
0x6c: {  	[tilespmem:$0x1200] =	vst v0  }
0x6d: {  	[tilespmem:$0x1210] =	vst v0  }
0x6e: {  	[tilespmem:$0x1220] =	vst v0  }
0x6f: {  	[tilespmem:$0x1230] =	vst v0  }
0x70: {  	[tilespmem:$0x1240] =	vst v0  }
0x71: {  	[tilespmem:$0x1250] =	vst v0  }
0x72: {  	[tilespmem:$0x1260] =	vst v0  }
0x73: {  	[tilespmem:$0x1270] =	vst v0  }
0x74: {  	[tilespmem:$0x1280] =	vst v0  }
0x75: {  	[tilespmem:$0x1290] =	vst v0  }
0x76: {  	[tilespmem:$0x12A0] =	vst v0  }
0x77: {  	[tilespmem:$0x12B0] =	vst v0  }
0x78: {  	[tilespmem:$0x12C0] =	vst v0  }
0x79: {  	[tilespmem:$0x12D0] =	vst v0  }
0x7a: {  	[tilespmem:$0x12E0] =	vst v0  }
0x7b: {  	[tilespmem:$0x12F0] =	vst v0  }
0x7c: {  	[tilespmem:$0x1300] =	vst v0  }
0x7d: {  	[tilespmem:$0x1310] =	vst v0  }
0x7e: {  	[tilespmem:$0x1320] =	vst v0  }
0x7f: {  	[tilespmem:$0x1330] =	vst v0  }
0x80: {  	[tilespmem:$0x1340] =	vst v0  }
0x81: {  	[tilespmem:$0x1350] =	vst v0  }
0x82: {  	[tilespmem:$0x1360] =	vst v0  }
0x83: {  	[tilespmem:$0x1370] =	vst v0  }
0x84: {  	[tilespmem:$0x1380] =	vst v0  }
0x85: {  	[tilespmem:$0x1390] =	vst v0  }
0x86: {  	[tilespmem:$0x13A0] =	vst v0  }
0x87: {  	[tilespmem:$0x13B0] =	vst v0  }
0x88: {  	[tilespmem:$0x13C0] =	vst v0  }
0x89: {  	[tilespmem:$0x13D0] =	vst v0  }
0x8a: {  	[tilespmem:$0x13E0] =	vst v0  }
0x8b: {  	[tilespmem:$0x13F0] =	vst v0  }
0x8c: {  	[tilespmem:$0x1400] =	vst v0  }
0x8d: {  	[tilespmem:$0x1410] =	vst v0  }
0x8e: {  	[tilespmem:$0x1420] =	vst v0  }
0x8f: {  	[tilespmem:$0x1430] =	vst v0  }
0x90: {  	[tilespmem:$0x1440] =	vst v0  }
0x91: {  	[tilespmem:$0x1450] =	vst v0  }
0x92: {  	[tilespmem:$0x1460] =	vst v0  }
0x93: {  	[tilespmem:$0x1470] =	vst v0  }
0x94: {  	[tilespmem:$0x1480] =	vst v0  }
0x95: {  	[tilespmem:$0x1490] =	vst v0  }
0x96: {  	[tilespmem:$0x14A0] =	vst v0  }
0x97: {  	[tilespmem:$0x14B0] =	vst v0  }
0x98: {  	[tilespmem:$0x14C0] =	vst v0  }
0x99: {  	[tilespmem:$0x14D0] =	vst v0  }
0x9a: {  	[tilespmem:$0x14E0] =	vst v0  }
0x9b: {  	[tilespmem:$0x14F0] =	vst v0  }
0x9c: {  	[tilespmem:$0x1500] =	vst v0  }
0x9d: {  	[tilespmem:$0x1510] =	vst v0  }
0x9e: {  	[tilespmem:$0x1520] =	vst v0  }
0x9f: {  	[tilespmem:$0x1530] =	vst v0  }
0xa0: {  	[tilespmem:$0x1540] =	vst v0  }
0xa1: {  	[tilespmem:$0x1550] =	vst v0  }
0xa2: {  	[tilespmem:$0x1560] =	vst v0  }
0xa3: {  	[tilespmem:$0x1570] =	vst v0  }
0xa4: {  	[tilespmem:$0x1580] =	vst v0  }
0xa5: {  	[tilespmem:$0x1590] =	vst v0  }
0xa6: {  	[tilespmem:$0x15A0] =	vst v0  }
0xa7: {  	[tilespmem:$0x15B0] =	vst v0  }
0xa8: {  	[tilespmem:$0x15C0] =	vst v0  }
0xa9: {  	[tilespmem:$0x15D0] =	vst v0  }
0xaa: {  	[tilespmem:$0x15E0] =	vst v0  }
0xab: {  	[tilespmem:$0x15F0] =	vst v0  }
0xac: {  	[tilespmem:$0x1600] =	vst v0  }
0xad: {  	[tilespmem:$0x1610] =	vst v0  }
0xae: {  	[tilespmem:$0x1620] =	vst v0  }
0xaf: {  	[tilespmem:$0x1630] =	vst v0  }
0xb0: {  	[tilespmem:$0x1640] =	vst v0  }
0xb1: {  	[tilespmem:$0x1650] =	vst v0  }
0xb2: {  	[tilespmem:$0x1660] =	vst v0  }
0xb3: {  	[tilespmem:$0x1670] =	vst v0  }
0xb4: {  	[tilespmem:$0x1680] =	vst v0  }
0xb5: {  	[tilespmem:$0x1690] =	vst v0  }
0xb6: {  	[tilespmem:$0x16A0] =	vst v0  }
0xb7: {  	[tilespmem:$0x16B0] =	vst v0  }
0xb8: {  	[tilespmem:$0x16C0] =	vst v0  }
0xb9: {  	[tilespmem:$0x16D0] =	vst v0  }
0xba: {  	[tilespmem:$0x16E0] =	vst v0  }
0xbb: {  	[tilespmem:$0x16F0] =	vst v0  }
0xbc: {  	[tilespmem:$0x1700] =	vst v0  }
0xbd: {  	[tilespmem:$0x1710] =	vst v0  }
0xbe: {  	[tilespmem:$0x1720] =	vst v0  }
0xbf: {  	[tilespmem:$0x1730] =	vst v0  }
0xc0: {  	[tilespmem:$0x1740] =	vst v0  }
0xc1: {  	[tilespmem:$0x1750] =	vst v0  }
0xc2: {  	[tilespmem:$0x1760] =	vst v0  }
0xc3: {  	[tilespmem:$0x1770] =	vst v0  }
0xc4: {  	[tilespmem:$0x1780] =	vst v0  }
0xc5: {  	[tilespmem:$0x1790] =	vst v0  }
0xc6: {  	[tilespmem:$0x17A0] =	vst v0  }
0xc7: {  	[tilespmem:$0x17B0] =	vst v0  }
0xc8: {  	[tilespmem:$0x17C0] =	vst v0  }
0xc9: {  	[tilespmem:$0x17D0] =	vst v0  }
0xca: {  	[tilespmem:$0x17E0] =	vst v0  }
0xcb: {  	[tilespmem:$0x17F0] =	vst v0  }
0xcc: {  	[tilespmem:$0x1800] =	vst v0  }
0xcd: {  	[tilespmem:$0x1810] =	vst v0  }
0xce: {  	[tilespmem:$0x1820] =	vst v0  }
0xcf: {  	[tilespmem:$0x1830] =	vst v0  }
0xd0: {  	[tilespmem:$0x1840] =	vst v0  }
0xd1: {  	[tilespmem:$0x1850] =	vst v0  }
0xd2: {  	[tilespmem:$0x1860] =	vst v0  }
0xd3: {  	[tilespmem:$0x1870] =	vst v0  }
0xd4: {  	[spmem:s7] =	stream.linear.scatter [tilespmem:s13], [sflag:$0x2], $0xC40, $0x38;
	[tilespmem:$0xEEC0] =	vst v63  }
0xd5: {  	_ =	swait.ge [sflag:s14], $0xC40  }
0xd6: {  	[sflag:s14] =	ssyncset.done $0x0  }
0xd7: {  	s19 =	simm.s32 $0x8AC0;
	[sflag:s14] =	ssyncadd.s32 $0xFFFFF3C0  }
0xd8: {  	s20 =	simm.s32 $0x28C0;
	s21 =	simm.s32 $0x0;
	[bflag:$0x0] =	sbarrier.arrive $0xFFFF  }
.LBB2_2:
0xd9: {  	s22 =	smul.u32 $0x7D0, s21;
	_ =	sdelay $0x1  }
0xda: {  	s22 =	sadd.s32 s4, s22  }
0xdb: {  	s22 =	sshrl.u32 s22, $0x3  }
0xdc: {  	s23 =	sadd.s32 s5, s22  }
0xdd: {  	[tilespmem:s15], [sflag:$0x2] =	stream.linear.gather [hbm4b:s23+s24], $0x7D0, $0x38;
	[tilespmem:$0xEEC0] =	vst v63  }
0xde: {  	_ =	swait.ge [sflag:s14], $0x7D0  }
0xdf: {  	[sflag:s14] =	ssyncset.done $0x0  }
0xe0: {  	s22 =	sadd.s32 s6, s22;
	[sflag:s14] =	ssyncadd.s32 $0xFFFFF830  }
0xe1: {  	[tilespmem:s16], [sflag:$0x2] =	stream.linear.gather [hbm4b:s22+s24], $0x7D0, $0x38;
	[tilespmem:$0xEEC0] =	vst v63  }
0xe2: {  	_ =	swait.ge [sflag:s14], $0x7D0  }
0xe3: {  	[sflag:s14] =	ssyncset.done $0x0  }
0xe4: {  	s22 =	simm.s32 $0x0;
	[sflag:s14] =	ssyncadd.s32 $0xFFFFF830  }
0xe5: {  	v6 =	vld [tilespmem:s22+$0x20C0]  }
0xe6: {  	v5 =	vmov s20;
	v4 =	vmov s19;
	s23 =	simm.s32 $0x40;
	v7 =	vld [tilespmem:s22+$0x18C0]  }
.LBB2_3:
0xe7: {  	p1 =	sne.s32 s23, $0x1F00;
	_ =	sdelay $0x3  }
0xe8: {  	vm1 =	veq.s32 v7, v6  }
.Ltmp0:
0xe9: {  	v7 =	vsel vm1, $0x0, v1;
	(pc) =	sbr.rel @p1 .LBB2_3-.Ltmp0, $4  }
0xea: {  	[tilespmem:v5+s22+$0x0 ss:$0x1] =	vst.idx.msk $0xffff, v7  }
0xeb: {  	[tilespmem:v4+s22+$0x0 ss:$0x1] =	vst.idx.msk $0xffff, v6;
	s22 =	sshra.s32 s23, $0x2  }
0xec: {  	v6 =	vld [tilespmem:s22+$0x20C0]  }
0xed: {  	s23 =	sadd.s32 $0x40, s23;
	v7 =	vld [tilespmem:s22+$0x18C0]  }
0xee: {  	_ = 	snop  }
0xef: {  	s21 =	sadd.s32 $0x1, s21  }
0xf0: {  	p1 =	sne.s32 s21, $0xC  }
.Ltmp1:
0xf1: {  	_ = 	snop;
	(pc) =	sbr.rel @p1 .LBB2_2-.Ltmp1, $4  }
0xf2: {  	vm1 =	veq.s32 v7, v6  }
0xf3: {  	v7 =	vsel vm1, $0x0, v1  }
0xf4: {  	[tilespmem:v5+s22+$0x0 ss:$0x1] =	vst.idx.msk $0xffff, v7  }
0xf5: {  	s19 =	sadd.s32 $0x7D0, s19;
	s20 =	sadd.s32 $0x7D0, s20;
	[tilespmem:v4+s22+$0x0 ss:$0x1] =	vst.idx.msk $0xffff, v6  }
0xf6: {  	s19 =	simm.s32 $0x0  }
0xf7: {  	[tilespmem:s15], [sflag:$0x2] =	stream.linear.gather [hbm4b:s8+s19], $0x3E8, $0x38;
	[tilespmem:$0xEEC0] =	vst v63  }
0xf8: {  	_ =	swait.ge [sflag:s14], $0x3E8  }
0xf9: {  	[sflag:s14] =	ssyncset.done $0x0  }
0xfa: {  	[sflag:s14] =	ssyncadd.s32 $0xFFFFFC18  }
0xfb: {  	[tilespmem:s16], [sflag:$0x2] =	stream.linear.gather [hbm4b:s9+s19], $0x3E8, $0x38;
	[tilespmem:$0xEEC0] =	vst v63  }
0xfc: {  	_ =	swait.ge [sflag:s14], $0x3E8  }
0xfd: {  	[sflag:s14] =	ssyncset.done $0x0  }
0xfe: {  	s20 =	simm.s32 $0x0;
	[sflag:s14] =	ssyncadd.s32 $0xFFFFFC18  }
0xff: {  	v4 =	vld [tilespmem:s20+$0x20C0]  }
0x100: {  	s21 =	simm.s32 $0x5DC0;
	s22 =	simm.s32 $0x5DD0;
	v5 =	vld [tilespmem:s20+$0x18C0]  }
.LBB2_6:
0x101: {  	p1 =	sne.s32 s22, $0x6190;
	_ =	sdelay $0x2  }
0x102: {  	s23 =	sadd.s32 $0x17700, s19  }
0x103: {  	s23 =	sand.u32 $0x1FE00, s23;
	vm1 =	veq.s32 v5, v4  }
.Ltmp2:
0x104: {  	s21 =	sand.u32 $0x70, s21;
	s23 =	sshrl.u32 s23, $0x2;
	v5 =	vsel vm1, $0x0, v1;
	(pc) =	sbr.rel @p1 .LBB2_6-.Ltmp2, $4  }
0x105: {  	s19 =	sadd.s32 $0x40, s19;
	s23 =	sor.u32 s21, s23;
	s21 =	smov.u32 s22;
	[tilespmem:s20+$0x8680] =	vst v5  }
0x106: {  	s20 =	sshra.s32 s19, $0x2;
	[tilespmem:s23+$0x8AC0] =	vst v4  }
0x107: {  	v4 =	vld [tilespmem:s20+$0x20C0]  }
0x108: {  	s22 =	sadd.s32 $0x10, s22;
	v5 =	vld [tilespmem:s20+$0x18C0]  }
0x109: {  	_ =	sdelay $0x2  }
0x10a: {  	s19 =	sadd.s32 $0x17700, s19  }
0x10b: {  	s19 =	sand.u32 $0x1FE00, s19;
	vm1 =	veq.s32 v5, v4  }
0x10c: {  	s21 =	sand.u32 $0x70, s21;
	s19 =	sshrl.u32 s19, $0x2;
	v5 =	vsel vm1, $0x0, v1  }
0x10d: {  	s19 =	sor.u32 s21, s19;
	[tilespmem:s20+$0x8680] =	vst v5  }
0x10e: {  	[tilespmem:s19+$0x8AC0] =	vst v4  }
0x10f: {  	[tilespmem:$0x8A70] =	vst v0  }
0x110: {  	[tilespmem:$0xEC70] =	vst v3  }
0x111: {  	[tilespmem:$0x8A80] =	vst v0  }
0x112: {  	v4 =	vld [tilespmem:$0x1CA0];
	[tilespmem:$0xEC80] =	vst v3  }
0x113: {  	v5 =	vld [tilespmem:$0x24A0];
	[tilespmem:$0x8A90] =	vst v0  }
0x114: {  	[tilespmem:$0xEC90] =	vst v3  }
0x115: {  	[tilespmem:$0x8AA0] =	vst v0  }
0x116: {  	[tilespmem:$0xECA0] =	vst v3  }
0x117: {  	[tilespmem:$0x8AB0] =	vst v0  }
0x118: {  	[tilespmem:$0xECB0] =	vst v3;
	vm1 =	veq.s32 v4, v5;
	v5 =	vnsel vm0, $0x0, v5  }
0x119: {  	v4 =	vsel vm1, $0x0, v2;
	[tilespmem:$0xEC60] =	vst v5  }
0x11a: {  	s19 =	simm.s32 $0x0;
	[tilespmem:$0x8A60] =	vst v4  }
.LBB2_8:
0x11b: {  	p1 =	sne.s32 s19, $0x18600  }
.Ltmp3:
0x11c: {  	_ = 	snop;
	(pc) =	sbr.rel @p1 .LBB2_8-.Ltmp3, $4  }
0x11d: {  	_ = 	snop  }
0x11e: {  	s20 =	sshra.s32 s19, $0x2  }
0x11f: {  	s19 =	sadd.s32 $0x200, s19;
	s21 =	sadd.s32 $0x28C0, s20;
	s20 =	sadd.s32 $0x8AC0, s20  }
0x120: {  	[spmem:s1] =	stream.indirect.scatter.add.f32 [tilespmem:s21], [sflag:$0x1], $0x1, s20, s17, $0xb8;
	[tilespmem:$0xEEC0] =	vst v63  }
0x121: {  	_ =	swait.ge [sflag:s18], $0x80  }
0x122: {  	s19 =	simm.s32 $0xC3;
	[sflag:s18] =	ssyncset.done $0x0  }
.LBB2_10:
0x123: {  	p1 =	sne.s32 s19, $0x1;
	s19 =	sadd.s32 $0xFFFFFFFF, s19;
	[sflag:s18] =	ssyncadd.s32 $0xFFFFFF80  }
.Ltmp4:
0x124: {  	(pc) =	sbr.rel @p1 .LBB2_10-.Ltmp4, $3  }
0x125: {  	_ =	sdelay $0x1  }
0x126: {  	_ =	swait.ge [sflag:s18], $0x80  }
0x127: {  	[sflag:s18] =	ssyncset.done $0x0  }
0x128: {  	[sflag:s18] =	ssyncadd.s32 $0xFFFFFF80  }
0x129: {  	[bflag:$0x0] =	sbarrier.arrive $0xFFFF  }
0x12a: {  	[tilespmem:s13], [sflag:$0x2] =	stream.linear.gather [spmem:s7], $0xC40, $0x38;
	[tilespmem:$0xEEC0] =	vst v63  }
0x12b: {  	_ =	swait.ge [sflag:s14], $0xC40  }
0x12c: {  	[sflag:s14] =	ssyncset.done $0x0  }
0x12d: {  	s19 =	simm.s32 @p0 $0x0;
	s20 =	simm.s32 @p0 $0xC40;
	[sflag:s14] =	ssyncadd.s32 $0xFFFFF3C0  }
0x12e: {  	[hbm4b:s11+s19] =	stream.linear.scatter @p0 [tilespmem:s20], [sflag:$0x2], $0xB90, $0x38;
	[tilespmem:$0xEEC0] =	vst v63  }
0x12f: {  	s19 =	simm.s32 @p0 $0x2  }
0x130: {  	s3 =	sadd.s32 $0x1, s3;
	_ =	swait.ge @p0 [sflag:s19], $0xB90  }
0x131: {  	p1 =	sne.s32 s3, s12;
	[sflag:s19] =	ssyncset.done @p0 $0x0  }
0x132: {  	s20 =	simm.s32 @!p0 $0xC40;
	[sflag:s19] =	ssyncadd.s32 @p0 $0xFFFFF470;
	s19 =	simm.s32 @!p0 $0x0  }
0x133: {  	[hbm4b:s10+s19] =	stream.linear.scatter @!p0 [tilespmem:s20], [sflag:$0x2], $0xC40, $0x38;
	[tilespmem:$0xEEC0] =	vst v63  }
.Ltmp5:
0x134: {  	_ = 	snop;
	(pc) =	sbr.rel @p1 .LBB2_1-.Ltmp5, $4  }
0x135: {  	s19 =	simm.s32 @!p0 $0x2  }
0x136: {  	_ =	swait.ge @!p0 [sflag:s19], $0xC40  }
0x137: {  	[sflag:s19] =	ssyncset.done @!p0 $0x0  }
0x138: {  	[sflag:s19] =	ssyncadd.s32 @!p0 $0xFFFFF3C0  }
0x139: {  	_ =	sfence.sel $0x180000  }
0x13a: {  	[bflag:$0x0] =	sbarrier.arrive $0xFFFF  }
0x13b: {  	p0 =	sne.s32 s2, $0x0;
	_ =	strace $0x90000047  }
0x13c: {  	s0 =	sadd.s32 @!p0 $0x100000, s0;
	[bflag:$0x2] =	sbarrier.arrive $0xFFFF  }
0x13d: {  	[sflag:s0] =	ssyncadd.tile.s32 @!p0 $0x1;
	_ =	shalt  }
.Lfunc_end2:
_tile_overlayer_lowered:
.L_overlay_start_2:
0x13e: {  	(tag) =	ssettag $0x2  }
0x13f: {  	s0 =	rddreg [dreg:$0x0];
	s2 =	stileid.u32  }
0x140: {  	s1 =	rddreg [dreg:$0x1];
	p0 =	sne.s32 s2, $0x0  }
0x141: {  	s3 =	rddreg [dreg:$0x2];
	[bflag:$0x3] =	sbarrier.arrive $0xFFFF;
	s2 =	simm.s32 @!p0 $0x1C02  }
0x142: {  	[timem:s3], [sflag:s2] =	dma.local @!p0 [hbm:s0], s1  }
0x143: {  	s0 =	simm.s32 @!p0 $0x2  }
0x144: {  	_ =	swait.ge @!p0 [sflag:s0], s1  }
0x145: {  	s1 =	ssub.s32 @!p0 $0x0, s1;
	[sflag:s0] =	ssyncset.done @!p0 $0x0  }
0x146: {  	[sflag:s0] =	ssyncadd.s32 @!p0 s1  }
0x147: {  	[bflag:$0x3] =	sbarrier.arrive $0xFFFF  }
0x148: {  	_ =	shalt  }

// kernel: kernel.9.cloned.1.call-start
scs
__scs_entry_jumppad:
0x0: {  	(pc) =	sbr.rel $0x88, $3  }
0x1: {  	(tag) =	ssettag $0x0;
	lr =	simm.s32 $0x1  }
0x2: {  	[smem:$0x3F9A] =	sst lr;
	_ =	strace $0xD0000000  }
0x3: {  	_ = 	snop  }
0x4: {  	_ = 	snop  }
0x5: {  	_ = 	snop  }
0x6: {  	_ = 	snop  }
0x7: {  	_ = 	snop  }
__scs_overlays_trampoline_lowered:
0x8: {  	[smem:$0x3FA9] =	sst s0  }
0x9: {  	[smem:$0x3FAA] =	sst s1  }
0xa: {  	[smem:$0x3FAB] =	sst s2  }
0xb: {  	[smem:$0x3FAC] =	sst s3  }
0xc: {  	[smem:$0x3FAD] =	sst s4  }
0xd: {  	[smem:$0x3FAE] =	sst s5  }
0xe: {  	[smem:$0x3FAF] =	sst s6  }
0xf: {  	[smem:$0x3FB0] =	sst s7  }
0x10: {  	[smem:$0x3FB1] =	sst s8  }
0x11: {  	[smem:$0x3FB2] =	sst s9;
	s0 =	simm.s32 @!p0 $0x0  }
0x12: {  	s1 =	sld [smem:$0x3F98];
	s0 =	simm.s32 @p0 $0x1  }
0x13: {  	[smem:$0x3FB3] =	sst s0;
	s0 =	simm.s32 @!p1 $0x0  }
0x14: {  	s2 =	sld [smem:$0x3F97];
	s0 =	simm.s32 @p1 $0x1  }
0x15: {  	[smem:$0x3FB4] =	sst s0;
	s0 =	simm.s32 @!p2 $0x0  }
0x16: {  	s3 =	sld [smem:$0x3FDB];
	s0 =	simm.s32 @p2 $0x1  }
0x17: {  	s4 =	simm.s32 $0x1BF5;
	[smem:$0x3FB6] =	sst s0  }
0x18: {  	s0 =	sld [smem:$0x3F99];
	_ =	swait.ge [sflag:s4], $0x0  }
0x19: {  	s7 =	sld [smem:$0x3F9A]  }
0x1a: {  	s8 =	sadd.s32 $0xFFFFE003, lr  }
0x1b: {  	s9 =	sadd.s32 $0xFFFFFEF7, lr;
	s5 =	simm.s32 $0xFFFFFFFF;
	p2 =	slt.u32 s8, $0xFFFFF086  }
0x1c: {  	p1 =	slt.u32 s9, $0xF7A;
	s5 =	simm.s32 @!p2 $0x0  }
0x1d: {  	s5 =	simm.s32 @p1 $0x1;
	p0 =	seq.s32 s7, s2  }
0x1e: {  	s7 =	smul.u32 @!p0 $0xF7A, s2;
	p2 =	seq.s32 @!p0 s5, $0x0  }
0x1f: {  	s9 =	smul.u32 $0xF7A, s1;
	s8 =	simm.s32 @!p0 $0x1BF5;
	p2 =	por !p2, p0  }
0x20: {  	[sflag:s8] =	ssyncset.s32 @!p0 $0xFFFFF086;
	s6 =	sadd.s32 @!p0 s3, s7;
	s7 =	simm.s32 @!p0 $0x108  }
0x21: {  	s3 =	sadd.s32 s3, s9;
	s6 =	sadd.s32 @!p0 $0x88, s6;
	s7 =	simm.s32 @p2 $0x1082  }
0x22: {  	[simem:s7], [sflag:s8] =	dma.local @!p0 [hbm:s6], $0xF7A  }
0x23: {  	s9 =	sor.u32 $0xD0000000, s2;
	s6 =	simm.s32 $0x108;
	_ =	swait.ge @!p0 [sflag:s8], $0x0  }
0x24: {  	s3 =	sadd.s32 $0x88, s3;
	s6 =	simm.s32 @!p1 $0x1082;
	[sflag:s4] =	ssyncset.s32 $0xFFFFF086  }
0x25: {  	[simem:s6], [sflag:s4] =	dma.local [hbm:s3], $0xF7A  }
0x26: {  	[smem:$0x3F9A] =	sst s1;
	(tag) =	ssettag s2;
	_ =	strace s9  }
0x27: {  	s1 =	sld [smem:$0x3FAA]  }
0x28: {  	s2 =	sld [smem:$0x3FAB]  }
0x29: {  	s4 =	sld [smem:$0x3FAD]  }
0x2a: {  	p0 =	seq.s32 s5, $0x0;
	s5 =	sld [smem:$0x3FAE]  }
0x2b: {  	s6 =	sld [smem:$0x3FAF]  }
0x2c: {  	s7 =	sld [smem:$0x3FB0]  }
0x2d: {  	s3 =	simm.s32 $0x108;
	s8 =	sld [smem:$0x3FB1]  }
0x2e: {  	s3 =	simm.s32 @!p0 $0x1082;
	s9 =	sld [smem:$0x3FB2]  }
0x2f: {  	lr =	sadd.s32 s0, s3;
	s0 =	sld [smem:$0x3FA9]  }
0x30: {  	s3 =	sld [smem:$0x3FAC]  }
0x31: {  	[smem:$0x3FB5] =	sst s10  }
0x32: {  	s10 =	sld [smem:$0x3FB3];
	_ =	sdelay $0x3  }
0x33: {  	p0 =	seq.s32 s10, $0x1;
	s10 =	sld [smem:$0x3FB5];
	_ =	sdelay $0x3  }
0x34: {  	[smem:$0x3FB5] =	sst s10  }
0x35: {  	s10 =	sld [smem:$0x3FB4];
	_ =	sdelay $0x3  }
0x36: {  	p1 =	seq.s32 s10, $0x1;
	s10 =	sld [smem:$0x3FB5];
	_ =	sdelay $0x3  }
0x37: {  	[smem:$0x3FB5] =	sst s10  }
0x38: {  	s10 =	sld [smem:$0x3FB6]  }
0x39: {  	_ = 	snop;
	(pc) =	sbr.ind lr, $3  }
0x3a: {  	_ = 	snop  }
0x3b: {  	_ = 	snop  }
0x3c: {  	p2 =	seq.s32 s10, $0x1;
	s10 =	sld [smem:$0x3FB5]  }
0x3d: {  	_ =	shalt  }
0x3e: {  	_ =	shalt  }
0x3f: {  	_ =	shalt  }
0x40: {  	_ =	shalt  }
0x41: {  	_ =	shalt  }
0x42: {  	_ =	shalt  }
0x43: {  	_ =	shalt  }
0x44: {  	_ =	shalt  }
0x45: {  	_ =	shalt  }
0x46: {  	_ =	shalt  }
0x47: {  	_ =	shalt  }
0x48: {  	_ =	shalt  }
0x49: {  	_ =	shalt  }
0x4a: {  	_ =	shalt  }
0x4b: {  	_ =	shalt  }
0x4c: {  	_ =	shalt  }
0x4d: {  	_ =	shalt  }
0x4e: {  	_ =	shalt  }
0x4f: {  	_ =	shalt  }
0x50: {  	_ =	shalt  }
0x51: {  	_ =	shalt  }
0x52: {  	_ =	shalt  }
0x53: {  	_ =	shalt  }
0x54: {  	_ =	shalt  }
0x55: {  	_ =	shalt  }
0x56: {  	_ =	shalt  }
0x57: {  	_ =	shalt  }
0x58: {  	_ =	shalt  }
0x59: {  	_ =	shalt  }
0x5a: {  	_ =	shalt  }
0x5b: {  	_ =	shalt  }
0x5c: {  	_ =	shalt  }
0x5d: {  	_ =	shalt  }
0x5e: {  	_ =	shalt  }
0x5f: {  	_ =	shalt  }
0x60: {  	_ =	shalt  }
0x61: {  	_ =	shalt  }
0x62: {  	_ =	shalt  }
0x63: {  	_ =	shalt  }
0x64: {  	_ =	shalt  }
0x65: {  	_ =	shalt  }
0x66: {  	_ =	shalt  }
0x67: {  	_ =	shalt  }
0x68: {  	_ =	shalt  }
0x69: {  	_ =	shalt  }
0x6a: {  	_ =	shalt  }
0x6b: {  	_ =	shalt  }
0x6c: {  	_ =	shalt  }
0x6d: {  	_ =	shalt  }
0x6e: {  	_ =	shalt  }
0x6f: {  	_ =	shalt  }
0x70: {  	_ =	shalt  }
0x71: {  	_ =	shalt  }
0x72: {  	_ =	shalt  }
0x73: {  	_ =	shalt  }
0x74: {  	_ =	shalt  }
0x75: {  	_ =	shalt  }
0x76: {  	_ =	shalt  }
0x77: {  	_ =	shalt  }
0x78: {  	_ =	shalt  }
0x79: {  	_ =	shalt  }
0x7a: {  	_ =	shalt  }
0x7b: {  	_ =	shalt  }
0x7c: {  	_ =	shalt  }
0x7d: {  	_ =	shalt  }
0x7e: {  	_ =	shalt  }
0x7f: {  	_ =	shalt  }
0x80: {  	_ =	shalt  }
0x81: {  	_ =	shalt  }
0x82: {  	_ =	shalt  }
0x83: {  	_ =	shalt  }
0x84: {  	_ =	shalt  }
0x85: {  	_ =	shalt  }
0x86: {  	_ =	shalt  }
0x87: {  	_ =	shalt  }
.Lfunc_end0:
.L_simem_size_0:
called_computation.1_lowered:
.L_overlay_start_0:
0x88: {  	s2 =	sld [smem:$0x3FD9]  }
0x89: {  	s3 =	sld [smem:$0x3FFE];
	_ =	sdelay $0x1  }
0x8a: {  	s1 =	srdreg.scid  }
0x8b: {  	s0 =	sand.u32 $0x1, s1  }
0x8c: {  	s17 =	sshll.u32 s0, $0xA;
	s2 =	sadd.s32 s3, s2  }
0x8d: {  	s2 =	sadd.s32 s2, s17  }
0x8e: {  	[smem:$0x3FC1] =	sst s2  }
0x8f: {  	_ = 	snop  }
0x90: {  	s2 =	sld [smem:$0x3FD0];
	(tm) =	ssettm $0x1  }
0x91: {  	s18 =	sld [smem:$0x3FFB];
	_ =	sdelay $0x3  }
0x92: {  	_ =	strace s18  }
0x93: {  	s3 =	sld [smem:$0x3FFC];
	_ =	sdelay $0x3  }
0x94: {  	_ =	strace s3  }
0x95: {  	s3 =	sld [smem:$0x3FFD];
	_ =	sdelay $0x3  }
0x96: {  	_ =	strace s3  }
0x97: {  	_ =	strace $0x8FFFFFFF  }
0x98: {  	s19 =	sld [smem:$0x3FDB];
	_ =	sdelay $0x1  }
0x99: {  	s4 =	simm.s32 $_scs_section_size  }
0x9a: {  	s5 =	simm.s32 $_size__tile_overlayer_lowered;
	s6 =	simm.s32 $_tile_overlayer_lowered  }
0x9b: {  	s22 =	simm.s32 $0x1BFF;
	s21 =	sshll.u32 s6, $0x1;
	s3 =	sadd.s32 s4, s19  }
0x9c: {  	s7 =	simm.s32 $0x0;
	s20 =	sshll.u32 s5, $0x1;
	s5 =	sadd.s32 s21, s3  }
0x9d: {  	[timem:s7], [sflag:s22] =	dma.local [hbm:s5], s20  }
0x9e: {  	_ =	swait.ge [sflag:s22], s20  }
0x9f: {  	s4 =	ssub.s32 $0x0, s20;
	[sflag:s22] =	ssyncset.done $0x0  }
0xa0: {  	[sflag:s22] =	ssyncadd.s32 s4;
	_ =	sdelay $0x1  }
0xa1: {  	s23 =	simm.s32 $0x1B8B  }
0xa2: {  	_ =	swait.ge [sflag:s23], $0x1  }
0xa3: {  	[sflag:s23] =	ssyncset.done $0x0  }
0xa4: {  	s25 =	simm.s32 $0x1B8E;
	s24 =	sld [smem:$0x3FFE];
	[sflag:s23] =	ssyncadd.s32 $0xFFFFFFFF  }
0xa5: {  	s26 =	simm.s32 $execute0_lowered;
	[smem:$0x3FD2] =	sst s25  }
0xa6: {  	s5 =	sshll.u32 s26, $0x1;
	_ =	strace $0x80000049;
	[dreg:$0x1] =	wrdreg $0xFFFFFFFF  }
0xa7: {  	s28 =	simm.s32 $_size_execute0_lowered;
	s3 =	sadd.s32 s3, s5;
	[dreg:$0x0] =	wrdreg $0x0  }
0xa8: {  	s5 =	sshll.u32 s28, $0x1;
	[dreg:$0x2] =	wrdreg s3  }
0xa9: {  	[dreg:$0x3] =	wrdreg s5  }
0xaa: {  	[dreg:$0x4] =	wrdreg $0xC0  }
0xab: {  	_ =	task [dreg:s7], $0x5FFFF  }
0xac: {  	[dreg:$0x1] =	wrdreg $0xFFFFFFFF  }
0xad: {  	[dreg:$0x0] =	wrdreg $0x60  }
0xae: {  	[dreg:$0x2] =	wrdreg s24  }
0xaf: {  	[dreg:$0x3] =	wrdreg s2  }
0xb0: {  	[dreg:$0x4] =	wrdreg $0x0  }
0xb1: {  	[dreg:$0x5] =	wrdreg $0x9  }
0xb2: {  	_ =	task.clear_ibuf [dreg:s7], $0x6FFFF;
	_ =	strace $0x90000049  }
0xb3: {  	s29 =	simm.s32 $0x9;
	_ =	strace $0x8000004B  }
0xb4: {  	_ =	swait.ge [sflag:s29], $0x1  }
0xb5: {  	[sflag:s29] =	ssyncadd.s32 $0xFFFFFFFF  }
0xb6: {  	_ =	strace $0x9000004B  }
0xb7: {  	_ =	sfence  }
0xb8: {  	s30 =	sld [smem:$0x0];
	_ =	sdelay $0x2  }
0xb9: {  	s31 =	sshll.u32 s1, $0xD;
	s1 =	sshrl.u32 s1, $0x2  }
0xba: {  	s3 =	sand.u32 $0x4000, s31;
	s1 =	sadd.s32 s1, s30  }
0xbb: {  	s0 =	sor.u32 s3, s0;
	s1 =	sshll.u32 s1, $0x11  }
0xbc: {  	s0 =	sor.u32 s1, s0  }
0xbd: {  	s0 =	sadd.s32 $0x8F2B, s0  }
0xbe: {  	[sflag:s0] =	ssyncadd.remote.s32 $0x1  }
0xbf: {  	_ =	sfence.sel $0xFFFF  }
0xc0: {  	[dreg:$0x0] =	wrdreg $0xFFFFFFFF;
	(pc) =	sbr.abs _section_cstart, $3  }
0xc1: {  	[dreg:$0x1] =	wrdreg $0xFFFFFFFF  }
0xc2: {  	_ =	task.clear_ibuf [dreg:s7], $0x2FFFF;
	_ =	strace $0x9FFFFFFF  }
0xc3: {  	(tm) =	ssettm $0x7FFFFFFF  }
tec
execute0_lowered:
.L_overlay_start_1:
0x0: {  	(tag) =	ssettag $0x1  }
0x1: {  	s0 =	rddreg [dreg:$0x0]  }
0x2: {  	s1 =	rddreg [dreg:$0x1]  }
0x3: {  	s2 =	rddreg [dreg:$0x2];
	s4 =	simm.s32 $0x0;
	s3 =	srdreg.scid  }
0x4: {  	s15 =	stileid.u32;
	s28 =	simm.s32 $0x5;
	s29 =	simm.s32 $0x186C0  }
0x5: {  	s30 =	simm.s32 $0x18E90;
	s31 =	simm.s32 $0x1;
	[smem:$0x7FF] =	sst s4  }
0x6: {  	s5 =	sadd.s32 $0x19800, s0;
	s3 =	sand.u32 $0x1, s3;
	s14 =	smul.u32 $0x620, s15  }
0x7: {  	s7 =	sadd.s32 $0x1000, s0;
	s6 =	sadd.s32 $0x32000, s0;
	s19 =	smul.u32 $0x62000, s15  }
0x8: {  	s9 =	sadd.s32 $0x35200, s0;
	s16 =	sadd.s32 $0x185800, s2;
	s23 =	smul.u32 $0x3100, s15  }
0x9: {  	p0 =	seq.s32 s15, $0xF;
	_ =	strace $0x8000004A;
	s8 =	smul.u32 $0x61A8, s3  }
0xa: {  	s10 =	ssub.s32 $0x2, s3;
	s12 =	smul.u32 $0x186A00, s3;
	[dreg:$0x8] =	wrdreg s16  }
0xb: {  	s3 =	smul.u32 $0x30D40, s3;
	s11 =	sadd.s32 $0x600, s14;
	s25 =	sshrl.u32 s10, $0x1  }
0xc: {  	[dreg:$0x4] =	wrdreg s14;
	s22 =	sshrl.u32 s19, $0x2;
	s19 =	simm.s32 $0x1C860  }
0xd: {  	s13 =	sadd.s32 s8, s11;
	s0 =	ssub.s32 s10, s25;
	s12 =	sshrl.u32 s12, $0x3  }
0xe: {  	s11 =	sshll.u32 s11, $0x6;
	s14 =	sadd.s32 s14, s8;
	s17 =	sshrl.u32 s8, $0x3  }
0xf: {  	s24 =	sadd.s32 s22, s2;
	s25 =	sadd.s32 s3, s1;
	s3 =	simm.s32 $0x19660  }
0x10: {  	s10 =	simm.s32 $0x19F60;
	s26 =	sshll.u32 s13, $0x3;
	s12 =	sadd.s32 $0x30B00, s12  }
0x11: {  	s11 =	sadd.s32 s11, s2;
	s0 =	smax.u32 s0, $0x1;
	[dreg:$0x10] =	wrdreg s24  }
0x12: {  	s23 =	sadd.s32 s23, s25;
	s25 =	sadd.s32 $0x2DF00, s25;
	[dreg:$0x6] =	wrdreg s11  }
0x13: {  	s13 =	sadd.s32 s1, s26;
	s11 =	sshrl.u32 s14, $0x3;
	[dreg:$0xf] =	wrdreg s0  }
0x14: {  	s14 =	smul.u32 $0xC350, s15;
	s20 =	sadd.s32 s9, s26;
	[dreg:$0x5] =	wrdreg s13  }
0x15: {  	s21 =	sadd.s32 s9, s12;
	s26 =	sadd.s32 $0x16F800, s2;
	[dreg:$0xd] =	wrdreg s20  }
0x16: {  	s0 =	simm.s32 $0x2;
	s15 =	simm.s32 $0x0;
	[dreg:$0xe] =	wrdreg s21  }
0x17: {  	s13 =	sadd.s32 s1, s12;
	s11 =	sadd.s32 s6, s11;
	[dreg:$0x11] =	wrdreg s26  }
.Ltmp0:
0x18: {  	s6 =	sadd.s32 s6, s17;
	[dreg:$0x7] =	wrdreg s13;
	(pc) =	sbr.rel .LBB2_1-.Ltmp0, $4  }
0x19: {  	s26 =	simm.s32 $0x1A860;
	[dreg:$0x9] =	wrdreg s11;
	s11 =	sadd.s32 $0x186A, s11  }
0x1a: {  	s12 =	simm.s32 $0x80;
	s18 =	sadd.s32 $0xB7C, s6;
	[dreg:$0xa] =	wrdreg s11  }
0x1b: {  	v0 =	vlaneseq.u32;
	s20 =	simm.s32 $0x3;
	s6 =	sadd.s32 $0x23E6, s6;
	[dreg:$0xb] =	wrdreg s18  }
0x1c: {  	v2 =	vimm.s32 $0x0;
	v3 =	vor.u32 $0x8F0, v0;
	v1 =	vmov s8;
	s13 =	simm.s32 $0x4;
	[dreg:$0xc] =	wrdreg s6;
	s11 =	simm.s32 $0x6  }
.LBB2_41:
0x1d: {  	s15 =	sadd.s32 $0x1, s15;
	s6 =	rddreg [dreg:$0xf]  }
0x1e: {  	p1 =	sne.s32 s15, s6  }
.Ltmp1:
0x1f: {  	_ = 	snop;
	(pc) =	sbr.rel @!p1 .LBB2_42-.Ltmp1, $1  }
0x20: {  	_ =	sdelay $0x3  }
.LBB2_1:
.Ltmp2:
0x21: {  	(pc) =	sbr.rel @!p0 .LBB2_2-.Ltmp2, $2  }
0x22: {  	_ =	sdelay $0x2  }
0x23: {  	[dreg:$0x12] =	wrdreg s15  }
0x24: {  	s6 =	sadd.s32 $0x0, s25  }
0x25: {  	[tilespmem:s26], [sflag:$0x5] =	stream.linear.gather [hbm4b:s6+s4], $0x2000, $0x38;
	[tilespmem:$0x1F520] =	vst v63  }
0x26: {  	_ =	swait.ge [sflag:s28], $0x2000  }
0x27: {  	[sflag:s28] =	ssyncset.done $0x0  }
0x28: {  	s24 =	rddreg [dreg:$0x11];
	[sflag:s28] =	ssyncadd.s32 $0xFFFFE000  }
0x29: {  	[spmem:s24] =	stream.linear.scatter [tilespmem:s26], [sflag:$0x5], $0x2000, $0x38;
	[tilespmem:$0x1F520] =	vst v63  }
0x2a: {  	s16 =	simm.s32 $0x400;
	_ =	swait.ge [sflag:s28], $0x2000  }
0x2b: {  	s17 =	simm.s32 $0x800;
	s15 =	sadd.s32 $0x2000, s24;
	[sflag:s28] =	ssyncset.done $0x0  }
.LBB2_6:
0x2c: {  	s6 =	sadd.s32 s16, s25  }
0x2d: {  	[sflag:s28] =	ssyncadd.s32 $0xFFFFE000;
	s16 =	smov.u32 s17;
	s18 =	sadd.s32 $0x400, s17  }
0x2e: {  	[tilespmem:s26], [sflag:$0x5] =	stream.linear.gather [hbm4b:s6+s4], $0x2000, $0x38;
	[tilespmem:$0x1F520] =	vst v63  }
0x2f: {  	p1 =	sne.s32 s17, $0x2800;
	_ =	swait.ge [sflag:s28], $0x2000  }
.Ltmp3:
0x30: {  	[sflag:s28] =	ssyncset.done $0x0;
	(pc) =	sbr.rel @p1 .LBB2_6-.Ltmp3, $4  }
0x31: {  	[sflag:s28] =	ssyncadd.s32 $0xFFFFE000  }
0x32: {  	[spmem:s15] =	stream.linear.scatter [tilespmem:s26], [sflag:$0x5], $0x2000, $0x38;
	[tilespmem:$0x1F520] =	vst v63  }
0x33: {  	_ =	swait.ge [sflag:s28], $0x2000  }
0x34: {  	s17 =	smov.u32 s18;
	s15 =	sadd.s32 $0x2000, s15;
	[sflag:s28] =	ssyncset.done $0x0  }
0x35: {  	s6 =	sadd.s32 s16, s25;
	[sflag:s28] =	ssyncadd.s32 $0xFFFFE000  }
0x36: {  	[tilespmem:s26], [sflag:$0x5] =	stream.linear.gather [hbm4b:s6+s4], $0x2000, $0x38;
	[tilespmem:$0x1F520] =	vst v63  }
0x37: {  	_ =	swait.ge [sflag:s28], $0x2000  }
0x38: {  	[sflag:s28] =	ssyncset.done $0x0  }
0x39: {  	[sflag:s28] =	ssyncadd.s32 $0xFFFFE000  }
0x3a: {  	[spmem:s15] =	stream.linear.scatter [tilespmem:s26], [sflag:$0x5], $0x2000, $0x38;
	[tilespmem:$0x1F520] =	vst v63  }
0x3b: {  	_ =	swait.ge [sflag:s28], $0x2000  }
0x3c: {  	[sflag:s28] =	ssyncset.done $0x0  }
0x3d: {  	s22 =	rddreg [dreg:$0x7];
	[sflag:s28] =	ssyncadd.s32 $0xFFFFE000  }
0x3e: {  	[tilespmem:s26], [sflag:$0x5] =	stream.linear.gather [hbm4b:s22+s4], $0x1200, $0x38;
	[tilespmem:$0x1F520] =	vst v63  }
0x3f: {  	_ =	swait.ge [sflag:s28], $0x1200  }
0x40: {  	[sflag:s28] =	ssyncset.done $0x0  }
.Ltmp4:
0x41: {  	s24 =	rddreg [dreg:$0x8];
	[sflag:s28] =	ssyncadd.s32 $0xFFFFEE00;
	(pc) =	sbr.rel .LBB2_8-.Ltmp4, $4  }
0x42: {  	[spmem:s24] =	stream.linear.scatter [tilespmem:s26], [sflag:$0x5], $0x1200, $0x38;
	[tilespmem:$0x1F520] =	vst v63  }
0x43: {  	_ =	swait.ge [sflag:s28], $0x1200  }
0x44: {  	[sflag:s28] =	ssyncset.done $0x0  }
0x45: {  	[sflag:s28] =	ssyncadd.s32 $0xFFFFEE00  }
.LBB2_2:
0x46: {  	s6 =	sadd.s32 $0x0, s23  }
0x47: {  	[tilespmem:s26], [sflag:$0x5] =	stream.linear.gather [hbm4b:s6+s4], $0x2000, $0x38;
	[tilespmem:$0x1F520] =	vst v63  }
0x48: {  	_ =	swait.ge [sflag:s28], $0x2000  }
0x49: {  	[sflag:s28] =	ssyncset.done $0x0  }
0x4a: {  	s24 =	rddreg [dreg:$0x10];
	[sflag:s28] =	ssyncadd.s32 $0xFFFFE000  }
0x4b: {  	[spmem:s24] =	stream.linear.scatter [tilespmem:s26], [sflag:$0x5], $0x2000, $0x38;
	[tilespmem:$0x1F520] =	vst v63  }
0x4c: {  	s16 =	simm.s32 $0x400;
	_ =	swait.ge [sflag:s28], $0x2000  }
0x4d: {  	s17 =	simm.s32 $0x800;
	s15 =	sadd.s32 $0x2000, s24;
	[sflag:s28] =	ssyncset.done $0x0  }
.LBB2_3:
0x4e: {  	s6 =	sadd.s32 s16, s23  }
0x4f: {  	[sflag:s28] =	ssyncadd.s32 $0xFFFFE000;
	s16 =	smov.u32 s17;
	s18 =	sadd.s32 $0x400, s17  }
0x50: {  	[tilespmem:s26], [sflag:$0x5] =	stream.linear.gather [hbm4b:s6+s4], $0x2000, $0x38;
	[tilespmem:$0x1F520] =	vst v63  }
0x51: {  	p1 =	sne.s32 s17, $0x2C00;
	_ =	swait.ge [sflag:s28], $0x2000  }
.Ltmp5:
0x52: {  	[sflag:s28] =	ssyncset.done $0x0;
	(pc) =	sbr.rel @p1 .LBB2_3-.Ltmp5, $4  }
0x53: {  	[sflag:s28] =	ssyncadd.s32 $0xFFFFE000  }
0x54: {  	[spmem:s15] =	stream.linear.scatter [tilespmem:s26], [sflag:$0x5], $0x2000, $0x38;
	[tilespmem:$0x1F520] =	vst v63  }
0x55: {  	_ =	swait.ge [sflag:s28], $0x2000  }
0x56: {  	s17 =	smov.u32 s18;
	s15 =	sadd.s32 $0x2000, s15;
	[sflag:s28] =	ssyncset.done $0x0  }
0x57: {  	s6 =	sadd.s32 s16, s23;
	[sflag:s28] =	ssyncadd.s32 $0xFFFFE000  }
0x58: {  	[tilespmem:s26], [sflag:$0x5] =	stream.linear.gather [hbm4b:s6+s4], $0x2000, $0x38;
	[tilespmem:$0x1F520] =	vst v63  }
0x59: {  	_ =	swait.ge [sflag:s28], $0x2000  }
0x5a: {  	[sflag:s28] =	ssyncset.done $0x0  }
0x5b: {  	[sflag:s28] =	ssyncadd.s32 $0xFFFFE000  }
0x5c: {  	[spmem:s15] =	stream.linear.scatter [tilespmem:s26], [sflag:$0x5], $0x2000, $0x38;
	[tilespmem:$0x1F520] =	vst v63  }
0x5d: {  	_ =	swait.ge [sflag:s28], $0x2000  }
0x5e: {  	[sflag:s28] =	ssyncset.done $0x0  }
0x5f: {  	s22 =	rddreg [dreg:$0x5];
	[sflag:s28] =	ssyncadd.s32 $0xFFFFE000  }
0x60: {  	[tilespmem:s26], [sflag:$0x5] =	stream.linear.gather [hbm4b:s22+s4], $0x800, $0x38;
	[tilespmem:$0x1F520] =	vst v63  }
0x61: {  	_ =	swait.ge [sflag:s28], $0x800  }
0x62: {  	[sflag:s28] =	ssyncset.done $0x0  }
0x63: {  	s24 =	rddreg [dreg:$0x6];
	[sflag:s28] =	ssyncadd.s32 $0xFFFFF800  }
0x64: {  	[spmem:s24] =	stream.linear.scatter [tilespmem:s26], [sflag:$0x5], $0x800, $0x38;
	[tilespmem:$0x1F520] =	vst v63  }
0x65: {  	_ =	swait.ge [sflag:s28], $0x800  }
0x66: {  	[sflag:s28] =	ssyncset.done $0x0  }
0x67: {  	[sflag:s28] =	ssyncadd.s32 $0xFFFFF800  }
.LBB2_8:
.Ltmp6:
0x68: {  	(pc) =	sbr.rel .LBB2_9-.Ltmp6, $3  }
0x69: {  	_ =	sdelay $0x1  }
0x6a: {  	[bflag:$0x0] =	sbarrier.arrive $0xFFFF  }
0x6b: {  	s17 =	simm.s32 $0x0;
	s21 =	simm.s32 $0x0;
	s18 =	simm.s32 $0x0  }
.LBB2_22:
0x6c: {  	s15 =	sshll.u32 s15, $0x7  }
0x6d: {  	v4 =	vld [tilespmem:s15+$0x19660];
	_ =	sdelay $0x4  }
0x6e: {  	[tilespmem:$0x19660] =	vst v4  }
0x6f: {  	v4 =	vld [tilespmem:s15+$0x19F60];
	_ =	sdelay $0x4  }
0x70: {  	[tilespmem:$0x19F60] =	vst v4  }
0x71: {  	v4 =	vld [tilespmem:s15+$0x19670];
	_ =	sdelay $0x4  }
0x72: {  	[tilespmem:$0x19670] =	vst v4  }
0x73: {  	v4 =	vld [tilespmem:s15+$0x19F70];
	_ =	sdelay $0x4  }
0x74: {  	[tilespmem:$0x19F70] =	vst v4  }
0x75: {  	v4 =	vld [tilespmem:s15+$0x19680];
	_ =	sdelay $0x4  }
0x76: {  	[tilespmem:$0x19680] =	vst v4  }
0x77: {  	v4 =	vld [tilespmem:s15+$0x19F80];
	_ =	sdelay $0x4  }
0x78: {  	[tilespmem:$0x19F80] =	vst v4  }
0x79: {  	v4 =	vld [tilespmem:s15+$0x19690];
	_ =	sdelay $0x4  }
0x7a: {  	[tilespmem:$0x19690] =	vst v4  }
0x7b: {  	v4 =	vld [tilespmem:s15+$0x19F90];
	_ =	sdelay $0x4  }
0x7c: {  	[tilespmem:$0x19F90] =	vst v4  }
0x7d: {  	v4 =	vld [tilespmem:s15+$0x196A0];
	_ =	sdelay $0x4  }
0x7e: {  	[tilespmem:$0x196A0] =	vst v4  }
0x7f: {  	v4 =	vld [tilespmem:s15+$0x19FA0];
	_ =	sdelay $0x4  }
0x80: {  	[tilespmem:$0x19FA0] =	vst v4  }
0x81: {  	v4 =	vld [tilespmem:s15+$0x196B0];
	_ =	sdelay $0x4  }
0x82: {  	[tilespmem:$0x196B0] =	vst v4  }
0x83: {  	v4 =	vld [tilespmem:s15+$0x19FB0];
	_ =	sdelay $0x4  }
0x84: {  	[tilespmem:$0x19FB0] =	vst v4  }
0x85: {  	v4 =	vld [tilespmem:s15+$0x196C0];
	_ =	sdelay $0x4  }
0x86: {  	[tilespmem:$0x196C0] =	vst v4  }
0x87: {  	v4 =	vld [tilespmem:s15+$0x19FC0];
	_ =	sdelay $0x4  }
0x88: {  	[tilespmem:$0x19FC0] =	vst v4  }
0x89: {  	v4 =	vld [tilespmem:s15+$0x196D0];
	_ =	sdelay $0x4  }
0x8a: {  	[tilespmem:$0x196D0] =	vst v4  }
0x8b: {  	v4 =	vld [tilespmem:s15+$0x19FD0];
	_ =	sdelay $0x4  }
0x8c: {  	[tilespmem:$0x19FD0] =	vst v4  }
.LBB2_23:
0x8d: {  	s18 =	sadd.s32 $0x1, s18  }
0x8e: {  	p1 =	sne.s32 s18, $0x19  }
.Ltmp7:
0x8f: {  	_ = 	snop;
	(pc) =	sbr.rel @!p1 .LBB2_24-.Ltmp7, $2  }
0x90: {  	_ =	sdelay $0x2  }
0x91: {  	s21 =	ssub.s32 s21, s15  }
.LBB2_9:
0x92: {  	s6 =	smul.u32 $0x7D0, s18;
	_ =	sdelay $0x1  }
0x93: {  	s6 =	sadd.s32 s14, s6  }
0x94: {  	s6 =	sshrl.u32 s6, $0x3  }
0x95: {  	s15 =	sadd.s32 s5, s6  }
0x96: {  	[tilespmem:s29], [sflag:$0x1] =	stream.linear.gather [hbm4b:s15+s17], $0x7D0, $0x38;
	[tilespmem:$0x1F520] =	vst v63  }
0x97: {  	s6 =	sadd.s32 s7, s6  }
0x98: {  	[tilespmem:s30], [sflag:$0x2] =	stream.linear.gather [hbm4b:s6+s17], $0x7D0, $0x38;
	[tilespmem:$0x1F520] =	vst v63  }
0x99: {  	_ =	swait.ge [sflag:s31], $0x7D0  }
0x9a: {  	[sflag:s31] =	ssyncset.done $0x0  }
0x9b: {  	[sflag:s31] =	ssyncadd.s32 $0xFFFFF830  }
0x9c: {  	_ =	swait.ge [sflag:s0], $0x7D0  }
0x9d: {  	[sflag:s0] =	ssyncset.done $0x0  }
0x9e: {  	s24 =	simm.s32 $0x0;
	[sflag:s0] =	ssyncadd.s32 $0xFFFFF830  }
0x9f: {  	v4 =	vld [tilespmem:s24+$0x18E90]  }
0xa0: {  	v5 =	vld [tilespmem:s24+$0x186C0];
	_ =	sdelay $0x3  }
0xa1: {  	v6 =	vsub.s32 v4, v1  }
0xa2: {  	vm1 =	vne.s32 v5, v4;
	vm0 =	vlt.u32 v6, $0x61A8  }
0xa3: {  	vm0 =	vmand vm1, vm0  }
0xa4: {  	v4 =	vsel vm0, $0x1, v2  }
0xa5: {  	(xrf0) =	vadd.scan.msk.s32 $0xffff, v4;
	_ =	sdelay $0x5  }
0xa6: {  	v4 =	vmov s21;
	v7, _, _ =	vpop (xrf0)  }
0xa7: {  	v4 =	vadd.s32 $0xFFFFFFFF, v4;
	v8 =	vxor.u32 $0x80000000, v7  }
0xa8: {  	v4 =	vbroadcast v4, $0x0;
	(xrf0) =	vmax.scan.msk.u32 $0xffff, v8;
	_ =	sdelay $0x1  }
0xa9: {  	v4 =	vadd.s32 v7, v4  }
0xaa: {  	v4 =	vsel vm0, v4, v3;
	_ =	sdelay $0x2  }
0xab: {  	v63, _, _ =	vpop (xrf0)  }
0xac: {  	(v2sf) =	vpush v63, $0xF  }
0xad: {  	[tilespmem:v4+s3+$0x0] =	vst.idx.msk $0xffff, v5  }
0xae: {  	s16 =	simm.s32 $0x10;
	s15 =	simm.s32 $0x80;
	[tilespmem:v4+s10+$0x0] =	vst.idx.msk $0xffff, v6  }
.LBB2_10:
0xaf: {  	p1 =	sne.s32 s15, $0x1F00;
	v4 =	vld [tilespmem:s16+$0x18E90]  }
0xb0: {  	v5 =	vld [tilespmem:s16+$0x186C0];
	_ =	sdelay $0x3  }
0xb1: {  	v6 =	vsub.s32 v4, v1  }
0xb2: {  	vm0 =	vlt.u32 v6, $0x61A8;
	vm1 =	vne.s32 v5, v4  }
0xb3: {  	vm0 =	vmand vm1, vm0  }
0xb4: {  	v4 =	vsel vm0, $0x1, v2  }
0xb5: {  	(xrf0) =	vadd.scan.msk.s32 $0xffff, v4;
	_ =	sdelay $0x2  }
0xb6: {  	s6 =	spop (v2sf)  }
0xb7: {  	s6 =	sadd.s32 s6, s21  }
0xb8: {  	s21 =	sadd.s32 $0x80000000, s6  }
0xb9: {  	v4 =	vmov s21;
	v7, _, _ =	vpop (xrf0)  }
0xba: {  	v4 =	vadd.s32 $0xFFFFFFFF, v4;
	v8 =	vxor.u32 $0x80000000, v7  }
0xbb: {  	v4 =	vbroadcast v4, $0x0;
	(xrf0) =	vmax.scan.msk.u32 $0xffff, v8;
	_ =	sdelay $0x1  }
0xbc: {  	v4 =	vadd.s32 v7, v4  }
0xbd: {  	v4 =	vsel vm0, v4, v3;
	_ =	sdelay $0x1  }
.Ltmp8:
0xbe: {  	(pc) =	sbr.rel @p1 .LBB2_10-.Ltmp8, $4  }
0xbf: {  	v7, _, _ =	vpop (xrf0)  }
0xc0: {  	(v2sf) =	vpush v7, $0xF  }
0xc1: {  	[tilespmem:v4+s3+$0x0] =	vst.idx.msk $0xffff, v5  }
0xc2: {  	s16 =	sshra.s32 s15, $0x2;
	s15 =	sadd.s32 $0x40, s15;
	[tilespmem:v4+s10+$0x0] =	vst.idx.msk $0xffff, v6  }
0xc3: {  	v4 =	vld [tilespmem:s16+$0x18E90]  }
0xc4: {  	v5 =	vld [tilespmem:s16+$0x186C0];
	_ =	sdelay $0x3  }
0xc5: {  	v6 =	vsub.s32 v4, v1  }
0xc6: {  	vm1 =	vne.s32 v5, v4;
	vm0 =	vlt.u32 v6, $0x61A8  }
0xc7: {  	vm0 =	vmand vm1, vm0  }
0xc8: {  	v4 =	vsel vm0, $0x1, v2  }
0xc9: {  	(xrf0) =	vadd.scan.msk.s32 $0xffff, v4;
	_ =	sdelay $0x5  }
0xca: {  	v4, _, _ =	vpop (xrf0)  }
0xcb: {  	v7 =	vxor.u32 $0x80000000, v4  }
0xcc: {  	(xrf0) =	vmax.scan.msk.u32 $0xffff, v7;
	_ =	sdelay $0x5  }
0xcd: {  	v7, _, _ =	vpop (xrf0)  }
0xce: {  	(v2sf) =	vpush v7, $0xF;
	_ =	sdelay $0xc  }
0xcf: {  	s6 =	spop (v2sf)  }
0xd0: {  	s6 =	sadd.s32 s6, s21  }
0xd1: {  	s6 =	sadd.s32 $0x80000000, s6;
	s15 =	spop (v2sf)  }
0xd2: {  	v63 =	vmov s6;
	s6 =	sadd.s32 s15, s6  }
0xd3: {  	s21 =	sadd.s32 $0x80000000, s6  }
0xd4: {  	s6 =	sand.u32 $0x7F, s21  }
0xd5: {  	v7 =	vadd.s32 $0xFFFFFFFF, v63;
	s22 =	sshra.s32 s21, $0x1F;
	p1 =	slt.s32 s21, $0x1;
	p2 =	sne.s32 s6, $0x0  }
0xd6: {  	v7 =	vbroadcast v7, $0x0;
	s24 =	sshrl.u32 s22, $0x19;
	p1 =	por !p1, !p2  }
0xd7: {  	s15 =	simm.s32 $0x1;
	s6 =	sadd.s32 s24, s21;
	p1 =	por !p1, !p1  }
0xd8: {  	v4 =	vadd.s32 v4, v7;
	s6 =	sshra.s32 s6, $0x7;
	s15 =	simm.s32 @!p1 $0x0  }
0xd9: {  	v4 =	vsel vm0, v4, v3;
	s15 =	ssub.s32 s6, s15  }
0xda: {  	p1 =	sgt.s32 s15, $0x0  }
.Ltmp9:
0xdb: {  	_ = 	snop;
	(pc) =	sbr.rel @!p1 .LBB2_12-.Ltmp9, $3  }
0xdc: {  	_ =	sdelay $0x1  }
0xdd: {  	[tilespmem:v4+s3+$0x0] =	vst.idx.msk $0xffff, v5  }
0xde: {  	[tilespmem:v4+s10+$0x0] =	vst.idx.msk $0xffff, v6  }
.Ltmp10:
0xdf: {  	(pc) =	sbr.rel .LBB2_14-.Ltmp10, $3  }
0xe0: {  	_ =	sdelay $0x1  }
0xe1: {  	[tilespmem:s26], [sflag:$0x3] =	stream.indirect.gather [hbm4b:s1+s12], $0x40, s3, s12, $0xb8;
	[tilespmem:$0x1F520] =	vst v63  }
0xe2: {  	s16 =	simm.s32 $0x0;
	s22 =	simm.s32 $0x19F60;
	s24 =	simm.s32 $0x196E0  }
.LBB2_19:
0xe3: {  	[tilespmem:s26], [sflag:$0x3] =	stream.indirect.gather [hbm4b:s1+s12], $0x40, s24, s12, $0xb8;
	[tilespmem:$0x1F520] =	vst v63  }
.LBB2_20:
0xe4: {  	_ =	swait.ge [sflag:s13], $0x2000  }
0xe5: {  	[sflag:s13] =	ssyncset.done $0x0  }
0xe6: {  	[sflag:s13] =	ssyncadd.s32 $0xFFFFE000  }
0xe7: {  	[spmem:s2] =	stream.indirect.scatter.add.f32 [tilespmem:s19], [sflag:$0x5], $0x40, s22, s12, $0xb8;
	[tilespmem:$0x1F520] =	vst v63  }
0xe8: {  	_ =	swait.ge [sflag:s28], $0x2000  }
0xe9: {  	[sflag:s28] =	ssyncset.done $0x0  }
0xea: {  	[sflag:s28] =	ssyncadd.s32 $0xFFFFE000  }
.LBB2_21:
0xeb: {  	p1 =	sne.s32 s15, s16  }
.Ltmp11:
0xec: {  	_ = 	snop;
	(pc) =	sbr.rel @!p1 .LBB2_22-.Ltmp11, $2  }
0xed: {  	_ =	sdelay $0x2  }
0xee: {  	s22 =	sadd.s32 $0x80, s22;
	s24 =	sadd.s32 $0x80, s24  }
.LBB2_14:
0xef: {  	s6 =	sand.u32 $0x1, s16;
	s16 =	sadd.s32 $0x1, s16  }
0xf0: {  	p2 =	sge.s32 s16, s15  }
.Ltmp12:
0xf1: {  	_ = 	snop;
	(pc) =	sbr.rel @p2 .LBB2_17-.Ltmp12, $2  }
0xf2: {  	_ =	sdelay $0x2  }
0xf3: {  	p1 =	sne.s32 s6, $0x0  }
.Ltmp13:
0xf4: {  	(pc) =	sbr.rel @p1 .LBB2_19-.Ltmp13, $1  }
0xf5: {  	_ =	sdelay $0x3  }
.Ltmp14:
0xf6: {  	(pc) =	sbr.rel .LBB2_18-.Ltmp14, $2  }
0xf7: {  	_ =	sdelay $0x2  }
0xf8: {  	[tilespmem:s19], [sflag:$0x4] =	stream.indirect.gather [hbm4b:s1+s12], $0x40, s24, s12, $0xb8;
	[tilespmem:$0x1F520] =	vst v63  }
.LBB2_17:
.Ltmp15:
0xf9: {  	(pc) =	sbr.rel @p1 .LBB2_20-.Ltmp15, $1  }
0xfa: {  	_ =	sdelay $0x3  }
.LBB2_18:
0xfb: {  	_ =	swait.ge [sflag:s20], $0x2000  }
0xfc: {  	[sflag:s20] =	ssyncset.done $0x0  }
.Ltmp16:
0xfd: {  	[sflag:s20] =	ssyncadd.s32 $0xFFFFE000;
	(pc) =	sbr.rel .LBB2_21-.Ltmp16, $4  }
0xfe: {  	[spmem:s2] =	stream.indirect.scatter.add.f32 [tilespmem:s26], [sflag:$0x6], $0x40, s22, s12, $0xb8;
	[tilespmem:$0x1F520] =	vst v63  }
0xff: {  	_ =	swait.ge [sflag:s11], $0x2000  }
0x100: {  	[sflag:s11] =	ssyncset.done $0x0  }
0x101: {  	[sflag:s11] =	ssyncadd.s32 $0xFFFFE000  }
.LBB2_12:
.Ltmp17:
0x102: {  	(pc) =	sbr.rel .LBB2_23-.Ltmp17, $2  }
0x103: {  	_ =	sdelay $0x2  }
0x104: {  	s15 =	sshll.u32 s15, $0x7  }
.LBB2_24:
0x105: {  	s6 =	simm.s32 @p0 $0x0;
	s15 =	simm.s32 @p0 $0x1E8E0;
	s16 =	rddreg [dreg:$0xb]  }
0x106: {  	[tilespmem:s15], [sflag:$0x5] =	stream.linear.gather @p0 [hbm4b:s16+s6], $0x5C8, $0x38;
	[tilespmem:$0x1F520] =	vst v63  }
0x107: {  	s15 =	simm.s32 @p0 $0x5  }
0x108: {  	_ =	swait.ge @p0 [sflag:s15], $0x5C8  }
0x109: {  	[sflag:s15] =	ssyncset.done @p0 $0x0  }
0x10a: {  	s16 =	simm.s32 @p0 $0x1EF00;
	s17 =	rddreg [dreg:$0xc];
	[sflag:s15] =	ssyncadd.s32 @p0 $0xFFFFFA38  }
0x10b: {  	[tilespmem:s16], [sflag:$0x5] =	stream.linear.gather @p0 [hbm4b:s17+s6], $0x5C8, $0x38;
	[tilespmem:$0x1F520] =	vst v63  }
0x10c: {  	_ =	swait.ge @p0 [sflag:s15], $0x5C8  }
0x10d: {  	s6 =	simm.s32 @!p0 $0x0;
	[sflag:s15] =	ssyncset.done @p0 $0x0  }
0x10e: {  	s16 =	rddreg [dreg:$0x9];
	[sflag:s15] =	ssyncadd.s32 @p0 $0xFFFFFA38;
	s15 =	simm.s32 @!p0 $0x1E8E0  }
0x10f: {  	[tilespmem:s15], [sflag:$0x5] =	stream.linear.gather @!p0 [hbm4b:s16+s6], $0x620, $0x38;
	[tilespmem:$0x1F520] =	vst v63  }
0x110: {  	s15 =	simm.s32 @!p0 $0x5  }
0x111: {  	_ =	swait.ge @!p0 [sflag:s15], $0x620  }
0x112: {  	p1 =	slt.s32 s21, $0x1;
	[sflag:s15] =	ssyncset.done @!p0 $0x0  }
0x113: {  	v4 =	vlaneseq.u32 @!p1;
	s16 =	simm.s32 @!p0 $0x1EF00;
	s17 =	rddreg [dreg:$0xa];
	[sflag:s15] =	ssyncadd.s32 @!p0 $0xFFFFF9E0  }
0x114: {  	v5 =	vadd.s32 @!p1 s21, v4;
	[tilespmem:s16], [sflag:$0x5] =	stream.linear.gather @!p0 [hbm4b:s17+s6], $0x620, $0x38;
	[tilespmem:$0x1F520] =	vst v63  }
0x115: {  	s6 =	sadd.s32 @!p1 $0x10, s21;
	_ =	swait.ge @!p0 [sflag:s15], $0x620  }
0x116: {  	v6 =	vadd.s32 @!p1 s6, v4;
	[sflag:s15] =	ssyncset.done @!p0 $0x0  }
0x117: {  	v7 =	vimm.s32 @!p1 $0x0;
	s6 =	sadd.s32 @!p1 $0x20, s21;
	[sflag:s15] =	ssyncadd.s32 @!p0 $0xFFFFF9E0  }
0x118: {  	v8 =	vimm.s32 @!p1 $0x61A8;
	v9 =	vadd.s32 @!p1 s6, v4;
	s15 =	simm.s32 @!p1 $0x19F60;
	[tilespmem:s21+$0x19660] =	vst @!p1 v7  }
0x119: {  	s6 =	sadd.s32 @!p1 $0x30, s21;
	[tilespmem:v5+s15+$0x0] =	vst.idx.msk @!p1 $0xffff, v8  }
0x11a: {  	v5 =	vadd.s32 @!p1 s6, v4;
	[tilespmem:s21+$0x19670] =	vst @!p1 v7  }
0x11b: {  	s6 =	sadd.s32 @!p1 $0x40, s21;
	[tilespmem:v6+s15+$0x0] =	vst.idx.msk @!p1 $0xffff, v8  }
0x11c: {  	v6 =	vadd.s32 @!p1 s6, v4;
	[tilespmem:s21+$0x19680] =	vst @!p1 v7  }
0x11d: {  	s6 =	sadd.s32 @!p1 $0x50, s21;
	[tilespmem:v9+s15+$0x0] =	vst.idx.msk @!p1 $0xffff, v8  }
0x11e: {  	v9 =	vadd.s32 @!p1 s6, v4;
	[tilespmem:s21+$0x19690] =	vst @!p1 v7  }
0x11f: {  	s6 =	sadd.s32 @!p1 $0x60, s21;
	[tilespmem:v5+s15+$0x0] =	vst.idx.msk @!p1 $0xffff, v8  }
0x120: {  	v5 =	vadd.s32 @!p1 s6, v4;
	[tilespmem:s21+$0x196A0] =	vst @!p1 v7  }
0x121: {  	s6 =	sadd.s32 @!p1 $0x70, s21;
	[tilespmem:v6+s15+$0x0] =	vst.idx.msk @!p1 $0xffff, v8  }
0x122: {  	v4 =	vadd.s32 @!p1 s6, v4;
	[tilespmem:s21+$0x196B0] =	vst @!p1 v7  }
0x123: {  	[tilespmem:v9+s15+$0x0] =	vst.idx.msk @!p1 $0xffff, v8  }
0x124: {  	[tilespmem:s21+$0x196C0] =	vst @!p1 v7  }
0x125: {  	[tilespmem:v5+s15+$0x0] =	vst.idx.msk @!p1 $0xffff, v8  }
0x126: {  	[tilespmem:s21+$0x196D0] =	vst @!p1 v7  }
0x127: {  	s16 =	simm.s32 @!p1 $0x19660;
	s17 =	simm.s32 @!p1 $0x1A860;
	s6 =	simm.s32 @!p1 $0x80;
	[tilespmem:v4+s15+$0x0] =	vst.idx.msk @!p1 $0xffff, v8  }
0x128: {  	[tilespmem:s17], [sflag:$0x5] =	stream.indirect.gather @!p1 [hbm4b:s1+s6], $0x40, s16, s6, $0xb8;
	[tilespmem:$0x1F520] =	vst v63  }
0x129: {  	s16 =	simm.s32 @!p1 $0x5  }
0x12a: {  	_ =	swait.ge @!p1 [sflag:s16], $0x2000  }
0x12b: {  	[sflag:s16] =	ssyncset.done @!p1 $0x0  }
0x12c: {  	[sflag:s16] =	ssyncadd.s32 @!p1 $0xFFFFE000  }
0x12d: {  	[spmem:s2] =	stream.indirect.scatter.add.f32 @!p1 [tilespmem:s17], [sflag:$0x5], $0x40, s15, s6, $0xb8;
	[tilespmem:$0x1F520] =	vst v63  }
.Ltmp18:
0x12e: {  	_ =	swait.ge @!p1 [sflag:s16], $0x2000;
	(pc) =	sbr.rel @!p0 .LBB2_25-.Ltmp18, $4  }
0x12f: {  	[sflag:s16] =	ssyncset.done @!p1 $0x0  }
0x130: {  	[sflag:s16] =	ssyncadd.s32 @!p1 $0xFFFFE000  }
0x131: {  	[bflag:$0x0] =	sbarrier.arrive $0xFFFF  }
0x132: {  	s18 =	simm.s32 $0x1EF00;
	s21 =	simm.s32 $0x1E8E0;
	s17 =	simm.s32 $0x0  }
.LBB2_33:
0x133: {  	s6 =	sshll.u32 s17, $0x7  }
0x134: {  	s22 =	sadd.s32 $0x5BE0, s6  }
0x135: {  	s6 =	sshll.u32 s22, $0x6  }
0x136: {  	s6 =	sand.u32 $0x3FFFF800, s6  }
0x137: {  	v4 =	vmov s18;
	s6 =	sadd.s32 s6, s2  }
0x138: {  	v5 =	vmov s21;
	[tilespmem:s26], [sflag:$0x5] =	stream.linear.gather [spmem:s6], $0x2000, $0x38;
	[tilespmem:$0x1F520] =	vst v63  }
0x139: {  	_ =	swait.ge [sflag:s28], $0x2000  }
0x13a: {  	[sflag:s28] =	ssyncset.done $0x0  }
0x13b: {  	s24 =	simm.s32 $0x0;
	[sflag:s28] =	ssyncadd.s32 $0xFFFFE000  }
0x13c: {  	s15 =	simm.s32 $0x40;
	v6 =	vld.idx.msk [tilespmem:v4+s24+$0x0 ss:$0x1], $0xffff  }
.LBB2_34:
0x13d: {  	p1 =	sne.s32 s15, $0x1C0;
	v7 =	vld.idx.msk [tilespmem:v5+s24+$0x0 ss:$0x1], $0xffff;
	_ =	sdelay $0x5  }
0x13e: {  	v6 =	vadd.f32 v6, v7;
	_ =	sdelay $0x1  }
0x13f: {  	v6 =	vadd.f32 $1.000000000e+00, v6;
	_ =	sdelay $0x1  }
0x140: {  	v7 =	vshrl.u32 v6, $0x1;
	v6 =	vmul.f32 $5.000000000e-01, v6  }
0x141: {  	v7 =	vsub.s32 $0x5F3759DF, v7  }
0x142: {  	v8 =	vmul.f32 v7, v6;
	_ =	sdelay $0x1  }
0x143: {  	v8 =	vmul.f32 v7, v8;
	_ =	sdelay $0x1  }
0x144: {  	v8 =	vsub.f32 $1.500000000e+00, v8;
	_ =	sdelay $0x1  }
0x145: {  	v7 =	vmul.f32 v7, v8;
	_ =	sdelay $0x1  }
0x146: {  	v8 =	vmul.f32 v7, v6;
	_ =	sdelay $0x1  }
0x147: {  	v8 =	vmul.f32 v8, v7;
	_ =	sdelay $0x1  }
0x148: {  	v8 =	vsub.f32 $1.500000000e+00, v8;
	_ =	sdelay $0x1  }
0x149: {  	v7 =	vmul.f32 v8, v7;
	_ =	sdelay $0x1  }
0x14a: {  	v6 =	vmul.f32 v7, v6;
	_ =	sdelay $0x1  }
0x14b: {  	v6 =	vmul.f32 v6, v7;
	_ =	sdelay $0x1  }
0x14c: {  	v6 =	vsub.f32 $1.500000000e+00, v6  }
.Ltmp19:
0x14d: {  	(pc) =	sbr.rel @p1 .LBB2_34-.Ltmp19, $3  }
0x14e: {  	v6 =	vmul.f32 v6, v7;
	_ =	sdelay $0x1  }
0x14f: {  	[tilespmem:s24+$0x1E860] =	vst v6;
	s24 =	sshra.s32 s15, $0x2  }
0x150: {  	s15 =	sadd.s32 $0x40, s15;
	v6 =	vld.idx.msk [tilespmem:v4+s24+$0x0 ss:$0x1], $0xffff  }
0x151: {  	_ =	sdelay $0x3  }
0x152: {  	v4 =	vld.idx.msk [tilespmem:v5+s24+$0x0 ss:$0x1], $0xffff;
	_ =	sdelay $0x4  }
0x153: {  	v4 =	vadd.f32 v6, v4;
	_ =	sdelay $0x1  }
0x154: {  	v4 =	vadd.f32 $1.000000000e+00, v4;
	_ =	sdelay $0x1  }
0x155: {  	v5 =	vshrl.u32 v4, $0x1;
	v4 =	vmul.f32 $5.000000000e-01, v4  }
0x156: {  	v5 =	vsub.s32 $0x5F3759DF, v5  }
0x157: {  	v62 =	vmul.f32 v5, v4;
	_ =	sdelay $0x1  }
0x158: {  	v6 =	vmul.f32 v5, v62;
	_ =	sdelay $0x1  }
0x159: {  	v6 =	vsub.f32 $1.500000000e+00, v6;
	_ =	sdelay $0x1  }
0x15a: {  	v5 =	vmul.f32 v5, v6;
	_ =	sdelay $0x1  }
0x15b: {  	v6 =	vmul.f32 v5, v4;
	_ =	sdelay $0x1  }
0x15c: {  	v6 =	vmul.f32 v6, v5;
	_ =	sdelay $0x1  }
0x15d: {  	v6 =	vsub.f32 $1.500000000e+00, v6;
	_ =	sdelay $0x1  }
0x15e: {  	v5 =	vmul.f32 v6, v5;
	_ =	sdelay $0x1  }
0x15f: {  	v4 =	vmul.f32 v5, v4;
	_ =	sdelay $0x1  }
0x160: {  	v4 =	vmul.f32 v4, v5;
	_ =	sdelay $0x1  }
0x161: {  	v4 =	vsub.f32 $1.500000000e+00, v4;
	_ =	sdelay $0x1  }
0x162: {  	v4 =	vmul.f32 v4, v5  }
0x163: {  	s6 =	simm.s32 $0x0  }
0x164: {  	s15 =	sand.u32 $0x70, s6;
	[tilespmem:s24+$0x1E860] =	vst v4  }
0x165: {  	v4 =	vld [tilespmem:s15+$0x1E860];
	_ =	sdelay $0x1  }
0x166: {  	s6 =	sand.u32 $0xF, s6  }
0x167: {  	v5 =	vmov s6  }
0x168: {  	vm0 =	veq.s32 v5, v0  }
0x169: {  	v4 =	vnsel vm0, $0xFF61B1E6, v4  }
0x16a: {  	(xrf0) =	vmax.scan.msk.f32 $0xffff, v4;
	_ =	sdelay $0x2  }
0x16b: {  	s24 =	simm.s32 $0x1A880  }
0x16c: {  	v4 =	vld [tilespmem:s24+$0xFFFFFFE0]  }
0x16d: {  	v5 =	vld [tilespmem:s24+$0xFFFFFFF0]  }
0x16e: {  	v63 =	vld [tilespmem:s24+$0x0];
	v7, _, _ =	vpop (xrf0)  }
0x16f: {  	v8 =	vld [tilespmem:s24+$0x10];
	v7 =	vbroadcast v7, $0xF;
	_ =	sdelay $0x1  }
0x170: {  	v4 =	vmul.f32 v7, v4  }
0x171: {  	v5 =	vmul.f32 v7, v5  }
0x172: {  	v6 =	vmul.f32 v63, v7;
	v4 =	vmax.f32 v4, $0.0e+00  }
0x173: {  	v7 =	vmul.f32 v8, v7;
	v5 =	vmax.f32 v5, $0.0e+00;
	[tilespmem:s24+$0xFFFFFFE0] =	vst v4  }
0x174: {  	v4 =	vmax.f32 v6, $0.0e+00;
	[tilespmem:s24+$0xFFFFFFF0] =	vst v5  }
0x175: {  	s15 =	simm.s32 $0x1;
	v5 =	vmax.f32 v7, $0.0e+00;
	[tilespmem:s24+$0x0] =	vst v4  }
0x176: {  	s16 =	simm.s32 $0x2;
	s6 =	sand.u32 $0x70, s15;
	[tilespmem:s24+$0x10] =	vst v5  }
.LBB2_36:
0x177: {  	p1 =	sne.s32 s16, $0x7F;
	v4 =	vld [tilespmem:s6+$0x1E860];
	_ =	sdelay $0x1  }
0x178: {  	s6 =	sand.u32 $0xF, s15;
	s15 =	smov.u32 s16  }
0x179: {  	v5 =	vmov s6  }
0x17a: {  	vm0 =	veq.s32 v5, v0  }
0x17b: {  	v4 =	vnsel vm0, $0xFF61B1E6, v4  }
0x17c: {  	(xrf0) =	vmax.scan.msk.f32 $0xffff, v4  }
0x17d: {  	s24 =	sadd.s32 $0x40, s24  }
0x17e: {  	v4 =	vld [tilespmem:s24+$0xFFFFFFF0]  }
0x17f: {  	v5 =	vld [tilespmem:s24+$0x10]  }
0x180: {  	v6 =	vld [tilespmem:s24+$0xFFFFFFE0]  }
0x181: {  	v7 =	vld [tilespmem:s24+$0x0]  }
0x182: {  	v8, _, _ =	vpop (xrf0)  }
0x183: {  	v8 =	vbroadcast v8, $0xF;
	_ =	sdelay $0x1  }
0x184: {  	v6 =	vmul.f32 v8, v6;
	v4 =	vmul.f32 v8, v4  }
0x185: {  	v5 =	vmul.f32 v5, v8;
	v7 =	vmul.f32 v7, v8  }
.Ltmp20:
0x186: {  	v6 =	vmax.f32 v6, $0.0e+00;
	v4 =	vmax.f32 v4, $0.0e+00;
	(pc) =	sbr.rel @p1 .LBB2_36-.Ltmp20, $4  }
0x187: {  	v5 =	vmax.f32 v5, $0.0e+00;
	[tilespmem:s24+$0xFFFFFFE0] =	vst v6;
	v6 =	vmax.f32 v7, $0.0e+00  }
0x188: {  	[tilespmem:s24+$0xFFFFFFF0] =	vst v4  }
0x189: {  	[tilespmem:s24+$0x0] =	vst v6  }
0x18a: {  	s16 =	sadd.s32 $0x1, s16;
	s6 =	sand.u32 $0x70, s15;
	[tilespmem:s24+$0x10] =	vst v5  }
0x18b: {  	v4 =	vld [tilespmem:s6+$0x1E860];
	_ =	sdelay $0x1  }
0x18c: {  	s15 =	sand.u32 $0xF, s15  }
0x18d: {  	v5 =	vmov s15  }
0x18e: {  	vm0 =	veq.s32 v5, v0  }
0x18f: {  	v4 =	vnsel vm0, $0xFF61B1E6, v4  }
0x190: {  	(xrf0) =	vmax.scan.msk.f32 $0xffff, v4;
	_ =	sdelay $0x2  }
0x191: {  	s16 =	sadd.s32 $0x40, s24  }
0x192: {  	v4 =	vld [tilespmem:s16+$0xFFFFFFE0]  }
0x193: {  	v5 =	vld [tilespmem:s16+$0xFFFFFFF0]  }
0x194: {  	v6 =	vld [tilespmem:s16+$0x0];
	v7, _, _ =	vpop (xrf0)  }
0x195: {  	v8 =	vld [tilespmem:s16+$0x10];
	v7 =	vbroadcast v7, $0xF;
	_ =	sdelay $0x1  }
0x196: {  	v4 =	vmul.f32 v7, v4  }
0x197: {  	v5 =	vmul.f32 v7, v5  }
0x198: {  	v6 =	vmul.f32 v6, v7;
	v4 =	vmax.f32 v4, $0.0e+00  }
0x199: {  	v7 =	vmul.f32 v8, v7;
	v5 =	vmax.f32 v5, $0.0e+00;
	[tilespmem:s16+$0xFFFFFFE0] =	vst v4  }
0x19a: {  	s22 =	sadd.s32 s8, s22;
	s17 =	sadd.s32 $0x1, s17;
	v4 =	vmax.f32 v6, $0.0e+00;
	[tilespmem:s16+$0xFFFFFFF0] =	vst v5  }
0x19b: {  	s15 =	sshll.u32 s22, $0x3;
	p1 =	sne.s32 s17, $0xB;
	v5 =	vmax.f32 v7, $0.0e+00;
	[tilespmem:s16+$0x0] =	vst v4  }
.Ltmp21:
0x19c: {  	s24 =	sadd.s32 s9, s15;
	[tilespmem:s16+$0x10] =	vst v5;
	(pc) =	sbr.rel @p1 .LBB2_33-.Ltmp21, $4  }
0x19d: {  	[hbm4b:s24+s4] =	stream.linear.scatter [tilespmem:s26], [sflag:$0x5], $0x2000, $0x38;
	[tilespmem:$0x1F520] =	vst v63  }
0x19e: {  	_ =	swait.ge [sflag:s28], $0x2000  }
0x19f: {  	[sflag:s28] =	ssyncset.done $0x0  }
0x1a0: {  	s18 =	sadd.s32 $0x80, s18;
	s21 =	sadd.s32 $0x80, s21;
	[sflag:s28] =	ssyncadd.s32 $0xFFFFE000  }
0x1a1: {  	s6 =	rddreg [dreg:$0x8]  }
0x1a2: {  	[tilespmem:s26], [sflag:$0x5] =	stream.linear.gather [spmem:s6], $0x1200, $0x38;
	[tilespmem:$0x1F520] =	vst v63  }
0x1a3: {  	_ =	swait.ge [sflag:s28], $0x1200  }
0x1a4: {  	[sflag:s28] =	ssyncset.done $0x0  }
0x1a5: {  	[sflag:s28] =	ssyncadd.s32 $0xFFFFEE00  }
0x1a6: {  	v4 =	vld [tilespmem:$0x1EE60]  }
0x1a7: {  	v5 =	vld [tilespmem:$0x1F480];
	_ =	sdelay $0x1  }
0x1a8: {  	v8 =	vld [tilespmem:$0x1EE80]  }
0x1a9: {  	v9 =	vld [tilespmem:$0x1F4A0]  }
0x1aa: {  	v6 =	vld [tilespmem:$0x1F490]  }
0x1ab: {  	v13 =	vld [tilespmem:$0x1EEA0];
	v4 =	vadd.f32 v5, v4  }
0x1ac: {  	v5 =	vld [tilespmem:$0x1EE70]  }
0x1ad: {  	v43 =	vld [tilespmem:$0x1F4C0];
	v4 =	vadd.f32 $1.000000000e+00, v4  }
0x1ae: {  	v11 =	vld [tilespmem:$0x1EE90];
	v8 =	vadd.f32 v9, v8  }
0x1af: {  	v12 =	vld [tilespmem:$0x1F4B0];
	v7 =	vshrl.u32 v4, $0x1;
	v4 =	vmul.f32 $5.000000000e-01, v4  }
0x1b0: {  	v8 =	vadd.f32 $1.000000000e+00, v8;
	v7 =	vsub.s32 $0x5F3759DF, v7  }
0x1b1: {  	v5 =	vadd.f32 v6, v5;
	v10 =	vmul.f32 v7, v4  }
0x1b2: {  	v46 =	vshrl.u32 v8, $0x1;
	v6 =	vadd.f32 v43, v13  }
0x1b3: {  	v8 =	vmul.f32 $5.000000000e-01, v8;
	v5 =	vadd.f32 $1.000000000e+00, v5;
	v10 =	vmul.f32 v7, v10  }
0x1b4: {  	v45 =	vadd.f32 v12, v11;
	v11 =	vsub.s32 $0x5F3759DF, v46;
	v6 =	vadd.f32 $1.000000000e+00, v6  }
0x1b5: {  	v48 =	vmul.f32 v11, v8;
	v44 =	vshrl.u32 v5, $0x1;
	v10 =	vsub.f32 $1.500000000e+00, v10  }
0x1b6: {  	v5 =	vmul.f32 $5.000000000e-01, v5;
	v15 =	vshrl.u32 v6, $0x1;
	v6 =	vmul.f32 $5.000000000e-01, v6  }
0x1b7: {  	v9 =	vsub.s32 $0x5F3759DF, v44;
	v7 =	vmul.f32 v7, v10;
	v10 =	vadd.f32 $1.000000000e+00, v45  }
0x1b8: {  	v13 =	vmul.f32 v11, v48;
	v15 =	vsub.s32 $0x5F3759DF, v15;
	v47 =	vmul.f32 v9, v5  }
0x1b9: {  	v17 =	vmul.f32 v15, v6;
	v14 =	vshrl.u32 v10, $0x1;
	v10 =	vmul.f32 $5.000000000e-01, v10  }
0x1ba: {  	v12 =	vmul.f32 v9, v47;
	v14 =	vsub.s32 $0x5F3759DF, v14  }
0x1bb: {  	v13 =	vsub.f32 $1.500000000e+00, v13;
	v17 =	vmul.f32 v15, v17;
	v16 =	vmul.f32 v14, v10  }
0x1bc: {  	v12 =	vsub.f32 $1.500000000e+00, v12  }
0x1bd: {  	v11 =	vmul.f32 v11, v13;
	v51 =	vsub.f32 $1.500000000e+00, v17;
	v16 =	vmul.f32 v14, v16  }
0x1be: {  	v18 =	vmul.f32 v7, v4;
	v9 =	vmul.f32 v9, v12  }
0x1bf: {  	v53 =	vmul.f32 v11, v8;
	v13 =	vmul.f32 v15, v51;
	v49 =	vsub.f32 $1.500000000e+00, v16  }
0x1c0: {  	v50 =	vmul.f32 v18, v7;
	v52 =	vmul.f32 v9, v5  }
0x1c1: {  	v56 =	vmul.f32 v13, v6;
	v12 =	vmul.f32 v14, v49  }
0x1c2: {  	v16 =	vsub.f32 $1.500000000e+00, v50;
	v54 =	vmul.f32 v52, v9;
	v14 =	vmul.f32 v53, v11  }
0x1c3: {  	v18 =	vmul.f32 v56, v13;
	v55 =	vmul.f32 v12, v10  }
0x1c4: {  	v7 =	vmul.f32 v16, v7;
	v14 =	vsub.f32 $1.500000000e+00, v14  }
0x1c5: {  	v15 =	vsub.f32 $1.500000000e+00, v54;
	v58 =	vsub.f32 $1.500000000e+00, v18;
	v17 =	vmul.f32 v55, v12  }
0x1c6: {  	v4 =	vmul.f32 v7, v4;
	v11 =	vmul.f32 v14, v11  }
0x1c7: {  	v9 =	vmul.f32 v15, v9;
	v13 =	vmul.f32 v58, v13;
	v57 =	vsub.f32 $1.500000000e+00, v17  }
0x1c8: {  	v4 =	vmul.f32 v4, v7;
	v8 =	vmul.f32 v11, v8  }
0x1c9: {  	v5 =	vmul.f32 v9, v5;
	v12 =	vmul.f32 v57, v12  }
0x1ca: {  	v6 =	vmul.f32 v13, v6;
	v4 =	vsub.f32 $1.500000000e+00, v4;
	v8 =	vmul.f32 v8, v11  }
0x1cb: {  	v5 =	vmul.f32 v5, v9;
	v10 =	vmul.f32 v12, v10  }
0x1cc: {  	v6 =	vmul.f32 v6, v13;
	v4 =	vmul.f32 v4, v7;
	v59 =	vsub.f32 $1.500000000e+00, v8  }
0x1cd: {  	v5 =	vsub.f32 $1.500000000e+00, v5;
	v10 =	vmul.f32 v10, v12  }
0x1ce: {  	v6 =	vsub.f32 $1.500000000e+00, v6;
	[tilespmem:$0x1E860] =	vst v4;
	v4 =	vmul.f32 v59, v11  }
0x1cf: {  	v5 =	vmul.f32 v5, v9;
	v60 =	vsub.f32 $1.500000000e+00, v10  }
0x1d0: {  	[tilespmem:$0x1E880] =	vst v4;
	v4 =	vmul.f32 v6, v13  }
0x1d1: {  	[tilespmem:$0x1E870] =	vst v5;
	v5 =	vmul.f32 v60, v12  }
0x1d2: {  	s24 =	simm.s32 $0x0;
	[tilespmem:$0x1E8A0] =	vst v4  }
0x1d3: {  	s15 =	sand.u32 $0x70, s24;
	[tilespmem:$0x1E890] =	vst v5  }
0x1d4: {  	v4 =	vld [tilespmem:s15+$0x1E860];
	_ =	sdelay $0x1  }
0x1d5: {  	s6 =	sand.u32 $0xF, s24  }
0x1d6: {  	v5 =	vmov s6  }
0x1d7: {  	vm0 =	veq.s32 v5, v0  }
0x1d8: {  	v4 =	vnsel vm0, $0xFF61B1E6, v4  }
0x1d9: {  	(xrf0) =	vmax.scan.msk.f32 $0xffff, v4;
	_ =	sdelay $0x2  }
0x1da: {  	s17 =	simm.s32 $0x1A880  }
0x1db: {  	v4 =	vld [tilespmem:s17+$0xFFFFFFE0]  }
0x1dc: {  	v5 =	vld [tilespmem:s17+$0xFFFFFFF0]  }
0x1dd: {  	v61 =	vld [tilespmem:s17+$0x0];
	v62, _, _ =	vpop (xrf0)  }
0x1de: {  	v63 =	vld [tilespmem:s17+$0x10];
	v7 =	vbroadcast v62, $0xF;
	_ =	sdelay $0x1  }
0x1df: {  	v4 =	vmul.f32 v7, v4  }
0x1e0: {  	v5 =	vmul.f32 v7, v5  }
0x1e1: {  	v6 =	vmul.f32 v61, v7;
	v4 =	vmax.f32 v4, $0.0e+00  }
0x1e2: {  	v7 =	vmul.f32 v63, v7;
	v5 =	vmax.f32 v5, $0.0e+00;
	[tilespmem:s17+$0xFFFFFFE0] =	vst v4  }
0x1e3: {  	v4 =	vmax.f32 v6, $0.0e+00;
	[tilespmem:s17+$0xFFFFFFF0] =	vst v5  }
0x1e4: {  	s15 =	simm.s32 $0x1;
	v5 =	vmax.f32 v7, $0.0e+00;
	[tilespmem:s17+$0x0] =	vst v4  }
0x1e5: {  	s16 =	simm.s32 $0x2;
	s6 =	sand.u32 $0x70, s15;
	[tilespmem:s17+$0x10] =	vst v5  }
.LBB2_39:
0x1e6: {  	p1 =	sne.s32 s16, $0x47;
	v4 =	vld [tilespmem:s6+$0x1E860];
	_ =	sdelay $0x1  }
0x1e7: {  	s6 =	sand.u32 $0xF, s15;
	s15 =	smov.u32 s16  }
0x1e8: {  	v5 =	vmov s6  }
0x1e9: {  	vm0 =	veq.s32 v5, v0  }
0x1ea: {  	v4 =	vnsel vm0, $0xFF61B1E6, v4  }
0x1eb: {  	(xrf0) =	vmax.scan.msk.f32 $0xffff, v4  }
0x1ec: {  	s17 =	sadd.s32 $0x40, s17  }
0x1ed: {  	v4 =	vld [tilespmem:s17+$0xFFFFFFF0]  }
0x1ee: {  	v5 =	vld [tilespmem:s17+$0x10]  }
0x1ef: {  	v6 =	vld [tilespmem:s17+$0xFFFFFFE0]  }
0x1f0: {  	v7 =	vld [tilespmem:s17+$0x0]  }
0x1f1: {  	v8, _, _ =	vpop (xrf0)  }
0x1f2: {  	v8 =	vbroadcast v8, $0xF;
	_ =	sdelay $0x1  }
0x1f3: {  	v6 =	vmul.f32 v8, v6;
	v4 =	vmul.f32 v8, v4  }
0x1f4: {  	v5 =	vmul.f32 v5, v8;
	v7 =	vmul.f32 v7, v8  }
.Ltmp22:
0x1f5: {  	v6 =	vmax.f32 v6, $0.0e+00;
	v4 =	vmax.f32 v4, $0.0e+00;
	(pc) =	sbr.rel @p1 .LBB2_39-.Ltmp22, $4  }
0x1f6: {  	v5 =	vmax.f32 v5, $0.0e+00;
	[tilespmem:s17+$0xFFFFFFE0] =	vst v6;
	v6 =	vmax.f32 v7, $0.0e+00  }
0x1f7: {  	[tilespmem:s17+$0xFFFFFFF0] =	vst v4  }
0x1f8: {  	[tilespmem:s17+$0x0] =	vst v6  }
0x1f9: {  	s16 =	sadd.s32 $0x1, s16;
	s6 =	sand.u32 $0x70, s15;
	[tilespmem:s17+$0x10] =	vst v5  }
0x1fa: {  	v4 =	vld [tilespmem:s6+$0x1E860];
	_ =	sdelay $0x1  }
0x1fb: {  	s21 =	sand.u32 $0xF, s15  }
0x1fc: {  	v5 =	vmov s21  }
0x1fd: {  	vm0 =	veq.s32 v5, v0  }
0x1fe: {  	v4 =	vnsel vm0, $0xFF61B1E6, v4  }
0x1ff: {  	(xrf0) =	vmax.scan.msk.f32 $0xffff, v4;
	_ =	sdelay $0x2  }
0x200: {  	s22 =	sadd.s32 $0x40, s17  }
0x201: {  	v4 =	vld [tilespmem:s22+$0xFFFFFFE0]  }
0x202: {  	v5 =	vld [tilespmem:s22+$0xFFFFFFF0]  }
0x203: {  	v6 =	vld [tilespmem:s22+$0x0];
	v7, _, _ =	vpop (xrf0)  }
0x204: {  	v8 =	vld [tilespmem:s22+$0x10];
	v7 =	vbroadcast v7, $0xF;
	_ =	sdelay $0x1  }
0x205: {  	v4 =	vmul.f32 v7, v4  }
0x206: {  	v5 =	vmul.f32 v7, v5  }
0x207: {  	v6 =	vmul.f32 v6, v7;
	v4 =	vmax.f32 v4, $0.0e+00  }
0x208: {  	v7 =	vmul.f32 v8, v7;
	v5 =	vmax.f32 v5, $0.0e+00;
	[tilespmem:s22+$0xFFFFFFE0] =	vst v4  }
0x209: {  	v4 =	vmax.f32 v6, $0.0e+00;
	[tilespmem:s22+$0xFFFFFFF0] =	vst v5  }
0x20a: {  	v5 =	vmax.f32 v7, $0.0e+00;
	[tilespmem:s22+$0x0] =	vst v4  }
.Ltmp23:
0x20b: {  	s24 =	rddreg [dreg:$0xe];
	[tilespmem:s22+$0x10] =	vst v5;
	(pc) =	sbr.rel .LBB2_41-.Ltmp23, $4  }
0x20c: {  	[hbm4b:s24+s4] =	stream.linear.scatter [tilespmem:s26], [sflag:$0x5], $0x1200, $0x38;
	[tilespmem:$0x1F520] =	vst v63  }
0x20d: {  	_ =	swait.ge [sflag:s28], $0x1200  }
0x20e: {  	[sflag:s28] =	ssyncset.done $0x0  }
0x20f: {  	s15 =	rddreg [dreg:$0x12];
	[sflag:s28] =	ssyncadd.s32 $0xFFFFEE00  }
.LBB2_25:
0x210: {  	s6 =	sshll.u32 s17, $0x7;
	s15 =	rddreg [dreg:$0x4]  }
0x211: {  	s22 =	sadd.s32 s15, s6  }
0x212: {  	s6 =	sshll.u32 s22, $0x6  }
0x213: {  	s6 =	sand.u32 $0x3FFFFFC0, s6  }
0x214: {  	v4 =	vmov s18;
	s6 =	sadd.s32 s6, s2  }
0x215: {  	v5 =	vmov s21;
	[tilespmem:s26], [sflag:$0x5] =	stream.linear.gather [spmem:s6], $0x2000, $0x38;
	[tilespmem:$0x1F520] =	vst v63  }
0x216: {  	_ =	swait.ge [sflag:s28], $0x2000  }
0x217: {  	[sflag:s28] =	ssyncset.done $0x0  }
0x218: {  	s24 =	simm.s32 $0x0;
	[sflag:s28] =	ssyncadd.s32 $0xFFFFE000  }
0x219: {  	s15 =	simm.s32 $0x40;
	v6 =	vld.idx.msk [tilespmem:v4+s24+$0x0 ss:$0x1], $0xffff  }
.LBB2_26:
0x21a: {  	p1 =	sne.s32 s15, $0x1C0;
	v7 =	vld.idx.msk [tilespmem:v5+s24+$0x0 ss:$0x1], $0xffff;
	_ =	sdelay $0x5  }
0x21b: {  	v6 =	vadd.f32 v6, v7;
	_ =	sdelay $0x1  }
0x21c: {  	v6 =	vadd.f32 $1.000000000e+00, v6;
	_ =	sdelay $0x1  }
0x21d: {  	v7 =	vshrl.u32 v6, $0x1;
	v6 =	vmul.f32 $5.000000000e-01, v6  }
0x21e: {  	v7 =	vsub.s32 $0x5F3759DF, v7  }
0x21f: {  	v8 =	vmul.f32 v7, v6;
	_ =	sdelay $0x1  }
0x220: {  	v8 =	vmul.f32 v7, v8;
	_ =	sdelay $0x1  }
0x221: {  	v8 =	vsub.f32 $1.500000000e+00, v8;
	_ =	sdelay $0x1  }
0x222: {  	v7 =	vmul.f32 v7, v8;
	_ =	sdelay $0x1  }
0x223: {  	v8 =	vmul.f32 v7, v6;
	_ =	sdelay $0x1  }
0x224: {  	v8 =	vmul.f32 v8, v7;
	_ =	sdelay $0x1  }
0x225: {  	v8 =	vsub.f32 $1.500000000e+00, v8;
	_ =	sdelay $0x1  }
0x226: {  	v7 =	vmul.f32 v8, v7;
	_ =	sdelay $0x1  }
0x227: {  	v6 =	vmul.f32 v7, v6;
	_ =	sdelay $0x1  }
0x228: {  	v6 =	vmul.f32 v6, v7;
	_ =	sdelay $0x1  }
0x229: {  	v6 =	vsub.f32 $1.500000000e+00, v6  }
.Ltmp24:
0x22a: {  	(pc) =	sbr.rel @p1 .LBB2_26-.Ltmp24, $3  }
0x22b: {  	v6 =	vmul.f32 v6, v7;
	_ =	sdelay $0x1  }
0x22c: {  	[tilespmem:s24+$0x1E860] =	vst v6;
	s24 =	sshra.s32 s15, $0x2  }
0x22d: {  	s15 =	sadd.s32 $0x40, s15;
	v6 =	vld.idx.msk [tilespmem:v4+s24+$0x0 ss:$0x1], $0xffff  }
0x22e: {  	_ =	sdelay $0x3  }
0x22f: {  	v4 =	vld.idx.msk [tilespmem:v5+s24+$0x0 ss:$0x1], $0xffff;
	_ =	sdelay $0x4  }
0x230: {  	v4 =	vadd.f32 v6, v4;
	_ =	sdelay $0x1  }
0x231: {  	v4 =	vadd.f32 $1.000000000e+00, v4;
	_ =	sdelay $0x1  }
0x232: {  	v5 =	vshrl.u32 v4, $0x1;
	v4 =	vmul.f32 $5.000000000e-01, v4  }
0x233: {  	v5 =	vsub.s32 $0x5F3759DF, v5  }
0x234: {  	v62 =	vmul.f32 v5, v4;
	_ =	sdelay $0x1  }
0x235: {  	v6 =	vmul.f32 v5, v62;
	_ =	sdelay $0x1  }
0x236: {  	v6 =	vsub.f32 $1.500000000e+00, v6;
	_ =	sdelay $0x1  }
0x237: {  	v5 =	vmul.f32 v5, v6;
	_ =	sdelay $0x1  }
0x238: {  	v6 =	vmul.f32 v5, v4;
	_ =	sdelay $0x1  }
0x239: {  	v6 =	vmul.f32 v6, v5;
	_ =	sdelay $0x1  }
0x23a: {  	v6 =	vsub.f32 $1.500000000e+00, v6;
	_ =	sdelay $0x1  }
0x23b: {  	v5 =	vmul.f32 v6, v5;
	_ =	sdelay $0x1  }
0x23c: {  	v4 =	vmul.f32 v5, v4;
	_ =	sdelay $0x1  }
0x23d: {  	v4 =	vmul.f32 v4, v5;
	_ =	sdelay $0x1  }
0x23e: {  	v4 =	vsub.f32 $1.500000000e+00, v4;
	_ =	sdelay $0x1  }
0x23f: {  	v4 =	vmul.f32 v4, v5  }
0x240: {  	s6 =	simm.s32 $0x0  }
0x241: {  	s15 =	sand.u32 $0x70, s6;
	[tilespmem:s24+$0x1E860] =	vst v4  }
0x242: {  	v4 =	vld [tilespmem:s15+$0x1E860];
	_ =	sdelay $0x1  }
0x243: {  	s6 =	sand.u32 $0xF, s6  }
0x244: {  	v5 =	vmov s6  }
0x245: {  	vm0 =	veq.s32 v5, v0  }
0x246: {  	v4 =	vnsel vm0, $0xFF61B1E6, v4  }
0x247: {  	(xrf0) =	vmax.scan.msk.f32 $0xffff, v4;
	_ =	sdelay $0x2  }
0x248: {  	s24 =	simm.s32 $0x1A880  }
0x249: {  	v4 =	vld [tilespmem:s24+$0xFFFFFFE0]  }
0x24a: {  	v5 =	vld [tilespmem:s24+$0xFFFFFFF0]  }
0x24b: {  	v63 =	vld [tilespmem:s24+$0x0];
	v7, _, _ =	vpop (xrf0)  }
0x24c: {  	v8 =	vld [tilespmem:s24+$0x10];
	v7 =	vbroadcast v7, $0xF;
	_ =	sdelay $0x1  }
0x24d: {  	v4 =	vmul.f32 v7, v4  }
0x24e: {  	v5 =	vmul.f32 v7, v5  }
0x24f: {  	v6 =	vmul.f32 v63, v7;
	v4 =	vmax.f32 v4, $0.0e+00  }
0x250: {  	v7 =	vmul.f32 v8, v7;
	v5 =	vmax.f32 v5, $0.0e+00;
	[tilespmem:s24+$0xFFFFFFE0] =	vst v4  }
0x251: {  	v4 =	vmax.f32 v6, $0.0e+00;
	[tilespmem:s24+$0xFFFFFFF0] =	vst v5  }
0x252: {  	s15 =	simm.s32 $0x1;
	v5 =	vmax.f32 v7, $0.0e+00;
	[tilespmem:s24+$0x0] =	vst v4  }
0x253: {  	s16 =	simm.s32 $0x2;
	s6 =	sand.u32 $0x70, s15;
	[tilespmem:s24+$0x10] =	vst v5  }
.LBB2_28:
0x254: {  	p1 =	sne.s32 s16, $0x7F;
	v4 =	vld [tilespmem:s6+$0x1E860];
	_ =	sdelay $0x1  }
0x255: {  	s6 =	sand.u32 $0xF, s15;
	s15 =	smov.u32 s16  }
0x256: {  	v5 =	vmov s6  }
0x257: {  	vm0 =	veq.s32 v5, v0  }
0x258: {  	v4 =	vnsel vm0, $0xFF61B1E6, v4  }
0x259: {  	(xrf0) =	vmax.scan.msk.f32 $0xffff, v4  }
0x25a: {  	s24 =	sadd.s32 $0x40, s24  }
0x25b: {  	v4 =	vld [tilespmem:s24+$0xFFFFFFF0]  }
0x25c: {  	v5 =	vld [tilespmem:s24+$0x10]  }
0x25d: {  	v6 =	vld [tilespmem:s24+$0xFFFFFFE0]  }
0x25e: {  	v7 =	vld [tilespmem:s24+$0x0]  }
0x25f: {  	v8, _, _ =	vpop (xrf0)  }
0x260: {  	v8 =	vbroadcast v8, $0xF;
	_ =	sdelay $0x1  }
0x261: {  	v6 =	vmul.f32 v8, v6;
	v4 =	vmul.f32 v8, v4  }
0x262: {  	v5 =	vmul.f32 v5, v8;
	v7 =	vmul.f32 v7, v8  }
.Ltmp25:
0x263: {  	v6 =	vmax.f32 v6, $0.0e+00;
	v4 =	vmax.f32 v4, $0.0e+00;
	(pc) =	sbr.rel @p1 .LBB2_28-.Ltmp25, $4  }
0x264: {  	v5 =	vmax.f32 v5, $0.0e+00;
	[tilespmem:s24+$0xFFFFFFE0] =	vst v6;
	v6 =	vmax.f32 v7, $0.0e+00  }
0x265: {  	[tilespmem:s24+$0xFFFFFFF0] =	vst v4  }
0x266: {  	[tilespmem:s24+$0x0] =	vst v6  }
0x267: {  	s16 =	sadd.s32 $0x1, s16;
	s6 =	sand.u32 $0x70, s15;
	[tilespmem:s24+$0x10] =	vst v5  }
0x268: {  	v4 =	vld [tilespmem:s6+$0x1E860];
	_ =	sdelay $0x1  }
0x269: {  	s15 =	sand.u32 $0xF, s15  }
0x26a: {  	v5 =	vmov s15  }
0x26b: {  	vm0 =	veq.s32 v5, v0  }
0x26c: {  	v4 =	vnsel vm0, $0xFF61B1E6, v4  }
0x26d: {  	(xrf0) =	vmax.scan.msk.f32 $0xffff, v4;
	_ =	sdelay $0x2  }
0x26e: {  	s16 =	sadd.s32 $0x40, s24  }
0x26f: {  	v4 =	vld [tilespmem:s16+$0xFFFFFFE0]  }
0x270: {  	v5 =	vld [tilespmem:s16+$0xFFFFFFF0]  }
0x271: {  	v6 =	vld [tilespmem:s16+$0x0];
	v7, _, _ =	vpop (xrf0)  }
0x272: {  	v8 =	vld [tilespmem:s16+$0x10];
	v7 =	vbroadcast v7, $0xF;
	_ =	sdelay $0x1  }
0x273: {  	v4 =	vmul.f32 v7, v4  }
0x274: {  	v5 =	vmul.f32 v7, v5  }
0x275: {  	v6 =	vmul.f32 v6, v7;
	v4 =	vmax.f32 v4, $0.0e+00  }
0x276: {  	v7 =	vmul.f32 v8, v7;
	v5 =	vmax.f32 v5, $0.0e+00;
	[tilespmem:s16+$0xFFFFFFE0] =	vst v4  }
0x277: {  	s22 =	sadd.s32 s8, s22;
	s17 =	sadd.s32 $0x1, s17;
	v4 =	vmax.f32 v6, $0.0e+00;
	[tilespmem:s16+$0xFFFFFFF0] =	vst v5  }
0x278: {  	s15 =	sshll.u32 s22, $0x3;
	p1 =	sne.s32 s17, $0xC;
	v5 =	vmax.f32 v7, $0.0e+00;
	[tilespmem:s16+$0x0] =	vst v4  }
.Ltmp26:
0x279: {  	s24 =	sadd.s32 s9, s15;
	[tilespmem:s16+$0x10] =	vst v5;
	(pc) =	sbr.rel @p1 .LBB2_25-.Ltmp26, $4  }
0x27a: {  	[hbm4b:s24+s4] =	stream.linear.scatter [tilespmem:s26], [sflag:$0x5], $0x2000, $0x38;
	[tilespmem:$0x1F520] =	vst v63  }
0x27b: {  	_ =	swait.ge [sflag:s28], $0x2000  }
0x27c: {  	[sflag:s28] =	ssyncset.done $0x0  }
0x27d: {  	s18 =	sadd.s32 $0x80, s18;
	s21 =	sadd.s32 $0x80, s21;
	[sflag:s28] =	ssyncadd.s32 $0xFFFFE000  }
0x27e: {  	s6 =	rddreg [dreg:$0x6]  }
0x27f: {  	[tilespmem:s26], [sflag:$0x5] =	stream.linear.gather [spmem:s6], $0x800, $0x38;
	[tilespmem:$0x1F520] =	vst v63  }
0x280: {  	_ =	swait.ge [sflag:s28], $0x800  }
0x281: {  	[sflag:s28] =	ssyncset.done $0x0  }
0x282: {  	[sflag:s28] =	ssyncadd.s32 $0xFFFFF800  }
0x283: {  	v4 =	vld [tilespmem:$0x1EEE0]  }
0x284: {  	v5 =	vld [tilespmem:$0x1F500]  }
0x285: {  	v6 =	vld [tilespmem:$0x1EEF0]  }
0x286: {  	v7 =	vld [tilespmem:$0x1F510];
	_ =	sdelay $0x3  }
0x287: {  	v4 =	vadd.f32 v5, v4  }
0x288: {  	v5 =	vadd.f32 v7, v6  }
0x289: {  	v4 =	vadd.f32 $1.000000000e+00, v4  }
0x28a: {  	v5 =	vadd.f32 $1.000000000e+00, v5  }
0x28b: {  	v59 =	vshrl.u32 v4, $0x1;
	v4 =	vmul.f32 $5.000000000e-01, v4  }
0x28c: {  	v60 =	vshrl.u32 v5, $0x1;
	v5 =	vmul.f32 $5.000000000e-01, v5;
	v6 =	vsub.s32 $0x5F3759DF, v59  }
0x28d: {  	v7 =	vsub.s32 $0x5F3759DF, v60;
	v8 =	vmul.f32 v6, v4  }
0x28e: {  	v9 =	vmul.f32 v7, v5  }
0x28f: {  	v8 =	vmul.f32 v6, v8  }
0x290: {  	v9 =	vmul.f32 v7, v9  }
0x291: {  	v8 =	vsub.f32 $1.500000000e+00, v8  }
0x292: {  	v9 =	vsub.f32 $1.500000000e+00, v9  }
0x293: {  	v6 =	vmul.f32 v6, v8  }
0x294: {  	v7 =	vmul.f32 v7, v9  }
0x295: {  	v8 =	vmul.f32 v6, v4  }
0x296: {  	v9 =	vmul.f32 v7, v5  }
0x297: {  	v8 =	vmul.f32 v8, v6  }
0x298: {  	v9 =	vmul.f32 v9, v7  }
0x299: {  	v8 =	vsub.f32 $1.500000000e+00, v8  }
0x29a: {  	v9 =	vsub.f32 $1.500000000e+00, v9  }
0x29b: {  	v6 =	vmul.f32 v8, v6  }
0x29c: {  	v7 =	vmul.f32 v9, v7  }
0x29d: {  	v4 =	vmul.f32 v6, v4  }
0x29e: {  	v5 =	vmul.f32 v7, v5  }
0x29f: {  	v4 =	vmul.f32 v4, v6  }
0x2a0: {  	v5 =	vmul.f32 v5, v7  }
0x2a1: {  	v4 =	vsub.f32 $1.500000000e+00, v4  }
0x2a2: {  	v5 =	vsub.f32 $1.500000000e+00, v5  }
0x2a3: {  	v4 =	vmul.f32 v4, v6  }
0x2a4: {  	v5 =	vmul.f32 v5, v7  }
0x2a5: {  	s24 =	simm.s32 $0x0;
	[tilespmem:$0x1E860] =	vst v4  }
0x2a6: {  	s15 =	sand.u32 $0x10, s24;
	[tilespmem:$0x1E870] =	vst v5  }
0x2a7: {  	v4 =	vld [tilespmem:s15+$0x1E860];
	_ =	sdelay $0x1  }
0x2a8: {  	s6 =	sand.u32 $0xF, s24  }
0x2a9: {  	v5 =	vmov s6  }
0x2aa: {  	vm0 =	veq.s32 v5, v0  }
0x2ab: {  	v4 =	vnsel vm0, $0xFF61B1E6, v4  }
0x2ac: {  	(xrf0) =	vmax.scan.msk.f32 $0xffff, v4;
	_ =	sdelay $0x2  }
0x2ad: {  	s17 =	simm.s32 $0x1A880  }
0x2ae: {  	v4 =	vld [tilespmem:s17+$0xFFFFFFE0]  }
0x2af: {  	v5 =	vld [tilespmem:s17+$0xFFFFFFF0]  }
0x2b0: {  	v61 =	vld [tilespmem:s17+$0x0];
	v62, _, _ =	vpop (xrf0)  }
0x2b1: {  	v63 =	vld [tilespmem:s17+$0x10];
	v7 =	vbroadcast v62, $0xF;
	_ =	sdelay $0x1  }
0x2b2: {  	v4 =	vmul.f32 v7, v4  }
0x2b3: {  	v5 =	vmul.f32 v7, v5  }
0x2b4: {  	v6 =	vmul.f32 v61, v7;
	v4 =	vmax.f32 v4, $0.0e+00  }
0x2b5: {  	v7 =	vmul.f32 v63, v7;
	v5 =	vmax.f32 v5, $0.0e+00;
	[tilespmem:s17+$0xFFFFFFE0] =	vst v4  }
0x2b6: {  	v4 =	vmax.f32 v6, $0.0e+00;
	[tilespmem:s17+$0xFFFFFFF0] =	vst v5  }
0x2b7: {  	s15 =	simm.s32 $0x1;
	v5 =	vmax.f32 v7, $0.0e+00;
	[tilespmem:s17+$0x0] =	vst v4  }
0x2b8: {  	s16 =	simm.s32 $0x2;
	s6 =	sand.u32 $0x10, s15;
	[tilespmem:s17+$0x10] =	vst v5  }
.LBB2_31:
0x2b9: {  	p1 =	sne.s32 s16, $0x1F;
	v4 =	vld [tilespmem:s6+$0x1E860];
	_ =	sdelay $0x1  }
0x2ba: {  	s6 =	sand.u32 $0xF, s15;
	s15 =	smov.u32 s16  }
0x2bb: {  	v5 =	vmov s6  }
0x2bc: {  	vm0 =	veq.s32 v5, v0  }
0x2bd: {  	v4 =	vnsel vm0, $0xFF61B1E6, v4  }
0x2be: {  	(xrf0) =	vmax.scan.msk.f32 $0xffff, v4  }
0x2bf: {  	s17 =	sadd.s32 $0x40, s17  }
0x2c0: {  	v4 =	vld [tilespmem:s17+$0xFFFFFFF0]  }
0x2c1: {  	v5 =	vld [tilespmem:s17+$0x10]  }
0x2c2: {  	v6 =	vld [tilespmem:s17+$0xFFFFFFE0]  }
0x2c3: {  	v7 =	vld [tilespmem:s17+$0x0]  }
0x2c4: {  	v8, _, _ =	vpop (xrf0)  }
0x2c5: {  	v8 =	vbroadcast v8, $0xF;
	_ =	sdelay $0x1  }
0x2c6: {  	v6 =	vmul.f32 v8, v6;
	v4 =	vmul.f32 v8, v4  }
0x2c7: {  	v5 =	vmul.f32 v5, v8;
	v7 =	vmul.f32 v7, v8  }
.Ltmp27:
0x2c8: {  	v6 =	vmax.f32 v6, $0.0e+00;
	v4 =	vmax.f32 v4, $0.0e+00;
	(pc) =	sbr.rel @p1 .LBB2_31-.Ltmp27, $4  }
0x2c9: {  	v5 =	vmax.f32 v5, $0.0e+00;
	[tilespmem:s17+$0xFFFFFFE0] =	vst v6;
	v6 =	vmax.f32 v7, $0.0e+00  }
0x2ca: {  	[tilespmem:s17+$0xFFFFFFF0] =	vst v4  }
0x2cb: {  	[tilespmem:s17+$0x0] =	vst v6  }
0x2cc: {  	s16 =	sadd.s32 $0x1, s16;
	s6 =	sand.u32 $0x10, s15;
	[tilespmem:s17+$0x10] =	vst v5  }
0x2cd: {  	v4 =	vld [tilespmem:s6+$0x1E860];
	_ =	sdelay $0x1  }
0x2ce: {  	s21 =	sand.u32 $0xF, s15  }
0x2cf: {  	v5 =	vmov s21  }
0x2d0: {  	vm0 =	veq.s32 v5, v0  }
0x2d1: {  	v4 =	vnsel vm0, $0xFF61B1E6, v4  }
0x2d2: {  	(xrf0) =	vmax.scan.msk.f32 $0xffff, v4;
	_ =	sdelay $0x2  }
0x2d3: {  	s22 =	sadd.s32 $0x40, s17  }
0x2d4: {  	v4 =	vld [tilespmem:s22+$0xFFFFFFE0]  }
0x2d5: {  	v5 =	vld [tilespmem:s22+$0xFFFFFFF0]  }
0x2d6: {  	v6 =	vld [tilespmem:s22+$0x0];
	v7, _, _ =	vpop (xrf0)  }
0x2d7: {  	v8 =	vld [tilespmem:s22+$0x10];
	v7 =	vbroadcast v7, $0xF;
	_ =	sdelay $0x1  }
0x2d8: {  	v4 =	vmul.f32 v7, v4  }
0x2d9: {  	v5 =	vmul.f32 v7, v5  }
0x2da: {  	v6 =	vmul.f32 v6, v7;
	v4 =	vmax.f32 v4, $0.0e+00  }
0x2db: {  	v7 =	vmul.f32 v8, v7;
	v5 =	vmax.f32 v5, $0.0e+00;
	[tilespmem:s22+$0xFFFFFFE0] =	vst v4  }
0x2dc: {  	v4 =	vmax.f32 v6, $0.0e+00;
	[tilespmem:s22+$0xFFFFFFF0] =	vst v5  }
0x2dd: {  	v5 =	vmax.f32 v7, $0.0e+00;
	[tilespmem:s22+$0x0] =	vst v4  }
.Ltmp28:
0x2de: {  	s24 =	rddreg [dreg:$0xd];
	[tilespmem:s22+$0x10] =	vst v5;
	(pc) =	sbr.rel .LBB2_41-.Ltmp28, $4  }
0x2df: {  	[hbm4b:s24+s4] =	stream.linear.scatter [tilespmem:s26], [sflag:$0x5], $0x800, $0x38;
	[tilespmem:$0x1F520] =	vst v63  }
0x2e0: {  	_ =	swait.ge [sflag:s28], $0x800  }
0x2e1: {  	[sflag:s28] =	ssyncset.done $0x0  }
0x2e2: {  	s15 =	rddreg [dreg:$0x12];
	[sflag:s28] =	ssyncadd.s32 $0xFFFFF800  }
.LBB2_42:
0x2e3: {  	_ =	sfence.sel $0x180000  }
0x2e4: {  	[bflag:$0x0] =	sbarrier.arrive $0xFFFF  }
0x2e5: {  	_ =	strace $0x9000004A  }
0x2e6: {  	s0 =	stileid.u32;
	[bflag:$0x2] =	sbarrier.arrive $0xFFFF  }
0x2e7: {  	p0 =	sne.s32 s0, $0x0;
	s0 =	rddreg [dreg:$0x3]  }
0x2e8: {  	s0 =	sadd.s32 @!p0 $0x100000, s0  }
0x2e9: {  	[sflag:s0] =	ssyncadd.tile.s32 @!p0 $0x1;
	_ =	shalt  }
.Lfunc_end2:
_tile_overlayer_lowered:
.L_overlay_start_2:
0x2ea: {  	(tag) =	ssettag $0x2  }
0x2eb: {  	s0 =	rddreg [dreg:$0x0];
	s2 =	stileid.u32  }
0x2ec: {  	s1 =	rddreg [dreg:$0x1];
	p0 =	sne.s32 s2, $0x0  }
0x2ed: {  	s3 =	rddreg [dreg:$0x2];
	[bflag:$0x3] =	sbarrier.arrive $0xFFFF;
	s2 =	simm.s32 @!p0 $0x1C05  }
0x2ee: {  	[timem:s3], [sflag:s2] =	dma.local @!p0 [hbm:s0], s1  }
0x2ef: {  	s0 =	simm.s32 @!p0 $0x5  }
0x2f0: {  	_ =	swait.ge @!p0 [sflag:s0], s1  }
0x2f1: {  	s1 =	ssub.s32 @!p0 $0x0, s1;
	[sflag:s0] =	ssyncset.done @!p0 $0x0  }
0x2f2: {  	[sflag:s0] =	ssyncadd.s32 @!p0 s1  }
0x2f3: {  	[bflag:$0x3] =	sbarrier.arrive $0xFFFF  }
0x2f4: {  	_ =	shalt  }

</sc_bundles>
